<compile_context>
chip_gen: v7x
topology: tpu7x:2x2x1
jax: 0.10.2.dev20260603
libtpu: 0.0.44.dev20260713+nightly
codegen_flags: <defaults>
</compile_context>

<pallas_src>
import functools

import jax
import jax.numpy as jnp
from jax import lax
from jax.experimental import pallas as pl
from jax.experimental.pallas import tpu as pltpu
from jax.experimental.pallas import tpu_sc as plsc

_LANES = 16


def _make_sc_kernel(B, S, D, n_workers):
    rows = 8
    dh = D // 2
    assert S % (n_workers * rows) == 0
    n_sblk = S // (n_workers * rows)

    mesh = plsc.VectorSubcoreMesh(core_axis_name="c", subcore_axis_name="s")
    num_cores = mesh.num_cores

    @functools.partial(
        pl.kernel,
        out_type=jax.ShapeDtypeStruct((B, S, D), jnp.float32),
        mesh=mesh,
        scratch_types=[
            [pltpu.VMEM((rows, dh), jnp.float32) for _ in range(2)],
            [pltpu.VMEM((rows, dh), jnp.float32) for _ in range(B)],
            [pltpu.SemaphoreType.DMA for _ in range(2)],
            [pltpu.SemaphoreType.DMA for _ in range(B)],
            [pltpu.SemaphoreType.DMA for _ in range(B)],
        ],
    )
    def sc_add(x_hbm, pos_hbm, out_hbm, pos_v, x_v, psem, xsem, osem):
        wid = lax.axis_index("s") * num_cores + lax.axis_index("c")
        base_s = wid * n_sblk * rows

        def s0(c):
            return base_s + c * rows

        def pos_cp(c, h, slot):
            return pltpu.make_async_copy(
                pos_hbm.at[pl.ds(s0(c), rows), pl.ds(h * dh, dh)],
                pos_v[slot],
                psem[slot],
            )

        def x_cp(c, h, b):
            return pltpu.make_async_copy(
                x_hbm.at[b, pl.ds(s0(c), rows), pl.ds(h * dh, dh)],
                x_v[b],
                xsem[b],
            )

        def o_cp(c, h, b):
            return pltpu.make_async_copy(
                x_v[b],
                out_hbm.at[b, pl.ds(s0(c), rows), pl.ds(h * dh, dh)],
                osem[b],
            )

        pos_cp(0, 0, 0).start()
        x_cp(0, 0, 0).start()
        x_cp(0, 0, 1).start()

        @pl.loop(0, n_sblk)
        def sblk_loop(c):
            for h in range(2):
                for b in range(B):
                    if b == 0:
                        pos_cp(c, h, h).wait()
                        if h == 0:
                            pos_cp(c, 1, 1).start()
                        else:

                            @pl.when(c + 1 < n_sblk)
                            def _():
                                pos_cp(c + 1, 0, 0).start()

                    x_cp(c, h, b).wait()

                    s2 = (b + 2) % B
                    if b < 2:
                        if h == 1:
                            o_cp(c, 0, s2).wait()
                        else:

                            @pl.when(c >= 1)
                            def _():
                                o_cp(c - 1, 1, s2).wait()

                        x_cp(c, h, s2).start()
                    else:
                        o_cp(c, h, s2).wait()
                        if h == 0:
                            x_cp(c, 1, s2).start()
                        else:

                            @pl.when(c + 1 < n_sblk)
                            def _():
                                x_cp(c + 1, 0, s2).start()

                    for r in range(rows):

                        @plsc.parallel_loop(0, dh, step=_LANES, unroll=8)
                        def add_body(i):
                            v = pl.ds(i, _LANES)
                            x_v[b][r, v] = x_v[b][r, v] + pos_v[h][r, v]

                    o_cp(c, h, b).start()

        for b in range(B - 2, B):
            o_cp(n_sblk - 1, 1, b).wait()

    return sc_add


def kernel(x, pos_table):
    B, S, D = x.shape
    sc_add = _make_sc_kernel(B, S, D, n_workers=32)
    return sc_add(x, pos_table)

# --- scband reference (transcript-rebuilt; emitter-appended) ---
"""Pipeline reference for scband-learnable-positional-encoding-69939247448538 (READ-ONLY COPY).

The authoritative reference and input builder live on the scoring server;
editing this copy changes nothing except your own understanding.
"""

import jax, jax.numpy as jnp
import numpy as np

D_MODEL = 4096
MAX_LEN = 8192
BATCH = 4
SEQ_LEN = 2048


def setup_inputs(seed: int = 0) -> dict:
    key = jax.random.key(seed)
    k_x, k_tab = jax.random.split(key)
    x = jax.random.normal(k_x, (BATCH, SEQ_LEN, D_MODEL), dtype=jnp.float32)
    # nn.Embedding default init: N(0, 1)
    pos_table = jax.random.normal(k_tab, (MAX_LEN, D_MODEL), dtype=jnp.float32)
    return {"x": x, "pos_table": pos_table}


def reference(x, pos_table):
    seq_len = x.shape[1]
    position_ids = jnp.arange(MAX_LEN)[None, :]  # registered buffer [1, max_len]
    ids = position_ids[:, :seq_len]  # [1, seq_len]
    position_embeddings = jnp.take(pos_table, ids, axis=0)  # [1, seq_len, d_model]
    out = x + position_embeddings
    # dropout p=0.0 -> identity (eval-equivalent)
    return out

if __name__ == "__main__":
    import jax
    _d = setup_inputs()
    print(jax.jit(kernel)(*tuple(_d.values())))

</pallas_src>

<mosaic_0001>
#map = affine_map<(d0, d1) -> (0, 0, 0)>
#map1 = affine_map<(d0, d1) -> (0, 0)>
module attributes {stable_mosaic.version = 14 : i64} {
  func.func @sc_add(%arg0: i32, %arg1: i32, %arg2: memref<4x2048x4096xf32, #tpu.memory_space<hbm>>, %arg3: memref<8192x4096xf32, #tpu.memory_space<hbm>>, %arg4: memref<4x2048x4096xf32, #tpu.memory_space<hbm>>, %arg5: memref<8x2048xf32, #tpu.memory_space<vmem>>, %arg6: memref<8x2048xf32, #tpu.memory_space<vmem>>, %arg7: memref<8x2048xf32, #tpu.memory_space<vmem>>, %arg8: memref<8x2048xf32, #tpu.memory_space<vmem>>, %arg9: memref<8x2048xf32, #tpu.memory_space<vmem>>, %arg10: memref<8x2048xf32, #tpu.memory_space<vmem>>, %arg11: memref<!tpu.dma_semaphore, #tpu.memory_space<semaphore_mem>>, %arg12: memref<!tpu.dma_semaphore, #tpu.memory_space<semaphore_mem>>, %arg13: memref<!tpu.dma_semaphore, #tpu.memory_space<semaphore_mem>>, %arg14: memref<!tpu.dma_semaphore, #tpu.memory_space<semaphore_mem>>, %arg15: memref<!tpu.dma_semaphore, #tpu.memory_space<semaphore_mem>>, %arg16: memref<!tpu.dma_semaphore, #tpu.memory_space<semaphore_mem>>, %arg17: memref<!tpu.dma_semaphore, #tpu.memory_space<semaphore_mem>>, %arg18: memref<!tpu.dma_semaphore, #tpu.memory_space<semaphore_mem>>, %arg19: memref<!tpu.dma_semaphore, #tpu.memory_space<semaphore_mem>>, %arg20: memref<!tpu.dma_semaphore, #tpu.memory_space<semaphore_mem>>) attributes {dimension_semantics = [#tpu.dimension_semantics<core_parallel>, #tpu.dimension_semantics<subcore_parallel>], iteration_bounds = array<i64: 2, 16>, scalar_prefetch = 0 : i64, scratch_operands = 16 : i64, tpu.core_type = #tpu.core_type<sc_vector_subcore>, window_params = [{transform_indices = #map}, {transform_indices = #map1}, {transform_indices = #map}]} {
    %mul3A = arith.constant 2 : i32
    %mul3A_0 = arith.muli %arg1, %mul3A : i32
    %add3A = arith.addi %mul3A_0, %arg0 : i32
    %mul3A_1 = arith.constant 8 : i32
    %mul3A_2 = arith.muli %add3A, %mul3A_1 : i32
    %mul3A_3 = arith.constant 8 : i32
    %mul3A_4 = arith.muli %mul3A_2, %mul3A_3 : i32
    %add3A_5 = arith.constant 0 : i32
    %add3A_6 = arith.addi %mul3A_4, %add3A_5 : i32
    %dma_start3A = arith.constant 0 : i32
    %dma_start3A_7 = tpu.memref_slice %arg3[%add3A_6, %dma_start3A] : memref<8192x4096xf32, #tpu.memory_space<hbm>> -> memref<8x2048xf32, #tpu.memory_space<hbm>>
    %dma_start3A_8 = arith.constant 0 : i32
    %dma_start3A_9 = tpu.memref_slice %arg3[%add3A_6, %dma_start3A_8] : memref<8192x4096xf32, #tpu.memory_space<hbm>> -> memref<8x2048xf32, #tpu.memory_space<hbm>>
    tpu.enqueue_dma source(%dma_start3A_9 : memref<8x2048xf32, #tpu.memory_space<hbm>>) target(%arg5 : memref<8x2048xf32, #tpu.memory_space<vmem>>) target_semaphore(%arg11 : memref<!tpu.dma_semaphore, #tpu.memory_space<semaphore_mem>>)
    %add3A_10 = arith.constant 0 : i32
    %add3A_11 = arith.addi %mul3A_4, %add3A_10 : i32
    %dma_start3A_12 = arith.constant 0 : i32
    %dma_start3A_13 = arith.constant 0 : i32
    %dma_start3A_14 = tpu.memref_slice %arg2[%dma_start3A_12, %add3A_11, %dma_start3A_13] : memref<4x2048x4096xf32, #tpu.memory_space<hbm>> -> memref<1x8x2048xf32, #tpu.memory_space<hbm>>
    %dma_start3A_15 = tpu.memref_squeeze %dma_start3A_14 : memref<1x8x2048xf32, #tpu.memory_space<hbm>> -> memref<8x2048xf32, #tpu.memory_space<hbm>>
    %dma_start3A_16 = arith.constant 0 : i32
    %dma_start3A_17 = tpu.memref_slice %arg2[%dma_start3A_12, %add3A_11, %dma_start3A_16] : memref<4x2048x4096xf32, #tpu.memory_space<hbm>> -> memref<1x8x2048xf32, #tpu.memory_space<hbm>>
    %dma_start3A_18 = tpu.memref_squeeze %dma_start3A_17 : memref<1x8x2048xf32, #tpu.memory_space<hbm>> -> memref<8x2048xf32, #tpu.memory_space<hbm>>
    tpu.enqueue_dma source(%dma_start3A_18 : memref<8x2048xf32, #tpu.memory_space<hbm>>) target(%arg7 : memref<8x2048xf32, #tpu.memory_space<vmem>>) target_semaphore(%arg13 : memref<!tpu.dma_semaphore, #tpu.memory_space<semaphore_mem>>)
    %add3A_19 = arith.constant 0 : i32
    %add3A_20 = arith.addi %mul3A_4, %add3A_19 : i32
    %dma_start3A_21 = arith.constant 1 : i32
    %dma_start3A_22 = arith.constant 0 : i32
    %dma_start3A_23 = tpu.memref_slice %arg2[%dma_start3A_21, %add3A_20, %dma_start3A_22] : memref<4x2048x4096xf32, #tpu.memory_space<hbm>> -> memref<1x8x2048xf32, #tpu.memory_space<hbm>>
    %dma_start3A_24 = tpu.memref_squeeze %dma_start3A_23 : memref<1x8x2048xf32, #tpu.memory_space<hbm>> -> memref<8x2048xf32, #tpu.memory_space<hbm>>
    %dma_start3A_25 = arith.constant 0 : i32
    %dma_start3A_26 = tpu.memref_slice %arg2[%dma_start3A_21, %add3A_20, %dma_start3A_25] : memref<4x2048x4096xf32, #tpu.memory_space<hbm>> -> memref<1x8x2048xf32, #tpu.memory_space<hbm>>
    %dma_start3A_27 = tpu.memref_squeeze %dma_start3A_26 : memref<1x8x2048xf32, #tpu.memory_space<hbm>> -> memref<8x2048xf32, #tpu.memory_space<hbm>>
    tpu.enqueue_dma source(%dma_start3A_27 : memref<8x2048xf32, #tpu.memory_space<hbm>>) target(%arg8 : memref<8x2048xf32, #tpu.memory_space<vmem>>) target_semaphore(%arg14 : memref<!tpu.dma_semaphore, #tpu.memory_space<semaphore_mem>>)
    %scan3A = arith.constant 0 : i32
    %scan3A_28 = arith.constant 8 : i32
    %scan3A_29 = arith.addi %scan3A, %scan3A_28 : i32
    %scan3A_30 = arith.constant 1 : i32
    scf.for %scan3A_49 = %scan3A to %scan3A_29 step %scan3A_30  : i32 {
      %mul3A_50 = arith.constant 1 : i32
      %mul3A_51 = arith.muli %scan3A_49, %mul3A_50 : i32
      %add3A_52 = arith.constant 0 : i32
      %add3A_53 = arith.addi %add3A_52, %mul3A_51 : i32
      %mul3A_54 = arith.constant 8 : i32
      %mul3A_55 = arith.muli %add3A_53, %mul3A_54 : i32
      %add3A_56 = arith.addi %mul3A_4, %mul3A_55 : i32
      %dma_wait3A_57 = arith.constant 0 : i32
      %dma_wait3A_58 = tpu.memref_slice %arg3[%add3A_56, %dma_wait3A_57] : memref<8192x4096xf32, #tpu.memory_space<hbm>> -> memref<8x2048xf32, #tpu.memory_space<hbm>>
      %dma_wait3A_59 = arith.constant 0 : i32
      %dma_wait3A_60 = tpu.memref_slice %arg3[%add3A_56, %dma_wait3A_59] : memref<8192x4096xf32, #tpu.memory_space<hbm>> -> memref<8x2048xf32, #tpu.memory_space<hbm>>
      tpu.wait_dma2 semaphore(%arg11 : memref<!tpu.dma_semaphore, #tpu.memory_space<semaphore_mem>>) src(%dma_wait3A_60 : memref<8x2048xf32, #tpu.memory_space<hbm>>) dst(%arg5 : memref<8x2048xf32, #tpu.memory_space<vmem>>)
      %mul3A_61 = arith.constant 8 : i32
      %mul3A_62 = arith.muli %add3A_53, %mul3A_61 : i32
      %add3A_63 = arith.addi %mul3A_4, %mul3A_62 : i32
      %dma_start3A_64 = arith.constant 2048 : i32
      %dma_start3A_65 = tpu.memref_slice %arg3[%add3A_63, %dma_start3A_64] : memref<8192x4096xf32, #tpu.memory_space<hbm>> -> memref<8x2048xf32, #tpu.memory_space<hbm>>
      %dma_start3A_66 = arith.constant 2048 : i32
      %dma_start3A_67 = tpu.memref_slice %arg3[%add3A_63, %dma_start3A_66] : memref<8192x4096xf32, #tpu.memory_space<hbm>> -> memref<8x2048xf32, #tpu.memory_space<hbm>>
      tpu.enqueue_dma source(%dma_start3A_67 : memref<8x2048xf32, #tpu.memory_space<hbm>>) target(%arg6 : memref<8x2048xf32, #tpu.memory_space<vmem>>) target_semaphore(%arg12 : memref<!tpu.dma_semaphore, #tpu.memory_space<semaphore_mem>>)
      %mul3A_68 = arith.constant 8 : i32
      %mul3A_69 = arith.muli %add3A_53, %mul3A_68 : i32
      %add3A_70 = arith.addi %mul3A_4, %mul3A_69 : i32
      %dma_wait3A_71 = arith.constant 0 : i32
      %dma_wait3A_72 = arith.constant 0 : i32
      %dma_wait3A_73 = tpu.memref_slice %arg2[%dma_wait3A_71, %add3A_70, %dma_wait3A_72] : memref<4x2048x4096xf32, #tpu.memory_space<hbm>> -> memref<1x8x2048xf32, #tpu.memory_space<hbm>>
      %dma_wait3A_74 = tpu.memref_squeeze %dma_wait3A_73 : memref<1x8x2048xf32, #tpu.memory_space<hbm>> -> memref<8x2048xf32, #tpu.memory_space<hbm>>
      %dma_wait3A_75 = arith.constant 0 : i32
      %dma_wait3A_76 = tpu.memref_slice %arg2[%dma_wait3A_71, %add3A_70, %dma_wait3A_75] : memref<4x2048x4096xf32, #tpu.memory_space<hbm>> -> memref<1x8x2048xf32, #tpu.memory_space<hbm>>
      %dma_wait3A_77 = tpu.memref_squeeze %dma_wait3A_76 : memref<1x8x2048xf32, #tpu.memory_space<hbm>> -> memref<8x2048xf32, #tpu.memory_space<hbm>>
      tpu.wait_dma2 semaphore(%arg13 : memref<!tpu.dma_semaphore, #tpu.memory_space<semaphore_mem>>) src(%dma_wait3A_77 : memref<8x2048xf32, #tpu.memory_space<hbm>>) dst(%arg7 : memref<8x2048xf32, #tpu.memory_space<vmem>>)
      %ge3A = arith.constant 1 : i32
      %ge3A_78 = arith.cmpi sge, %add3A_53, %ge3A : i32
      %convert_element_type3A = arith.extui %ge3A_78 : i1 to i32
      %cond3A = arith.constant 0 : i32
      %cond3A_79 = arith.cmpi ne, %convert_element_type3A, %cond3A : i32
      scf.if %cond3A_79 {
        %sub3A = arith.constant 1 : i32
        %sub3A_573 = arith.subi %add3A_53, %sub3A : i32
        %mul3A_574 = arith.constant 8 : i32
        %mul3A_575 = arith.muli %sub3A_573, %mul3A_574 : i32
        %add3A_576 = arith.addi %mul3A_4, %mul3A_575 : i32
        %dma_wait3A_577 = arith.constant 2 : i32
        %dma_wait3A_578 = arith.constant 2048 : i32
        %dma_wait3A_579 = tpu.memref_slice %arg4[%dma_wait3A_577, %add3A_576, %dma_wait3A_578] : memref<4x2048x4096xf32, #tpu.memory_space<hbm>> -> memref<1x8x2048xf32, #tpu.memory_space<hbm>>
        %dma_wait3A_580 = tpu.memref_squeeze %dma_wait3A_579 : memref<1x8x2048xf32, #tpu.memory_space<hbm>> -> memref<8x2048xf32, #tpu.memory_space<hbm>>
        %dma_wait3A_581 = arith.constant 2048 : i32
        %dma_wait3A_582 = tpu.memref_slice %arg4[%dma_wait3A_577, %add3A_576, %dma_wait3A_581] : memref<4x2048x4096xf32, #tpu.memory_space<hbm>> -> memref<1x8x2048xf32, #tpu.memory_space<hbm>>
        %dma_wait3A_583 = tpu.memref_squeeze %dma_wait3A_582 : memref<1x8x2048xf32, #tpu.memory_space<hbm>> -> memref<8x2048xf32, #tpu.memory_space<hbm>>
        tpu.wait_dma2 semaphore(%arg19 : memref<!tpu.dma_semaphore, #tpu.memory_space<semaphore_mem>>) src(%arg9 : memref<8x2048xf32, #tpu.memory_space<vmem>>) dst(%dma_wait3A_583 : memref<8x2048xf32, #tpu.memory_space<hbm>>)
      } else {
      }
      %mul3A_80 = arith.constant 8 : i32
      %mul3A_81 = arith.muli %add3A_53, %mul3A_80 : i32
      %add3A_82 = arith.addi %mul3A_4, %mul3A_81 : i32
      %dma_start3A_83 = arith.constant 2 : i32
      %dma_start3A_84 = arith.constant 0 : i32
      %dma_start3A_85 = tpu.memref_slice %arg2[%dma_start3A_83, %add3A_82, %dma_start3A_84] : memref<4x2048x4096xf32, #tpu.memory_space<hbm>> -> memref<1x8x2048xf32, #tpu.memory_space<hbm>>
      %dma_start3A_86 = tpu.memref_squeeze %dma_start3A_85 : memref<1x8x2048xf32, #tpu.memory_space<hbm>> -> memref<8x2048xf32, #tpu.memory_space<hbm>>
      %dma_start3A_87 = arith.constant 0 : i32
      %dma_start3A_88 = tpu.memref_slice %arg2[%dma_start3A_83, %add3A_82, %dma_start3A_87] : memref<4x2048x4096xf32, #tpu.memory_space<hbm>> -> memref<1x8x2048xf32, #tpu.memory_space<hbm>>
      %dma_start3A_89 = tpu.memref_squeeze %dma_start3A_88 : memref<1x8x2048xf32, #tpu.memory_space<hbm>> -> memref<8x2048xf32, #tpu.memory_space<hbm>>
      tpu.enqueue_dma source(%dma_start3A_89 : memref<8x2048xf32, #tpu.memory_space<hbm>>) target(%arg9 : memref<8x2048xf32, #tpu.memory_space<vmem>>) target_semaphore(%arg15 : memref<!tpu.dma_semaphore, #tpu.memory_space<semaphore_mem>>)
      %parallel_loop3A = arith.constant 0 : i32
      %parallel_loop3A_90 = arith.constant 2048 : i32
      %parallel_loop3A_91 = arith.constant 16 : i32
      scf.for %parallel_loop3A_573 = %parallel_loop3A to %parallel_loop3A_90 step %parallel_loop3A_91  : i32 {
        %parallel_loop3A_574 = arith.constant 0 : i32
        %parallel_loop3A_575 = arith.index_cast %parallel_loop3A_574 : i32 to index
        %parallel_loop3A_576 = arith.index_cast %parallel_loop3A_573 : i32 to index
        %parallel_loop3A_577 = tpu.vector_load %arg7[%parallel_loop3A_575, %parallel_loop3A_576] {strides = array<i32>} : memref<8x2048xf32, #tpu.memory_space<vmem>>, vector<1x16xf32>,
        %parallel_loop3A_578 = vector.shape_cast %parallel_loop3A_577 : vector<1x16xf32> to vector<16xf32>
        %parallel_loop3A_579 = arith.constant 0 : i32
        %parallel_loop3A_580 = arith.index_cast %parallel_loop3A_579 : i32 to index
        %parallel_loop3A_581 = arith.index_cast %parallel_loop3A_573 : i32 to index
        %parallel_loop3A_582 = tpu.vector_load %arg5[%parallel_loop3A_580, %parallel_loop3A_581] {strides = array<i32>} : memref<8x2048xf32, #tpu.memory_space<vmem>>, vector<1x16xf32>,
        %parallel_loop3A_583 = vector.shape_cast %parallel_loop3A_582 : vector<1x16xf32> to vector<16xf32>
        %parallel_loop3A_584 = arith.addf %parallel_loop3A_578, %parallel_loop3A_583 : vector<16xf32>
        %parallel_loop3A_585 = arith.constant 0 : i32
        %parallel_loop3A_586 = arith.index_cast %parallel_loop3A_585 : i32 to index
        %parallel_loop3A_587 = arith.index_cast %parallel_loop3A_573 : i32 to index
        %parallel_loop3A_588 = tpu.vector_load %arg7[%parallel_loop3A_586, %parallel_loop3A_587] {strides = array<i32>} : memref<8x2048xf32, #tpu.memory_space<vmem>>, vector<1x16xf32>,
        %parallel_loop3A_589 = vector.shape_cast %parallel_loop3A_588 : vector<1x16xf32> to vector<16xf32>
        %parallel_loop3A_590 = vector.shape_cast %parallel_loop3A_584 : vector<16xf32> to vector<1x16xf32>
        tpu.vector_store %arg7[%parallel_loop3A_586, %parallel_loop3A_587], %parallel_loop3A_590 {strides = array<i32>} : memref<8x2048xf32, #tpu.memory_space<vmem>>, vector<1x16xf32>,
      } {sc.loop_unroll_factor = 8 : i64, sc.parallel_access}
      %parallel_loop3A_92 = arith.constant 0 : i32
      %parallel_loop3A_93 = arith.constant 2048 : i32
      %parallel_loop3A_94 = arith.constant 16 : i32
      scf.for %parallel_loop3A_573 = %parallel_loop3A_92 to %parallel_loop3A_93 step %parallel_loop3A_94  : i32 {
        %parallel_loop3A_574 = arith.constant 1 : i32
        %parallel_loop3A_575 = arith.index_cast %parallel_loop3A_574 : i32 to index
        %parallel_loop3A_576 = arith.index_cast %parallel_loop3A_573 : i32 to index
        %parallel_loop3A_577 = tpu.vector_load %arg7[%parallel_loop3A_575, %parallel_loop3A_576] {strides = array<i32>} : memref<8x2048xf32, #tpu.memory_space<vmem>>, vector<1x16xf32>,
        %parallel_loop3A_578 = vector.shape_cast %parallel_loop3A_577 : vector<1x16xf32> to vector<16xf32>
        %parallel_loop3A_579 = arith.constant 1 : i32
        %parallel_loop3A_580 = arith.index_cast %parallel_loop3A_579 : i32 to index
        %parallel_loop3A_581 = arith.index_cast %parallel_loop3A_573 : i32 to index
        %parallel_loop3A_582 = tpu.vector_load %arg5[%parallel_loop3A_580, %parallel_loop3A_581] {strides = array<i32>} : memref<8x2048xf32, #tpu.memory_space<vmem>>, vector<1x16xf32>,
        %parallel_loop3A_583 = vector.shape_cast %parallel_loop3A_582 : vector<1x16xf32> to vector<16xf32>
        %parallel_loop3A_584 = arith.addf %parallel_loop3A_578, %parallel_loop3A_583 : vector<16xf32>
        %parallel_loop3A_585 = arith.constant 1 : i32
        %parallel_loop3A_586 = arith.index_cast %parallel_loop3A_585 : i32 to index
        %parallel_loop3A_587 = arith.index_cast %parallel_loop3A_573 : i32 to index
        %parallel_loop3A_588 = tpu.vector_load %arg7[%parallel_loop3A_586, %parallel_loop3A_587] {strides = array<i32>} : memref<8x2048xf32, #tpu.memory_space<vmem>>, vector<1x16xf32>,
        %parallel_loop3A_589 = vector.shape_cast %parallel_loop3A_588 : vector<1x16xf32> to vector<16xf32>
        %parallel_loop3A_590 = vector.shape_cast %parallel_loop3A_584 : vector<16xf32> to vector<1x16xf32>
        tpu.vector_store %arg7[%parallel_loop3A_586, %parallel_loop3A_587], %parallel_loop3A_590 {strides = array<i32>} : memref<8x2048xf32, #tpu.memory_space<vmem>>, vector<1x16xf32>,
      } {sc.loop_unroll_factor = 8 : i64, sc.parallel_access}
      %parallel_loop3A_95 = arith.constant 0 : i32
      %parallel_loop3A_96 = arith.constant 2048 : i32
      %parallel_loop3A_97 = arith.constant 16 : i32
      scf.for %parallel_loop3A_573 = %parallel_loop3A_95 to %parallel_loop3A_96 step %parallel_loop3A_97  : i32 {
        %parallel_loop3A_574 = arith.constant 2 : i32
        %parallel_loop3A_575 = arith.index_cast %parallel_loop3A_574 : i32 to index
        %parallel_loop3A_576 = arith.index_cast %parallel_loop3A_573 : i32 to index
        %parallel_loop3A_577 = tpu.vector_load %arg7[%parallel_loop3A_575, %parallel_loop3A_576] {strides = array<i32>} : memref<8x2048xf32, #tpu.memory_space<vmem>>, vector<1x16xf32>,
        %parallel_loop3A_578 = vector.shape_cast %parallel_loop3A_577 : vector<1x16xf32> to vector<16xf32>
        %parallel_loop3A_579 = arith.constant 2 : i32
        %parallel_loop3A_580 = arith.index_cast %parallel_loop3A_579 : i32 to index
        %parallel_loop3A_581 = arith.index_cast %parallel_loop3A_573 : i32 to index
        %parallel_loop3A_582 = tpu.vector_load %arg5[%parallel_loop3A_580, %parallel_loop3A_581] {strides = array<i32>} : memref<8x2048xf32, #tpu.memory_space<vmem>>, vector<1x16xf32>,
        %parallel_loop3A_583 = vector.shape_cast %parallel_loop3A_582 : vector<1x16xf32> to vector<16xf32>
        %parallel_loop3A_584 = arith.addf %parallel_loop3A_578, %parallel_loop3A_583 : vector<16xf32>
        %parallel_loop3A_585 = arith.constant 2 : i32
        %parallel_loop3A_586 = arith.index_cast %parallel_loop3A_585 : i32 to index
        %parallel_loop3A_587 = arith.index_cast %parallel_loop3A_573 : i32 to index
        %parallel_loop3A_588 = tpu.vector_load %arg7[%parallel_loop3A_586, %parallel_loop3A_587] {strides = array<i32>} : memref<8x2048xf32, #tpu.memory_space<vmem>>, vector<1x16xf32>,
        %parallel_loop3A_589 = vector.shape_cast %parallel_loop3A_588 : vector<1x16xf32> to vector<16xf32>
        %parallel_loop3A_590 = vector.shape_cast %parallel_loop3A_584 : vector<16xf32> to vector<1x16xf32>
        tpu.vector_store %arg7[%parallel_loop3A_586, %parallel_loop3A_587], %parallel_loop3A_590 {strides = array<i32>} : memref<8x2048xf32, #tpu.memory_space<vmem>>, vector<1x16xf32>,
      } {sc.loop_unroll_factor = 8 : i64, sc.parallel_access}
      %parallel_loop3A_98 = arith.constant 0 : i32
      %parallel_loop3A_99 = arith.constant 2048 : i32
      %parallel_loop3A_100 = arith.constant 16 : i32
      scf.for %parallel_loop3A_573 = %parallel_loop3A_98 to %parallel_loop3A_99 step %parallel_loop3A_100  : i32 {
        %parallel_loop3A_574 = arith.constant 3 : i32
        %parallel_loop3A_575 = arith.index_cast %parallel_loop3A_574 : i32 to index
        %parallel_loop3A_576 = arith.index_cast %parallel_loop3A_573 : i32 to index
        %parallel_loop3A_577 = tpu.vector_load %arg7[%parallel_loop3A_575, %parallel_loop3A_576] {strides = array<i32>} : memref<8x2048xf32, #tpu.memory_space<vmem>>, vector<1x16xf32>,
        %parallel_loop3A_578 = vector.shape_cast %parallel_loop3A_577 : vector<1x16xf32> to vector<16xf32>
        %parallel_loop3A_579 = arith.constant 3 : i32
        %parallel_loop3A_580 = arith.index_cast %parallel_loop3A_579 : i32 to index
        %parallel_loop3A_581 = arith.index_cast %parallel_loop3A_573 : i32 to index
        %parallel_loop3A_582 = tpu.vector_load %arg5[%parallel_loop3A_580, %parallel_loop3A_581] {strides = array<i32>} : memref<8x2048xf32, #tpu.memory_space<vmem>>, vector<1x16xf32>,
        %parallel_loop3A_583 = vector.shape_cast %parallel_loop3A_582 : vector<1x16xf32> to vector<16xf32>
        %parallel_loop3A_584 = arith.addf %parallel_loop3A_578, %parallel_loop3A_583 : vector<16xf32>
        %parallel_loop3A_585 = arith.constant 3 : i32
        %parallel_loop3A_586 = arith.index_cast %parallel_loop3A_585 : i32 to index
        %parallel_loop3A_587 = arith.index_cast %parallel_loop3A_573 : i32 to index
        %parallel_loop3A_588 = tpu.vector_load %arg7[%parallel_loop3A_586, %parallel_loop3A_587] {strides = array<i32>} : memref<8x2048xf32, #tpu.memory_space<vmem>>, vector<1x16xf32>,
        %parallel_loop3A_589 = vector.shape_cast %parallel_loop3A_588 : vector<1x16xf32> to vector<16xf32>
        %parallel_loop3A_590 = vector.shape_cast %parallel_loop3A_584 : vector<16xf32> to vector<1x16xf32>
        tpu.vector_store %arg7[%parallel_loop3A_586, %parallel_loop3A_587], %parallel_loop3A_590 {strides = array<i32>} : memref<8x2048xf32, #tpu.memory_space<vmem>>, vector<1x16xf32>,
      } {sc.loop_unroll_factor = 8 : i64, sc.parallel_access}
      %parallel_loop3A_101 = arith.constant 0 : i32
      %parallel_loop3A_102 = arith.constant 2048 : i32
      %parallel_loop3A_103 = arith.constant 16 : i32
      scf.for %parallel_loop3A_573 = %parallel_loop3A_101 to %parallel_loop3A_102 step %parallel_loop3A_103  : i32 {
        %parallel_loop3A_574 = arith.constant 4 : i32
        %parallel_loop3A_575 = arith.index_cast %parallel_loop3A_574 : i32 to index
        %parallel_loop3A_576 = arith.index_cast %parallel_loop3A_573 : i32 to index
        %parallel_loop3A_577 = tpu.vector_load %arg7[%parallel_loop3A_575, %parallel_loop3A_576] {strides = array<i32>} : memref<8x2048xf32, #tpu.memory_space<vmem>>, vector<1x16xf32>,
        %parallel_loop3A_578 = vector.shape_cast %parallel_loop3A_577 : vector<1x16xf32> to vector<16xf32>
        %parallel_loop3A_579 = arith.constant 4 : i32
        %parallel_loop3A_580 = arith.index_cast %parallel_loop3A_579 : i32 to index
        %parallel_loop3A_581 = arith.index_cast %parallel_loop3A_573 : i32 to index
        %parallel_loop3A_582 = tpu.vector_load %arg5[%parallel_loop3A_580, %parallel_loop3A_581] {strides = array<i32>} : memref<8x2048xf32, #tpu.memory_space<vmem>>, vector<1x16xf32>,
        %parallel_loop3A_583 = vector.shape_cast %parallel_loop3A_582 : vector<1x16xf32> to vector<16xf32>
        %parallel_loop3A_584 = arith.addf %parallel_loop3A_578, %parallel_loop3A_583 : vector<16xf32>
        %parallel_loop3A_585 = arith.constant 4 : i32
        %parallel_loop3A_586 = arith.index_cast %parallel_loop3A_585 : i32 to index
        %parallel_loop3A_587 = arith.index_cast %parallel_loop3A_573 : i32 to index
        %parallel_loop3A_588 = tpu.vector_load %arg7[%parallel_loop3A_586, %parallel_loop3A_587] {strides = array<i32>} : memref<8x2048xf32, #tpu.memory_space<vmem>>, vector<1x16xf32>,
        %parallel_loop3A_589 = vector.shape_cast %parallel_loop3A_588 : vector<1x16xf32> to vector<16xf32>
        %parallel_loop3A_590 = vector.shape_cast %parallel_loop3A_584 : vector<16xf32> to vector<1x16xf32>
        tpu.vector_store %arg7[%parallel_loop3A_586, %parallel_loop3A_587], %parallel_loop3A_590 {strides = array<i32>} : memref<8x2048xf32, #tpu.memory_space<vmem>>, vector<1x16xf32>,
      } {sc.loop_unroll_factor = 8 : i64, sc.parallel_access}
      %parallel_loop3A_104 = arith.constant 0 : i32
      %parallel_loop3A_105 = arith.constant 2048 : i32
      %parallel_loop3A_106 = arith.constant 16 : i32
      scf.for %parallel_loop3A_573 = %parallel_loop3A_104 to %parallel_loop3A_105 step %parallel_loop3A_106  : i32 {
        %parallel_loop3A_574 = arith.constant 5 : i32
        %parallel_loop3A_575 = arith.index_cast %parallel_loop3A_574 : i32 to index
        %parallel_loop3A_576 = arith.index_cast %parallel_loop3A_573 : i32 to index
        %parallel_loop3A_577 = tpu.vector_load %arg7[%parallel_loop3A_575, %parallel_loop3A_576] {strides = array<i32>} : memref<8x2048xf32, #tpu.memory_space<vmem>>, vector<1x16xf32>,
        %parallel_loop3A_578 = vector.shape_cast %parallel_loop3A_577 : vector<1x16xf32> to vector<16xf32>
        %parallel_loop3A_579 = arith.constant 5 : i32
        %parallel_loop3A_580 = arith.index_cast %parallel_loop3A_579 : i32 to index
        %parallel_loop3A_581 = arith.index_cast %parallel_loop3A_573 : i32 to index
        %parallel_loop3A_582 = tpu.vector_load %arg5[%parallel_loop3A_580, %parallel_loop3A_581] {strides = array<i32>} : memref<8x2048xf32, #tpu.memory_space<vmem>>, vector<1x16xf32>,
        %parallel_loop3A_583 = vector.shape_cast %parallel_loop3A_582 : vector<1x16xf32> to vector<16xf32>
        %parallel_loop3A_584 = arith.addf %parallel_loop3A_578, %parallel_loop3A_583 : vector<16xf32>
        %parallel_loop3A_585 = arith.constant 5 : i32
        %parallel_loop3A_586 = arith.index_cast %parallel_loop3A_585 : i32 to index
        %parallel_loop3A_587 = arith.index_cast %parallel_loop3A_573 : i32 to index
        %parallel_loop3A_588 = tpu.vector_load %arg7[%parallel_loop3A_586, %parallel_loop3A_587] {strides = array<i32>} : memref<8x2048xf32, #tpu.memory_space<vmem>>, vector<1x16xf32>,
        %parallel_loop3A_589 = vector.shape_cast %parallel_loop3A_588 : vector<1x16xf32> to vector<16xf32>
        %parallel_loop3A_590 = vector.shape_cast %parallel_loop3A_584 : vector<16xf32> to vector<1x16xf32>
        tpu.vector_store %arg7[%parallel_loop3A_586, %parallel_loop3A_587], %parallel_loop3A_590 {strides = array<i32>} : memref<8x2048xf32, #tpu.memory_space<vmem>>, vector<1x16xf32>,
      } {sc.loop_unroll_factor = 8 : i64, sc.parallel_access}
      %parallel_loop3A_107 = arith.constant 0 : i32
      %parallel_loop3A_108 = arith.constant 2048 : i32
      %parallel_loop3A_109 = arith.constant 16 : i32
      scf.for %parallel_loop3A_573 = %parallel_loop3A_107 to %parallel_loop3A_108 step %parallel_loop3A_109  : i32 {
        %parallel_loop3A_574 = arith.constant 6 : i32
        %parallel_loop3A_575 = arith.index_cast %parallel_loop3A_574 : i32 to index
        %parallel_loop3A_576 = arith.index_cast %parallel_loop3A_573 : i32 to index
        %parallel_loop3A_577 = tpu.vector_load %arg7[%parallel_loop3A_575, %parallel_loop3A_576] {strides = array<i32>} : memref<8x2048xf32, #tpu.memory_space<vmem>>, vector<1x16xf32>,
        %parallel_loop3A_578 = vector.shape_cast %parallel_loop3A_577 : vector<1x16xf32> to vector<16xf32>
        %parallel_loop3A_579 = arith.constant 6 : i32
        %parallel_loop3A_580 = arith.index_cast %parallel_loop3A_579 : i32 to index
        %parallel_loop3A_581 = arith.index_cast %parallel_loop3A_573 : i32 to index
        %parallel_loop3A_582 = tpu.vector_load %arg5[%parallel_loop3A_580, %parallel_loop3A_581] {strides = array<i32>} : memref<8x2048xf32, #tpu.memory_space<vmem>>, vector<1x16xf32>,
        %parallel_loop3A_583 = vector.shape_cast %parallel_loop3A_582 : vector<1x16xf32> to vector<16xf32>
        %parallel_loop3A_584 = arith.addf %parallel_loop3A_578, %parallel_loop3A_583 : vector<16xf32>
        %parallel_loop3A_585 = arith.constant 6 : i32
        %parallel_loop3A_586 = arith.index_cast %parallel_loop3A_585 : i32 to index
        %parallel_loop3A_587 = arith.index_cast %parallel_loop3A_573 : i32 to index
        %parallel_loop3A_588 = tpu.vector_load %arg7[%parallel_loop3A_586, %parallel_loop3A_587] {strides = array<i32>} : memref<8x2048xf32, #tpu.memory_space<vmem>>, vector<1x16xf32>,
        %parallel_loop3A_589 = vector.shape_cast %parallel_loop3A_588 : vector<1x16xf32> to vector<16xf32>
        %parallel_loop3A_590 = vector.shape_cast %parallel_loop3A_584 : vector<16xf32> to vector<1x16xf32>
        tpu.vector_store %arg7[%parallel_loop3A_586, %parallel_loop3A_587], %parallel_loop3A_590 {strides = array<i32>} : memref<8x2048xf32, #tpu.memory_space<vmem>>, vector<1x16xf32>,
      } {sc.loop_unroll_factor = 8 : i64, sc.parallel_access}
      %parallel_loop3A_110 = arith.constant 0 : i32
      %parallel_loop3A_111 = arith.constant 2048 : i32
      %parallel_loop3A_112 = arith.constant 16 : i32
      scf.for %parallel_loop3A_573 = %parallel_loop3A_110 to %parallel_loop3A_111 step %parallel_loop3A_112  : i32 {
        %parallel_loop3A_574 = arith.constant 7 : i32
        %parallel_loop3A_575 = arith.index_cast %parallel_loop3A_574 : i32 to index
        %parallel_loop3A_576 = arith.index_cast %parallel_loop3A_573 : i32 to index
        %parallel_loop3A_577 = tpu.vector_load %arg7[%parallel_loop3A_575, %parallel_loop3A_576] {strides = array<i32>} : memref<8x2048xf32, #tpu.memory_space<vmem>>, vector<1x16xf32>,
        %parallel_loop3A_578 = vector.shape_cast %parallel_loop3A_577 : vector<1x16xf32> to vector<16xf32>
        %parallel_loop3A_579 = arith.constant 7 : i32
        %parallel_loop3A_580 = arith.index_cast %parallel_loop3A_579 : i32 to index
        %parallel_loop3A_581 = arith.index_cast %parallel_loop3A_573 : i32 to index
        %parallel_loop3A_582 = tpu.vector_load %arg5[%parallel_loop3A_580, %parallel_loop3A_581] {strides = array<i32>} : memref<8x2048xf32, #tpu.memory_space<vmem>>, vector<1x16xf32>,
        %parallel_loop3A_583 = vector.shape_cast %parallel_loop3A_582 : vector<1x16xf32> to vector<16xf32>
        %parallel_loop3A_584 = arith.addf %parallel_loop3A_578, %parallel_loop3A_583 : vector<16xf32>
        %parallel_loop3A_585 = arith.constant 7 : i32
        %parallel_loop3A_586 = arith.index_cast %parallel_loop3A_585 : i32 to index
        %parallel_loop3A_587 = arith.index_cast %parallel_loop3A_573 : i32 to index
        %parallel_loop3A_588 = tpu.vector_load %arg7[%parallel_loop3A_586, %parallel_loop3A_587] {strides = array<i32>} : memref<8x2048xf32, #tpu.memory_space<vmem>>, vector<1x16xf32>,
        %parallel_loop3A_589 = vector.shape_cast %parallel_loop3A_588 : vector<1x16xf32> to vector<16xf32>
        %parallel_loop3A_590 = vector.shape_cast %parallel_loop3A_584 : vector<16xf32> to vector<1x16xf32>
        tpu.vector_store %arg7[%parallel_loop3A_586, %parallel_loop3A_587], %parallel_loop3A_590 {strides = array<i32>} : memref<8x2048xf32, #tpu.memory_space<vmem>>, vector<1x16xf32>,
      } {sc.loop_unroll_factor = 8 : i64, sc.parallel_access}
      %mul3A_113 = arith.constant 8 : i32
      %mul3A_114 = arith.muli %add3A_53, %mul3A_113 : i32
      %add3A_115 = arith.addi %mul3A_4, %mul3A_114 : i32
      %dma_start3A_116 = arith.constant 0 : i32
      %dma_start3A_117 = arith.constant 0 : i32
      %dma_start3A_118 = tpu.memref_slice %arg4[%dma_start3A_116, %add3A_115, %dma_start3A_117] : memref<4x2048x4096xf32, #tpu.memory_space<hbm>> -> memref<1x8x2048xf32, #tpu.memory_space<hbm>>
      %dma_start3A_119 = tpu.memref_squeeze %dma_start3A_118 : memref<1x8x2048xf32, #tpu.memory_space<hbm>> -> memref<8x2048xf32, #tpu.memory_space<hbm>>
      %dma_start3A_120 = arith.constant 0 : i32
      %dma_start3A_121 = tpu.memref_slice %arg4[%dma_start3A_116, %add3A_115, %dma_start3A_120] : memref<4x2048x4096xf32, #tpu.memory_space<hbm>> -> memref<1x8x2048xf32, #tpu.memory_space<hbm>>
      %dma_start3A_122 = tpu.memref_squeeze %dma_start3A_121 : memref<1x8x2048xf32, #tpu.memory_space<hbm>> -> memref<8x2048xf32, #tpu.memory_space<hbm>>
      tpu.enqueue_dma source(%arg7 : memref<8x2048xf32, #tpu.memory_space<vmem>>) target(%dma_start3A_122 : memref<8x2048xf32, #tpu.memory_space<hbm>>) target_semaphore(%arg17 : memref<!tpu.dma_semaphore, #tpu.memory_space<semaphore_mem>>)
      %mul3A_123 = arith.constant 8 : i32
      %mul3A_124 = arith.muli %add3A_53, %mul3A_123 : i32
      %add3A_125 = arith.addi %mul3A_4, %mul3A_124 : i32
      %dma_wait3A_126 = arith.constant 1 : i32
      %dma_wait3A_127 = arith.constant 0 : i32
      %dma_wait3A_128 = tpu.memref_slice %arg2[%dma_wait3A_126, %add3A_125, %dma_wait3A_127] : memref<4x2048x4096xf32, #tpu.memory_space<hbm>> -> memref<1x8x2048xf32, #tpu.memory_space<hbm>>
      %dma_wait3A_129 = tpu.memref_squeeze %dma_wait3A_128 : memref<1x8x2048xf32, #tpu.memory_space<hbm>> -> memref<8x2048xf32, #tpu.memory_space<hbm>>
      %dma_wait3A_130 = arith.constant 0 : i32
      %dma_wait3A_131 = tpu.memref_slice %arg2[%dma_wait3A_126, %add3A_125, %dma_wait3A_130] : memref<4x2048x4096xf32, #tpu.memory_space<hbm>> -> memref<1x8x2048xf32, #tpu.memory_space<hbm>>
      %dma_wait3A_132 = tpu.memref_squeeze %dma_wait3A_131 : memref<1x8x2048xf32, #tpu.memory_space<hbm>> -> memref<8x2048xf32, #tpu.memory_space<hbm>>
      tpu.wait_dma2 semaphore(%arg14 : memref<!tpu.dma_semaphore, #tpu.memory_space<semaphore_mem>>) src(%dma_wait3A_132 : memref<8x2048xf32, #tpu.memory_space<hbm>>) dst(%arg8 : memref<8x2048xf32, #tpu.memory_space<vmem>>)
      %ge3A_133 = arith.constant 1 : i32
      %ge3A_134 = arith.cmpi sge, %add3A_53, %ge3A_133 : i32
      %convert_element_type3A_135 = arith.extui %ge3A_134 : i1 to i32
      %cond3A_136 = arith.constant 0 : i32
      %cond3A_137 = arith.cmpi ne, %convert_element_type3A_135, %cond3A_136 : i32
      scf.if %cond3A_137 {
        %sub3A = arith.constant 1 : i32
        %sub3A_573 = arith.subi %add3A_53, %sub3A : i32
        %mul3A_574 = arith.constant 8 : i32
        %mul3A_575 = arith.muli %sub3A_573, %mul3A_574 : i32
        %add3A_576 = arith.addi %mul3A_4, %mul3A_575 : i32
        %dma_wait3A_577 = arith.constant 3 : i32
        %dma_wait3A_578 = arith.constant 2048 : i32
        %dma_wait3A_579 = tpu.memref_slice %arg4[%dma_wait3A_577, %add3A_576, %dma_wait3A_578] : memref<4x2048x4096xf32, #tpu.memory_space<hbm>> -> memref<1x8x2048xf32, #tpu.memory_space<hbm>>
        %dma_wait3A_580 = tpu.memref_squeeze %dma_wait3A_579 : memref<1x8x2048xf32, #tpu.memory_space<hbm>> -> memref<8x2048xf32, #tpu.memory_space<hbm>>
        %dma_wait3A_581 = arith.constant 2048 : i32
        %dma_wait3A_582 = tpu.memref_slice %arg4[%dma_wait3A_577, %add3A_576, %dma_wait3A_581] : memref<4x2048x4096xf32, #tpu.memory_space<hbm>> -> memref<1x8x2048xf32, #tpu.memory_space<hbm>>
        %dma_wait3A_583 = tpu.memref_squeeze %dma_wait3A_582 : memref<1x8x2048xf32, #tpu.memory_space<hbm>> -> memref<8x2048xf32, #tpu.memory_space<hbm>>
        tpu.wait_dma2 semaphore(%arg20 : memref<!tpu.dma_semaphore, #tpu.memory_space<semaphore_mem>>) src(%arg10 : memref<8x2048xf32, #tpu.memory_space<vmem>>) dst(%dma_wait3A_583 : memref<8x2048xf32, #tpu.memory_space<hbm>>)
      } else {
      }
      %mul3A_138 = arith.constant 8 : i32
      %mul3A_139 = arith.muli %add3A_53, %mul3A_138 : i32
      %add3A_140 = arith.addi %mul3A_4, %mul3A_139 : i32
      %dma_start3A_141 = arith.constant 3 : i32
      %dma_start3A_142 = arith.constant 0 : i32
      %dma_start3A_143 = tpu.memref_slice %arg2[%dma_start3A_141, %add3A_140, %dma_start3A_142] : memref<4x2048x4096xf32, #tpu.memory_space<hbm>> -> memref<1x8x2048xf32, #tpu.memory_space<hbm>>
      %dma_start3A_144 = tpu.memref_squeeze %dma_start3A_143 : memref<1x8x2048xf32, #tpu.memory_space<hbm>> -> memref<8x2048xf32, #tpu.memory_space<hbm>>
      %dma_start3A_145 = arith.constant 0 : i32
      %dma_start3A_146 = tpu.memref_slice %arg2[%dma_start3A_141, %add3A_140, %dma_start3A_145] : memref<4x2048x4096xf32, #tpu.memory_space<hbm>> -> memref<1x8x2048xf32, #tpu.memory_space<hbm>>
      %dma_start3A_147 = tpu.memref_squeeze %dma_start3A_146 : memref<1x8x2048xf32, #tpu.memory_space<hbm>> -> memref<8x2048xf32, #tpu.memory_space<hbm>>
      tpu.enqueue_dma source(%dma_start3A_147 : memref<8x2048xf32, #tpu.memory_space<hbm>>) target(%arg10 : memref<8x2048xf32, #tpu.memory_space<vmem>>) target_semaphore(%arg16 : memref<!tpu.dma_semaphore, #tpu.memory_space<semaphore_mem>>)
      %parallel_loop3A_148 = arith.constant 0 : i32
      %parallel_loop3A_149 = arith.constant 2048 : i32
      %parallel_loop3A_150 = arith.constant 16 : i32
      scf.for %parallel_loop3A_573 = %parallel_loop3A_148 to %parallel_loop3A_149 step %parallel_loop3A_150  : i32 {
        %parallel_loop3A_574 = arith.constant 0 : i32
        %parallel_loop3A_575 = arith.index_cast %parallel_loop3A_574 : i32 to index
        %parallel_loop3A_576 = arith.index_cast %parallel_loop3A_573 : i32 to index
        %parallel_loop3A_577 = tpu.vector_load %arg8[%parallel_loop3A_575, %parallel_loop3A_576] {strides = array<i32>} : memref<8x2048xf32, #tpu.memory_space<vmem>>, vector<1x16xf32>,
        %parallel_loop3A_578 = vector.shape_cast %parallel_loop3A_577 : vector<1x16xf32> to vector<16xf32>
        %parallel_loop3A_579 = arith.constant 0 : i32
        %parallel_loop3A_580 = arith.index_cast %parallel_loop3A_579 : i32 to index
        %parallel_loop3A_581 = arith.index_cast %parallel_loop3A_573 : i32 to index
        %parallel_loop3A_582 = tpu.vector_load %arg5[%parallel_loop3A_580, %parallel_loop3A_581] {strides = array<i32>} : memref<8x2048xf32, #tpu.memory_space<vmem>>, vector<1x16xf32>,
        %parallel_loop3A_583 = vector.shape_cast %parallel_loop3A_582 : vector<1x16xf32> to vector<16xf32>
        %parallel_loop3A_584 = arith.addf %parallel_loop3A_578, %parallel_loop3A_583 : vector<16xf32>
        %parallel_loop3A_585 = arith.constant 0 : i32
        %parallel_loop3A_586 = arith.index_cast %parallel_loop3A_585 : i32 to index
        %parallel_loop3A_587 = arith.index_cast %parallel_loop3A_573 : i32 to index
        %parallel_loop3A_588 = tpu.vector_load %arg8[%parallel_loop3A_586, %parallel_loop3A_587] {strides = array<i32>} : memref<8x2048xf32, #tpu.memory_space<vmem>>, vector<1x16xf32>,
        %parallel_loop3A_589 = vector.shape_cast %parallel_loop3A_588 : vector<1x16xf32> to vector<16xf32>
        %parallel_loop3A_590 = vector.shape_cast %parallel_loop3A_584 : vector<16xf32> to vector<1x16xf32>
        tpu.vector_store %arg8[%parallel_loop3A_586, %parallel_loop3A_587], %parallel_loop3A_590 {strides = array<i32>} : memref<8x2048xf32, #tpu.memory_space<vmem>>, vector<1x16xf32>,
      } {sc.loop_unroll_factor = 8 : i64, sc.parallel_access}
      %parallel_loop3A_151 = arith.constant 0 : i32
      %parallel_loop3A_152 = arith.constant 2048 : i32
      %parallel_loop3A_153 = arith.constant 16 : i32
      scf.for %parallel_loop3A_573 = %parallel_loop3A_151 to %parallel_loop3A_152 step %parallel_loop3A_153  : i32 {
        %parallel_loop3A_574 = arith.constant 1 : i32
        %parallel_loop3A_575 = arith.index_cast %parallel_loop3A_574 : i32 to index
        %parallel_loop3A_576 = arith.index_cast %parallel_loop3A_573 : i32 to index
        %parallel_loop3A_577 = tpu.vector_load %arg8[%parallel_loop3A_575, %parallel_loop3A_576] {strides = array<i32>} : memref<8x2048xf32, #tpu.memory_space<vmem>>, vector<1x16xf32>,
        %parallel_loop3A_578 = vector.shape_cast %parallel_loop3A_577 : vector<1x16xf32> to vector<16xf32>
        %parallel_loop3A_579 = arith.constant 1 : i32
        %parallel_loop3A_580 = arith.index_cast %parallel_loop3A_579 : i32 to index
        %parallel_loop3A_581 = arith.index_cast %parallel_loop3A_573 : i32 to index
        %parallel_loop3A_582 = tpu.vector_load %arg5[%parallel_loop3A_580, %parallel_loop3A_581] {strides = array<i32>} : memref<8x2048xf32, #tpu.memory_space<vmem>>, vector<1x16xf32>,
        %parallel_loop3A_583 = vector.shape_cast %parallel_loop3A_582 : vector<1x16xf32> to vector<16xf32>
        %parallel_loop3A_584 = arith.addf %parallel_loop3A_578, %parallel_loop3A_583 : vector<16xf32>
        %parallel_loop3A_585 = arith.constant 1 : i32
        %parallel_loop3A_586 = arith.index_cast %parallel_loop3A_585 : i32 to index
        %parallel_loop3A_587 = arith.index_cast %parallel_loop3A_573 : i32 to index
        %parallel_loop3A_588 = tpu.vector_load %arg8[%parallel_loop3A_586, %parallel_loop3A_587] {strides = array<i32>} : memref<8x2048xf32, #tpu.memory_space<vmem>>, vector<1x16xf32>,
        %parallel_loop3A_589 = vector.shape_cast %parallel_loop3A_588 : vector<1x16xf32> to vector<16xf32>
        %parallel_loop3A_590 = vector.shape_cast %parallel_loop3A_584 : vector<16xf32> to vector<1x16xf32>
        tpu.vector_store %arg8[%parallel_loop3A_586, %parallel_loop3A_587], %parallel_loop3A_590 {strides = array<i32>} : memref<8x2048xf32, #tpu.memory_space<vmem>>, vector<1x16xf32>,
      } {sc.loop_unroll_factor = 8 : i64, sc.parallel_access}
      %parallel_loop3A_154 = arith.constant 0 : i32
      %parallel_loop3A_155 = arith.constant 2048 : i32
      %parallel_loop3A_156 = arith.constant 16 : i32
      scf.for %parallel_loop3A_573 = %parallel_loop3A_154 to %parallel_loop3A_155 step %parallel_loop3A_156  : i32 {
        %parallel_loop3A_574 = arith.constant 2 : i32
        %parallel_loop3A_575 = arith.index_cast %parallel_loop3A_574 : i32 to index
        %parallel_loop3A_576 = arith.index_cast %parallel_loop3A_573 : i32 to index
        %parallel_loop3A_577 = tpu.vector_load %arg8[%parallel_loop3A_575, %parallel_loop3A_576] {strides = array<i32>} : memref<8x2048xf32, #tpu.memory_space<vmem>>, vector<1x16xf32>,
        %parallel_loop3A_578 = vector.shape_cast %parallel_loop3A_577 : vector<1x16xf32> to vector<16xf32>
        %parallel_loop3A_579 = arith.constant 2 : i32
        %parallel_loop3A_580 = arith.index_cast %parallel_loop3A_579 : i32 to index
        %parallel_loop3A_581 = arith.index_cast %parallel_loop3A_573 : i32 to index
        %parallel_loop3A_582 = tpu.vector_load %arg5[%parallel_loop3A_580, %parallel_loop3A_581] {strides = array<i32>} : memref<8x2048xf32, #tpu.memory_space<vmem>>, vector<1x16xf32>,
        %parallel_loop3A_583 = vector.shape_cast %parallel_loop3A_582 : vector<1x16xf32> to vector<16xf32>
        %parallel_loop3A_584 = arith.addf %parallel_loop3A_578, %parallel_loop3A_583 : vector<16xf32>
        %parallel_loop3A_585 = arith.constant 2 : i32
        %parallel_loop3A_586 = arith.index_cast %parallel_loop3A_585 : i32 to index
        %parallel_loop3A_587 = arith.index_cast %parallel_loop3A_573 : i32 to index
        %parallel_loop3A_588 = tpu.vector_load %arg8[%parallel_loop3A_586, %parallel_loop3A_587] {strides = array<i32>} : memref<8x2048xf32, #tpu.memory_space<vmem>>, vector<1x16xf32>,
        %parallel_loop3A_589 = vector.shape_cast %parallel_loop3A_588 : vector<1x16xf32> to vector<16xf32>
        %parallel_loop3A_590 = vector.shape_cast %parallel_loop3A_584 : vector<16xf32> to vector<1x16xf32>
        tpu.vector_store %arg8[%parallel_loop3A_586, %parallel_loop3A_587], %parallel_loop3A_590 {strides = array<i32>} : memref<8x2048xf32, #tpu.memory_space<vmem>>, vector<1x16xf32>,
      } {sc.loop_unroll_factor = 8 : i64, sc.parallel_access}
      %parallel_loop3A_157 = arith.constant 0 : i32
      %parallel_loop3A_158 = arith.constant 2048 : i32
      %parallel_loop3A_159 = arith.constant 16 : i32
      scf.for %parallel_loop3A_573 = %parallel_loop3A_157 to %parallel_loop3A_158 step %parallel_loop3A_159  : i32 {
        %parallel_loop3A_574 = arith.constant 3 : i32
        %parallel_loop3A_575 = arith.index_cast %parallel_loop3A_574 : i32 to index
        %parallel_loop3A_576 = arith.index_cast %parallel_loop3A_573 : i32 to index
        %parallel_loop3A_577 = tpu.vector_load %arg8[%parallel_loop3A_575, %parallel_loop3A_576] {strides = array<i32>} : memref<8x2048xf32, #tpu.memory_space<vmem>>, vector<1x16xf32>,
        %parallel_loop3A_578 = vector.shape_cast %parallel_loop3A_577 : vector<1x16xf32> to vector<16xf32>
        %parallel_loop3A_579 = arith.constant 3 : i32
        %parallel_loop3A_580 = arith.index_cast %parallel_loop3A_579 : i32 to index
        %parallel_loop3A_581 = arith.index_cast %parallel_loop3A_573 : i32 to index
        %parallel_loop3A_582 = tpu.vector_load %arg5[%parallel_loop3A_580, %parallel_loop3A_581] {strides = array<i32>} : memref<8x2048xf32, #tpu.memory_space<vmem>>, vector<1x16xf32>,
        %parallel_loop3A_583 = vector.shape_cast %parallel_loop3A_582 : vector<1x16xf32> to vector<16xf32>
        %parallel_loop3A_584 = arith.addf %parallel_loop3A_578, %parallel_loop3A_583 : vector<16xf32>
        %parallel_loop3A_585 = arith.constant 3 : i32
        %parallel_loop3A_586 = arith.index_cast %parallel_loop3A_585 : i32 to index
        %parallel_loop3A_587 = arith.index_cast %parallel_loop3A_573 : i32 to index
        %parallel_loop3A_588 = tpu.vector_load %arg8[%parallel_loop3A_586, %parallel_loop3A_587] {strides = array<i32>} : memref<8x2048xf32, #tpu.memory_space<vmem>>, vector<1x16xf32>,
        %parallel_loop3A_589 = vector.shape_cast %parallel_loop3A_588 : vector<1x16xf32> to vector<16xf32>
        %parallel_loop3A_590 = vector.shape_cast %parallel_loop3A_584 : vector<16xf32> to vector<1x16xf32>
        tpu.vector_store %arg8[%parallel_loop3A_586, %parallel_loop3A_587], %parallel_loop3A_590 {strides = array<i32>} : memref<8x2048xf32, #tpu.memory_space<vmem>>, vector<1x16xf32>,
      } {sc.loop_unroll_factor = 8 : i64, sc.parallel_access}
      %parallel_loop3A_160 = arith.constant 0 : i32
      %parallel_loop3A_161 = arith.constant 2048 : i32
      %parallel_loop3A_162 = arith.constant 16 : i32
      scf.for %parallel_loop3A_573 = %parallel_loop3A_160 to %parallel_loop3A_161 step %parallel_loop3A_162  : i32 {
        %parallel_loop3A_574 = arith.constant 4 : i32
        %parallel_loop3A_575 = arith.index_cast %parallel_loop3A_574 : i32 to index
        %parallel_loop3A_576 = arith.index_cast %parallel_loop3A_573 : i32 to index
        %parallel_loop3A_577 = tpu.vector_load %arg8[%parallel_loop3A_575, %parallel_loop3A_576] {strides = array<i32>} : memref<8x2048xf32, #tpu.memory_space<vmem>>, vector<1x16xf32>,
        %parallel_loop3A_578 = vector.shape_cast %parallel_loop3A_577 : vector<1x16xf32> to vector<16xf32>
        %parallel_loop3A_579 = arith.constant 4 : i32
        %parallel_loop3A_580 = arith.index_cast %parallel_loop3A_579 : i32 to index
        %parallel_loop3A_581 = arith.index_cast %parallel_loop3A_573 : i32 to index
        %parallel_loop3A_582 = tpu.vector_load %arg5[%parallel_loop3A_580, %parallel_loop3A_581] {strides = array<i32>} : memref<8x2048xf32, #tpu.memory_space<vmem>>, vector<1x16xf32>,
        %parallel_loop3A_583 = vector.shape_cast %parallel_loop3A_582 : vector<1x16xf32> to vector<16xf32>
        %parallel_loop3A_584 = arith.addf %parallel_loop3A_578, %parallel_loop3A_583 : vector<16xf32>
        %parallel_loop3A_585 = arith.constant 4 : i32
        %parallel_loop3A_586 = arith.index_cast %parallel_loop3A_585 : i32 to index
        %parallel_loop3A_587 = arith.index_cast %parallel_loop3A_573 : i32 to index
        %parallel_loop3A_588 = tpu.vector_load %arg8[%parallel_loop3A_586, %parallel_loop3A_587] {strides = array<i32>} : memref<8x2048xf32, #tpu.memory_space<vmem>>, vector<1x16xf32>,
        %parallel_loop3A_589 = vector.shape_cast %parallel_loop3A_588 : vector<1x16xf32> to vector<16xf32>
        %parallel_loop3A_590 = vector.shape_cast %parallel_loop3A_584 : vector<16xf32> to vector<1x16xf32>
        tpu.vector_store %arg8[%parallel_loop3A_586, %parallel_loop3A_587], %parallel_loop3A_590 {strides = array<i32>} : memref<8x2048xf32, #tpu.memory_space<vmem>>, vector<1x16xf32>,
      } {sc.loop_unroll_factor = 8 : i64, sc.parallel_access}
      %parallel_loop3A_163 = arith.constant 0 : i32
      %parallel_loop3A_164 = arith.constant 2048 : i32
      %parallel_loop3A_165 = arith.constant 16 : i32
      scf.for %parallel_loop3A_573 = %parallel_loop3A_163 to %parallel_loop3A_164 step %parallel_loop3A_165  : i32 {
        %parallel_loop3A_574 = arith.constant 5 : i32
        %parallel_loop3A_575 = arith.index_cast %parallel_loop3A_574 : i32 to index
        %parallel_loop3A_576 = arith.index_cast %parallel_loop3A_573 : i32 to index
        %parallel_loop3A_577 = tpu.vector_load %arg8[%parallel_loop3A_575, %parallel_loop3A_576] {strides = array<i32>} : memref<8x2048xf32, #tpu.memory_space<vmem>>, vector<1x16xf32>,
        %parallel_loop3A_578 = vector.shape_cast %parallel_loop3A_577 : vector<1x16xf32> to vector<16xf32>
        %parallel_loop3A_579 = arith.constant 5 : i32
        %parallel_loop3A_580 = arith.index_cast %parallel_loop3A_579 : i32 to index
        %parallel_loop3A_581 = arith.index_cast %parallel_loop3A_573 : i32 to index
        %parallel_loop3A_582 = tpu.vector_load %arg5[%parallel_loop3A_580, %parallel_loop3A_581] {strides = array<i32>} : memref<8x2048xf32, #tpu.memory_space<vmem>>, vector<1x16xf32>,
        %parallel_loop3A_583 = vector.shape_cast %parallel_loop3A_582 : vector<1x16xf32> to vector<16xf32>
        %parallel_loop3A_584 = arith.addf %parallel_loop3A_578, %parallel_loop3A_583 : vector<16xf32>
        %parallel_loop3A_585 = arith.constant 5 : i32
        %parallel_loop3A_586 = arith.index_cast %parallel_loop3A_585 : i32 to index
        %parallel_loop3A_587 = arith.index_cast %parallel_loop3A_573 : i32 to index
        %parallel_loop3A_588 = tpu.vector_load %arg8[%parallel_loop3A_586, %parallel_loop3A_587] {strides = array<i32>} : memref<8x2048xf32, #tpu.memory_space<vmem>>, vector<1x16xf32>,
        %parallel_loop3A_589 = vector.shape_cast %parallel_loop3A_588 : vector<1x16xf32> to vector<16xf32>
        %parallel_loop3A_590 = vector.shape_cast %parallel_loop3A_584 : vector<16xf32> to vector<1x16xf32>
        tpu.vector_store %arg8[%parallel_loop3A_586, %parallel_loop3A_587], %parallel_loop3A_590 {strides = array<i32>} : memref<8x2048xf32, #tpu.memory_space<vmem>>, vector<1x16xf32>,
      } {sc.loop_unroll_factor = 8 : i64, sc.parallel_access}
      %parallel_loop3A_166 = arith.constant 0 : i32
      %parallel_loop3A_167 = arith.constant 2048 : i32
      %parallel_loop3A_168 = arith.constant 16 : i32
      scf.for %parallel_loop3A_573 = %parallel_loop3A_166 to %parallel_loop3A_167 step %parallel_loop3A_168  : i32 {
        %parallel_loop3A_574 = arith.constant 6 : i32
        %parallel_loop3A_575 = arith.index_cast %parallel_loop3A_574 : i32 to index
        %parallel_loop3A_576 = arith.index_cast %parallel_loop3A_573 : i32 to index
        %parallel_loop3A_577 = tpu.vector_load %arg8[%parallel_loop3A_575, %parallel_loop3A_576] {strides = array<i32>} : memref<8x2048xf32, #tpu.memory_space<vmem>>, vector<1x16xf32>,
        %parallel_loop3A_578 = vector.shape_cast %parallel_loop3A_577 : vector<1x16xf32> to vector<16xf32>
        %parallel_loop3A_579 = arith.constant 6 : i32
        %parallel_loop3A_580 = arith.index_cast %parallel_loop3A_579 : i32 to index
        %parallel_loop3A_581 = arith.index_cast %parallel_loop3A_573 : i32 to index
        %parallel_loop3A_582 = tpu.vector_load %arg5[%parallel_loop3A_580, %parallel_loop3A_581] {strides = array<i32>} : memref<8x2048xf32, #tpu.memory_space<vmem>>, vector<1x16xf32>,
        %parallel_loop3A_583 = vector.shape_cast %parallel_loop3A_582 : vector<1x16xf32> to vector<16xf32>
        %parallel_loop3A_584 = arith.addf %parallel_loop3A_578, %parallel_loop3A_583 : vector<16xf32>
        %parallel_loop3A_585 = arith.constant 6 : i32
        %parallel_loop3A_586 = arith.index_cast %parallel_loop3A_585 : i32 to index
        %parallel_loop3A_587 = arith.index_cast %parallel_loop3A_573 : i32 to index
        %parallel_loop3A_588 = tpu.vector_load %arg8[%parallel_loop3A_586, %parallel_loop3A_587] {strides = array<i32>} : memref<8x2048xf32, #tpu.memory_space<vmem>>, vector<1x16xf32>,
        %parallel_loop3A_589 = vector.shape_cast %parallel_loop3A_588 : vector<1x16xf32> to vector<16xf32>
        %parallel_loop3A_590 = vector.shape_cast %parallel_loop3A_584 : vector<16xf32> to vector<1x16xf32>
        tpu.vector_store %arg8[%parallel_loop3A_586, %parallel_loop3A_587], %parallel_loop3A_590 {strides = array<i32>} : memref<8x2048xf32, #tpu.memory_space<vmem>>, vector<1x16xf32>,
      } {sc.loop_unroll_factor = 8 : i64, sc.parallel_access}
      %parallel_loop3A_169 = arith.constant 0 : i32
      %parallel_loop3A_170 = arith.constant 2048 : i32
      %parallel_loop3A_171 = arith.constant 16 : i32
      scf.for %parallel_loop3A_573 = %parallel_loop3A_169 to %parallel_loop3A_170 step %parallel_loop3A_171  : i32 {
        %parallel_loop3A_574 = arith.constant 7 : i32
        %parallel_loop3A_575 = arith.index_cast %parallel_loop3A_574 : i32 to index
        %parallel_loop3A_576 = arith.index_cast %parallel_loop3A_573 : i32 to index
        %parallel_loop3A_577 = tpu.vector_load %arg8[%parallel_loop3A_575, %parallel_loop3A_576] {strides = array<i32>} : memref<8x2048xf32, #tpu.memory_space<vmem>>, vector<1x16xf32>,
        %parallel_loop3A_578 = vector.shape_cast %parallel_loop3A_577 : vector<1x16xf32> to vector<16xf32>
        %parallel_loop3A_579 = arith.constant 7 : i32
        %parallel_loop3A_580 = arith.index_cast %parallel_loop3A_579 : i32 to index
        %parallel_loop3A_581 = arith.index_cast %parallel_loop3A_573 : i32 to index
        %parallel_loop3A_582 = tpu.vector_load %arg5[%parallel_loop3A_580, %parallel_loop3A_581] {strides = array<i32>} : memref<8x2048xf32, #tpu.memory_space<vmem>>, vector<1x16xf32>,
        %parallel_loop3A_583 = vector.shape_cast %parallel_loop3A_582 : vector<1x16xf32> to vector<16xf32>
        %parallel_loop3A_584 = arith.addf %parallel_loop3A_578, %parallel_loop3A_583 : vector<16xf32>
        %parallel_loop3A_585 = arith.constant 7 : i32
        %parallel_loop3A_586 = arith.index_cast %parallel_loop3A_585 : i32 to index
        %parallel_loop3A_587 = arith.index_cast %parallel_loop3A_573 : i32 to index
        %parallel_loop3A_588 = tpu.vector_load %arg8[%parallel_loop3A_586, %parallel_loop3A_587] {strides = array<i32>} : memref<8x2048xf32, #tpu.memory_space<vmem>>, vector<1x16xf32>,
        %parallel_loop3A_589 = vector.shape_cast %parallel_loop3A_588 : vector<1x16xf32> to vector<16xf32>
        %parallel_loop3A_590 = vector.shape_cast %parallel_loop3A_584 : vector<16xf32> to vector<1x16xf32>
        tpu.vector_store %arg8[%parallel_loop3A_586, %parallel_loop3A_587], %parallel_loop3A_590 {strides = array<i32>} : memref<8x2048xf32, #tpu.memory_space<vmem>>, vector<1x16xf32>,
      } {sc.loop_unroll_factor = 8 : i64, sc.parallel_access}
      %mul3A_172 = arith.constant 8 : i32
      %mul3A_173 = arith.muli %add3A_53, %mul3A_172 : i32
      %add3A_174 = arith.addi %mul3A_4, %mul3A_173 : i32
      %dma_start3A_175 = arith.constant 1 : i32
      %dma_start3A_176 = arith.constant 0 : i32
      %dma_start3A_177 = tpu.memref_slice %arg4[%dma_start3A_175, %add3A_174, %dma_start3A_176] : memref<4x2048x4096xf32, #tpu.memory_space<hbm>> -> memref<1x8x2048xf32, #tpu.memory_space<hbm>>
      %dma_start3A_178 = tpu.memref_squeeze %dma_start3A_177 : memref<1x8x2048xf32, #tpu.memory_space<hbm>> -> memref<8x2048xf32, #tpu.memory_space<hbm>>
      %dma_start3A_179 = arith.constant 0 : i32
      %dma_start3A_180 = tpu.memref_slice %arg4[%dma_start3A_175, %add3A_174, %dma_start3A_179] : memref<4x2048x4096xf32, #tpu.memory_space<hbm>> -> memref<1x8x2048xf32, #tpu.memory_space<hbm>>
      %dma_start3A_181 = tpu.memref_squeeze %dma_start3A_180 : memref<1x8x2048xf32, #tpu.memory_space<hbm>> -> memref<8x2048xf32, #tpu.memory_space<hbm>>
      tpu.enqueue_dma source(%arg8 : memref<8x2048xf32, #tpu.memory_space<vmem>>) target(%dma_start3A_181 : memref<8x2048xf32, #tpu.memory_space<hbm>>) target_semaphore(%arg18 : memref<!tpu.dma_semaphore, #tpu.memory_space<semaphore_mem>>)
      %mul3A_182 = arith.constant 8 : i32
      %mul3A_183 = arith.muli %add3A_53, %mul3A_182 : i32
      %add3A_184 = arith.addi %mul3A_4, %mul3A_183 : i32
      %dma_wait3A_185 = arith.constant 2 : i32
      %dma_wait3A_186 = arith.constant 0 : i32
      %dma_wait3A_187 = tpu.memref_slice %arg2[%dma_wait3A_185, %add3A_184, %dma_wait3A_186] : memref<4x2048x4096xf32, #tpu.memory_space<hbm>> -> memref<1x8x2048xf32, #tpu.memory_space<hbm>>
      %dma_wait3A_188 = tpu.memref_squeeze %dma_wait3A_187 : memref<1x8x2048xf32, #tpu.memory_space<hbm>> -> memref<8x2048xf32, #tpu.memory_space<hbm>>
      %dma_wait3A_189 = arith.constant 0 : i32
      %dma_wait3A_190 = tpu.memref_slice %arg2[%dma_wait3A_185, %add3A_184, %dma_wait3A_189] : memref<4x2048x4096xf32, #tpu.memory_space<hbm>> -> memref<1x8x2048xf32, #tpu.memory_space<hbm>>
      %dma_wait3A_191 = tpu.memref_squeeze %dma_wait3A_190 : memref<1x8x2048xf32, #tpu.memory_space<hbm>> -> memref<8x2048xf32, #tpu.memory_space<hbm>>
      tpu.wait_dma2 semaphore(%arg15 : memref<!tpu.dma_semaphore, #tpu.memory_space<semaphore_mem>>) src(%dma_wait3A_191 : memref<8x2048xf32, #tpu.memory_space<hbm>>) dst(%arg9 : memref<8x2048xf32, #tpu.memory_space<vmem>>)
      %mul3A_192 = arith.constant 8 : i32
      %mul3A_193 = arith.muli %add3A_53, %mul3A_192 : i32
      %add3A_194 = arith.addi %mul3A_4, %mul3A_193 : i32
      %dma_wait3A_195 = arith.constant 0 : i32
      %dma_wait3A_196 = arith.constant 0 : i32
      %dma_wait3A_197 = tpu.memref_slice %arg4[%dma_wait3A_195, %add3A_194, %dma_wait3A_196] : memref<4x2048x4096xf32, #tpu.memory_space<hbm>> -> memref<1x8x2048xf32, #tpu.memory_space<hbm>>
      %dma_wait3A_198 = tpu.memref_squeeze %dma_wait3A_197 : memref<1x8x2048xf32, #tpu.memory_space<hbm>> -> memref<8x2048xf32, #tpu.memory_space<hbm>>
      %dma_wait3A_199 = arith.constant 0 : i32
      %dma_wait3A_200 = tpu.memref_slice %arg4[%dma_wait3A_195, %add3A_194, %dma_wait3A_199] : memref<4x2048x4096xf32, #tpu.memory_space<hbm>> -> memref<1x8x2048xf32, #tpu.memory_space<hbm>>
      %dma_wait3A_201 = tpu.memref_squeeze %dma_wait3A_200 : memref<1x8x2048xf32, #tpu.memory_space<hbm>> -> memref<8x2048xf32, #tpu.memory_space<hbm>>
      tpu.wait_dma2 semaphore(%arg17 : memref<!tpu.dma_semaphore, #tpu.memory_space<semaphore_mem>>) src(%arg7 : memref<8x2048xf32, #tpu.memory_space<vmem>>) dst(%dma_wait3A_201 : memref<8x2048xf32, #tpu.memory_space<hbm>>)
      %mul3A_202 = arith.constant 8 : i32
      %mul3A_203 = arith.muli %add3A_53, %mul3A_202 : i32
      %add3A_204 = arith.addi %mul3A_4, %mul3A_203 : i32
      %dma_start3A_205 = arith.constant 0 : i32
      %dma_start3A_206 = arith.constant 2048 : i32
      %dma_start3A_207 = tpu.memref_slice %arg2[%dma_start3A_205, %add3A_204, %dma_start3A_206] : memref<4x2048x4096xf32, #tpu.memory_space<hbm>> -> memref<1x8x2048xf32, #tpu.memory_space<hbm>>
      %dma_start3A_208 = tpu.memref_squeeze %dma_start3A_207 : memref<1x8x2048xf32, #tpu.memory_space<hbm>> -> memref<8x2048xf32, #tpu.memory_space<hbm>>
      %dma_start3A_209 = arith.constant 2048 : i32
      %dma_start3A_210 = tpu.memref_slice %arg2[%dma_start3A_205, %add3A_204, %dma_start3A_209] : memref<4x2048x4096xf32, #tpu.memory_space<hbm>> -> memref<1x8x2048xf32, #tpu.memory_space<hbm>>
      %dma_start3A_211 = tpu.memref_squeeze %dma_start3A_210 : memref<1x8x2048xf32, #tpu.memory_space<hbm>> -> memref<8x2048xf32, #tpu.memory_space<hbm>>
      tpu.enqueue_dma source(%dma_start3A_211 : memref<8x2048xf32, #tpu.memory_space<hbm>>) target(%arg7 : memref<8x2048xf32, #tpu.memory_space<vmem>>) target_semaphore(%arg13 : memref<!tpu.dma_semaphore, #tpu.memory_space<semaphore_mem>>)
      %parallel_loop3A_212 = arith.constant 0 : i32
      %parallel_loop3A_213 = arith.constant 2048 : i32
      %parallel_loop3A_214 = arith.constant 16 : i32
      scf.for %parallel_loop3A_573 = %parallel_loop3A_212 to %parallel_loop3A_213 step %parallel_loop3A_214  : i32 {
        %parallel_loop3A_574 = arith.constant 0 : i32
        %parallel_loop3A_575 = arith.index_cast %parallel_loop3A_574 : i32 to index
        %parallel_loop3A_576 = arith.index_cast %parallel_loop3A_573 : i32 to index
        %parallel_loop3A_577 = tpu.vector_load %arg9[%parallel_loop3A_575, %parallel_loop3A_576] {strides = array<i32>} : memref<8x2048xf32, #tpu.memory_space<vmem>>, vector<1x16xf32>,
        %parallel_loop3A_578 = vector.shape_cast %parallel_loop3A_577 : vector<1x16xf32> to vector<16xf32>
        %parallel_loop3A_579 = arith.constant 0 : i32
        %parallel_loop3A_580 = arith.index_cast %parallel_loop3A_579 : i32 to index
        %parallel_loop3A_581 = arith.index_cast %parallel_loop3A_573 : i32 to index
        %parallel_loop3A_582 = tpu.vector_load %arg5[%parallel_loop3A_580, %parallel_loop3A_581] {strides = array<i32>} : memref<8x2048xf32, #tpu.memory_space<vmem>>, vector<1x16xf32>,
        %parallel_loop3A_583 = vector.shape_cast %parallel_loop3A_582 : vector<1x16xf32> to vector<16xf32>
        %parallel_loop3A_584 = arith.addf %parallel_loop3A_578, %parallel_loop3A_583 : vector<16xf32>
        %parallel_loop3A_585 = arith.constant 0 : i32
        %parallel_loop3A_586 = arith.index_cast %parallel_loop3A_585 : i32 to index
        %parallel_loop3A_587 = arith.index_cast %parallel_loop3A_573 : i32 to index
        %parallel_loop3A_588 = tpu.vector_load %arg9[%parallel_loop3A_586, %parallel_loop3A_587] {strides = array<i32>} : memref<8x2048xf32, #tpu.memory_space<vmem>>, vector<1x16xf32>,
        %parallel_loop3A_589 = vector.shape_cast %parallel_loop3A_588 : vector<1x16xf32> to vector<16xf32>
        %parallel_loop3A_590 = vector.shape_cast %parallel_loop3A_584 : vector<16xf32> to vector<1x16xf32>
        tpu.vector_store %arg9[%parallel_loop3A_586, %parallel_loop3A_587], %parallel_loop3A_590 {strides = array<i32>} : memref<8x2048xf32, #tpu.memory_space<vmem>>, vector<1x16xf32>,
      } {sc.loop_unroll_factor = 8 : i64, sc.parallel_access}
      %parallel_loop3A_215 = arith.constant 0 : i32
      %parallel_loop3A_216 = arith.constant 2048 : i32
      %parallel_loop3A_217 = arith.constant 16 : i32
      scf.for %parallel_loop3A_573 = %parallel_loop3A_215 to %parallel_loop3A_216 step %parallel_loop3A_217  : i32 {
        %parallel_loop3A_574 = arith.constant 1 : i32
        %parallel_loop3A_575 = arith.index_cast %parallel_loop3A_574 : i32 to index
        %parallel_loop3A_576 = arith.index_cast %parallel_loop3A_573 : i32 to index
        %parallel_loop3A_577 = tpu.vector_load %arg9[%parallel_loop3A_575, %parallel_loop3A_576] {strides = array<i32>} : memref<8x2048xf32, #tpu.memory_space<vmem>>, vector<1x16xf32>,
        %parallel_loop3A_578 = vector.shape_cast %parallel_loop3A_577 : vector<1x16xf32> to vector<16xf32>
        %parallel_loop3A_579 = arith.constant 1 : i32
        %parallel_loop3A_580 = arith.index_cast %parallel_loop3A_579 : i32 to index
        %parallel_loop3A_581 = arith.index_cast %parallel_loop3A_573 : i32 to index
        %parallel_loop3A_582 = tpu.vector_load %arg5[%parallel_loop3A_580, %parallel_loop3A_581] {strides = array<i32>} : memref<8x2048xf32, #tpu.memory_space<vmem>>, vector<1x16xf32>,
        %parallel_loop3A_583 = vector.shape_cast %parallel_loop3A_582 : vector<1x16xf32> to vector<16xf32>
        %parallel_loop3A_584 = arith.addf %parallel_loop3A_578, %parallel_loop3A_583 : vector<16xf32>
        %parallel_loop3A_585 = arith.constant 1 : i32
        %parallel_loop3A_586 = arith.index_cast %parallel_loop3A_585 : i32 to index
        %parallel_loop3A_587 = arith.index_cast %parallel_loop3A_573 : i32 to index
        %parallel_loop3A_588 = tpu.vector_load %arg9[%parallel_loop3A_586, %parallel_loop3A_587] {strides = array<i32>} : memref<8x2048xf32, #tpu.memory_space<vmem>>, vector<1x16xf32>,
        %parallel_loop3A_589 = vector.shape_cast %parallel_loop3A_588 : vector<1x16xf32> to vector<16xf32>
        %parallel_loop3A_590 = vector.shape_cast %parallel_loop3A_584 : vector<16xf32> to vector<1x16xf32>
        tpu.vector_store %arg9[%parallel_loop3A_586, %parallel_loop3A_587], %parallel_loop3A_590 {strides = array<i32>} : memref<8x2048xf32, #tpu.memory_space<vmem>>, vector<1x16xf32>,
      } {sc.loop_unroll_factor = 8 : i64, sc.parallel_access}
      %parallel_loop3A_218 = arith.constant 0 : i32
      %parallel_loop3A_219 = arith.constant 2048 : i32
      %parallel_loop3A_220 = arith.constant 16 : i32
      scf.for %parallel_loop3A_573 = %parallel_loop3A_218 to %parallel_loop3A_219 step %parallel_loop3A_220  : i32 {
        %parallel_loop3A_574 = arith.constant 2 : i32
        %parallel_loop3A_575 = arith.index_cast %parallel_loop3A_574 : i32 to index
        %parallel_loop3A_576 = arith.index_cast %parallel_loop3A_573 : i32 to index
        %parallel_loop3A_577 = tpu.vector_load %arg9[%parallel_loop3A_575, %parallel_loop3A_576] {strides = array<i32>} : memref<8x2048xf32, #tpu.memory_space<vmem>>, vector<1x16xf32>,
        %parallel_loop3A_578 = vector.shape_cast %parallel_loop3A_577 : vector<1x16xf32> to vector<16xf32>
        %parallel_loop3A_579 = arith.constant 2 : i32
        %parallel_loop3A_580 = arith.index_cast %parallel_loop3A_579 : i32 to index
        %parallel_loop3A_581 = arith.index_cast %parallel_loop3A_573 : i32 to index
        %parallel_loop3A_582 = tpu.vector_load %arg5[%parallel_loop3A_580, %parallel_loop3A_581] {strides = array<i32>} : memref<8x2048xf32, #tpu.memory_space<vmem>>, vector<1x16xf32>,
        %parallel_loop3A_583 = vector.shape_cast %parallel_loop3A_582 : vector<1x16xf32> to vector<16xf32>
        %parallel_loop3A_584 = arith.addf %parallel_loop3A_578, %parallel_loop3A_583 : vector<16xf32>
        %parallel_loop3A_585 = arith.constant 2 : i32
        %parallel_loop3A_586 = arith.index_cast %parallel_loop3A_585 : i32 to index
        %parallel_loop3A_587 = arith.index_cast %parallel_loop3A_573 : i32 to index
        %parallel_loop3A_588 = tpu.vector_load %arg9[%parallel_loop3A_586, %parallel_loop3A_587] {strides = array<i32>} : memref<8x2048xf32, #tpu.memory_space<vmem>>, vector<1x16xf32>,
        %parallel_loop3A_589 = vector.shape_cast %parallel_loop3A_588 : vector<1x16xf32> to vector<16xf32>
        %parallel_loop3A_590 = vector.shape_cast %parallel_loop3A_584 : vector<16xf32> to vector<1x16xf32>
        tpu.vector_store %arg9[%parallel_loop3A_586, %parallel_loop3A_587], %parallel_loop3A_590 {strides = array<i32>} : memref<8x2048xf32, #tpu.memory_space<vmem>>, vector<1x16xf32>,
      } {sc.loop_unroll_factor = 8 : i64, sc.parallel_access}
      %parallel_loop3A_221 = arith.constant 0 : i32
      %parallel_loop3A_222 = arith.constant 2048 : i32
      %parallel_loop3A_223 = arith.constant 16 : i32
      scf.for %parallel_loop3A_573 = %parallel_loop3A_221 to %parallel_loop3A_222 step %parallel_loop3A_223  : i32 {
        %parallel_loop3A_574 = arith.constant 3 : i32
        %parallel_loop3A_575 = arith.index_cast %parallel_loop3A_574 : i32 to index
        %parallel_loop3A_576 = arith.index_cast %parallel_loop3A_573 : i32 to index
        %parallel_loop3A_577 = tpu.vector_load %arg9[%parallel_loop3A_575, %parallel_loop3A_576] {strides = array<i32>} : memref<8x2048xf32, #tpu.memory_space<vmem>>, vector<1x16xf32>,
        %parallel_loop3A_578 = vector.shape_cast %parallel_loop3A_577 : vector<1x16xf32> to vector<16xf32>
        %parallel_loop3A_579 = arith.constant 3 : i32
        %parallel_loop3A_580 = arith.index_cast %parallel_loop3A_579 : i32 to index
        %parallel_loop3A_581 = arith.index_cast %parallel_loop3A_573 : i32 to index
        %parallel_loop3A_582 = tpu.vector_load %arg5[%parallel_loop3A_580, %parallel_loop3A_581] {strides = array<i32>} : memref<8x2048xf32, #tpu.memory_space<vmem>>, vector<1x16xf32>,
        %parallel_loop3A_583 = vector.shape_cast %parallel_loop3A_582 : vector<1x16xf32> to vector<16xf32>
        %parallel_loop3A_584 = arith.addf %parallel_loop3A_578, %parallel_loop3A_583 : vector<16xf32>
        %parallel_loop3A_585 = arith.constant 3 : i32
        %parallel_loop3A_586 = arith.index_cast %parallel_loop3A_585 : i32 to index
        %parallel_loop3A_587 = arith.index_cast %parallel_loop3A_573 : i32 to index
        %parallel_loop3A_588 = tpu.vector_load %arg9[%parallel_loop3A_586, %parallel_loop3A_587] {strides = array<i32>} : memref<8x2048xf32, #tpu.memory_space<vmem>>, vector<1x16xf32>,
        %parallel_loop3A_589 = vector.shape_cast %parallel_loop3A_588 : vector<1x16xf32> to vector<16xf32>
        %parallel_loop3A_590 = vector.shape_cast %parallel_loop3A_584 : vector<16xf32> to vector<1x16xf32>
        tpu.vector_store %arg9[%parallel_loop3A_586, %parallel_loop3A_587], %parallel_loop3A_590 {strides = array<i32>} : memref<8x2048xf32, #tpu.memory_space<vmem>>, vector<1x16xf32>,
      } {sc.loop_unroll_factor = 8 : i64, sc.parallel_access}
      %parallel_loop3A_224 = arith.constant 0 : i32
      %parallel_loop3A_225 = arith.constant 2048 : i32
      %parallel_loop3A_226 = arith.constant 16 : i32
      scf.for %parallel_loop3A_573 = %parallel_loop3A_224 to %parallel_loop3A_225 step %parallel_loop3A_226  : i32 {
        %parallel_loop3A_574 = arith.constant 4 : i32
        %parallel_loop3A_575 = arith.index_cast %parallel_loop3A_574 : i32 to index
        %parallel_loop3A_576 = arith.index_cast %parallel_loop3A_573 : i32 to index
        %parallel_loop3A_577 = tpu.vector_load %arg9[%parallel_loop3A_575, %parallel_loop3A_576] {strides = array<i32>} : memref<8x2048xf32, #tpu.memory_space<vmem>>, vector<1x16xf32>,
        %parallel_loop3A_578 = vector.shape_cast %parallel_loop3A_577 : vector<1x16xf32> to vector<16xf32>
        %parallel_loop3A_579 = arith.constant 4 : i32
        %parallel_loop3A_580 = arith.index_cast %parallel_loop3A_579 : i32 to index
        %parallel_loop3A_581 = arith.index_cast %parallel_loop3A_573 : i32 to index
        %parallel_loop3A_582 = tpu.vector_load %arg5[%parallel_loop3A_580, %parallel_loop3A_581] {strides = array<i32>} : memref<8x2048xf32, #tpu.memory_space<vmem>>, vector<1x16xf32>,
        %parallel_loop3A_583 = vector.shape_cast %parallel_loop3A_582 : vector<1x16xf32> to vector<16xf32>
        %parallel_loop3A_584 = arith.addf %parallel_loop3A_578, %parallel_loop3A_583 : vector<16xf32>
        %parallel_loop3A_585 = arith.constant 4 : i32
        %parallel_loop3A_586 = arith.index_cast %parallel_loop3A_585 : i32 to index
        %parallel_loop3A_587 = arith.index_cast %parallel_loop3A_573 : i32 to index
        %parallel_loop3A_588 = tpu.vector_load %arg9[%parallel_loop3A_586, %parallel_loop3A_587] {strides = array<i32>} : memref<8x2048xf32, #tpu.memory_space<vmem>>, vector<1x16xf32>,
        %parallel_loop3A_589 = vector.shape_cast %parallel_loop3A_588 : vector<1x16xf32> to vector<16xf32>
        %parallel_loop3A_590 = vector.shape_cast %parallel_loop3A_584 : vector<16xf32> to vector<1x16xf32>
        tpu.vector_store %arg9[%parallel_loop3A_586, %parallel_loop3A_587], %parallel_loop3A_590 {strides = array<i32>} : memref<8x2048xf32, #tpu.memory_space<vmem>>, vector<1x16xf32>,
      } {sc.loop_unroll_factor = 8 : i64, sc.parallel_access}
      %parallel_loop3A_227 = arith.constant 0 : i32
      %parallel_loop3A_228 = arith.constant 2048 : i32
      %parallel_loop3A_229 = arith.constant 16 : i32
      scf.for %parallel_loop3A_573 = %parallel_loop3A_227 to %parallel_loop3A_228 step %parallel_loop3A_229  : i32 {
        %parallel_loop3A_574 = arith.constant 5 : i32
        %parallel_loop3A_575 = arith.index_cast %parallel_loop3A_574 : i32 to index
        %parallel_loop3A_576 = arith.index_cast %parallel_loop3A_573 : i32 to index
        %parallel_loop3A_577 = tpu.vector_load %arg9[%parallel_loop3A_575, %parallel_loop3A_576] {strides = array<i32>} : memref<8x2048xf32, #tpu.memory_space<vmem>>, vector<1x16xf32>,
        %parallel_loop3A_578 = vector.shape_cast %parallel_loop3A_577 : vector<1x16xf32> to vector<16xf32>
        %parallel_loop3A_579 = arith.constant 5 : i32
        %parallel_loop3A_580 = arith.index_cast %parallel_loop3A_579 : i32 to index
        %parallel_loop3A_581 = arith.index_cast %parallel_loop3A_573 : i32 to index
        %parallel_loop3A_582 = tpu.vector_load %arg5[%parallel_loop3A_580, %parallel_loop3A_581] {strides = array<i32>} : memref<8x2048xf32, #tpu.memory_space<vmem>>, vector<1x16xf32>,
        %parallel_loop3A_583 = vector.shape_cast %parallel_loop3A_582 : vector<1x16xf32> to vector<16xf32>
        %parallel_loop3A_584 = arith.addf %parallel_loop3A_578, %parallel_loop3A_583 : vector<16xf32>
        %parallel_loop3A_585 = arith.constant 5 : i32
        %parallel_loop3A_586 = arith.index_cast %parallel_loop3A_585 : i32 to index
        %parallel_loop3A_587 = arith.index_cast %parallel_loop3A_573 : i32 to index
        %parallel_loop3A_588 = tpu.vector_load %arg9[%parallel_loop3A_586, %parallel_loop3A_587] {strides = array<i32>} : memref<8x2048xf32, #tpu.memory_space<vmem>>, vector<1x16xf32>,
        %parallel_loop3A_589 = vector.shape_cast %parallel_loop3A_588 : vector<1x16xf32> to vector<16xf32>
        %parallel_loop3A_590 = vector.shape_cast %parallel_loop3A_584 : vector<16xf32> to vector<1x16xf32>
        tpu.vector_store %arg9[%parallel_loop3A_586, %parallel_loop3A_587], %parallel_loop3A_590 {strides = array<i32>} : memref<8x2048xf32, #tpu.memory_space<vmem>>, vector<1x16xf32>,
      } {sc.loop_unroll_factor = 8 : i64, sc.parallel_access}
      %parallel_loop3A_230 = arith.constant 0 : i32
      %parallel_loop3A_231 = arith.constant 2048 : i32
      %parallel_loop3A_232 = arith.constant 16 : i32
      scf.for %parallel_loop3A_573 = %parallel_loop3A_230 to %parallel_loop3A_231 step %parallel_loop3A_232  : i32 {
        %parallel_loop3A_574 = arith.constant 6 : i32
        %parallel_loop3A_575 = arith.index_cast %parallel_loop3A_574 : i32 to index
        %parallel_loop3A_576 = arith.index_cast %parallel_loop3A_573 : i32 to index
        %parallel_loop3A_577 = tpu.vector_load %arg9[%parallel_loop3A_575, %parallel_loop3A_576] {strides = array<i32>} : memref<8x2048xf32, #tpu.memory_space<vmem>>, vector<1x16xf32>,
        %parallel_loop3A_578 = vector.shape_cast %parallel_loop3A_577 : vector<1x16xf32> to vector<16xf32>
        %parallel_loop3A_579 = arith.constant 6 : i32
        %parallel_loop3A_580 = arith.index_cast %parallel_loop3A_579 : i32 to index
        %parallel_loop3A_581 = arith.index_cast %parallel_loop3A_573 : i32 to index
        %parallel_loop3A_582 = tpu.vector_load %arg5[%parallel_loop3A_580, %parallel_loop3A_581] {strides = array<i32>} : memref<8x2048xf32, #tpu.memory_space<vmem>>, vector<1x16xf32>,
        %parallel_loop3A_583 = vector.shape_cast %parallel_loop3A_582 : vector<1x16xf32> to vector<16xf32>
        %parallel_loop3A_584 = arith.addf %parallel_loop3A_578, %parallel_loop3A_583 : vector<16xf32>
        %parallel_loop3A_585 = arith.constant 6 : i32
        %parallel_loop3A_586 = arith.index_cast %parallel_loop3A_585 : i32 to index
        %parallel_loop3A_587 = arith.index_cast %parallel_loop3A_573 : i32 to index
        %parallel_loop3A_588 = tpu.vector_load %arg9[%parallel_loop3A_586, %parallel_loop3A_587] {strides = array<i32>} : memref<8x2048xf32, #tpu.memory_space<vmem>>, vector<1x16xf32>,
        %parallel_loop3A_589 = vector.shape_cast %parallel_loop3A_588 : vector<1x16xf32> to vector<16xf32>
        %parallel_loop3A_590 = vector.shape_cast %parallel_loop3A_584 : vector<16xf32> to vector<1x16xf32>
        tpu.vector_store %arg9[%parallel_loop3A_586, %parallel_loop3A_587], %parallel_loop3A_590 {strides = array<i32>} : memref<8x2048xf32, #tpu.memory_space<vmem>>, vector<1x16xf32>,
      } {sc.loop_unroll_factor = 8 : i64, sc.parallel_access}
      %parallel_loop3A_233 = arith.constant 0 : i32
      %parallel_loop3A_234 = arith.constant 2048 : i32
      %parallel_loop3A_235 = arith.constant 16 : i32
      scf.for %parallel_loop3A_573 = %parallel_loop3A_233 to %parallel_loop3A_234 step %parallel_loop3A_235  : i32 {
        %parallel_loop3A_574 = arith.constant 7 : i32
        %parallel_loop3A_575 = arith.index_cast %parallel_loop3A_574 : i32 to index
        %parallel_loop3A_576 = arith.index_cast %parallel_loop3A_573 : i32 to index
        %parallel_loop3A_577 = tpu.vector_load %arg9[%parallel_loop3A_575, %parallel_loop3A_576] {strides = array<i32>} : memref<8x2048xf32, #tpu.memory_space<vmem>>, vector<1x16xf32>,
        %parallel_loop3A_578 = vector.shape_cast %parallel_loop3A_577 : vector<1x16xf32> to vector<16xf32>
        %parallel_loop3A_579 = arith.constant 7 : i32
        %parallel_loop3A_580 = arith.index_cast %parallel_loop3A_579 : i32 to index
        %parallel_loop3A_581 = arith.index_cast %parallel_loop3A_573 : i32 to index
        %parallel_loop3A_582 = tpu.vector_load %arg5[%parallel_loop3A_580, %parallel_loop3A_581] {strides = array<i32>} : memref<8x2048xf32, #tpu.memory_space<vmem>>, vector<1x16xf32>,
        %parallel_loop3A_583 = vector.shape_cast %parallel_loop3A_582 : vector<1x16xf32> to vector<16xf32>
        %parallel_loop3A_584 = arith.addf %parallel_loop3A_578, %parallel_loop3A_583 : vector<16xf32>
        %parallel_loop3A_585 = arith.constant 7 : i32
        %parallel_loop3A_586 = arith.index_cast %parallel_loop3A_585 : i32 to index
        %parallel_loop3A_587 = arith.index_cast %parallel_loop3A_573 : i32 to index
        %parallel_loop3A_588 = tpu.vector_load %arg9[%parallel_loop3A_586, %parallel_loop3A_587] {strides = array<i32>} : memref<8x2048xf32, #tpu.memory_space<vmem>>, vector<1x16xf32>,
        %parallel_loop3A_589 = vector.shape_cast %parallel_loop3A_588 : vector<1x16xf32> to vector<16xf32>
        %parallel_loop3A_590 = vector.shape_cast %parallel_loop3A_584 : vector<16xf32> to vector<1x16xf32>
        tpu.vector_store %arg9[%parallel_loop3A_586, %parallel_loop3A_587], %parallel_loop3A_590 {strides = array<i32>} : memref<8x2048xf32, #tpu.memory_space<vmem>>, vector<1x16xf32>,
      } {sc.loop_unroll_factor = 8 : i64, sc.parallel_access}
      %mul3A_236 = arith.constant 8 : i32
      %mul3A_237 = arith.muli %add3A_53, %mul3A_236 : i32
      %add3A_238 = arith.addi %mul3A_4, %mul3A_237 : i32
      %dma_start3A_239 = arith.constant 2 : i32
      %dma_start3A_240 = arith.constant 0 : i32
      %dma_start3A_241 = tpu.memref_slice %arg4[%dma_start3A_239, %add3A_238, %dma_start3A_240] : memref<4x2048x4096xf32, #tpu.memory_space<hbm>> -> memref<1x8x2048xf32, #tpu.memory_space<hbm>>
      %dma_start3A_242 = tpu.memref_squeeze %dma_start3A_241 : memref<1x8x2048xf32, #tpu.memory_space<hbm>> -> memref<8x2048xf32, #tpu.memory_space<hbm>>
      %dma_start3A_243 = arith.constant 0 : i32
      %dma_start3A_244 = tpu.memref_slice %arg4[%dma_start3A_239, %add3A_238, %dma_start3A_243] : memref<4x2048x4096xf32, #tpu.memory_space<hbm>> -> memref<1x8x2048xf32, #tpu.memory_space<hbm>>
      %dma_start3A_245 = tpu.memref_squeeze %dma_start3A_244 : memref<1x8x2048xf32, #tpu.memory_space<hbm>> -> memref<8x2048xf32, #tpu.memory_space<hbm>>
      tpu.enqueue_dma source(%arg9 : memref<8x2048xf32, #tpu.memory_space<vmem>>) target(%dma_start3A_245 : memref<8x2048xf32, #tpu.memory_space<hbm>>) target_semaphore(%arg19 : memref<!tpu.dma_semaphore, #tpu.memory_space<semaphore_mem>>)
      %mul3A_246 = arith.constant 8 : i32
      %mul3A_247 = arith.muli %add3A_53, %mul3A_246 : i32
      %add3A_248 = arith.addi %mul3A_4, %mul3A_247 : i32
      %dma_wait3A_249 = arith.constant 3 : i32
      %dma_wait3A_250 = arith.constant 0 : i32
      %dma_wait3A_251 = tpu.memref_slice %arg2[%dma_wait3A_249, %add3A_248, %dma_wait3A_250] : memref<4x2048x4096xf32, #tpu.memory_space<hbm>> -> memref<1x8x2048xf32, #tpu.memory_space<hbm>>
      %dma_wait3A_252 = tpu.memref_squeeze %dma_wait3A_251 : memref<1x8x2048xf32, #tpu.memory_space<hbm>> -> memref<8x2048xf32, #tpu.memory_space<hbm>>
      %dma_wait3A_253 = arith.constant 0 : i32
      %dma_wait3A_254 = tpu.memref_slice %arg2[%dma_wait3A_249, %add3A_248, %dma_wait3A_253] : memref<4x2048x4096xf32, #tpu.memory_space<hbm>> -> memref<1x8x2048xf32, #tpu.memory_space<hbm>>
      %dma_wait3A_255 = tpu.memref_squeeze %dma_wait3A_254 : memref<1x8x2048xf32, #tpu.memory_space<hbm>> -> memref<8x2048xf32, #tpu.memory_space<hbm>>
      tpu.wait_dma2 semaphore(%arg16 : memref<!tpu.dma_semaphore, #tpu.memory_space<semaphore_mem>>) src(%dma_wait3A_255 : memref<8x2048xf32, #tpu.memory_space<hbm>>) dst(%arg10 : memref<8x2048xf32, #tpu.memory_space<vmem>>)
      %mul3A_256 = arith.constant 8 : i32
      %mul3A_257 = arith.muli %add3A_53, %mul3A_256 : i32
      %add3A_258 = arith.addi %mul3A_4, %mul3A_257 : i32
      %dma_wait3A_259 = arith.constant 1 : i32
      %dma_wait3A_260 = arith.constant 0 : i32
      %dma_wait3A_261 = tpu.memref_slice %arg4[%dma_wait3A_259, %add3A_258, %dma_wait3A_260] : memref<4x2048x4096xf32, #tpu.memory_space<hbm>> -> memref<1x8x2048xf32, #tpu.memory_space<hbm>>
      %dma_wait3A_262 = tpu.memref_squeeze %dma_wait3A_261 : memref<1x8x2048xf32, #tpu.memory_space<hbm>> -> memref<8x2048xf32, #tpu.memory_space<hbm>>
      %dma_wait3A_263 = arith.constant 0 : i32
      %dma_wait3A_264 = tpu.memref_slice %arg4[%dma_wait3A_259, %add3A_258, %dma_wait3A_263] : memref<4x2048x4096xf32, #tpu.memory_space<hbm>> -> memref<1x8x2048xf32, #tpu.memory_space<hbm>>
      %dma_wait3A_265 = tpu.memref_squeeze %dma_wait3A_264 : memref<1x8x2048xf32, #tpu.memory_space<hbm>> -> memref<8x2048xf32, #tpu.memory_space<hbm>>
      tpu.wait_dma2 semaphore(%arg18 : memref<!tpu.dma_semaphore, #tpu.memory_space<semaphore_mem>>) src(%arg8 : memref<8x2048xf32, #tpu.memory_space<vmem>>) dst(%dma_wait3A_265 : memref<8x2048xf32, #tpu.memory_space<hbm>>)
      %mul3A_266 = arith.constant 8 : i32
      %mul3A_267 = arith.muli %add3A_53, %mul3A_266 : i32
      %add3A_268 = arith.addi %mul3A_4, %mul3A_267 : i32
      %dma_start3A_269 = arith.constant 1 : i32
      %dma_start3A_270 = arith.constant 2048 : i32
      %dma_start3A_271 = tpu.memref_slice %arg2[%dma_start3A_269, %add3A_268, %dma_start3A_270] : memref<4x2048x4096xf32, #tpu.memory_space<hbm>> -> memref<1x8x2048xf32, #tpu.memory_space<hbm>>
      %dma_start3A_272 = tpu.memref_squeeze %dma_start3A_271 : memref<1x8x2048xf32, #tpu.memory_space<hbm>> -> memref<8x2048xf32, #tpu.memory_space<hbm>>
      %dma_start3A_273 = arith.constant 2048 : i32
      %dma_start3A_274 = tpu.memref_slice %arg2[%dma_start3A_269, %add3A_268, %dma_start3A_273] : memref<4x2048x4096xf32, #tpu.memory_space<hbm>> -> memref<1x8x2048xf32, #tpu.memory_space<hbm>>
      %dma_start3A_275 = tpu.memref_squeeze %dma_start3A_274 : memref<1x8x2048xf32, #tpu.memory_space<hbm>> -> memref<8x2048xf32, #tpu.memory_space<hbm>>
      tpu.enqueue_dma source(%dma_start3A_275 : memref<8x2048xf32, #tpu.memory_space<hbm>>) target(%arg8 : memref<8x2048xf32, #tpu.memory_space<vmem>>) target_semaphore(%arg14 : memref<!tpu.dma_semaphore, #tpu.memory_space<semaphore_mem>>)
      %parallel_loop3A_276 = arith.constant 0 : i32
      %parallel_loop3A_277 = arith.constant 2048 : i32
      %parallel_loop3A_278 = arith.constant 16 : i32
      scf.for %parallel_loop3A_573 = %parallel_loop3A_276 to %parallel_loop3A_277 step %parallel_loop3A_278  : i32 {
        %parallel_loop3A_574 = arith.constant 0 : i32
        %parallel_loop3A_575 = arith.index_cast %parallel_loop3A_574 : i32 to index
        %parallel_loop3A_576 = arith.index_cast %parallel_loop3A_573 : i32 to index
        %parallel_loop3A_577 = tpu.vector_load %arg10[%parallel_loop3A_575, %parallel_loop3A_576] {strides = array<i32>} : memref<8x2048xf32, #tpu.memory_space<vmem>>, vector<1x16xf32>,
        %parallel_loop3A_578 = vector.shape_cast %parallel_loop3A_577 : vector<1x16xf32> to vector<16xf32>
        %parallel_loop3A_579 = arith.constant 0 : i32
        %parallel_loop3A_580 = arith.index_cast %parallel_loop3A_579 : i32 to index
        %parallel_loop3A_581 = arith.index_cast %parallel_loop3A_573 : i32 to index
        %parallel_loop3A_582 = tpu.vector_load %arg5[%parallel_loop3A_580, %parallel_loop3A_581] {strides = array<i32>} : memref<8x2048xf32, #tpu.memory_space<vmem>>, vector<1x16xf32>,
        %parallel_loop3A_583 = vector.shape_cast %parallel_loop3A_582 : vector<1x16xf32> to vector<16xf32>
        %parallel_loop3A_584 = arith.addf %parallel_loop3A_578, %parallel_loop3A_583 : vector<16xf32>
        %parallel_loop3A_585 = arith.constant 0 : i32
        %parallel_loop3A_586 = arith.index_cast %parallel_loop3A_585 : i32 to index
        %parallel_loop3A_587 = arith.index_cast %parallel_loop3A_573 : i32 to index
        %parallel_loop3A_588 = tpu.vector_load %arg10[%parallel_loop3A_586, %parallel_loop3A_587] {strides = array<i32>} : memref<8x2048xf32, #tpu.memory_space<vmem>>, vector<1x16xf32>,
        %parallel_loop3A_589 = vector.shape_cast %parallel_loop3A_588 : vector<1x16xf32> to vector<16xf32>
        %parallel_loop3A_590 = vector.shape_cast %parallel_loop3A_584 : vector<16xf32> to vector<1x16xf32>
        tpu.vector_store %arg10[%parallel_loop3A_586, %parallel_loop3A_587], %parallel_loop3A_590 {strides = array<i32>} : memref<8x2048xf32, #tpu.memory_space<vmem>>, vector<1x16xf32>,
      } {sc.loop_unroll_factor = 8 : i64, sc.parallel_access}
      %parallel_loop3A_279 = arith.constant 0 : i32
      %parallel_loop3A_280 = arith.constant 2048 : i32
      %parallel_loop3A_281 = arith.constant 16 : i32
      scf.for %parallel_loop3A_573 = %parallel_loop3A_279 to %parallel_loop3A_280 step %parallel_loop3A_281  : i32 {
        %parallel_loop3A_574 = arith.constant 1 : i32
        %parallel_loop3A_575 = arith.index_cast %parallel_loop3A_574 : i32 to index
        %parallel_loop3A_576 = arith.index_cast %parallel_loop3A_573 : i32 to index
        %parallel_loop3A_577 = tpu.vector_load %arg10[%parallel_loop3A_575, %parallel_loop3A_576] {strides = array<i32>} : memref<8x2048xf32, #tpu.memory_space<vmem>>, vector<1x16xf32>,
        %parallel_loop3A_578 = vector.shape_cast %parallel_loop3A_577 : vector<1x16xf32> to vector<16xf32>
        %parallel_loop3A_579 = arith.constant 1 : i32
        %parallel_loop3A_580 = arith.index_cast %parallel_loop3A_579 : i32 to index
        %parallel_loop3A_581 = arith.index_cast %parallel_loop3A_573 : i32 to index
        %parallel_loop3A_582 = tpu.vector_load %arg5[%parallel_loop3A_580, %parallel_loop3A_581] {strides = array<i32>} : memref<8x2048xf32, #tpu.memory_space<vmem>>, vector<1x16xf32>,
        %parallel_loop3A_583 = vector.shape_cast %parallel_loop3A_582 : vector<1x16xf32> to vector<16xf32>
        %parallel_loop3A_584 = arith.addf %parallel_loop3A_578, %parallel_loop3A_583 : vector<16xf32>
        %parallel_loop3A_585 = arith.constant 1 : i32
        %parallel_loop3A_586 = arith.index_cast %parallel_loop3A_585 : i32 to index
        %parallel_loop3A_587 = arith.index_cast %parallel_loop3A_573 : i32 to index
        %parallel_loop3A_588 = tpu.vector_load %arg10[%parallel_loop3A_586, %parallel_loop3A_587] {strides = array<i32>} : memref<8x2048xf32, #tpu.memory_space<vmem>>, vector<1x16xf32>,
        %parallel_loop3A_589 = vector.shape_cast %parallel_loop3A_588 : vector<1x16xf32> to vector<16xf32>
        %parallel_loop3A_590 = vector.shape_cast %parallel_loop3A_584 : vector<16xf32> to vector<1x16xf32>
        tpu.vector_store %arg10[%parallel_loop3A_586, %parallel_loop3A_587], %parallel_loop3A_590 {strides = array<i32>} : memref<8x2048xf32, #tpu.memory_space<vmem>>, vector<1x16xf32>,
      } {sc.loop_unroll_factor = 8 : i64, sc.parallel_access}
      %parallel_loop3A_282 = arith.constant 0 : i32
      %parallel_loop3A_283 = arith.constant 2048 : i32
      %parallel_loop3A_284 = arith.constant 16 : i32
      scf.for %parallel_loop3A_573 = %parallel_loop3A_282 to %parallel_loop3A_283 step %parallel_loop3A_284  : i32 {
        %parallel_loop3A_574 = arith.constant 2 : i32
        %parallel_loop3A_575 = arith.index_cast %parallel_loop3A_574 : i32 to index
        %parallel_loop3A_576 = arith.index_cast %parallel_loop3A_573 : i32 to index
        %parallel_loop3A_577 = tpu.vector_load %arg10[%parallel_loop3A_575, %parallel_loop3A_576] {strides = array<i32>} : memref<8x2048xf32, #tpu.memory_space<vmem>>, vector<1x16xf32>,
        %parallel_loop3A_578 = vector.shape_cast %parallel_loop3A_577 : vector<1x16xf32> to vector<16xf32>
        %parallel_loop3A_579 = arith.constant 2 : i32
        %parallel_loop3A_580 = arith.index_cast %parallel_loop3A_579 : i32 to index
        %parallel_loop3A_581 = arith.index_cast %parallel_loop3A_573 : i32 to index
        %parallel_loop3A_582 = tpu.vector_load %arg5[%parallel_loop3A_580, %parallel_loop3A_581] {strides = array<i32>} : memref<8x2048xf32, #tpu.memory_space<vmem>>, vector<1x16xf32>,
        %parallel_loop3A_583 = vector.shape_cast %parallel_loop3A_582 : vector<1x16xf32> to vector<16xf32>
        %parallel_loop3A_584 = arith.addf %parallel_loop3A_578, %parallel_loop3A_583 : vector<16xf32>
        %parallel_loop3A_585 = arith.constant 2 : i32
        %parallel_loop3A_586 = arith.index_cast %parallel_loop3A_585 : i32 to index
        %parallel_loop3A_587 = arith.index_cast %parallel_loop3A_573 : i32 to index
        %parallel_loop3A_588 = tpu.vector_load %arg10[%parallel_loop3A_586, %parallel_loop3A_587] {strides = array<i32>} : memref<8x2048xf32, #tpu.memory_space<vmem>>, vector<1x16xf32>,
        %parallel_loop3A_589 = vector.shape_cast %parallel_loop3A_588 : vector<1x16xf32> to vector<16xf32>
        %parallel_loop3A_590 = vector.shape_cast %parallel_loop3A_584 : vector<16xf32> to vector<1x16xf32>
        tpu.vector_store %arg10[%parallel_loop3A_586, %parallel_loop3A_587], %parallel_loop3A_590 {strides = array<i32>} : memref<8x2048xf32, #tpu.memory_space<vmem>>, vector<1x16xf32>,
      } {sc.loop_unroll_factor = 8 : i64, sc.parallel_access}
      %parallel_loop3A_285 = arith.constant 0 : i32
      %parallel_loop3A_286 = arith.constant 2048 : i32
      %parallel_loop3A_287 = arith.constant 16 : i32
      scf.for %parallel_loop3A_573 = %parallel_loop3A_285 to %parallel_loop3A_286 step %parallel_loop3A_287  : i32 {
        %parallel_loop3A_574 = arith.constant 3 : i32
        %parallel_loop3A_575 = arith.index_cast %parallel_loop3A_574 : i32 to index
        %parallel_loop3A_576 = arith.index_cast %parallel_loop3A_573 : i32 to index
        %parallel_loop3A_577 = tpu.vector_load %arg10[%parallel_loop3A_575, %parallel_loop3A_576] {strides = array<i32>} : memref<8x2048xf32, #tpu.memory_space<vmem>>, vector<1x16xf32>,
        %parallel_loop3A_578 = vector.shape_cast %parallel_loop3A_577 : vector<1x16xf32> to vector<16xf32>
        %parallel_loop3A_579 = arith.constant 3 : i32
        %parallel_loop3A_580 = arith.index_cast %parallel_loop3A_579 : i32 to index
        %parallel_loop3A_581 = arith.index_cast %parallel_loop3A_573 : i32 to index
        %parallel_loop3A_582 = tpu.vector_load %arg5[%parallel_loop3A_580, %parallel_loop3A_581] {strides = array<i32>} : memref<8x2048xf32, #tpu.memory_space<vmem>>, vector<1x16xf32>,
        %parallel_loop3A_583 = vector.shape_cast %parallel_loop3A_582 : vector<1x16xf32> to vector<16xf32>
        %parallel_loop3A_584 = arith.addf %parallel_loop3A_578, %parallel_loop3A_583 : vector<16xf32>
        %parallel_loop3A_585 = arith.constant 3 : i32
        %parallel_loop3A_586 = arith.index_cast %parallel_loop3A_585 : i32 to index
        %parallel_loop3A_587 = arith.index_cast %parallel_loop3A_573 : i32 to index
        %parallel_loop3A_588 = tpu.vector_load %arg10[%parallel_loop3A_586, %parallel_loop3A_587] {strides = array<i32>} : memref<8x2048xf32, #tpu.memory_space<vmem>>, vector<1x16xf32>,
        %parallel_loop3A_589 = vector.shape_cast %parallel_loop3A_588 : vector<1x16xf32> to vector<16xf32>
        %parallel_loop3A_590 = vector.shape_cast %parallel_loop3A_584 : vector<16xf32> to vector<1x16xf32>
        tpu.vector_store %arg10[%parallel_loop3A_586, %parallel_loop3A_587], %parallel_loop3A_590 {strides = array<i32>} : memref<8x2048xf32, #tpu.memory_space<vmem>>, vector<1x16xf32>,
      } {sc.loop_unroll_factor = 8 : i64, sc.parallel_access}
      %parallel_loop3A_288 = arith.constant 0 : i32
      %parallel_loop3A_289 = arith.constant 2048 : i32
      %parallel_loop3A_290 = arith.constant 16 : i32
      scf.for %parallel_loop3A_573 = %parallel_loop3A_288 to %parallel_loop3A_289 step %parallel_loop3A_290  : i32 {
        %parallel_loop3A_574 = arith.constant 4 : i32
        %parallel_loop3A_575 = arith.index_cast %parallel_loop3A_574 : i32 to index
        %parallel_loop3A_576 = arith.index_cast %parallel_loop3A_573 : i32 to index
        %parallel_loop3A_577 = tpu.vector_load %arg10[%parallel_loop3A_575, %parallel_loop3A_576] {strides = array<i32>} : memref<8x2048xf32, #tpu.memory_space<vmem>>, vector<1x16xf32>,
        %parallel_loop3A_578 = vector.shape_cast %parallel_loop3A_577 : vector<1x16xf32> to vector<16xf32>
        %parallel_loop3A_579 = arith.constant 4 : i32
        %parallel_loop3A_580 = arith.index_cast %parallel_loop3A_579 : i32 to index
        %parallel_loop3A_581 = arith.index_cast %parallel_loop3A_573 : i32 to index
        %parallel_loop3A_582 = tpu.vector_load %arg5[%parallel_loop3A_580, %parallel_loop3A_581] {strides = array<i32>} : memref<8x2048xf32, #tpu.memory_space<vmem>>, vector<1x16xf32>,
        %parallel_loop3A_583 = vector.shape_cast %parallel_loop3A_582 : vector<1x16xf32> to vector<16xf32>
        %parallel_loop3A_584 = arith.addf %parallel_loop3A_578, %parallel_loop3A_583 : vector<16xf32>
        %parallel_loop3A_585 = arith.constant 4 : i32
        %parallel_loop3A_586 = arith.index_cast %parallel_loop3A_585 : i32 to index
        %parallel_loop3A_587 = arith.index_cast %parallel_loop3A_573 : i32 to index
        %parallel_loop3A_588 = tpu.vector_load %arg10[%parallel_loop3A_586, %parallel_loop3A_587] {strides = array<i32>} : memref<8x2048xf32, #tpu.memory_space<vmem>>, vector<1x16xf32>,
        %parallel_loop3A_589 = vector.shape_cast %parallel_loop3A_588 : vector<1x16xf32> to vector<16xf32>
        %parallel_loop3A_590 = vector.shape_cast %parallel_loop3A_584 : vector<16xf32> to vector<1x16xf32>
        tpu.vector_store %arg10[%parallel_loop3A_586, %parallel_loop3A_587], %parallel_loop3A_590 {strides = array<i32>} : memref<8x2048xf32, #tpu.memory_space<vmem>>, vector<1x16xf32>,
      } {sc.loop_unroll_factor = 8 : i64, sc.parallel_access}
      %parallel_loop3A_291 = arith.constant 0 : i32
      %parallel_loop3A_292 = arith.constant 2048 : i32
      %parallel_loop3A_293 = arith.constant 16 : i32
      scf.for %parallel_loop3A_573 = %parallel_loop3A_291 to %parallel_loop3A_292 step %parallel_loop3A_293  : i32 {
        %parallel_loop3A_574 = arith.constant 5 : i32
        %parallel_loop3A_575 = arith.index_cast %parallel_loop3A_574 : i32 to index
        %parallel_loop3A_576 = arith.index_cast %parallel_loop3A_573 : i32 to index
        %parallel_loop3A_577 = tpu.vector_load %arg10[%parallel_loop3A_575, %parallel_loop3A_576] {strides = array<i32>} : memref<8x2048xf32, #tpu.memory_space<vmem>>, vector<1x16xf32>,
        %parallel_loop3A_578 = vector.shape_cast %parallel_loop3A_577 : vector<1x16xf32> to vector<16xf32>
        %parallel_loop3A_579 = arith.constant 5 : i32
        %parallel_loop3A_580 = arith.index_cast %parallel_loop3A_579 : i32 to index
        %parallel_loop3A_581 = arith.index_cast %parallel_loop3A_573 : i32 to index
        %parallel_loop3A_582 = tpu.vector_load %arg5[%parallel_loop3A_580, %parallel_loop3A_581] {strides = array<i32>} : memref<8x2048xf32, #tpu.memory_space<vmem>>, vector<1x16xf32>,
        %parallel_loop3A_583 = vector.shape_cast %parallel_loop3A_582 : vector<1x16xf32> to vector<16xf32>
        %parallel_loop3A_584 = arith.addf %parallel_loop3A_578, %parallel_loop3A_583 : vector<16xf32>
        %parallel_loop3A_585 = arith.constant 5 : i32
        %parallel_loop3A_586 = arith.index_cast %parallel_loop3A_585 : i32 to index
        %parallel_loop3A_587 = arith.index_cast %parallel_loop3A_573 : i32 to index
        %parallel_loop3A_588 = tpu.vector_load %arg10[%parallel_loop3A_586, %parallel_loop3A_587] {strides = array<i32>} : memref<8x2048xf32, #tpu.memory_space<vmem>>, vector<1x16xf32>,
        %parallel_loop3A_589 = vector.shape_cast %parallel_loop3A_588 : vector<1x16xf32> to vector<16xf32>
        %parallel_loop3A_590 = vector.shape_cast %parallel_loop3A_584 : vector<16xf32> to vector<1x16xf32>
        tpu.vector_store %arg10[%parallel_loop3A_586, %parallel_loop3A_587], %parallel_loop3A_590 {strides = array<i32>} : memref<8x2048xf32, #tpu.memory_space<vmem>>, vector<1x16xf32>,
      } {sc.loop_unroll_factor = 8 : i64, sc.parallel_access}
      %parallel_loop3A_294 = arith.constant 0 : i32
      %parallel_loop3A_295 = arith.constant 2048 : i32
      %parallel_loop3A_296 = arith.constant 16 : i32
      scf.for %parallel_loop3A_573 = %parallel_loop3A_294 to %parallel_loop3A_295 step %parallel_loop3A_296  : i32 {
        %parallel_loop3A_574 = arith.constant 6 : i32
        %parallel_loop3A_575 = arith.index_cast %parallel_loop3A_574 : i32 to index
        %parallel_loop3A_576 = arith.index_cast %parallel_loop3A_573 : i32 to index
        %parallel_loop3A_577 = tpu.vector_load %arg10[%parallel_loop3A_575, %parallel_loop3A_576] {strides = array<i32>} : memref<8x2048xf32, #tpu.memory_space<vmem>>, vector<1x16xf32>,
        %parallel_loop3A_578 = vector.shape_cast %parallel_loop3A_577 : vector<1x16xf32> to vector<16xf32>
        %parallel_loop3A_579 = arith.constant 6 : i32
        %parallel_loop3A_580 = arith.index_cast %parallel_loop3A_579 : i32 to index
        %parallel_loop3A_581 = arith.index_cast %parallel_loop3A_573 : i32 to index
        %parallel_loop3A_582 = tpu.vector_load %arg5[%parallel_loop3A_580, %parallel_loop3A_581] {strides = array<i32>} : memref<8x2048xf32, #tpu.memory_space<vmem>>, vector<1x16xf32>,
        %parallel_loop3A_583 = vector.shape_cast %parallel_loop3A_582 : vector<1x16xf32> to vector<16xf32>
        %parallel_loop3A_584 = arith.addf %parallel_loop3A_578, %parallel_loop3A_583 : vector<16xf32>
        %parallel_loop3A_585 = arith.constant 6 : i32
        %parallel_loop3A_586 = arith.index_cast %parallel_loop3A_585 : i32 to index
        %parallel_loop3A_587 = arith.index_cast %parallel_loop3A_573 : i32 to index
        %parallel_loop3A_588 = tpu.vector_load %arg10[%parallel_loop3A_586, %parallel_loop3A_587] {strides = array<i32>} : memref<8x2048xf32, #tpu.memory_space<vmem>>, vector<1x16xf32>,
        %parallel_loop3A_589 = vector.shape_cast %parallel_loop3A_588 : vector<1x16xf32> to vector<16xf32>
        %parallel_loop3A_590 = vector.shape_cast %parallel_loop3A_584 : vector<16xf32> to vector<1x16xf32>
        tpu.vector_store %arg10[%parallel_loop3A_586, %parallel_loop3A_587], %parallel_loop3A_590 {strides = array<i32>} : memref<8x2048xf32, #tpu.memory_space<vmem>>, vector<1x16xf32>,
      } {sc.loop_unroll_factor = 8 : i64, sc.parallel_access}
      %parallel_loop3A_297 = arith.constant 0 : i32
      %parallel_loop3A_298 = arith.constant 2048 : i32
      %parallel_loop3A_299 = arith.constant 16 : i32
      scf.for %parallel_loop3A_573 = %parallel_loop3A_297 to %parallel_loop3A_298 step %parallel_loop3A_299  : i32 {
        %parallel_loop3A_574 = arith.constant 7 : i32
        %parallel_loop3A_575 = arith.index_cast %parallel_loop3A_574 : i32 to index
        %parallel_loop3A_576 = arith.index_cast %parallel_loop3A_573 : i32 to index
        %parallel_loop3A_577 = tpu.vector_load %arg10[%parallel_loop3A_575, %parallel_loop3A_576] {strides = array<i32>} : memref<8x2048xf32, #tpu.memory_space<vmem>>, vector<1x16xf32>,
        %parallel_loop3A_578 = vector.shape_cast %parallel_loop3A_577 : vector<1x16xf32> to vector<16xf32>
        %parallel_loop3A_579 = arith.constant 7 : i32
        %parallel_loop3A_580 = arith.index_cast %parallel_loop3A_579 : i32 to index
        %parallel_loop3A_581 = arith.index_cast %parallel_loop3A_573 : i32 to index
        %parallel_loop3A_582 = tpu.vector_load %arg5[%parallel_loop3A_580, %parallel_loop3A_581] {strides = array<i32>} : memref<8x2048xf32, #tpu.memory_space<vmem>>, vector<1x16xf32>,
        %parallel_loop3A_583 = vector.shape_cast %parallel_loop3A_582 : vector<1x16xf32> to vector<16xf32>
        %parallel_loop3A_584 = arith.addf %parallel_loop3A_578, %parallel_loop3A_583 : vector<16xf32>
        %parallel_loop3A_585 = arith.constant 7 : i32
        %parallel_loop3A_586 = arith.index_cast %parallel_loop3A_585 : i32 to index
        %parallel_loop3A_587 = arith.index_cast %parallel_loop3A_573 : i32 to index
        %parallel_loop3A_588 = tpu.vector_load %arg10[%parallel_loop3A_586, %parallel_loop3A_587] {strides = array<i32>} : memref<8x2048xf32, #tpu.memory_space<vmem>>, vector<1x16xf32>,
        %parallel_loop3A_589 = vector.shape_cast %parallel_loop3A_588 : vector<1x16xf32> to vector<16xf32>
        %parallel_loop3A_590 = vector.shape_cast %parallel_loop3A_584 : vector<16xf32> to vector<1x16xf32>
        tpu.vector_store %arg10[%parallel_loop3A_586, %parallel_loop3A_587], %parallel_loop3A_590 {strides = array<i32>} : memref<8x2048xf32, #tpu.memory_space<vmem>>, vector<1x16xf32>,
      } {sc.loop_unroll_factor = 8 : i64, sc.parallel_access}
      %mul3A_300 = arith.constant 8 : i32
      %mul3A_301 = arith.muli %add3A_53, %mul3A_300 : i32
      %add3A_302 = arith.addi %mul3A_4, %mul3A_301 : i32
      %dma_start3A_303 = arith.constant 3 : i32
      %dma_start3A_304 = arith.constant 0 : i32
      %dma_start3A_305 = tpu.memref_slice %arg4[%dma_start3A_303, %add3A_302, %dma_start3A_304] : memref<4x2048x4096xf32, #tpu.memory_space<hbm>> -> memref<1x8x2048xf32, #tpu.memory_space<hbm>>
      %dma_start3A_306 = tpu.memref_squeeze %dma_start3A_305 : memref<1x8x2048xf32, #tpu.memory_space<hbm>> -> memref<8x2048xf32, #tpu.memory_space<hbm>>
      %dma_start3A_307 = arith.constant 0 : i32
      %dma_start3A_308 = tpu.memref_slice %arg4[%dma_start3A_303, %add3A_302, %dma_start3A_307] : memref<4x2048x4096xf32, #tpu.memory_space<hbm>> -> memref<1x8x2048xf32, #tpu.memory_space<hbm>>
      %dma_start3A_309 = tpu.memref_squeeze %dma_start3A_308 : memref<1x8x2048xf32, #tpu.memory_space<hbm>> -> memref<8x2048xf32, #tpu.memory_space<hbm>>
      tpu.enqueue_dma source(%arg10 : memref<8x2048xf32, #tpu.memory_space<vmem>>) target(%dma_start3A_309 : memref<8x2048xf32, #tpu.memory_space<hbm>>) target_semaphore(%arg20 : memref<!tpu.dma_semaphore, #tpu.memory_space<semaphore_mem>>)
      %mul3A_310 = arith.constant 8 : i32
      %mul3A_311 = arith.muli %add3A_53, %mul3A_310 : i32
      %add3A_312 = arith.addi %mul3A_4, %mul3A_311 : i32
      %dma_wait3A_313 = arith.constant 2048 : i32
      %dma_wait3A_314 = tpu.memref_slice %arg3[%add3A_312, %dma_wait3A_313] : memref<8192x4096xf32, #tpu.memory_space<hbm>> -> memref<8x2048xf32, #tpu.memory_space<hbm>>
      %dma_wait3A_315 = arith.constant 2048 : i32
      %dma_wait3A_316 = tpu.memref_slice %arg3[%add3A_312, %dma_wait3A_315] : memref<8192x4096xf32, #tpu.memory_space<hbm>> -> memref<8x2048xf32, #tpu.memory_space<hbm>>
      tpu.wait_dma2 semaphore(%arg12 : memref<!tpu.dma_semaphore, #tpu.memory_space<semaphore_mem>>) src(%dma_wait3A_316 : memref<8x2048xf32, #tpu.memory_space<hbm>>) dst(%arg6 : memref<8x2048xf32, #tpu.memory_space<vmem>>)
      %add3A_317 = arith.constant 1 : i32
      %add3A_318 = arith.addi %add3A_53, %add3A_317 : i32
      %lt3A = arith.constant 8 : i32
      %lt3A_319 = arith.cmpi slt, %add3A_318, %lt3A : i32
      %convert_element_type3A_320 = arith.extui %lt3A_319 : i1 to i32
      %cond3A_321 = arith.constant 0 : i32
      %cond3A_322 = arith.cmpi ne, %convert_element_type3A_320, %cond3A_321 : i32
      scf.if %cond3A_322 {
        %add3A_573 = arith.constant 1 : i32
        %add3A_574 = arith.addi %add3A_53, %add3A_573 : i32
        %mul3A_575 = arith.constant 8 : i32
        %mul3A_576 = arith.muli %add3A_574, %mul3A_575 : i32
        %add3A_577 = arith.addi %mul3A_4, %mul3A_576 : i32
        %dma_start3A_578 = arith.constant 0 : i32
        %dma_start3A_579 = tpu.memref_slice %arg3[%add3A_577, %dma_start3A_578] : memref<8192x4096xf32, #tpu.memory_space<hbm>> -> memref<8x2048xf32, #tpu.memory_space<hbm>>
        %dma_start3A_580 = arith.constant 0 : i32
        %dma_start3A_581 = tpu.memref_slice %arg3[%add3A_577, %dma_start3A_580] : memref<8192x4096xf32, #tpu.memory_space<hbm>> -> memref<8x2048xf32, #tpu.memory_space<hbm>>
        tpu.enqueue_dma source(%dma_start3A_581 : memref<8x2048xf32, #tpu.memory_space<hbm>>) target(%arg5 : memref<8x2048xf32, #tpu.memory_space<vmem>>) target_semaphore(%arg11 : memref<!tpu.dma_semaphore, #tpu.memory_space<semaphore_mem>>)
      } else {
      }
      %mul3A_323 = arith.constant 8 : i32
      %mul3A_324 = arith.muli %add3A_53, %mul3A_323 : i32
      %add3A_325 = arith.addi %mul3A_4, %mul3A_324 : i32
      %dma_wait3A_326 = arith.constant 0 : i32
      %dma_wait3A_327 = arith.constant 2048 : i32
      %dma_wait3A_328 = tpu.memref_slice %arg2[%dma_wait3A_326, %add3A_325, %dma_wait3A_327] : memref<4x2048x4096xf32, #tpu.memory_space<hbm>> -> memref<1x8x2048xf32, #tpu.memory_space<hbm>>
      %dma_wait3A_329 = tpu.memref_squeeze %dma_wait3A_328 : memref<1x8x2048xf32, #tpu.memory_space<hbm>> -> memref<8x2048xf32, #tpu.memory_space<hbm>>
      %dma_wait3A_330 = arith.constant 2048 : i32
      %dma_wait3A_331 = tpu.memref_slice %arg2[%dma_wait3A_326, %add3A_325, %dma_wait3A_330] : memref<4x2048x4096xf32, #tpu.memory_space<hbm>> -> memref<1x8x2048xf32, #tpu.memory_space<hbm>>
      %dma_wait3A_332 = tpu.memref_squeeze %dma_wait3A_331 : memref<1x8x2048xf32, #tpu.memory_space<hbm>> -> memref<8x2048xf32, #tpu.memory_space<hbm>>
      tpu.wait_dma2 semaphore(%arg13 : memref<!tpu.dma_semaphore, #tpu.memory_space<semaphore_mem>>) src(%dma_wait3A_332 : memref<8x2048xf32, #tpu.memory_space<hbm>>) dst(%arg7 : memref<8x2048xf32, #tpu.memory_space<vmem>>)
      %mul3A_333 = arith.constant 8 : i32
      %mul3A_334 = arith.muli %add3A_53, %mul3A_333 : i32
      %add3A_335 = arith.addi %mul3A_4, %mul3A_334 : i32
      %dma_wait3A_336 = arith.constant 2 : i32
      %dma_wait3A_337 = arith.constant 0 : i32
      %dma_wait3A_338 = tpu.memref_slice %arg4[%dma_wait3A_336, %add3A_335, %dma_wait3A_337] : memref<4x2048x4096xf32, #tpu.memory_space<hbm>> -> memref<1x8x2048xf32, #tpu.memory_space<hbm>>
      %dma_wait3A_339 = tpu.memref_squeeze %dma_wait3A_338 : memref<1x8x2048xf32, #tpu.memory_space<hbm>> -> memref<8x2048xf32, #tpu.memory_space<hbm>>
      %dma_wait3A_340 = arith.constant 0 : i32
      %dma_wait3A_341 = tpu.memref_slice %arg4[%dma_wait3A_336, %add3A_335, %dma_wait3A_340] : memref<4x2048x4096xf32, #tpu.memory_space<hbm>> -> memref<1x8x2048xf32, #tpu.memory_space<hbm>>
      %dma_wait3A_342 = tpu.memref_squeeze %dma_wait3A_341 : memref<1x8x2048xf32, #tpu.memory_space<hbm>> -> memref<8x2048xf32, #tpu.memory_space<hbm>>
      tpu.wait_dma2 semaphore(%arg19 : memref<!tpu.dma_semaphore, #tpu.memory_space<semaphore_mem>>) src(%arg9 : memref<8x2048xf32, #tpu.memory_space<vmem>>) dst(%dma_wait3A_342 : memref<8x2048xf32, #tpu.memory_space<hbm>>)
      %mul3A_343 = arith.constant 8 : i32
      %mul3A_344 = arith.muli %add3A_53, %mul3A_343 : i32
      %add3A_345 = arith.addi %mul3A_4, %mul3A_344 : i32
      %dma_start3A_346 = arith.constant 2 : i32
      %dma_start3A_347 = arith.constant 2048 : i32
      %dma_start3A_348 = tpu.memref_slice %arg2[%dma_start3A_346, %add3A_345, %dma_start3A_347] : memref<4x2048x4096xf32, #tpu.memory_space<hbm>> -> memref<1x8x2048xf32, #tpu.memory_space<hbm>>
      %dma_start3A_349 = tpu.memref_squeeze %dma_start3A_348 : memref<1x8x2048xf32, #tpu.memory_space<hbm>> -> memref<8x2048xf32, #tpu.memory_space<hbm>>
      %dma_start3A_350 = arith.constant 2048 : i32
      %dma_start3A_351 = tpu.memref_slice %arg2[%dma_start3A_346, %add3A_345, %dma_start3A_350] : memref<4x2048x4096xf32, #tpu.memory_space<hbm>> -> memref<1x8x2048xf32, #tpu.memory_space<hbm>>
      %dma_start3A_352 = tpu.memref_squeeze %dma_start3A_351 : memref<1x8x2048xf32, #tpu.memory_space<hbm>> -> memref<8x2048xf32, #tpu.memory_space<hbm>>
      tpu.enqueue_dma source(%dma_start3A_352 : memref<8x2048xf32, #tpu.memory_space<hbm>>) target(%arg9 : memref<8x2048xf32, #tpu.memory_space<vmem>>) target_semaphore(%arg15 : memref<!tpu.dma_semaphore, #tpu.memory_space<semaphore_mem>>)
      %parallel_loop3A_353 = arith.constant 0 : i32
      %parallel_loop3A_354 = arith.constant 2048 : i32
      %parallel_loop3A_355 = arith.constant 16 : i32
      scf.for %parallel_loop3A_573 = %parallel_loop3A_353 to %parallel_loop3A_354 step %parallel_loop3A_355  : i32 {
        %parallel_loop3A_574 = arith.constant 0 : i32
        %parallel_loop3A_575 = arith.index_cast %parallel_loop3A_574 : i32 to index
        %parallel_loop3A_576 = arith.index_cast %parallel_loop3A_573 : i32 to index
        %parallel_loop3A_577 = tpu.vector_load %arg7[%parallel_loop3A_575, %parallel_loop3A_576] {strides = array<i32>} : memref<8x2048xf32, #tpu.memory_space<vmem>>, vector<1x16xf32>,
        %parallel_loop3A_578 = vector.shape_cast %parallel_loop3A_577 : vector<1x16xf32> to vector<16xf32>
        %parallel_loop3A_579 = arith.constant 0 : i32
        %parallel_loop3A_580 = arith.index_cast %parallel_loop3A_579 : i32 to index
        %parallel_loop3A_581 = arith.index_cast %parallel_loop3A_573 : i32 to index
        %parallel_loop3A_582 = tpu.vector_load %arg6[%parallel_loop3A_580, %parallel_loop3A_581] {strides = array<i32>} : memref<8x2048xf32, #tpu.memory_space<vmem>>, vector<1x16xf32>,
        %parallel_loop3A_583 = vector.shape_cast %parallel_loop3A_582 : vector<1x16xf32> to vector<16xf32>
        %parallel_loop3A_584 = arith.addf %parallel_loop3A_578, %parallel_loop3A_583 : vector<16xf32>
        %parallel_loop3A_585 = arith.constant 0 : i32
        %parallel_loop3A_586 = arith.index_cast %parallel_loop3A_585 : i32 to index
        %parallel_loop3A_587 = arith.index_cast %parallel_loop3A_573 : i32 to index
        %parallel_loop3A_588 = tpu.vector_load %arg7[%parallel_loop3A_586, %parallel_loop3A_587] {strides = array<i32>} : memref<8x2048xf32, #tpu.memory_space<vmem>>, vector<1x16xf32>,
        %parallel_loop3A_589 = vector.shape_cast %parallel_loop3A_588 : vector<1x16xf32> to vector<16xf32>
        %parallel_loop3A_590 = vector.shape_cast %parallel_loop3A_584 : vector<16xf32> to vector<1x16xf32>
        tpu.vector_store %arg7[%parallel_loop3A_586, %parallel_loop3A_587], %parallel_loop3A_590 {strides = array<i32>} : memref<8x2048xf32, #tpu.memory_space<vmem>>, vector<1x16xf32>,
      } {sc.loop_unroll_factor = 8 : i64, sc.parallel_access}
      %parallel_loop3A_356 = arith.constant 0 : i32
      %parallel_loop3A_357 = arith.constant 2048 : i32
      %parallel_loop3A_358 = arith.constant 16 : i32
      scf.for %parallel_loop3A_573 = %parallel_loop3A_356 to %parallel_loop3A_357 step %parallel_loop3A_358  : i32 {
        %parallel_loop3A_574 = arith.constant 1 : i32
        %parallel_loop3A_575 = arith.index_cast %parallel_loop3A_574 : i32 to index
        %parallel_loop3A_576 = arith.index_cast %parallel_loop3A_573 : i32 to index
        %parallel_loop3A_577 = tpu.vector_load %arg7[%parallel_loop3A_575, %parallel_loop3A_576] {strides = array<i32>} : memref<8x2048xf32, #tpu.memory_space<vmem>>, vector<1x16xf32>,
        %parallel_loop3A_578 = vector.shape_cast %parallel_loop3A_577 : vector<1x16xf32> to vector<16xf32>
        %parallel_loop3A_579 = arith.constant 1 : i32
        %parallel_loop3A_580 = arith.index_cast %parallel_loop3A_579 : i32 to index
        %parallel_loop3A_581 = arith.index_cast %parallel_loop3A_573 : i32 to index
        %parallel_loop3A_582 = tpu.vector_load %arg6[%parallel_loop3A_580, %parallel_loop3A_581] {strides = array<i32>} : memref<8x2048xf32, #tpu.memory_space<vmem>>, vector<1x16xf32>,
        %parallel_loop3A_583 = vector.shape_cast %parallel_loop3A_582 : vector<1x16xf32> to vector<16xf32>
        %parallel_loop3A_584 = arith.addf %parallel_loop3A_578, %parallel_loop3A_583 : vector<16xf32>
        %parallel_loop3A_585 = arith.constant 1 : i32
        %parallel_loop3A_586 = arith.index_cast %parallel_loop3A_585 : i32 to index
        %parallel_loop3A_587 = arith.index_cast %parallel_loop3A_573 : i32 to index
        %parallel_loop3A_588 = tpu.vector_load %arg7[%parallel_loop3A_586, %parallel_loop3A_587] {strides = array<i32>} : memref<8x2048xf32, #tpu.memory_space<vmem>>, vector<1x16xf32>,
        %parallel_loop3A_589 = vector.shape_cast %parallel_loop3A_588 : vector<1x16xf32> to vector<16xf32>
        %parallel_loop3A_590 = vector.shape_cast %parallel_loop3A_584 : vector<16xf32> to vector<1x16xf32>
        tpu.vector_store %arg7[%parallel_loop3A_586, %parallel_loop3A_587], %parallel_loop3A_590 {strides = array<i32>} : memref<8x2048xf32, #tpu.memory_space<vmem>>, vector<1x16xf32>,
      } {sc.loop_unroll_factor = 8 : i64, sc.parallel_access}
      %parallel_loop3A_359 = arith.constant 0 : i32
      %parallel_loop3A_360 = arith.constant 2048 : i32
      %parallel_loop3A_361 = arith.constant 16 : i32
      scf.for %parallel_loop3A_573 = %parallel_loop3A_359 to %parallel_loop3A_360 step %parallel_loop3A_361  : i32 {
        %parallel_loop3A_574 = arith.constant 2 : i32
        %parallel_loop3A_575 = arith.index_cast %parallel_loop3A_574 : i32 to index
        %parallel_loop3A_576 = arith.index_cast %parallel_loop3A_573 : i32 to index
        %parallel_loop3A_577 = tpu.vector_load %arg7[%parallel_loop3A_575, %parallel_loop3A_576] {strides = array<i32>} : memref<8x2048xf32, #tpu.memory_space<vmem>>, vector<1x16xf32>,
        %parallel_loop3A_578 = vector.shape_cast %parallel_loop3A_577 : vector<1x16xf32> to vector<16xf32>
        %parallel_loop3A_579 = arith.constant 2 : i32
        %parallel_loop3A_580 = arith.index_cast %parallel_loop3A_579 : i32 to index
        %parallel_loop3A_581 = arith.index_cast %parallel_loop3A_573 : i32 to index
        %parallel_loop3A_582 = tpu.vector_load %arg6[%parallel_loop3A_580, %parallel_loop3A_581] {strides = array<i32>} : memref<8x2048xf32, #tpu.memory_space<vmem>>, vector<1x16xf32>,
        %parallel_loop3A_583 = vector.shape_cast %parallel_loop3A_582 : vector<1x16xf32> to vector<16xf32>
        %parallel_loop3A_584 = arith.addf %parallel_loop3A_578, %parallel_loop3A_583 : vector<16xf32>
        %parallel_loop3A_585 = arith.constant 2 : i32
        %parallel_loop3A_586 = arith.index_cast %parallel_loop3A_585 : i32 to index
        %parallel_loop3A_587 = arith.index_cast %parallel_loop3A_573 : i32 to index
        %parallel_loop3A_588 = tpu.vector_load %arg7[%parallel_loop3A_586, %parallel_loop3A_587] {strides = array<i32>} : memref<8x2048xf32, #tpu.memory_space<vmem>>, vector<1x16xf32>,
        %parallel_loop3A_589 = vector.shape_cast %parallel_loop3A_588 : vector<1x16xf32> to vector<16xf32>
        %parallel_loop3A_590 = vector.shape_cast %parallel_loop3A_584 : vector<16xf32> to vector<1x16xf32>
        tpu.vector_store %arg7[%parallel_loop3A_586, %parallel_loop3A_587], %parallel_loop3A_590 {strides = array<i32>} : memref<8x2048xf32, #tpu.memory_space<vmem>>, vector<1x16xf32>,
      } {sc.loop_unroll_factor = 8 : i64, sc.parallel_access}
      %parallel_loop3A_362 = arith.constant 0 : i32
      %parallel_loop3A_363 = arith.constant 2048 : i32
      %parallel_loop3A_364 = arith.constant 16 : i32
      scf.for %parallel_loop3A_573 = %parallel_loop3A_362 to %parallel_loop3A_363 step %parallel_loop3A_364  : i32 {
        %parallel_loop3A_574 = arith.constant 3 : i32
        %parallel_loop3A_575 = arith.index_cast %parallel_loop3A_574 : i32 to index
        %parallel_loop3A_576 = arith.index_cast %parallel_loop3A_573 : i32 to index
        %parallel_loop3A_577 = tpu.vector_load %arg7[%parallel_loop3A_575, %parallel_loop3A_576] {strides = array<i32>} : memref<8x2048xf32, #tpu.memory_space<vmem>>, vector<1x16xf32>,
        %parallel_loop3A_578 = vector.shape_cast %parallel_loop3A_577 : vector<1x16xf32> to vector<16xf32>
        %parallel_loop3A_579 = arith.constant 3 : i32
        %parallel_loop3A_580 = arith.index_cast %parallel_loop3A_579 : i32 to index
        %parallel_loop3A_581 = arith.index_cast %parallel_loop3A_573 : i32 to index
        %parallel_loop3A_582 = tpu.vector_load %arg6[%parallel_loop3A_580, %parallel_loop3A_581] {strides = array<i32>} : memref<8x2048xf32, #tpu.memory_space<vmem>>, vector<1x16xf32>,
        %parallel_loop3A_583 = vector.shape_cast %parallel_loop3A_582 : vector<1x16xf32> to vector<16xf32>
        %parallel_loop3A_584 = arith.addf %parallel_loop3A_578, %parallel_loop3A_583 : vector<16xf32>
        %parallel_loop3A_585 = arith.constant 3 : i32
        %parallel_loop3A_586 = arith.index_cast %parallel_loop3A_585 : i32 to index
        %parallel_loop3A_587 = arith.index_cast %parallel_loop3A_573 : i32 to index
        %parallel_loop3A_588 = tpu.vector_load %arg7[%parallel_loop3A_586, %parallel_loop3A_587] {strides = array<i32>} : memref<8x2048xf32, #tpu.memory_space<vmem>>, vector<1x16xf32>,
        %parallel_loop3A_589 = vector.shape_cast %parallel_loop3A_588 : vector<1x16xf32> to vector<16xf32>
        %parallel_loop3A_590 = vector.shape_cast %parallel_loop3A_584 : vector<16xf32> to vector<1x16xf32>
        tpu.vector_store %arg7[%parallel_loop3A_586, %parallel_loop3A_587], %parallel_loop3A_590 {strides = array<i32>} : memref<8x2048xf32, #tpu.memory_space<vmem>>, vector<1x16xf32>,
      } {sc.loop_unroll_factor = 8 : i64, sc.parallel_access}
      %parallel_loop3A_365 = arith.constant 0 : i32
      %parallel_loop3A_366 = arith.constant 2048 : i32
      %parallel_loop3A_367 = arith.constant 16 : i32
      scf.for %parallel_loop3A_573 = %parallel_loop3A_365 to %parallel_loop3A_366 step %parallel_loop3A_367  : i32 {
        %parallel_loop3A_574 = arith.constant 4 : i32
        %parallel_loop3A_575 = arith.index_cast %parallel_loop3A_574 : i32 to index
        %parallel_loop3A_576 = arith.index_cast %parallel_loop3A_573 : i32 to index
        %parallel_loop3A_577 = tpu.vector_load %arg7[%parallel_loop3A_575, %parallel_loop3A_576] {strides = array<i32>} : memref<8x2048xf32, #tpu.memory_space<vmem>>, vector<1x16xf32>,
        %parallel_loop3A_578 = vector.shape_cast %parallel_loop3A_577 : vector<1x16xf32> to vector<16xf32>
        %parallel_loop3A_579 = arith.constant 4 : i32
        %parallel_loop3A_580 = arith.index_cast %parallel_loop3A_579 : i32 to index
        %parallel_loop3A_581 = arith.index_cast %parallel_loop3A_573 : i32 to index
        %parallel_loop3A_582 = tpu.vector_load %arg6[%parallel_loop3A_580, %parallel_loop3A_581] {strides = array<i32>} : memref<8x2048xf32, #tpu.memory_space<vmem>>, vector<1x16xf32>,
        %parallel_loop3A_583 = vector.shape_cast %parallel_loop3A_582 : vector<1x16xf32> to vector<16xf32>
        %parallel_loop3A_584 = arith.addf %parallel_loop3A_578, %parallel_loop3A_583 : vector<16xf32>
        %parallel_loop3A_585 = arith.constant 4 : i32
        %parallel_loop3A_586 = arith.index_cast %parallel_loop3A_585 : i32 to index
        %parallel_loop3A_587 = arith.index_cast %parallel_loop3A_573 : i32 to index
        %parallel_loop3A_588 = tpu.vector_load %arg7[%parallel_loop3A_586, %parallel_loop3A_587] {strides = array<i32>} : memref<8x2048xf32, #tpu.memory_space<vmem>>, vector<1x16xf32>,
        %parallel_loop3A_589 = vector.shape_cast %parallel_loop3A_588 : vector<1x16xf32> to vector<16xf32>
        %parallel_loop3A_590 = vector.shape_cast %parallel_loop3A_584 : vector<16xf32> to vector<1x16xf32>
        tpu.vector_store %arg7[%parallel_loop3A_586, %parallel_loop3A_587], %parallel_loop3A_590 {strides = array<i32>} : memref<8x2048xf32, #tpu.memory_space<vmem>>, vector<1x16xf32>,
      } {sc.loop_unroll_factor = 8 : i64, sc.parallel_access}
      %parallel_loop3A_368 = arith.constant 0 : i32
      %parallel_loop3A_369 = arith.constant 2048 : i32
      %parallel_loop3A_370 = arith.constant 16 : i32
      scf.for %parallel_loop3A_573 = %parallel_loop3A_368 to %parallel_loop3A_369 step %parallel_loop3A_370  : i32 {
        %parallel_loop3A_574 = arith.constant 5 : i32
        %parallel_loop3A_575 = arith.index_cast %parallel_loop3A_574 : i32 to index
        %parallel_loop3A_576 = arith.index_cast %parallel_loop3A_573 : i32 to index
        %parallel_loop3A_577 = tpu.vector_load %arg7[%parallel_loop3A_575, %parallel_loop3A_576] {strides = array<i32>} : memref<8x2048xf32, #tpu.memory_space<vmem>>, vector<1x16xf32>,
        %parallel_loop3A_578 = vector.shape_cast %parallel_loop3A_577 : vector<1x16xf32> to vector<16xf32>
        %parallel_loop3A_579 = arith.constant 5 : i32
        %parallel_loop3A_580 = arith.index_cast %parallel_loop3A_579 : i32 to index
        %parallel_loop3A_581 = arith.index_cast %parallel_loop3A_573 : i32 to index
        %parallel_loop3A_582 = tpu.vector_load %arg6[%parallel_loop3A_580, %parallel_loop3A_581] {strides = array<i32>} : memref<8x2048xf32, #tpu.memory_space<vmem>>, vector<1x16xf32>,
        %parallel_loop3A_583 = vector.shape_cast %parallel_loop3A_582 : vector<1x16xf32> to vector<16xf32>
        %parallel_loop3A_584 = arith.addf %parallel_loop3A_578, %parallel_loop3A_583 : vector<16xf32>
        %parallel_loop3A_585 = arith.constant 5 : i32
        %parallel_loop3A_586 = arith.index_cast %parallel_loop3A_585 : i32 to index
        %parallel_loop3A_587 = arith.index_cast %parallel_loop3A_573 : i32 to index
        %parallel_loop3A_588 = tpu.vector_load %arg7[%parallel_loop3A_586, %parallel_loop3A_587] {strides = array<i32>} : memref<8x2048xf32, #tpu.memory_space<vmem>>, vector<1x16xf32>,
        %parallel_loop3A_589 = vector.shape_cast %parallel_loop3A_588 : vector<1x16xf32> to vector<16xf32>
        %parallel_loop3A_590 = vector.shape_cast %parallel_loop3A_584 : vector<16xf32> to vector<1x16xf32>
        tpu.vector_store %arg7[%parallel_loop3A_586, %parallel_loop3A_587], %parallel_loop3A_590 {strides = array<i32>} : memref<8x2048xf32, #tpu.memory_space<vmem>>, vector<1x16xf32>,
      } {sc.loop_unroll_factor = 8 : i64, sc.parallel_access}
      %parallel_loop3A_371 = arith.constant 0 : i32
      %parallel_loop3A_372 = arith.constant 2048 : i32
      %parallel_loop3A_373 = arith.constant 16 : i32
      scf.for %parallel_loop3A_573 = %parallel_loop3A_371 to %parallel_loop3A_372 step %parallel_loop3A_373  : i32 {
        %parallel_loop3A_574 = arith.constant 6 : i32
        %parallel_loop3A_575 = arith.index_cast %parallel_loop3A_574 : i32 to index
        %parallel_loop3A_576 = arith.index_cast %parallel_loop3A_573 : i32 to index
        %parallel_loop3A_577 = tpu.vector_load %arg7[%parallel_loop3A_575, %parallel_loop3A_576] {strides = array<i32>} : memref<8x2048xf32, #tpu.memory_space<vmem>>, vector<1x16xf32>,
        %parallel_loop3A_578 = vector.shape_cast %parallel_loop3A_577 : vector<1x16xf32> to vector<16xf32>
        %parallel_loop3A_579 = arith.constant 6 : i32
        %parallel_loop3A_580 = arith.index_cast %parallel_loop3A_579 : i32 to index
        %parallel_loop3A_581 = arith.index_cast %parallel_loop3A_573 : i32 to index
        %parallel_loop3A_582 = tpu.vector_load %arg6[%parallel_loop3A_580, %parallel_loop3A_581] {strides = array<i32>} : memref<8x2048xf32, #tpu.memory_space<vmem>>, vector<1x16xf32>,
        %parallel_loop3A_583 = vector.shape_cast %parallel_loop3A_582 : vector<1x16xf32> to vector<16xf32>
        %parallel_loop3A_584 = arith.addf %parallel_loop3A_578, %parallel_loop3A_583 : vector<16xf32>
        %parallel_loop3A_585 = arith.constant 6 : i32
        %parallel_loop3A_586 = arith.index_cast %parallel_loop3A_585 : i32 to index
        %parallel_loop3A_587 = arith.index_cast %parallel_loop3A_573 : i32 to index
        %parallel_loop3A_588 = tpu.vector_load %arg7[%parallel_loop3A_586, %parallel_loop3A_587] {strides = array<i32>} : memref<8x2048xf32, #tpu.memory_space<vmem>>, vector<1x16xf32>,
        %parallel_loop3A_589 = vector.shape_cast %parallel_loop3A_588 : vector<1x16xf32> to vector<16xf32>
        %parallel_loop3A_590 = vector.shape_cast %parallel_loop3A_584 : vector<16xf32> to vector<1x16xf32>
        tpu.vector_store %arg7[%parallel_loop3A_586, %parallel_loop3A_587], %parallel_loop3A_590 {strides = array<i32>} : memref<8x2048xf32, #tpu.memory_space<vmem>>, vector<1x16xf32>,
      } {sc.loop_unroll_factor = 8 : i64, sc.parallel_access}
      %parallel_loop3A_374 = arith.constant 0 : i32
      %parallel_loop3A_375 = arith.constant 2048 : i32
      %parallel_loop3A_376 = arith.constant 16 : i32
      scf.for %parallel_loop3A_573 = %parallel_loop3A_374 to %parallel_loop3A_375 step %parallel_loop3A_376  : i32 {
        %parallel_loop3A_574 = arith.constant 7 : i32
        %parallel_loop3A_575 = arith.index_cast %parallel_loop3A_574 : i32 to index
        %parallel_loop3A_576 = arith.index_cast %parallel_loop3A_573 : i32 to index
        %parallel_loop3A_577 = tpu.vector_load %arg7[%parallel_loop3A_575, %parallel_loop3A_576] {strides = array<i32>} : memref<8x2048xf32, #tpu.memory_space<vmem>>, vector<1x16xf32>,
        %parallel_loop3A_578 = vector.shape_cast %parallel_loop3A_577 : vector<1x16xf32> to vector<16xf32>
        %parallel_loop3A_579 = arith.constant 7 : i32
        %parallel_loop3A_580 = arith.index_cast %parallel_loop3A_579 : i32 to index
        %parallel_loop3A_581 = arith.index_cast %parallel_loop3A_573 : i32 to index
        %parallel_loop3A_582 = tpu.vector_load %arg6[%parallel_loop3A_580, %parallel_loop3A_581] {strides = array<i32>} : memref<8x2048xf32, #tpu.memory_space<vmem>>, vector<1x16xf32>,
        %parallel_loop3A_583 = vector.shape_cast %parallel_loop3A_582 : vector<1x16xf32> to vector<16xf32>
        %parallel_loop3A_584 = arith.addf %parallel_loop3A_578, %parallel_loop3A_583 : vector<16xf32>
        %parallel_loop3A_585 = arith.constant 7 : i32
        %parallel_loop3A_586 = arith.index_cast %parallel_loop3A_585 : i32 to index
        %parallel_loop3A_587 = arith.index_cast %parallel_loop3A_573 : i32 to index
        %parallel_loop3A_588 = tpu.vector_load %arg7[%parallel_loop3A_586, %parallel_loop3A_587] {strides = array<i32>} : memref<8x2048xf32, #tpu.memory_space<vmem>>, vector<1x16xf32>,
        %parallel_loop3A_589 = vector.shape_cast %parallel_loop3A_588 : vector<1x16xf32> to vector<16xf32>
        %parallel_loop3A_590 = vector.shape_cast %parallel_loop3A_584 : vector<16xf32> to vector<1x16xf32>
        tpu.vector_store %arg7[%parallel_loop3A_586, %parallel_loop3A_587], %parallel_loop3A_590 {strides = array<i32>} : memref<8x2048xf32, #tpu.memory_space<vmem>>, vector<1x16xf32>,
      } {sc.loop_unroll_factor = 8 : i64, sc.parallel_access}
      %mul3A_377 = arith.constant 8 : i32
      %mul3A_378 = arith.muli %add3A_53, %mul3A_377 : i32
      %add3A_379 = arith.addi %mul3A_4, %mul3A_378 : i32
      %dma_start3A_380 = arith.constant 0 : i32
      %dma_start3A_381 = arith.constant 2048 : i32
      %dma_start3A_382 = tpu.memref_slice %arg4[%dma_start3A_380, %add3A_379, %dma_start3A_381] : memref<4x2048x4096xf32, #tpu.memory_space<hbm>> -> memref<1x8x2048xf32, #tpu.memory_space<hbm>>
      %dma_start3A_383 = tpu.memref_squeeze %dma_start3A_382 : memref<1x8x2048xf32, #tpu.memory_space<hbm>> -> memref<8x2048xf32, #tpu.memory_space<hbm>>
      %dma_start3A_384 = arith.constant 2048 : i32
      %dma_start3A_385 = tpu.memref_slice %arg4[%dma_start3A_380, %add3A_379, %dma_start3A_384] : memref<4x2048x4096xf32, #tpu.memory_space<hbm>> -> memref<1x8x2048xf32, #tpu.memory_space<hbm>>
      %dma_start3A_386 = tpu.memref_squeeze %dma_start3A_385 : memref<1x8x2048xf32, #tpu.memory_space<hbm>> -> memref<8x2048xf32, #tpu.memory_space<hbm>>
      tpu.enqueue_dma source(%arg7 : memref<8x2048xf32, #tpu.memory_space<vmem>>) target(%dma_start3A_386 : memref<8x2048xf32, #tpu.memory_space<hbm>>) target_semaphore(%arg17 : memref<!tpu.dma_semaphore, #tpu.memory_space<semaphore_mem>>)
      %mul3A_387 = arith.constant 8 : i32
      %mul3A_388 = arith.muli %add3A_53, %mul3A_387 : i32
      %add3A_389 = arith.addi %mul3A_4, %mul3A_388 : i32
      %dma_wait3A_390 = arith.constant 1 : i32
      %dma_wait3A_391 = arith.constant 2048 : i32
      %dma_wait3A_392 = tpu.memref_slice %arg2[%dma_wait3A_390, %add3A_389, %dma_wait3A_391] : memref<4x2048x4096xf32, #tpu.memory_space<hbm>> -> memref<1x8x2048xf32, #tpu.memory_space<hbm>>
      %dma_wait3A_393 = tpu.memref_squeeze %dma_wait3A_392 : memref<1x8x2048xf32, #tpu.memory_space<hbm>> -> memref<8x2048xf32, #tpu.memory_space<hbm>>
      %dma_wait3A_394 = arith.constant 2048 : i32
      %dma_wait3A_395 = tpu.memref_slice %arg2[%dma_wait3A_390, %add3A_389, %dma_wait3A_394] : memref<4x2048x4096xf32, #tpu.memory_space<hbm>> -> memref<1x8x2048xf32, #tpu.memory_space<hbm>>
      %dma_wait3A_396 = tpu.memref_squeeze %dma_wait3A_395 : memref<1x8x2048xf32, #tpu.memory_space<hbm>> -> memref<8x2048xf32, #tpu.memory_space<hbm>>
      tpu.wait_dma2 semaphore(%arg14 : memref<!tpu.dma_semaphore, #tpu.memory_space<semaphore_mem>>) src(%dma_wait3A_396 : memref<8x2048xf32, #tpu.memory_space<hbm>>) dst(%arg8 : memref<8x2048xf32, #tpu.memory_space<vmem>>)
      %mul3A_397 = arith.constant 8 : i32
      %mul3A_398 = arith.muli %add3A_53, %mul3A_397 : i32
      %add3A_399 = arith.addi %mul3A_4, %mul3A_398 : i32
      %dma_wait3A_400 = arith.constant 3 : i32
      %dma_wait3A_401 = arith.constant 0 : i32
      %dma_wait3A_402 = tpu.memref_slice %arg4[%dma_wait3A_400, %add3A_399, %dma_wait3A_401] : memref<4x2048x4096xf32, #tpu.memory_space<hbm>> -> memref<1x8x2048xf32, #tpu.memory_space<hbm>>
      %dma_wait3A_403 = tpu.memref_squeeze %dma_wait3A_402 : memref<1x8x2048xf32, #tpu.memory_space<hbm>> -> memref<8x2048xf32, #tpu.memory_space<hbm>>
      %dma_wait3A_404 = arith.constant 0 : i32
      %dma_wait3A_405 = tpu.memref_slice %arg4[%dma_wait3A_400, %add3A_399, %dma_wait3A_404] : memref<4x2048x4096xf32, #tpu.memory_space<hbm>> -> memref<1x8x2048xf32, #tpu.memory_space<hbm>>
      %dma_wait3A_406 = tpu.memref_squeeze %dma_wait3A_405 : memref<1x8x2048xf32, #tpu.memory_space<hbm>> -> memref<8x2048xf32, #tpu.memory_space<hbm>>
      tpu.wait_dma2 semaphore(%arg20 : memref<!tpu.dma_semaphore, #tpu.memory_space<semaphore_mem>>) src(%arg10 : memref<8x2048xf32, #tpu.memory_space<vmem>>) dst(%dma_wait3A_406 : memref<8x2048xf32, #tpu.memory_space<hbm>>)
      %mul3A_407 = arith.constant 8 : i32
      %mul3A_408 = arith.muli %add3A_53, %mul3A_407 : i32
      %add3A_409 = arith.addi %mul3A_4, %mul3A_408 : i32
      %dma_start3A_410 = arith.constant 3 : i32
      %dma_start3A_411 = arith.constant 2048 : i32
      %dma_start3A_412 = tpu.memref_slice %arg2[%dma_start3A_410, %add3A_409, %dma_start3A_411] : memref<4x2048x4096xf32, #tpu.memory_space<hbm>> -> memref<1x8x2048xf32, #tpu.memory_space<hbm>>
      %dma_start3A_413 = tpu.memref_squeeze %dma_start3A_412 : memref<1x8x2048xf32, #tpu.memory_space<hbm>> -> memref<8x2048xf32, #tpu.memory_space<hbm>>
      %dma_start3A_414 = arith.constant 2048 : i32
      %dma_start3A_415 = tpu.memref_slice %arg2[%dma_start3A_410, %add3A_409, %dma_start3A_414] : memref<4x2048x4096xf32, #tpu.memory_space<hbm>> -> memref<1x8x2048xf32, #tpu.memory_space<hbm>>
      %dma_start3A_416 = tpu.memref_squeeze %dma_start3A_415 : memref<1x8x2048xf32, #tpu.memory_space<hbm>> -> memref<8x2048xf32, #tpu.memory_space<hbm>>
      tpu.enqueue_dma source(%dma_start3A_416 : memref<8x2048xf32, #tpu.memory_space<hbm>>) target(%arg10 : memref<8x2048xf32, #tpu.memory_space<vmem>>) target_semaphore(%arg16 : memref<!tpu.dma_semaphore, #tpu.memory_space<semaphore_mem>>)
      %parallel_loop3A_417 = arith.constant 0 : i32
      %parallel_loop3A_418 = arith.constant 2048 : i32
      %parallel_loop3A_419 = arith.constant 16 : i32
      scf.for %parallel_loop3A_573 = %parallel_loop3A_417 to %parallel_loop3A_418 step %parallel_loop3A_419  : i32 {
        %parallel_loop3A_574 = arith.constant 0 : i32
        %parallel_loop3A_575 = arith.index_cast %parallel_loop3A_574 : i32 to index
        %parallel_loop3A_576 = arith.index_cast %parallel_loop3A_573 : i32 to index
        %parallel_loop3A_577 = tpu.vector_load %arg8[%parallel_loop3A_575, %parallel_loop3A_576] {strides = array<i32>} : memref<8x2048xf32, #tpu.memory_space<vmem>>, vector<1x16xf32>,
        %parallel_loop3A_578 = vector.shape_cast %parallel_loop3A_577 : vector<1x16xf32> to vector<16xf32>
        %parallel_loop3A_579 = arith.constant 0 : i32
        %parallel_loop3A_580 = arith.index_cast %parallel_loop3A_579 : i32 to index
        %parallel_loop3A_581 = arith.index_cast %parallel_loop3A_573 : i32 to index
        %parallel_loop3A_582 = tpu.vector_load %arg6[%parallel_loop3A_580, %parallel_loop3A_581] {strides = array<i32>} : memref<8x2048xf32, #tpu.memory_space<vmem>>, vector<1x16xf32>,
        %parallel_loop3A_583 = vector.shape_cast %parallel_loop3A_582 : vector<1x16xf32> to vector<16xf32>
        %parallel_loop3A_584 = arith.addf %parallel_loop3A_578, %parallel_loop3A_583 : vector<16xf32>
        %parallel_loop3A_585 = arith.constant 0 : i32
        %parallel_loop3A_586 = arith.index_cast %parallel_loop3A_585 : i32 to index
        %parallel_loop3A_587 = arith.index_cast %parallel_loop3A_573 : i32 to index
        %parallel_loop3A_588 = tpu.vector_load %arg8[%parallel_loop3A_586, %parallel_loop3A_587] {strides = array<i32>} : memref<8x2048xf32, #tpu.memory_space<vmem>>, vector<1x16xf32>,
        %parallel_loop3A_589 = vector.shape_cast %parallel_loop3A_588 : vector<1x16xf32> to vector<16xf32>
        %parallel_loop3A_590 = vector.shape_cast %parallel_loop3A_584 : vector<16xf32> to vector<1x16xf32>
        tpu.vector_store %arg8[%parallel_loop3A_586, %parallel_loop3A_587], %parallel_loop3A_590 {strides = array<i32>} : memref<8x2048xf32, #tpu.memory_space<vmem>>, vector<1x16xf32>,
      } {sc.loop_unroll_factor = 8 : i64, sc.parallel_access}
      %parallel_loop3A_420 = arith.constant 0 : i32
      %parallel_loop3A_421 = arith.constant 2048 : i32
      %parallel_loop3A_422 = arith.constant 16 : i32
      scf.for %parallel_loop3A_573 = %parallel_loop3A_420 to %parallel_loop3A_421 step %parallel_loop3A_422  : i32 {
        %parallel_loop3A_574 = arith.constant 1 : i32
        %parallel_loop3A_575 = arith.index_cast %parallel_loop3A_574 : i32 to index
        %parallel_loop3A_576 = arith.index_cast %parallel_loop3A_573 : i32 to index
        %parallel_loop3A_577 = tpu.vector_load %arg8[%parallel_loop3A_575, %parallel_loop3A_576] {strides = array<i32>} : memref<8x2048xf32, #tpu.memory_space<vmem>>, vector<1x16xf32>,
        %parallel_loop3A_578 = vector.shape_cast %parallel_loop3A_577 : vector<1x16xf32> to vector<16xf32>
        %parallel_loop3A_579 = arith.constant 1 : i32
        %parallel_loop3A_580 = arith.index_cast %parallel_loop3A_579 : i32 to index
        %parallel_loop3A_581 = arith.index_cast %parallel_loop3A_573 : i32 to index
        %parallel_loop3A_582 = tpu.vector_load %arg6[%parallel_loop3A_580, %parallel_loop3A_581] {strides = array<i32>} : memref<8x2048xf32, #tpu.memory_space<vmem>>, vector<1x16xf32>,
        %parallel_loop3A_583 = vector.shape_cast %parallel_loop3A_582 : vector<1x16xf32> to vector<16xf32>
        %parallel_loop3A_584 = arith.addf %parallel_loop3A_578, %parallel_loop3A_583 : vector<16xf32>
        %parallel_loop3A_585 = arith.constant 1 : i32
        %parallel_loop3A_586 = arith.index_cast %parallel_loop3A_585 : i32 to index
        %parallel_loop3A_587 = arith.index_cast %parallel_loop3A_573 : i32 to index
        %parallel_loop3A_588 = tpu.vector_load %arg8[%parallel_loop3A_586, %parallel_loop3A_587] {strides = array<i32>} : memref<8x2048xf32, #tpu.memory_space<vmem>>, vector<1x16xf32>,
        %parallel_loop3A_589 = vector.shape_cast %parallel_loop3A_588 : vector<1x16xf32> to vector<16xf32>
        %parallel_loop3A_590 = vector.shape_cast %parallel_loop3A_584 : vector<16xf32> to vector<1x16xf32>
        tpu.vector_store %arg8[%parallel_loop3A_586, %parallel_loop3A_587], %parallel_loop3A_590 {strides = array<i32>} : memref<8x2048xf32, #tpu.memory_space<vmem>>, vector<1x16xf32>,
      } {sc.loop_unroll_factor = 8 : i64, sc.parallel_access}
      %parallel_loop3A_423 = arith.constant 0 : i32
      %parallel_loop3A_424 = arith.constant 2048 : i32
      %parallel_loop3A_425 = arith.constant 16 : i32
      scf.for %parallel_loop3A_573 = %parallel_loop3A_423 to %parallel_loop3A_424 step %parallel_loop3A_425  : i32 {
        %parallel_loop3A_574 = arith.constant 2 : i32
        %parallel_loop3A_575 = arith.index_cast %parallel_loop3A_574 : i32 to index
        %parallel_loop3A_576 = arith.index_cast %parallel_loop3A_573 : i32 to index
        %parallel_loop3A_577 = tpu.vector_load %arg8[%parallel_loop3A_575, %parallel_loop3A_576] {strides = array<i32>} : memref<8x2048xf32, #tpu.memory_space<vmem>>, vector<1x16xf32>,
        %parallel_loop3A_578 = vector.shape_cast %parallel_loop3A_577 : vector<1x16xf32> to vector<16xf32>
        %parallel_loop3A_579 = arith.constant 2 : i32
        %parallel_loop3A_580 = arith.index_cast %parallel_loop3A_579 : i32 to index
        %parallel_loop3A_581 = arith.index_cast %parallel_loop3A_573 : i32 to index
        %parallel_loop3A_582 = tpu.vector_load %arg6[%parallel_loop3A_580, %parallel_loop3A_581] {strides = array<i32>} : memref<8x2048xf32, #tpu.memory_space<vmem>>, vector<1x16xf32>,
        %parallel_loop3A_583 = vector.shape_cast %parallel_loop3A_582 : vector<1x16xf32> to vector<16xf32>
        %parallel_loop3A_584 = arith.addf %parallel_loop3A_578, %parallel_loop3A_583 : vector<16xf32>
        %parallel_loop3A_585 = arith.constant 2 : i32
        %parallel_loop3A_586 = arith.index_cast %parallel_loop3A_585 : i32 to index
        %parallel_loop3A_587 = arith.index_cast %parallel_loop3A_573 : i32 to index
        %parallel_loop3A_588 = tpu.vector_load %arg8[%parallel_loop3A_586, %parallel_loop3A_587] {strides = array<i32>} : memref<8x2048xf32, #tpu.memory_space<vmem>>, vector<1x16xf32>,
        %parallel_loop3A_589 = vector.shape_cast %parallel_loop3A_588 : vector<1x16xf32> to vector<16xf32>
        %parallel_loop3A_590 = vector.shape_cast %parallel_loop3A_584 : vector<16xf32> to vector<1x16xf32>
        tpu.vector_store %arg8[%parallel_loop3A_586, %parallel_loop3A_587], %parallel_loop3A_590 {strides = array<i32>} : memref<8x2048xf32, #tpu.memory_space<vmem>>, vector<1x16xf32>,
      } {sc.loop_unroll_factor = 8 : i64, sc.parallel_access}
      %parallel_loop3A_426 = arith.constant 0 : i32
      %parallel_loop3A_427 = arith.constant 2048 : i32
      %parallel_loop3A_428 = arith.constant 16 : i32
      scf.for %parallel_loop3A_573 = %parallel_loop3A_426 to %parallel_loop3A_427 step %parallel_loop3A_428  : i32 {
        %parallel_loop3A_574 = arith.constant 3 : i32
        %parallel_loop3A_575 = arith.index_cast %parallel_loop3A_574 : i32 to index
        %parallel_loop3A_576 = arith.index_cast %parallel_loop3A_573 : i32 to index
        %parallel_loop3A_577 = tpu.vector_load %arg8[%parallel_loop3A_575, %parallel_loop3A_576] {strides = array<i32>} : memref<8x2048xf32, #tpu.memory_space<vmem>>, vector<1x16xf32>,
        %parallel_loop3A_578 = vector.shape_cast %parallel_loop3A_577 : vector<1x16xf32> to vector<16xf32>
        %parallel_loop3A_579 = arith.constant 3 : i32
        %parallel_loop3A_580 = arith.index_cast %parallel_loop3A_579 : i32 to index
        %parallel_loop3A_581 = arith.index_cast %parallel_loop3A_573 : i32 to index
        %parallel_loop3A_582 = tpu.vector_load %arg6[%parallel_loop3A_580, %parallel_loop3A_581] {strides = array<i32>} : memref<8x2048xf32, #tpu.memory_space<vmem>>, vector<1x16xf32>,
        %parallel_loop3A_583 = vector.shape_cast %parallel_loop3A_582 : vector<1x16xf32> to vector<16xf32>
        %parallel_loop3A_584 = arith.addf %parallel_loop3A_578, %parallel_loop3A_583 : vector<16xf32>
        %parallel_loop3A_585 = arith.constant 3 : i32
        %parallel_loop3A_586 = arith.index_cast %parallel_loop3A_585 : i32 to index
        %parallel_loop3A_587 = arith.index_cast %parallel_loop3A_573 : i32 to index
        %parallel_loop3A_588 = tpu.vector_load %arg8[%parallel_loop3A_586, %parallel_loop3A_587] {strides = array<i32>} : memref<8x2048xf32, #tpu.memory_space<vmem>>, vector<1x16xf32>,
        %parallel_loop3A_589 = vector.shape_cast %parallel_loop3A_588 : vector<1x16xf32> to vector<16xf32>
        %parallel_loop3A_590 = vector.shape_cast %parallel_loop3A_584 : vector<16xf32> to vector<1x16xf32>
        tpu.vector_store %arg8[%parallel_loop3A_586, %parallel_loop3A_587], %parallel_loop3A_590 {strides = array<i32>} : memref<8x2048xf32, #tpu.memory_space<vmem>>, vector<1x16xf32>,
      } {sc.loop_unroll_factor = 8 : i64, sc.parallel_access}
      %parallel_loop3A_429 = arith.constant 0 : i32
      %parallel_loop3A_430 = arith.constant 2048 : i32
      %parallel_loop3A_431 = arith.constant 16 : i32
      scf.for %parallel_loop3A_573 = %parallel_loop3A_429 to %parallel_loop3A_430 step %parallel_loop3A_431  : i32 {
        %parallel_loop3A_574 = arith.constant 4 : i32
        %parallel_loop3A_575 = arith.index_cast %parallel_loop3A_574 : i32 to index
        %parallel_loop3A_576 = arith.index_cast %parallel_loop3A_573 : i32 to index
        %parallel_loop3A_577 = tpu.vector_load %arg8[%parallel_loop3A_575, %parallel_loop3A_576] {strides = array<i32>} : memref<8x2048xf32, #tpu.memory_space<vmem>>, vector<1x16xf32>,
        %parallel_loop3A_578 = vector.shape_cast %parallel_loop3A_577 : vector<1x16xf32> to vector<16xf32>
        %parallel_loop3A_579 = arith.constant 4 : i32
        %parallel_loop3A_580 = arith.index_cast %parallel_loop3A_579 : i32 to index
        %parallel_loop3A_581 = arith.index_cast %parallel_loop3A_573 : i32 to index
        %parallel_loop3A_582 = tpu.vector_load %arg6[%parallel_loop3A_580, %parallel_loop3A_581] {strides = array<i32>} : memref<8x2048xf32, #tpu.memory_space<vmem>>, vector<1x16xf32>,
        %parallel_loop3A_583 = vector.shape_cast %parallel_loop3A_582 : vector<1x16xf32> to vector<16xf32>
        %parallel_loop3A_584 = arith.addf %parallel_loop3A_578, %parallel_loop3A_583 : vector<16xf32>
        %parallel_loop3A_585 = arith.constant 4 : i32
        %parallel_loop3A_586 = arith.index_cast %parallel_loop3A_585 : i32 to index
        %parallel_loop3A_587 = arith.index_cast %parallel_loop3A_573 : i32 to index
        %parallel_loop3A_588 = tpu.vector_load %arg8[%parallel_loop3A_586, %parallel_loop3A_587] {strides = array<i32>} : memref<8x2048xf32, #tpu.memory_space<vmem>>, vector<1x16xf32>,
        %parallel_loop3A_589 = vector.shape_cast %parallel_loop3A_588 : vector<1x16xf32> to vector<16xf32>
        %parallel_loop3A_590 = vector.shape_cast %parallel_loop3A_584 : vector<16xf32> to vector<1x16xf32>
        tpu.vector_store %arg8[%parallel_loop3A_586, %parallel_loop3A_587], %parallel_loop3A_590 {strides = array<i32>} : memref<8x2048xf32, #tpu.memory_space<vmem>>, vector<1x16xf32>,
      } {sc.loop_unroll_factor = 8 : i64, sc.parallel_access}
      %parallel_loop3A_432 = arith.constant 0 : i32
      %parallel_loop3A_433 = arith.constant 2048 : i32
      %parallel_loop3A_434 = arith.constant 16 : i32
      scf.for %parallel_loop3A_573 = %parallel_loop3A_432 to %parallel_loop3A_433 step %parallel_loop3A_434  : i32 {
        %parallel_loop3A_574 = arith.constant 5 : i32
        %parallel_loop3A_575 = arith.index_cast %parallel_loop3A_574 : i32 to index
        %parallel_loop3A_576 = arith.index_cast %parallel_loop3A_573 : i32 to index
        %parallel_loop3A_577 = tpu.vector_load %arg8[%parallel_loop3A_575, %parallel_loop3A_576] {strides = array<i32>} : memref<8x2048xf32, #tpu.memory_space<vmem>>, vector<1x16xf32>,
        %parallel_loop3A_578 = vector.shape_cast %parallel_loop3A_577 : vector<1x16xf32> to vector<16xf32>
        %parallel_loop3A_579 = arith.constant 5 : i32
        %parallel_loop3A_580 = arith.index_cast %parallel_loop3A_579 : i32 to index
        %parallel_loop3A_581 = arith.index_cast %parallel_loop3A_573 : i32 to index
        %parallel_loop3A_582 = tpu.vector_load %arg6[%parallel_loop3A_580, %parallel_loop3A_581] {strides = array<i32>} : memref<8x2048xf32, #tpu.memory_space<vmem>>, vector<1x16xf32>,
        %parallel_loop3A_583 = vector.shape_cast %parallel_loop3A_582 : vector<1x16xf32> to vector<16xf32>
        %parallel_loop3A_584 = arith.addf %parallel_loop3A_578, %parallel_loop3A_583 : vector<16xf32>
        %parallel_loop3A_585 = arith.constant 5 : i32
        %parallel_loop3A_586 = arith.index_cast %parallel_loop3A_585 : i32 to index
        %parallel_loop3A_587 = arith.index_cast %parallel_loop3A_573 : i32 to index
        %parallel_loop3A_588 = tpu.vector_load %arg8[%parallel_loop3A_586, %parallel_loop3A_587] {strides = array<i32>} : memref<8x2048xf32, #tpu.memory_space<vmem>>, vector<1x16xf32>,
        %parallel_loop3A_589 = vector.shape_cast %parallel_loop3A_588 : vector<1x16xf32> to vector<16xf32>
        %parallel_loop3A_590 = vector.shape_cast %parallel_loop3A_584 : vector<16xf32> to vector<1x16xf32>
        tpu.vector_store %arg8[%parallel_loop3A_586, %parallel_loop3A_587], %parallel_loop3A_590 {strides = array<i32>} : memref<8x2048xf32, #tpu.memory_space<vmem>>, vector<1x16xf32>,
      } {sc.loop_unroll_factor = 8 : i64, sc.parallel_access}
      %parallel_loop3A_435 = arith.constant 0 : i32
      %parallel_loop3A_436 = arith.constant 2048 : i32
      %parallel_loop3A_437 = arith.constant 16 : i32
      scf.for %parallel_loop3A_573 = %parallel_loop3A_435 to %parallel_loop3A_436 step %parallel_loop3A_437  : i32 {
        %parallel_loop3A_574 = arith.constant 6 : i32
        %parallel_loop3A_575 = arith.index_cast %parallel_loop3A_574 : i32 to index
        %parallel_loop3A_576 = arith.index_cast %parallel_loop3A_573 : i32 to index
        %parallel_loop3A_577 = tpu.vector_load %arg8[%parallel_loop3A_575, %parallel_loop3A_576] {strides = array<i32>} : memref<8x2048xf32, #tpu.memory_space<vmem>>, vector<1x16xf32>,
        %parallel_loop3A_578 = vector.shape_cast %parallel_loop3A_577 : vector<1x16xf32> to vector<16xf32>
        %parallel_loop3A_579 = arith.constant 6 : i32
        %parallel_loop3A_580 = arith.index_cast %parallel_loop3A_579 : i32 to index
        %parallel_loop3A_581 = arith.index_cast %parallel_loop3A_573 : i32 to index
        %parallel_loop3A_582 = tpu.vector_load %arg6[%parallel_loop3A_580, %parallel_loop3A_581] {strides = array<i32>} : memref<8x2048xf32, #tpu.memory_space<vmem>>, vector<1x16xf32>,
        %parallel_loop3A_583 = vector.shape_cast %parallel_loop3A_582 : vector<1x16xf32> to vector<16xf32>
        %parallel_loop3A_584 = arith.addf %parallel_loop3A_578, %parallel_loop3A_583 : vector<16xf32>
        %parallel_loop3A_585 = arith.constant 6 : i32
        %parallel_loop3A_586 = arith.index_cast %parallel_loop3A_585 : i32 to index
        %parallel_loop3A_587 = arith.index_cast %parallel_loop3A_573 : i32 to index
        %parallel_loop3A_588 = tpu.vector_load %arg8[%parallel_loop3A_586, %parallel_loop3A_587] {strides = array<i32>} : memref<8x2048xf32, #tpu.memory_space<vmem>>, vector<1x16xf32>,
        %parallel_loop3A_589 = vector.shape_cast %parallel_loop3A_588 : vector<1x16xf32> to vector<16xf32>
        %parallel_loop3A_590 = vector.shape_cast %parallel_loop3A_584 : vector<16xf32> to vector<1x16xf32>
        tpu.vector_store %arg8[%parallel_loop3A_586, %parallel_loop3A_587], %parallel_loop3A_590 {strides = array<i32>} : memref<8x2048xf32, #tpu.memory_space<vmem>>, vector<1x16xf32>,
      } {sc.loop_unroll_factor = 8 : i64, sc.parallel_access}
      %parallel_loop3A_438 = arith.constant 0 : i32
      %parallel_loop3A_439 = arith.constant 2048 : i32
      %parallel_loop3A_440 = arith.constant 16 : i32
      scf.for %parallel_loop3A_573 = %parallel_loop3A_438 to %parallel_loop3A_439 step %parallel_loop3A_440  : i32 {
        %parallel_loop3A_574 = arith.constant 7 : i32
        %parallel_loop3A_575 = arith.index_cast %parallel_loop3A_574 : i32 to index
        %parallel_loop3A_576 = arith.index_cast %parallel_loop3A_573 : i32 to index
        %parallel_loop3A_577 = tpu.vector_load %arg8[%parallel_loop3A_575, %parallel_loop3A_576] {strides = array<i32>} : memref<8x2048xf32, #tpu.memory_space<vmem>>, vector<1x16xf32>,
        %parallel_loop3A_578 = vector.shape_cast %parallel_loop3A_577 : vector<1x16xf32> to vector<16xf32>
        %parallel_loop3A_579 = arith.constant 7 : i32
        %parallel_loop3A_580 = arith.index_cast %parallel_loop3A_579 : i32 to index
        %parallel_loop3A_581 = arith.index_cast %parallel_loop3A_573 : i32 to index
        %parallel_loop3A_582 = tpu.vector_load %arg6[%parallel_loop3A_580, %parallel_loop3A_581] {strides = array<i32>} : memref<8x2048xf32, #tpu.memory_space<vmem>>, vector<1x16xf32>,
        %parallel_loop3A_583 = vector.shape_cast %parallel_loop3A_582 : vector<1x16xf32> to vector<16xf32>
        %parallel_loop3A_584 = arith.addf %parallel_loop3A_578, %parallel_loop3A_583 : vector<16xf32>
        %parallel_loop3A_585 = arith.constant 7 : i32
        %parallel_loop3A_586 = arith.index_cast %parallel_loop3A_585 : i32 to index
        %parallel_loop3A_587 = arith.index_cast %parallel_loop3A_573 : i32 to index
        %parallel_loop3A_588 = tpu.vector_load %arg8[%parallel_loop3A_586, %parallel_loop3A_587] {strides = array<i32>} : memref<8x2048xf32, #tpu.memory_space<vmem>>, vector<1x16xf32>,
        %parallel_loop3A_589 = vector.shape_cast %parallel_loop3A_588 : vector<1x16xf32> to vector<16xf32>
        %parallel_loop3A_590 = vector.shape_cast %parallel_loop3A_584 : vector<16xf32> to vector<1x16xf32>
        tpu.vector_store %arg8[%parallel_loop3A_586, %parallel_loop3A_587], %parallel_loop3A_590 {strides = array<i32>} : memref<8x2048xf32, #tpu.memory_space<vmem>>, vector<1x16xf32>,
      } {sc.loop_unroll_factor = 8 : i64, sc.parallel_access}
      %mul3A_441 = arith.constant 8 : i32
      %mul3A_442 = arith.muli %add3A_53, %mul3A_441 : i32
      %add3A_443 = arith.addi %mul3A_4, %mul3A_442 : i32
      %dma_start3A_444 = arith.constant 1 : i32
      %dma_start3A_445 = arith.constant 2048 : i32
      %dma_start3A_446 = tpu.memref_slice %arg4[%dma_start3A_444, %add3A_443, %dma_start3A_445] : memref<4x2048x4096xf32, #tpu.memory_space<hbm>> -> memref<1x8x2048xf32, #tpu.memory_space<hbm>>
      %dma_start3A_447 = tpu.memref_squeeze %dma_start3A_446 : memref<1x8x2048xf32, #tpu.memory_space<hbm>> -> memref<8x2048xf32, #tpu.memory_space<hbm>>
      %dma_start3A_448 = arith.constant 2048 : i32
      %dma_start3A_449 = tpu.memref_slice %arg4[%dma_start3A_444, %add3A_443, %dma_start3A_448] : memref<4x2048x4096xf32, #tpu.memory_space<hbm>> -> memref<1x8x2048xf32, #tpu.memory_space<hbm>>
      %dma_start3A_450 = tpu.memref_squeeze %dma_start3A_449 : memref<1x8x2048xf32, #tpu.memory_space<hbm>> -> memref<8x2048xf32, #tpu.memory_space<hbm>>
      tpu.enqueue_dma source(%arg8 : memref<8x2048xf32, #tpu.memory_space<vmem>>) target(%dma_start3A_450 : memref<8x2048xf32, #tpu.memory_space<hbm>>) target_semaphore(%arg18 : memref<!tpu.dma_semaphore, #tpu.memory_space<semaphore_mem>>)
      %mul3A_451 = arith.constant 8 : i32
      %mul3A_452 = arith.muli %add3A_53, %mul3A_451 : i32
      %add3A_453 = arith.addi %mul3A_4, %mul3A_452 : i32
      %dma_wait3A_454 = arith.constant 2 : i32
      %dma_wait3A_455 = arith.constant 2048 : i32
      %dma_wait3A_456 = tpu.memref_slice %arg2[%dma_wait3A_454, %add3A_453, %dma_wait3A_455] : memref<4x2048x4096xf32, #tpu.memory_space<hbm>> -> memref<1x8x2048xf32, #tpu.memory_space<hbm>>
      %dma_wait3A_457 = tpu.memref_squeeze %dma_wait3A_456 : memref<1x8x2048xf32, #tpu.memory_space<hbm>> -> memref<8x2048xf32, #tpu.memory_space<hbm>>
      %dma_wait3A_458 = arith.constant 2048 : i32
      %dma_wait3A_459 = tpu.memref_slice %arg2[%dma_wait3A_454, %add3A_453, %dma_wait3A_458] : memref<4x2048x4096xf32, #tpu.memory_space<hbm>> -> memref<1x8x2048xf32, #tpu.memory_space<hbm>>
      %dma_wait3A_460 = tpu.memref_squeeze %dma_wait3A_459 : memref<1x8x2048xf32, #tpu.memory_space<hbm>> -> memref<8x2048xf32, #tpu.memory_space<hbm>>
      tpu.wait_dma2 semaphore(%arg15 : memref<!tpu.dma_semaphore, #tpu.memory_space<semaphore_mem>>) src(%dma_wait3A_460 : memref<8x2048xf32, #tpu.memory_space<hbm>>) dst(%arg9 : memref<8x2048xf32, #tpu.memory_space<vmem>>)
      %mul3A_461 = arith.constant 8 : i32
      %mul3A_462 = arith.muli %add3A_53, %mul3A_461 : i32
      %add3A_463 = arith.addi %mul3A_4, %mul3A_462 : i32
      %dma_wait3A_464 = arith.constant 0 : i32
      %dma_wait3A_465 = arith.constant 2048 : i32
      %dma_wait3A_466 = tpu.memref_slice %arg4[%dma_wait3A_464, %add3A_463, %dma_wait3A_465] : memref<4x2048x4096xf32, #tpu.memory_space<hbm>> -> memref<1x8x2048xf32, #tpu.memory_space<hbm>>
      %dma_wait3A_467 = tpu.memref_squeeze %dma_wait3A_466 : memref<1x8x2048xf32, #tpu.memory_space<hbm>> -> memref<8x2048xf32, #tpu.memory_space<hbm>>
      %dma_wait3A_468 = arith.constant 2048 : i32
      %dma_wait3A_469 = tpu.memref_slice %arg4[%dma_wait3A_464, %add3A_463, %dma_wait3A_468] : memref<4x2048x4096xf32, #tpu.memory_space<hbm>> -> memref<1x8x2048xf32, #tpu.memory_space<hbm>>
      %dma_wait3A_470 = tpu.memref_squeeze %dma_wait3A_469 : memref<1x8x2048xf32, #tpu.memory_space<hbm>> -> memref<8x2048xf32, #tpu.memory_space<hbm>>
      tpu.wait_dma2 semaphore(%arg17 : memref<!tpu.dma_semaphore, #tpu.memory_space<semaphore_mem>>) src(%arg7 : memref<8x2048xf32, #tpu.memory_space<vmem>>) dst(%dma_wait3A_470 : memref<8x2048xf32, #tpu.memory_space<hbm>>)
      %add3A_471 = arith.constant 1 : i32
      %add3A_472 = arith.addi %add3A_53, %add3A_471 : i32
      %lt3A_473 = arith.constant 8 : i32
      %lt3A_474 = arith.cmpi slt, %add3A_472, %lt3A_473 : i32
      %convert_element_type3A_475 = arith.extui %lt3A_474 : i1 to i32
      %cond3A_476 = arith.constant 0 : i32
      %cond3A_477 = arith.cmpi ne, %convert_element_type3A_475, %cond3A_476 : i32
      scf.if %cond3A_477 {
        %add3A_573 = arith.constant 1 : i32
        %add3A_574 = arith.addi %add3A_53, %add3A_573 : i32
        %mul3A_575 = arith.constant 8 : i32
        %mul3A_576 = arith.muli %add3A_574, %mul3A_575 : i32
        %add3A_577 = arith.addi %mul3A_4, %mul3A_576 : i32
        %dma_start3A_578 = arith.constant 0 : i32
        %dma_start3A_579 = arith.constant 0 : i32
        %dma_start3A_580 = tpu.memref_slice %arg2[%dma_start3A_578, %add3A_577, %dma_start3A_579] : memref<4x2048x4096xf32, #tpu.memory_space<hbm>> -> memref<1x8x2048xf32, #tpu.memory_space<hbm>>
        %dma_start3A_581 = tpu.memref_squeeze %dma_start3A_580 : memref<1x8x2048xf32, #tpu.memory_space<hbm>> -> memref<8x2048xf32, #tpu.memory_space<hbm>>
        %dma_start3A_582 = arith.constant 0 : i32
        %dma_start3A_583 = tpu.memref_slice %arg2[%dma_start3A_578, %add3A_577, %dma_start3A_582] : memref<4x2048x4096xf32, #tpu.memory_space<hbm>> -> memref<1x8x2048xf32, #tpu.memory_space<hbm>>
        %dma_start3A_584 = tpu.memref_squeeze %dma_start3A_583 : memref<1x8x2048xf32, #tpu.memory_space<hbm>> -> memref<8x2048xf32, #tpu.memory_space<hbm>>
        tpu.enqueue_dma source(%dma_start3A_584 : memref<8x2048xf32, #tpu.memory_space<hbm>>) target(%arg7 : memref<8x2048xf32, #tpu.memory_space<vmem>>) target_semaphore(%arg13 : memref<!tpu.dma_semaphore, #tpu.memory_space<semaphore_mem>>)
      } else {
      }
      %parallel_loop3A_478 = arith.constant 0 : i32
      %parallel_loop3A_479 = arith.constant 2048 : i32
      %parallel_loop3A_480 = arith.constant 16 : i32
      scf.for %parallel_loop3A_573 = %parallel_loop3A_478 to %parallel_loop3A_479 step %parallel_loop3A_480  : i32 {
        %parallel_loop3A_574 = arith.constant 0 : i32
        %parallel_loop3A_575 = arith.index_cast %parallel_loop3A_574 : i32 to index
        %parallel_loop3A_576 = arith.index_cast %parallel_loop3A_573 : i32 to index
        %parallel_loop3A_577 = tpu.vector_load %arg9[%parallel_loop3A_575, %parallel_loop3A_576] {strides = array<i32>} : memref<8x2048xf32, #tpu.memory_space<vmem>>, vector<1x16xf32>,
        %parallel_loop3A_578 = vector.shape_cast %parallel_loop3A_577 : vector<1x16xf32> to vector<16xf32>
        %parallel_loop3A_579 = arith.constant 0 : i32
        %parallel_loop3A_580 = arith.index_cast %parallel_loop3A_579 : i32 to index
        %parallel_loop3A_581 = arith.index_cast %parallel_loop3A_573 : i32 to index
        %parallel_loop3A_582 = tpu.vector_load %arg6[%parallel_loop3A_580, %parallel_loop3A_581] {strides = array<i32>} : memref<8x2048xf32, #tpu.memory_space<vmem>>, vector<1x16xf32>,
        %parallel_loop3A_583 = vector.shape_cast %parallel_loop3A_582 : vector<1x16xf32> to vector<16xf32>
        %parallel_loop3A_584 = arith.addf %parallel_loop3A_578, %parallel_loop3A_583 : vector<16xf32>
        %parallel_loop3A_585 = arith.constant 0 : i32
        %parallel_loop3A_586 = arith.index_cast %parallel_loop3A_585 : i32 to index
        %parallel_loop3A_587 = arith.index_cast %parallel_loop3A_573 : i32 to index
        %parallel_loop3A_588 = tpu.vector_load %arg9[%parallel_loop3A_586, %parallel_loop3A_587] {strides = array<i32>} : memref<8x2048xf32, #tpu.memory_space<vmem>>, vector<1x16xf32>,
        %parallel_loop3A_589 = vector.shape_cast %parallel_loop3A_588 : vector<1x16xf32> to vector<16xf32>
        %parallel_loop3A_590 = vector.shape_cast %parallel_loop3A_584 : vector<16xf32> to vector<1x16xf32>
        tpu.vector_store %arg9[%parallel_loop3A_586, %parallel_loop3A_587], %parallel_loop3A_590 {strides = array<i32>} : memref<8x2048xf32, #tpu.memory_space<vmem>>, vector<1x16xf32>,
      } {sc.loop_unroll_factor = 8 : i64, sc.parallel_access}
      %parallel_loop3A_481 = arith.constant 0 : i32
      %parallel_loop3A_482 = arith.constant 2048 : i32
      %parallel_loop3A_483 = arith.constant 16 : i32
      scf.for %parallel_loop3A_573 = %parallel_loop3A_481 to %parallel_loop3A_482 step %parallel_loop3A_483  : i32 {
        %parallel_loop3A_574 = arith.constant 1 : i32
        %parallel_loop3A_575 = arith.index_cast %parallel_loop3A_574 : i32 to index
        %parallel_loop3A_576 = arith.index_cast %parallel_loop3A_573 : i32 to index
        %parallel_loop3A_577 = tpu.vector_load %arg9[%parallel_loop3A_575, %parallel_loop3A_576] {strides = array<i32>} : memref<8x2048xf32, #tpu.memory_space<vmem>>, vector<1x16xf32>,
        %parallel_loop3A_578 = vector.shape_cast %parallel_loop3A_577 : vector<1x16xf32> to vector<16xf32>
        %parallel_loop3A_579 = arith.constant 1 : i32
        %parallel_loop3A_580 = arith.index_cast %parallel_loop3A_579 : i32 to index
        %parallel_loop3A_581 = arith.index_cast %parallel_loop3A_573 : i32 to index
        %parallel_loop3A_582 = tpu.vector_load %arg6[%parallel_loop3A_580, %parallel_loop3A_581] {strides = array<i32>} : memref<8x2048xf32, #tpu.memory_space<vmem>>, vector<1x16xf32>,
        %parallel_loop3A_583 = vector.shape_cast %parallel_loop3A_582 : vector<1x16xf32> to vector<16xf32>
        %parallel_loop3A_584 = arith.addf %parallel_loop3A_578, %parallel_loop3A_583 : vector<16xf32>
        %parallel_loop3A_585 = arith.constant 1 : i32
        %parallel_loop3A_586 = arith.index_cast %parallel_loop3A_585 : i32 to index
        %parallel_loop3A_587 = arith.index_cast %parallel_loop3A_573 : i32 to index
        %parallel_loop3A_588 = tpu.vector_load %arg9[%parallel_loop3A_586, %parallel_loop3A_587] {strides = array<i32>} : memref<8x2048xf32, #tpu.memory_space<vmem>>, vector<1x16xf32>,
        %parallel_loop3A_589 = vector.shape_cast %parallel_loop3A_588 : vector<1x16xf32> to vector<16xf32>
        %parallel_loop3A_590 = vector.shape_cast %parallel_loop3A_584 : vector<16xf32> to vector<1x16xf32>
        tpu.vector_store %arg9[%parallel_loop3A_586, %parallel_loop3A_587], %parallel_loop3A_590 {strides = array<i32>} : memref<8x2048xf32, #tpu.memory_space<vmem>>, vector<1x16xf32>,
      } {sc.loop_unroll_factor = 8 : i64, sc.parallel_access}
      %parallel_loop3A_484 = arith.constant 0 : i32
      %parallel_loop3A_485 = arith.constant 2048 : i32
      %parallel_loop3A_486 = arith.constant 16 : i32
      scf.for %parallel_loop3A_573 = %parallel_loop3A_484 to %parallel_loop3A_485 step %parallel_loop3A_486  : i32 {
        %parallel_loop3A_574 = arith.constant 2 : i32
        %parallel_loop3A_575 = arith.index_cast %parallel_loop3A_574 : i32 to index
        %parallel_loop3A_576 = arith.index_cast %parallel_loop3A_573 : i32 to index
        %parallel_loop3A_577 = tpu.vector_load %arg9[%parallel_loop3A_575, %parallel_loop3A_576] {strides = array<i32>} : memref<8x2048xf32, #tpu.memory_space<vmem>>, vector<1x16xf32>,
        %parallel_loop3A_578 = vector.shape_cast %parallel_loop3A_577 : vector<1x16xf32> to vector<16xf32>
        %parallel_loop3A_579 = arith.constant 2 : i32
        %parallel_loop3A_580 = arith.index_cast %parallel_loop3A_579 : i32 to index
        %parallel_loop3A_581 = arith.index_cast %parallel_loop3A_573 : i32 to index
        %parallel_loop3A_582 = tpu.vector_load %arg6[%parallel_loop3A_580, %parallel_loop3A_581] {strides = array<i32>} : memref<8x2048xf32, #tpu.memory_space<vmem>>, vector<1x16xf32>,
        %parallel_loop3A_583 = vector.shape_cast %parallel_loop3A_582 : vector<1x16xf32> to vector<16xf32>
        %parallel_loop3A_584 = arith.addf %parallel_loop3A_578, %parallel_loop3A_583 : vector<16xf32>
        %parallel_loop3A_585 = arith.constant 2 : i32
        %parallel_loop3A_586 = arith.index_cast %parallel_loop3A_585 : i32 to index
        %parallel_loop3A_587 = arith.index_cast %parallel_loop3A_573 : i32 to index
        %parallel_loop3A_588 = tpu.vector_load %arg9[%parallel_loop3A_586, %parallel_loop3A_587] {strides = array<i32>} : memref<8x2048xf32, #tpu.memory_space<vmem>>, vector<1x16xf32>,
        %parallel_loop3A_589 = vector.shape_cast %parallel_loop3A_588 : vector<1x16xf32> to vector<16xf32>
        %parallel_loop3A_590 = vector.shape_cast %parallel_loop3A_584 : vector<16xf32> to vector<1x16xf32>
        tpu.vector_store %arg9[%parallel_loop3A_586, %parallel_loop3A_587], %parallel_loop3A_590 {strides = array<i32>} : memref<8x2048xf32, #tpu.memory_space<vmem>>, vector<1x16xf32>,
      } {sc.loop_unroll_factor = 8 : i64, sc.parallel_access}
      %parallel_loop3A_487 = arith.constant 0 : i32
      %parallel_loop3A_488 = arith.constant 2048 : i32
      %parallel_loop3A_489 = arith.constant 16 : i32
      scf.for %parallel_loop3A_573 = %parallel_loop3A_487 to %parallel_loop3A_488 step %parallel_loop3A_489  : i32 {
        %parallel_loop3A_574 = arith.constant 3 : i32
        %parallel_loop3A_575 = arith.index_cast %parallel_loop3A_574 : i32 to index
        %parallel_loop3A_576 = arith.index_cast %parallel_loop3A_573 : i32 to index
        %parallel_loop3A_577 = tpu.vector_load %arg9[%parallel_loop3A_575, %parallel_loop3A_576] {strides = array<i32>} : memref<8x2048xf32, #tpu.memory_space<vmem>>, vector<1x16xf32>,
        %parallel_loop3A_578 = vector.shape_cast %parallel_loop3A_577 : vector<1x16xf32> to vector<16xf32>
        %parallel_loop3A_579 = arith.constant 3 : i32
        %parallel_loop3A_580 = arith.index_cast %parallel_loop3A_579 : i32 to index
        %parallel_loop3A_581 = arith.index_cast %parallel_loop3A_573 : i32 to index
        %parallel_loop3A_582 = tpu.vector_load %arg6[%parallel_loop3A_580, %parallel_loop3A_581] {strides = array<i32>} : memref<8x2048xf32, #tpu.memory_space<vmem>>, vector<1x16xf32>,
        %parallel_loop3A_583 = vector.shape_cast %parallel_loop3A_582 : vector<1x16xf32> to vector<16xf32>
        %parallel_loop3A_584 = arith.addf %parallel_loop3A_578, %parallel_loop3A_583 : vector<16xf32>
        %parallel_loop3A_585 = arith.constant 3 : i32
        %parallel_loop3A_586 = arith.index_cast %parallel_loop3A_585 : i32 to index
        %parallel_loop3A_587 = arith.index_cast %parallel_loop3A_573 : i32 to index
        %parallel_loop3A_588 = tpu.vector_load %arg9[%parallel_loop3A_586, %parallel_loop3A_587] {strides = array<i32>} : memref<8x2048xf32, #tpu.memory_space<vmem>>, vector<1x16xf32>,
        %parallel_loop3A_589 = vector.shape_cast %parallel_loop3A_588 : vector<1x16xf32> to vector<16xf32>
        %parallel_loop3A_590 = vector.shape_cast %parallel_loop3A_584 : vector<16xf32> to vector<1x16xf32>
        tpu.vector_store %arg9[%parallel_loop3A_586, %parallel_loop3A_587], %parallel_loop3A_590 {strides = array<i32>} : memref<8x2048xf32, #tpu.memory_space<vmem>>, vector<1x16xf32>,
      } {sc.loop_unroll_factor = 8 : i64, sc.parallel_access}
      %parallel_loop3A_490 = arith.constant 0 : i32
      %parallel_loop3A_491 = arith.constant 2048 : i32
      %parallel_loop3A_492 = arith.constant 16 : i32
      scf.for %parallel_loop3A_573 = %parallel_loop3A_490 to %parallel_loop3A_491 step %parallel_loop3A_492  : i32 {
        %parallel_loop3A_574 = arith.constant 4 : i32
        %parallel_loop3A_575 = arith.index_cast %parallel_loop3A_574 : i32 to index
        %parallel_loop3A_576 = arith.index_cast %parallel_loop3A_573 : i32 to index
        %parallel_loop3A_577 = tpu.vector_load %arg9[%parallel_loop3A_575, %parallel_loop3A_576] {strides = array<i32>} : memref<8x2048xf32, #tpu.memory_space<vmem>>, vector<1x16xf32>,
        %parallel_loop3A_578 = vector.shape_cast %parallel_loop3A_577 : vector<1x16xf32> to vector<16xf32>
        %parallel_loop3A_579 = arith.constant 4 : i32
        %parallel_loop3A_580 = arith.index_cast %parallel_loop3A_579 : i32 to index
        %parallel_loop3A_581 = arith.index_cast %parallel_loop3A_573 : i32 to index
        %parallel_loop3A_582 = tpu.vector_load %arg6[%parallel_loop3A_580, %parallel_loop3A_581] {strides = array<i32>} : memref<8x2048xf32, #tpu.memory_space<vmem>>, vector<1x16xf32>,
        %parallel_loop3A_583 = vector.shape_cast %parallel_loop3A_582 : vector<1x16xf32> to vector<16xf32>
        %parallel_loop3A_584 = arith.addf %parallel_loop3A_578, %parallel_loop3A_583 : vector<16xf32>
        %parallel_loop3A_585 = arith.constant 4 : i32
        %parallel_loop3A_586 = arith.index_cast %parallel_loop3A_585 : i32 to index
        %parallel_loop3A_587 = arith.index_cast %parallel_loop3A_573 : i32 to index
        %parallel_loop3A_588 = tpu.vector_load %arg9[%parallel_loop3A_586, %parallel_loop3A_587] {strides = array<i32>} : memref<8x2048xf32, #tpu.memory_space<vmem>>, vector<1x16xf32>,
        %parallel_loop3A_589 = vector.shape_cast %parallel_loop3A_588 : vector<1x16xf32> to vector<16xf32>
        %parallel_loop3A_590 = vector.shape_cast %parallel_loop3A_584 : vector<16xf32> to vector<1x16xf32>
        tpu.vector_store %arg9[%parallel_loop3A_586, %parallel_loop3A_587], %parallel_loop3A_590 {strides = array<i32>} : memref<8x2048xf32, #tpu.memory_space<vmem>>, vector<1x16xf32>,
      } {sc.loop_unroll_factor = 8 : i64, sc.parallel_access}
      %parallel_loop3A_493 = arith.constant 0 : i32
      %parallel_loop3A_494 = arith.constant 2048 : i32
      %parallel_loop3A_495 = arith.constant 16 : i32
      scf.for %parallel_loop3A_573 = %parallel_loop3A_493 to %parallel_loop3A_494 step %parallel_loop3A_495  : i32 {
        %parallel_loop3A_574 = arith.constant 5 : i32
        %parallel_loop3A_575 = arith.index_cast %parallel_loop3A_574 : i32 to index
        %parallel_loop3A_576 = arith.index_cast %parallel_loop3A_573 : i32 to index
        %parallel_loop3A_577 = tpu.vector_load %arg9[%parallel_loop3A_575, %parallel_loop3A_576] {strides = array<i32>} : memref<8x2048xf32, #tpu.memory_space<vmem>>, vector<1x16xf32>,
        %parallel_loop3A_578 = vector.shape_cast %parallel_loop3A_577 : vector<1x16xf32> to vector<16xf32>
        %parallel_loop3A_579 = arith.constant 5 : i32
        %parallel_loop3A_580 = arith.index_cast %parallel_loop3A_579 : i32 to index
        %parallel_loop3A_581 = arith.index_cast %parallel_loop3A_573 : i32 to index
        %parallel_loop3A_582 = tpu.vector_load %arg6[%parallel_loop3A_580, %parallel_loop3A_581] {strides = array<i32>} : memref<8x2048xf32, #tpu.memory_space<vmem>>, vector<1x16xf32>,
        %parallel_loop3A_583 = vector.shape_cast %parallel_loop3A_582 : vector<1x16xf32> to vector<16xf32>
        %parallel_loop3A_584 = arith.addf %parallel_loop3A_578, %parallel_loop3A_583 : vector<16xf32>
        %parallel_loop3A_585 = arith.constant 5 : i32
        %parallel_loop3A_586 = arith.index_cast %parallel_loop3A_585 : i32 to index
        %parallel_loop3A_587 = arith.index_cast %parallel_loop3A_573 : i32 to index
        %parallel_loop3A_588 = tpu.vector_load %arg9[%parallel_loop3A_586, %parallel_loop3A_587] {strides = array<i32>} : memref<8x2048xf32, #tpu.memory_space<vmem>>, vector<1x16xf32>,
        %parallel_loop3A_589 = vector.shape_cast %parallel_loop3A_588 : vector<1x16xf32> to vector<16xf32>
        %parallel_loop3A_590 = vector.shape_cast %parallel_loop3A_584 : vector<16xf32> to vector<1x16xf32>
        tpu.vector_store %arg9[%parallel_loop3A_586, %parallel_loop3A_587], %parallel_loop3A_590 {strides = array<i32>} : memref<8x2048xf32, #tpu.memory_space<vmem>>, vector<1x16xf32>,
      } {sc.loop_unroll_factor = 8 : i64, sc.parallel_access}
      %parallel_loop3A_496 = arith.constant 0 : i32
      %parallel_loop3A_497 = arith.constant 2048 : i32
      %parallel_loop3A_498 = arith.constant 16 : i32
      scf.for %parallel_loop3A_573 = %parallel_loop3A_496 to %parallel_loop3A_497 step %parallel_loop3A_498  : i32 {
        %parallel_loop3A_574 = arith.constant 6 : i32
        %parallel_loop3A_575 = arith.index_cast %parallel_loop3A_574 : i32 to index
        %parallel_loop3A_576 = arith.index_cast %parallel_loop3A_573 : i32 to index
        %parallel_loop3A_577 = tpu.vector_load %arg9[%parallel_loop3A_575, %parallel_loop3A_576] {strides = array<i32>} : memref<8x2048xf32, #tpu.memory_space<vmem>>, vector<1x16xf32>,
        %parallel_loop3A_578 = vector.shape_cast %parallel_loop3A_577 : vector<1x16xf32> to vector<16xf32>
        %parallel_loop3A_579 = arith.constant 6 : i32
        %parallel_loop3A_580 = arith.index_cast %parallel_loop3A_579 : i32 to index
        %parallel_loop3A_581 = arith.index_cast %parallel_loop3A_573 : i32 to index
        %parallel_loop3A_582 = tpu.vector_load %arg6[%parallel_loop3A_580, %parallel_loop3A_581] {strides = array<i32>} : memref<8x2048xf32, #tpu.memory_space<vmem>>, vector<1x16xf32>,
        %parallel_loop3A_583 = vector.shape_cast %parallel_loop3A_582 : vector<1x16xf32> to vector<16xf32>
        %parallel_loop3A_584 = arith.addf %parallel_loop3A_578, %parallel_loop3A_583 : vector<16xf32>
        %parallel_loop3A_585 = arith.constant 6 : i32
        %parallel_loop3A_586 = arith.index_cast %parallel_loop3A_585 : i32 to index
        %parallel_loop3A_587 = arith.index_cast %parallel_loop3A_573 : i32 to index
        %parallel_loop3A_588 = tpu.vector_load %arg9[%parallel_loop3A_586, %parallel_loop3A_587] {strides = array<i32>} : memref<8x2048xf32, #tpu.memory_space<vmem>>, vector<1x16xf32>,
        %parallel_loop3A_589 = vector.shape_cast %parallel_loop3A_588 : vector<1x16xf32> to vector<16xf32>
        %parallel_loop3A_590 = vector.shape_cast %parallel_loop3A_584 : vector<16xf32> to vector<1x16xf32>
        tpu.vector_store %arg9[%parallel_loop3A_586, %parallel_loop3A_587], %parallel_loop3A_590 {strides = array<i32>} : memref<8x2048xf32, #tpu.memory_space<vmem>>, vector<1x16xf32>,
      } {sc.loop_unroll_factor = 8 : i64, sc.parallel_access}
      %parallel_loop3A_499 = arith.constant 0 : i32
      %parallel_loop3A_500 = arith.constant 2048 : i32
      %parallel_loop3A_501 = arith.constant 16 : i32
      scf.for %parallel_loop3A_573 = %parallel_loop3A_499 to %parallel_loop3A_500 step %parallel_loop3A_501  : i32 {
        %parallel_loop3A_574 = arith.constant 7 : i32
        %parallel_loop3A_575 = arith.index_cast %parallel_loop3A_574 : i32 to index
        %parallel_loop3A_576 = arith.index_cast %parallel_loop3A_573 : i32 to index
        %parallel_loop3A_577 = tpu.vector_load %arg9[%parallel_loop3A_575, %parallel_loop3A_576] {strides = array<i32>} : memref<8x2048xf32, #tpu.memory_space<vmem>>, vector<1x16xf32>,
        %parallel_loop3A_578 = vector.shape_cast %parallel_loop3A_577 : vector<1x16xf32> to vector<16xf32>
        %parallel_loop3A_579 = arith.constant 7 : i32
        %parallel_loop3A_580 = arith.index_cast %parallel_loop3A_579 : i32 to index
        %parallel_loop3A_581 = arith.index_cast %parallel_loop3A_573 : i32 to index
        %parallel_loop3A_582 = tpu.vector_load %arg6[%parallel_loop3A_580, %parallel_loop3A_581] {strides = array<i32>} : memref<8x2048xf32, #tpu.memory_space<vmem>>, vector<1x16xf32>,
        %parallel_loop3A_583 = vector.shape_cast %parallel_loop3A_582 : vector<1x16xf32> to vector<16xf32>
        %parallel_loop3A_584 = arith.addf %parallel_loop3A_578, %parallel_loop3A_583 : vector<16xf32>
        %parallel_loop3A_585 = arith.constant 7 : i32
        %parallel_loop3A_586 = arith.index_cast %parallel_loop3A_585 : i32 to index
        %parallel_loop3A_587 = arith.index_cast %parallel_loop3A_573 : i32 to index
        %parallel_loop3A_588 = tpu.vector_load %arg9[%parallel_loop3A_586, %parallel_loop3A_587] {strides = array<i32>} : memref<8x2048xf32, #tpu.memory_space<vmem>>, vector<1x16xf32>,
        %parallel_loop3A_589 = vector.shape_cast %parallel_loop3A_588 : vector<1x16xf32> to vector<16xf32>
        %parallel_loop3A_590 = vector.shape_cast %parallel_loop3A_584 : vector<16xf32> to vector<1x16xf32>
        tpu.vector_store %arg9[%parallel_loop3A_586, %parallel_loop3A_587], %parallel_loop3A_590 {strides = array<i32>} : memref<8x2048xf32, #tpu.memory_space<vmem>>, vector<1x16xf32>,
      } {sc.loop_unroll_factor = 8 : i64, sc.parallel_access}
      %mul3A_502 = arith.constant 8 : i32
      %mul3A_503 = arith.muli %add3A_53, %mul3A_502 : i32
      %add3A_504 = arith.addi %mul3A_4, %mul3A_503 : i32
      %dma_start3A_505 = arith.constant 2 : i32
      %dma_start3A_506 = arith.constant 2048 : i32
      %dma_start3A_507 = tpu.memref_slice %arg4[%dma_start3A_505, %add3A_504, %dma_start3A_506] : memref<4x2048x4096xf32, #tpu.memory_space<hbm>> -> memref<1x8x2048xf32, #tpu.memory_space<hbm>>
      %dma_start3A_508 = tpu.memref_squeeze %dma_start3A_507 : memref<1x8x2048xf32, #tpu.memory_space<hbm>> -> memref<8x2048xf32, #tpu.memory_space<hbm>>
      %dma_start3A_509 = arith.constant 2048 : i32
      %dma_start3A_510 = tpu.memref_slice %arg4[%dma_start3A_505, %add3A_504, %dma_start3A_509] : memref<4x2048x4096xf32, #tpu.memory_space<hbm>> -> memref<1x8x2048xf32, #tpu.memory_space<hbm>>
      %dma_start3A_511 = tpu.memref_squeeze %dma_start3A_510 : memref<1x8x2048xf32, #tpu.memory_space<hbm>> -> memref<8x2048xf32, #tpu.memory_space<hbm>>
      tpu.enqueue_dma source(%arg9 : memref<8x2048xf32, #tpu.memory_space<vmem>>) target(%dma_start3A_511 : memref<8x2048xf32, #tpu.memory_space<hbm>>) target_semaphore(%arg19 : memref<!tpu.dma_semaphore, #tpu.memory_space<semaphore_mem>>)
      %mul3A_512 = arith.constant 8 : i32
      %mul3A_513 = arith.muli %add3A_53, %mul3A_512 : i32
      %add3A_514 = arith.addi %mul3A_4, %mul3A_513 : i32
      %dma_wait3A_515 = arith.constant 3 : i32
      %dma_wait3A_516 = arith.constant 2048 : i32
      %dma_wait3A_517 = tpu.memref_slice %arg2[%dma_wait3A_515, %add3A_514, %dma_wait3A_516] : memref<4x2048x4096xf32, #tpu.memory_space<hbm>> -> memref<1x8x2048xf32, #tpu.memory_space<hbm>>
      %dma_wait3A_518 = tpu.memref_squeeze %dma_wait3A_517 : memref<1x8x2048xf32, #tpu.memory_space<hbm>> -> memref<8x2048xf32, #tpu.memory_space<hbm>>
      %dma_wait3A_519 = arith.constant 2048 : i32
      %dma_wait3A_520 = tpu.memref_slice %arg2[%dma_wait3A_515, %add3A_514, %dma_wait3A_519] : memref<4x2048x4096xf32, #tpu.memory_space<hbm>> -> memref<1x8x2048xf32, #tpu.memory_space<hbm>>
      %dma_wait3A_521 = tpu.memref_squeeze %dma_wait3A_520 : memref<1x8x2048xf32, #tpu.memory_space<hbm>> -> memref<8x2048xf32, #tpu.memory_space<hbm>>
      tpu.wait_dma2 semaphore(%arg16 : memref<!tpu.dma_semaphore, #tpu.memory_space<semaphore_mem>>) src(%dma_wait3A_521 : memref<8x2048xf32, #tpu.memory_space<hbm>>) dst(%arg10 : memref<8x2048xf32, #tpu.memory_space<vmem>>)
      %mul3A_522 = arith.constant 8 : i32
      %mul3A_523 = arith.muli %add3A_53, %mul3A_522 : i32
      %add3A_524 = arith.addi %mul3A_4, %mul3A_523 : i32
      %dma_wait3A_525 = arith.constant 1 : i32
      %dma_wait3A_526 = arith.constant 2048 : i32
      %dma_wait3A_527 = tpu.memref_slice %arg4[%dma_wait3A_525, %add3A_524, %dma_wait3A_526] : memref<4x2048x4096xf32, #tpu.memory_space<hbm>> -> memref<1x8x2048xf32, #tpu.memory_space<hbm>>
      %dma_wait3A_528 = tpu.memref_squeeze %dma_wait3A_527 : memref<1x8x2048xf32, #tpu.memory_space<hbm>> -> memref<8x2048xf32, #tpu.memory_space<hbm>>
      %dma_wait3A_529 = arith.constant 2048 : i32
      %dma_wait3A_530 = tpu.memref_slice %arg4[%dma_wait3A_525, %add3A_524, %dma_wait3A_529] : memref<4x2048x4096xf32, #tpu.memory_space<hbm>> -> memref<1x8x2048xf32, #tpu.memory_space<hbm>>
      %dma_wait3A_531 = tpu.memref_squeeze %dma_wait3A_530 : memref<1x8x2048xf32, #tpu.memory_space<hbm>> -> memref<8x2048xf32, #tpu.memory_space<hbm>>
      tpu.wait_dma2 semaphore(%arg18 : memref<!tpu.dma_semaphore, #tpu.memory_space<semaphore_mem>>) src(%arg8 : memref<8x2048xf32, #tpu.memory_space<vmem>>) dst(%dma_wait3A_531 : memref<8x2048xf32, #tpu.memory_space<hbm>>)
      %add3A_532 = arith.constant 1 : i32
      %add3A_533 = arith.addi %add3A_53, %add3A_532 : i32
      %lt3A_534 = arith.constant 8 : i32
      %lt3A_535 = arith.cmpi slt, %add3A_533, %lt3A_534 : i32
      %convert_element_type3A_536 = arith.extui %lt3A_535 : i1 to i32
      %cond3A_537 = arith.constant 0 : i32
      %cond3A_538 = arith.cmpi ne, %convert_element_type3A_536, %cond3A_537 : i32
      scf.if %cond3A_538 {
        %add3A_573 = arith.constant 1 : i32
        %add3A_574 = arith.addi %add3A_53, %add3A_573 : i32
        %mul3A_575 = arith.constant 8 : i32
        %mul3A_576 = arith.muli %add3A_574, %mul3A_575 : i32
        %add3A_577 = arith.addi %mul3A_4, %mul3A_576 : i32
        %dma_start3A_578 = arith.constant 1 : i32
        %dma_start3A_579 = arith.constant 0 : i32
        %dma_start3A_580 = tpu.memref_slice %arg2[%dma_start3A_578, %add3A_577, %dma_start3A_579] : memref<4x2048x4096xf32, #tpu.memory_space<hbm>> -> memref<1x8x2048xf32, #tpu.memory_space<hbm>>
        %dma_start3A_581 = tpu.memref_squeeze %dma_start3A_580 : memref<1x8x2048xf32, #tpu.memory_space<hbm>> -> memref<8x2048xf32, #tpu.memory_space<hbm>>
        %dma_start3A_582 = arith.constant 0 : i32
        %dma_start3A_583 = tpu.memref_slice %arg2[%dma_start3A_578, %add3A_577, %dma_start3A_582] : memref<4x2048x4096xf32, #tpu.memory_space<hbm>> -> memref<1x8x2048xf32, #tpu.memory_space<hbm>>
        %dma_start3A_584 = tpu.memref_squeeze %dma_start3A_583 : memref<1x8x2048xf32, #tpu.memory_space<hbm>> -> memref<8x2048xf32, #tpu.memory_space<hbm>>
        tpu.enqueue_dma source(%dma_start3A_584 : memref<8x2048xf32, #tpu.memory_space<hbm>>) target(%arg8 : memref<8x2048xf32, #tpu.memory_space<vmem>>) target_semaphore(%arg14 : memref<!tpu.dma_semaphore, #tpu.memory_space<semaphore_mem>>)
      } else {
      }
      %parallel_loop3A_539 = arith.constant 0 : i32
      %parallel_loop3A_540 = arith.constant 2048 : i32
      %parallel_loop3A_541 = arith.constant 16 : i32
      scf.for %parallel_loop3A_573 = %parallel_loop3A_539 to %parallel_loop3A_540 step %parallel_loop3A_541  : i32 {
        %parallel_loop3A_574 = arith.constant 0 : i32
        %parallel_loop3A_575 = arith.index_cast %parallel_loop3A_574 : i32 to index
        %parallel_loop3A_576 = arith.index_cast %parallel_loop3A_573 : i32 to index
        %parallel_loop3A_577 = tpu.vector_load %arg10[%parallel_loop3A_575, %parallel_loop3A_576] {strides = array<i32>} : memref<8x2048xf32, #tpu.memory_space<vmem>>, vector<1x16xf32>,
        %parallel_loop3A_578 = vector.shape_cast %parallel_loop3A_577 : vector<1x16xf32> to vector<16xf32>
        %parallel_loop3A_579 = arith.constant 0 : i32
        %parallel_loop3A_580 = arith.index_cast %parallel_loop3A_579 : i32 to index
        %parallel_loop3A_581 = arith.index_cast %parallel_loop3A_573 : i32 to index
        %parallel_loop3A_582 = tpu.vector_load %arg6[%parallel_loop3A_580, %parallel_loop3A_581] {strides = array<i32>} : memref<8x2048xf32, #tpu.memory_space<vmem>>, vector<1x16xf32>,
        %parallel_loop3A_583 = vector.shape_cast %parallel_loop3A_582 : vector<1x16xf32> to vector<16xf32>
        %parallel_loop3A_584 = arith.addf %parallel_loop3A_578, %parallel_loop3A_583 : vector<16xf32>
        %parallel_loop3A_585 = arith.constant 0 : i32
        %parallel_loop3A_586 = arith.index_cast %parallel_loop3A_585 : i32 to index
        %parallel_loop3A_587 = arith.index_cast %parallel_loop3A_573 : i32 to index
        %parallel_loop3A_588 = tpu.vector_load %arg10[%parallel_loop3A_586, %parallel_loop3A_587] {strides = array<i32>} : memref<8x2048xf32, #tpu.memory_space<vmem>>, vector<1x16xf32>,
        %parallel_loop3A_589 = vector.shape_cast %parallel_loop3A_588 : vector<1x16xf32> to vector<16xf32>
        %parallel_loop3A_590 = vector.shape_cast %parallel_loop3A_584 : vector<16xf32> to vector<1x16xf32>
        tpu.vector_store %arg10[%parallel_loop3A_586, %parallel_loop3A_587], %parallel_loop3A_590 {strides = array<i32>} : memref<8x2048xf32, #tpu.memory_space<vmem>>, vector<1x16xf32>,
      } {sc.loop_unroll_factor = 8 : i64, sc.parallel_access}
      %parallel_loop3A_542 = arith.constant 0 : i32
      %parallel_loop3A_543 = arith.constant 2048 : i32
      %parallel_loop3A_544 = arith.constant 16 : i32
      scf.for %parallel_loop3A_573 = %parallel_loop3A_542 to %parallel_loop3A_543 step %parallel_loop3A_544  : i32 {
        %parallel_loop3A_574 = arith.constant 1 : i32
        %parallel_loop3A_575 = arith.index_cast %parallel_loop3A_574 : i32 to index
        %parallel_loop3A_576 = arith.index_cast %parallel_loop3A_573 : i32 to index
        %parallel_loop3A_577 = tpu.vector_load %arg10[%parallel_loop3A_575, %parallel_loop3A_576] {strides = array<i32>} : memref<8x2048xf32, #tpu.memory_space<vmem>>, vector<1x16xf32>,
        %parallel_loop3A_578 = vector.shape_cast %parallel_loop3A_577 : vector<1x16xf32> to vector<16xf32>
        %parallel_loop3A_579 = arith.constant 1 : i32
        %parallel_loop3A_580 = arith.index_cast %parallel_loop3A_579 : i32 to index
        %parallel_loop3A_581 = arith.index_cast %parallel_loop3A_573 : i32 to index
        %parallel_loop3A_582 = tpu.vector_load %arg6[%parallel_loop3A_580, %parallel_loop3A_581] {strides = array<i32>} : memref<8x2048xf32, #tpu.memory_space<vmem>>, vector<1x16xf32>,
        %parallel_loop3A_583 = vector.shape_cast %parallel_loop3A_582 : vector<1x16xf32> to vector<16xf32>
        %parallel_loop3A_584 = arith.addf %parallel_loop3A_578, %parallel_loop3A_583 : vector<16xf32>
        %parallel_loop3A_585 = arith.constant 1 : i32
        %parallel_loop3A_586 = arith.index_cast %parallel_loop3A_585 : i32 to index
        %parallel_loop3A_587 = arith.index_cast %parallel_loop3A_573 : i32 to index
        %parallel_loop3A_588 = tpu.vector_load %arg10[%parallel_loop3A_586, %parallel_loop3A_587] {strides = array<i32>} : memref<8x2048xf32, #tpu.memory_space<vmem>>, vector<1x16xf32>,
        %parallel_loop3A_589 = vector.shape_cast %parallel_loop3A_588 : vector<1x16xf32> to vector<16xf32>
        %parallel_loop3A_590 = vector.shape_cast %parallel_loop3A_584 : vector<16xf32> to vector<1x16xf32>
        tpu.vector_store %arg10[%parallel_loop3A_586, %parallel_loop3A_587], %parallel_loop3A_590 {strides = array<i32>} : memref<8x2048xf32, #tpu.memory_space<vmem>>, vector<1x16xf32>,
      } {sc.loop_unroll_factor = 8 : i64, sc.parallel_access}
      %parallel_loop3A_545 = arith.constant 0 : i32
      %parallel_loop3A_546 = arith.constant 2048 : i32
      %parallel_loop3A_547 = arith.constant 16 : i32
      scf.for %parallel_loop3A_573 = %parallel_loop3A_545 to %parallel_loop3A_546 step %parallel_loop3A_547  : i32 {
        %parallel_loop3A_574 = arith.constant 2 : i32
        %parallel_loop3A_575 = arith.index_cast %parallel_loop3A_574 : i32 to index
        %parallel_loop3A_576 = arith.index_cast %parallel_loop3A_573 : i32 to index
        %parallel_loop3A_577 = tpu.vector_load %arg10[%parallel_loop3A_575, %parallel_loop3A_576] {strides = array<i32>} : memref<8x2048xf32, #tpu.memory_space<vmem>>, vector<1x16xf32>,
        %parallel_loop3A_578 = vector.shape_cast %parallel_loop3A_577 : vector<1x16xf32> to vector<16xf32>
        %parallel_loop3A_579 = arith.constant 2 : i32
        %parallel_loop3A_580 = arith.index_cast %parallel_loop3A_579 : i32 to index
        %parallel_loop3A_581 = arith.index_cast %parallel_loop3A_573 : i32 to index
        %parallel_loop3A_582 = tpu.vector_load %arg6[%parallel_loop3A_580, %parallel_loop3A_581] {strides = array<i32>} : memref<8x2048xf32, #tpu.memory_space<vmem>>, vector<1x16xf32>,
        %parallel_loop3A_583 = vector.shape_cast %parallel_loop3A_582 : vector<1x16xf32> to vector<16xf32>
        %parallel_loop3A_584 = arith.addf %parallel_loop3A_578, %parallel_loop3A_583 : vector<16xf32>
        %parallel_loop3A_585 = arith.constant 2 : i32
        %parallel_loop3A_586 = arith.index_cast %parallel_loop3A_585 : i32 to index
        %parallel_loop3A_587 = arith.index_cast %parallel_loop3A_573 : i32 to index
        %parallel_loop3A_588 = tpu.vector_load %arg10[%parallel_loop3A_586, %parallel_loop3A_587] {strides = array<i32>} : memref<8x2048xf32, #tpu.memory_space<vmem>>, vector<1x16xf32>,
        %parallel_loop3A_589 = vector.shape_cast %parallel_loop3A_588 : vector<1x16xf32> to vector<16xf32>
        %parallel_loop3A_590 = vector.shape_cast %parallel_loop3A_584 : vector<16xf32> to vector<1x16xf32>
        tpu.vector_store %arg10[%parallel_loop3A_586, %parallel_loop3A_587], %parallel_loop3A_590 {strides = array<i32>} : memref<8x2048xf32, #tpu.memory_space<vmem>>, vector<1x16xf32>,
      } {sc.loop_unroll_factor = 8 : i64, sc.parallel_access}
      %parallel_loop3A_548 = arith.constant 0 : i32
      %parallel_loop3A_549 = arith.constant 2048 : i32
      %parallel_loop3A_550 = arith.constant 16 : i32
      scf.for %parallel_loop3A_573 = %parallel_loop3A_548 to %parallel_loop3A_549 step %parallel_loop3A_550  : i32 {
        %parallel_loop3A_574 = arith.constant 3 : i32
        %parallel_loop3A_575 = arith.index_cast %parallel_loop3A_574 : i32 to index
        %parallel_loop3A_576 = arith.index_cast %parallel_loop3A_573 : i32 to index
        %parallel_loop3A_577 = tpu.vector_load %arg10[%parallel_loop3A_575, %parallel_loop3A_576] {strides = array<i32>} : memref<8x2048xf32, #tpu.memory_space<vmem>>, vector<1x16xf32>,
        %parallel_loop3A_578 = vector.shape_cast %parallel_loop3A_577 : vector<1x16xf32> to vector<16xf32>
        %parallel_loop3A_579 = arith.constant 3 : i32
        %parallel_loop3A_580 = arith.index_cast %parallel_loop3A_579 : i32 to index
        %parallel_loop3A_581 = arith.index_cast %parallel_loop3A_573 : i32 to index
        %parallel_loop3A_582 = tpu.vector_load %arg6[%parallel_loop3A_580, %parallel_loop3A_581] {strides = array<i32>} : memref<8x2048xf32, #tpu.memory_space<vmem>>, vector<1x16xf32>,
        %parallel_loop3A_583 = vector.shape_cast %parallel_loop3A_582 : vector<1x16xf32> to vector<16xf32>
        %parallel_loop3A_584 = arith.addf %parallel_loop3A_578, %parallel_loop3A_583 : vector<16xf32>
        %parallel_loop3A_585 = arith.constant 3 : i32
        %parallel_loop3A_586 = arith.index_cast %parallel_loop3A_585 : i32 to index
        %parallel_loop3A_587 = arith.index_cast %parallel_loop3A_573 : i32 to index
        %parallel_loop3A_588 = tpu.vector_load %arg10[%parallel_loop3A_586, %parallel_loop3A_587] {strides = array<i32>} : memref<8x2048xf32, #tpu.memory_space<vmem>>, vector<1x16xf32>,
        %parallel_loop3A_589 = vector.shape_cast %parallel_loop3A_588 : vector<1x16xf32> to vector<16xf32>
        %parallel_loop3A_590 = vector.shape_cast %parallel_loop3A_584 : vector<16xf32> to vector<1x16xf32>
        tpu.vector_store %arg10[%parallel_loop3A_586, %parallel_loop3A_587], %parallel_loop3A_590 {strides = array<i32>} : memref<8x2048xf32, #tpu.memory_space<vmem>>, vector<1x16xf32>,
      } {sc.loop_unroll_factor = 8 : i64, sc.parallel_access}
      %parallel_loop3A_551 = arith.constant 0 : i32
      %parallel_loop3A_552 = arith.constant 2048 : i32
      %parallel_loop3A_553 = arith.constant 16 : i32
      scf.for %parallel_loop3A_573 = %parallel_loop3A_551 to %parallel_loop3A_552 step %parallel_loop3A_553  : i32 {
        %parallel_loop3A_574 = arith.constant 4 : i32
        %parallel_loop3A_575 = arith.index_cast %parallel_loop3A_574 : i32 to index
        %parallel_loop3A_576 = arith.index_cast %parallel_loop3A_573 : i32 to index
        %parallel_loop3A_577 = tpu.vector_load %arg10[%parallel_loop3A_575, %parallel_loop3A_576] {strides = array<i32>} : memref<8x2048xf32, #tpu.memory_space<vmem>>, vector<1x16xf32>,
        %parallel_loop3A_578 = vector.shape_cast %parallel_loop3A_577 : vector<1x16xf32> to vector<16xf32>
        %parallel_loop3A_579 = arith.constant 4 : i32
        %parallel_loop3A_580 = arith.index_cast %parallel_loop3A_579 : i32 to index
        %parallel_loop3A_581 = arith.index_cast %parallel_loop3A_573 : i32 to index
        %parallel_loop3A_582 = tpu.vector_load %arg6[%parallel_loop3A_580, %parallel_loop3A_581] {strides = array<i32>} : memref<8x2048xf32, #tpu.memory_space<vmem>>, vector<1x16xf32>,
        %parallel_loop3A_583 = vector.shape_cast %parallel_loop3A_582 : vector<1x16xf32> to vector<16xf32>
        %parallel_loop3A_584 = arith.addf %parallel_loop3A_578, %parallel_loop3A_583 : vector<16xf32>
        %parallel_loop3A_585 = arith.constant 4 : i32
        %parallel_loop3A_586 = arith.index_cast %parallel_loop3A_585 : i32 to index
        %parallel_loop3A_587 = arith.index_cast %parallel_loop3A_573 : i32 to index
        %parallel_loop3A_588 = tpu.vector_load %arg10[%parallel_loop3A_586, %parallel_loop3A_587] {strides = array<i32>} : memref<8x2048xf32, #tpu.memory_space<vmem>>, vector<1x16xf32>,
        %parallel_loop3A_589 = vector.shape_cast %parallel_loop3A_588 : vector<1x16xf32> to vector<16xf32>
        %parallel_loop3A_590 = vector.shape_cast %parallel_loop3A_584 : vector<16xf32> to vector<1x16xf32>
        tpu.vector_store %arg10[%parallel_loop3A_586, %parallel_loop3A_587], %parallel_loop3A_590 {strides = array<i32>} : memref<8x2048xf32, #tpu.memory_space<vmem>>, vector<1x16xf32>,
      } {sc.loop_unroll_factor = 8 : i64, sc.parallel_access}
      %parallel_loop3A_554 = arith.constant 0 : i32
      %parallel_loop3A_555 = arith.constant 2048 : i32
      %parallel_loop3A_556 = arith.constant 16 : i32
      scf.for %parallel_loop3A_573 = %parallel_loop3A_554 to %parallel_loop3A_555 step %parallel_loop3A_556  : i32 {
        %parallel_loop3A_574 = arith.constant 5 : i32
        %parallel_loop3A_575 = arith.index_cast %parallel_loop3A_574 : i32 to index
        %parallel_loop3A_576 = arith.index_cast %parallel_loop3A_573 : i32 to index
        %parallel_loop3A_577 = tpu.vector_load %arg10[%parallel_loop3A_575, %parallel_loop3A_576] {strides = array<i32>} : memref<8x2048xf32, #tpu.memory_space<vmem>>, vector<1x16xf32>,
        %parallel_loop3A_578 = vector.shape_cast %parallel_loop3A_577 : vector<1x16xf32> to vector<16xf32>
        %parallel_loop3A_579 = arith.constant 5 : i32
        %parallel_loop3A_580 = arith.index_cast %parallel_loop3A_579 : i32 to index
        %parallel_loop3A_581 = arith.index_cast %parallel_loop3A_573 : i32 to index
        %parallel_loop3A_582 = tpu.vector_load %arg6[%parallel_loop3A_580, %parallel_loop3A_581] {strides = array<i32>} : memref<8x2048xf32, #tpu.memory_space<vmem>>, vector<1x16xf32>,
        %parallel_loop3A_583 = vector.shape_cast %parallel_loop3A_582 : vector<1x16xf32> to vector<16xf32>
        %parallel_loop3A_584 = arith.addf %parallel_loop3A_578, %parallel_loop3A_583 : vector<16xf32>
        %parallel_loop3A_585 = arith.constant 5 : i32
        %parallel_loop3A_586 = arith.index_cast %parallel_loop3A_585 : i32 to index
        %parallel_loop3A_587 = arith.index_cast %parallel_loop3A_573 : i32 to index
        %parallel_loop3A_588 = tpu.vector_load %arg10[%parallel_loop3A_586, %parallel_loop3A_587] {strides = array<i32>} : memref<8x2048xf32, #tpu.memory_space<vmem>>, vector<1x16xf32>,
        %parallel_loop3A_589 = vector.shape_cast %parallel_loop3A_588 : vector<1x16xf32> to vector<16xf32>
        %parallel_loop3A_590 = vector.shape_cast %parallel_loop3A_584 : vector<16xf32> to vector<1x16xf32>
        tpu.vector_store %arg10[%parallel_loop3A_586, %parallel_loop3A_587], %parallel_loop3A_590 {strides = array<i32>} : memref<8x2048xf32, #tpu.memory_space<vmem>>, vector<1x16xf32>,
      } {sc.loop_unroll_factor = 8 : i64, sc.parallel_access}
      %parallel_loop3A_557 = arith.constant 0 : i32
      %parallel_loop3A_558 = arith.constant 2048 : i32
      %parallel_loop3A_559 = arith.constant 16 : i32
      scf.for %parallel_loop3A_573 = %parallel_loop3A_557 to %parallel_loop3A_558 step %parallel_loop3A_559  : i32 {
        %parallel_loop3A_574 = arith.constant 6 : i32
        %parallel_loop3A_575 = arith.index_cast %parallel_loop3A_574 : i32 to index
        %parallel_loop3A_576 = arith.index_cast %parallel_loop3A_573 : i32 to index
        %parallel_loop3A_577 = tpu.vector_load %arg10[%parallel_loop3A_575, %parallel_loop3A_576] {strides = array<i32>} : memref<8x2048xf32, #tpu.memory_space<vmem>>, vector<1x16xf32>,
        %parallel_loop3A_578 = vector.shape_cast %parallel_loop3A_577 : vector<1x16xf32> to vector<16xf32>
        %parallel_loop3A_579 = arith.constant 6 : i32
        %parallel_loop3A_580 = arith.index_cast %parallel_loop3A_579 : i32 to index
        %parallel_loop3A_581 = arith.index_cast %parallel_loop3A_573 : i32 to index
        %parallel_loop3A_582 = tpu.vector_load %arg6[%parallel_loop3A_580, %parallel_loop3A_581] {strides = array<i32>} : memref<8x2048xf32, #tpu.memory_space<vmem>>, vector<1x16xf32>,
        %parallel_loop3A_583 = vector.shape_cast %parallel_loop3A_582 : vector<1x16xf32> to vector<16xf32>
        %parallel_loop3A_584 = arith.addf %parallel_loop3A_578, %parallel_loop3A_583 : vector<16xf32>
        %parallel_loop3A_585 = arith.constant 6 : i32
        %parallel_loop3A_586 = arith.index_cast %parallel_loop3A_585 : i32 to index
        %parallel_loop3A_587 = arith.index_cast %parallel_loop3A_573 : i32 to index
        %parallel_loop3A_588 = tpu.vector_load %arg10[%parallel_loop3A_586, %parallel_loop3A_587] {strides = array<i32>} : memref<8x2048xf32, #tpu.memory_space<vmem>>, vector<1x16xf32>,
        %parallel_loop3A_589 = vector.shape_cast %parallel_loop3A_588 : vector<1x16xf32> to vector<16xf32>
        %parallel_loop3A_590 = vector.shape_cast %parallel_loop3A_584 : vector<16xf32> to vector<1x16xf32>
        tpu.vector_store %arg10[%parallel_loop3A_586, %parallel_loop3A_587], %parallel_loop3A_590 {strides = array<i32>} : memref<8x2048xf32, #tpu.memory_space<vmem>>, vector<1x16xf32>,
      } {sc.loop_unroll_factor = 8 : i64, sc.parallel_access}
      %parallel_loop3A_560 = arith.constant 0 : i32
      %parallel_loop3A_561 = arith.constant 2048 : i32
      %parallel_loop3A_562 = arith.constant 16 : i32
      scf.for %parallel_loop3A_573 = %parallel_loop3A_560 to %parallel_loop3A_561 step %parallel_loop3A_562  : i32 {
        %parallel_loop3A_574 = arith.constant 7 : i32
        %parallel_loop3A_575 = arith.index_cast %parallel_loop3A_574 : i32 to index
        %parallel_loop3A_576 = arith.index_cast %parallel_loop3A_573 : i32 to index
        %parallel_loop3A_577 = tpu.vector_load %arg10[%parallel_loop3A_575, %parallel_loop3A_576] {strides = array<i32>} : memref<8x2048xf32, #tpu.memory_space<vmem>>, vector<1x16xf32>,
        %parallel_loop3A_578 = vector.shape_cast %parallel_loop3A_577 : vector<1x16xf32> to vector<16xf32>
        %parallel_loop3A_579 = arith.constant 7 : i32
        %parallel_loop3A_580 = arith.index_cast %parallel_loop3A_579 : i32 to index
        %parallel_loop3A_581 = arith.index_cast %parallel_loop3A_573 : i32 to index
        %parallel_loop3A_582 = tpu.vector_load %arg6[%parallel_loop3A_580, %parallel_loop3A_581] {strides = array<i32>} : memref<8x2048xf32, #tpu.memory_space<vmem>>, vector<1x16xf32>,
        %parallel_loop3A_583 = vector.shape_cast %parallel_loop3A_582 : vector<1x16xf32> to vector<16xf32>
        %parallel_loop3A_584 = arith.addf %parallel_loop3A_578, %parallel_loop3A_583 : vector<16xf32>
        %parallel_loop3A_585 = arith.constant 7 : i32
        %parallel_loop3A_586 = arith.index_cast %parallel_loop3A_585 : i32 to index
        %parallel_loop3A_587 = arith.index_cast %parallel_loop3A_573 : i32 to index
        %parallel_loop3A_588 = tpu.vector_load %arg10[%parallel_loop3A_586, %parallel_loop3A_587] {strides = array<i32>} : memref<8x2048xf32, #tpu.memory_space<vmem>>, vector<1x16xf32>,
        %parallel_loop3A_589 = vector.shape_cast %parallel_loop3A_588 : vector<1x16xf32> to vector<16xf32>
        %parallel_loop3A_590 = vector.shape_cast %parallel_loop3A_584 : vector<16xf32> to vector<1x16xf32>
        tpu.vector_store %arg10[%parallel_loop3A_586, %parallel_loop3A_587], %parallel_loop3A_590 {strides = array<i32>} : memref<8x2048xf32, #tpu.memory_space<vmem>>, vector<1x16xf32>,
      } {sc.loop_unroll_factor = 8 : i64, sc.parallel_access}
      %mul3A_563 = arith.constant 8 : i32
      %mul3A_564 = arith.muli %add3A_53, %mul3A_563 : i32
      %add3A_565 = arith.addi %mul3A_4, %mul3A_564 : i32
      %dma_start3A_566 = arith.constant 3 : i32
      %dma_start3A_567 = arith.constant 2048 : i32
      %dma_start3A_568 = tpu.memref_slice %arg4[%dma_start3A_566, %add3A_565, %dma_start3A_567] : memref<4x2048x4096xf32, #tpu.memory_space<hbm>> -> memref<1x8x2048xf32, #tpu.memory_space<hbm>>
      %dma_start3A_569 = tpu.memref_squeeze %dma_start3A_568 : memref<1x8x2048xf32, #tpu.memory_space<hbm>> -> memref<8x2048xf32, #tpu.memory_space<hbm>>
      %dma_start3A_570 = arith.constant 2048 : i32
      %dma_start3A_571 = tpu.memref_slice %arg4[%dma_start3A_566, %add3A_565, %dma_start3A_570] : memref<4x2048x4096xf32, #tpu.memory_space<hbm>> -> memref<1x8x2048xf32, #tpu.memory_space<hbm>>
      %dma_start3A_572 = tpu.memref_squeeze %dma_start3A_571 : memref<1x8x2048xf32, #tpu.memory_space<hbm>> -> memref<8x2048xf32, #tpu.memory_space<hbm>>
      tpu.enqueue_dma source(%arg10 : memref<8x2048xf32, #tpu.memory_space<vmem>>) target(%dma_start3A_572 : memref<8x2048xf32, #tpu.memory_space<hbm>>) target_semaphore(%arg20 : memref<!tpu.dma_semaphore, #tpu.memory_space<semaphore_mem>>)
    }
    %scan3A_31 = arith.constant 8 : i32
    %add3A_32 = arith.constant 56 : i32
    %add3A_33 = arith.addi %mul3A_4, %add3A_32 : i32
    %dma_wait3A = arith.constant 2 : i32
    %dma_wait3A_34 = arith.constant 2048 : i32
    %dma_wait3A_35 = tpu.memref_slice %arg4[%dma_wait3A, %add3A_33, %dma_wait3A_34] : memref<4x2048x4096xf32, #tpu.memory_space<hbm>> -> memref<1x8x2048xf32, #tpu.memory_space<hbm>>
    %dma_wait3A_36 = tpu.memref_squeeze %dma_wait3A_35 : memref<1x8x2048xf32, #tpu.memory_space<hbm>> -> memref<8x2048xf32, #tpu.memory_space<hbm>>
    %dma_wait3A_37 = arith.constant 2048 : i32
    %dma_wait3A_38 = tpu.memref_slice %arg4[%dma_wait3A, %add3A_33, %dma_wait3A_37] : memref<4x2048x4096xf32, #tpu.memory_space<hbm>> -> memref<1x8x2048xf32, #tpu.memory_space<hbm>>
    %dma_wait3A_39 = tpu.memref_squeeze %dma_wait3A_38 : memref<1x8x2048xf32, #tpu.memory_space<hbm>> -> memref<8x2048xf32, #tpu.memory_space<hbm>>
    tpu.wait_dma2 semaphore(%arg19 : memref<!tpu.dma_semaphore, #tpu.memory_space<semaphore_mem>>) src(%arg9 : memref<8x2048xf32, #tpu.memory_space<vmem>>) dst(%dma_wait3A_39 : memref<8x2048xf32, #tpu.memory_space<hbm>>)
    %add3A_40 = arith.constant 56 : i32
    %add3A_41 = arith.addi %mul3A_4, %add3A_40 : i32
    %dma_wait3A_42 = arith.constant 3 : i32
    %dma_wait3A_43 = arith.constant 2048 : i32
    %dma_wait3A_44 = tpu.memref_slice %arg4[%dma_wait3A_42, %add3A_41, %dma_wait3A_43] : memref<4x2048x4096xf32, #tpu.memory_space<hbm>> -> memref<1x8x2048xf32, #tpu.memory_space<hbm>>
    %dma_wait3A_45 = tpu.memref_squeeze %dma_wait3A_44 : memref<1x8x2048xf32, #tpu.memory_space<hbm>> -> memref<8x2048xf32, #tpu.memory_space<hbm>>
    %dma_wait3A_46 = arith.constant 2048 : i32
    %dma_wait3A_47 = tpu.memref_slice %arg4[%dma_wait3A_42, %add3A_41, %dma_wait3A_46] : memref<4x2048x4096xf32, #tpu.memory_space<hbm>> -> memref<1x8x2048xf32, #tpu.memory_space<hbm>>
    %dma_wait3A_48 = tpu.memref_squeeze %dma_wait3A_47 : memref<1x8x2048xf32, #tpu.memory_space<hbm>> -> memref<8x2048xf32, #tpu.memory_space<hbm>>
    tpu.wait_dma2 semaphore(%arg20 : memref<!tpu.dma_semaphore, #tpu.memory_space<semaphore_mem>>) src(%arg10 : memref<8x2048xf32, #tpu.memory_space<vmem>>) dst(%dma_wait3A_48 : memref<8x2048xf32, #tpu.memory_space<hbm>>)
    return
  }
}

</mosaic_0001>

<sc_bundles>
// kernel: kernel.3.cloned.1.call-start
scs
__scs_entry_jumppad:
0x0: {  	(pc) =	sbr.rel $0x88, $3  }
0x1: {  	(tag) =	ssettag $0x0;
	lr =	simm.s32 $0x1  }
0x2: {  	[smem:$0x3F9F] =	sst lr;
	_ =	strace $0xD0000000  }
0x3: {  	_ = 	snop  }
0x4: {  	_ = 	snop  }
0x5: {  	_ = 	snop  }
0x6: {  	_ = 	snop  }
0x7: {  	_ = 	snop  }
__scs_overlays_trampoline_lowered:
0x8: {  	[smem:$0x3FAE] =	sst s0  }
0x9: {  	[smem:$0x3FAF] =	sst s1  }
0xa: {  	[smem:$0x3FB0] =	sst s2  }
0xb: {  	[smem:$0x3FB1] =	sst s3  }
0xc: {  	[smem:$0x3FB2] =	sst s4  }
0xd: {  	[smem:$0x3FB3] =	sst s5  }
0xe: {  	[smem:$0x3FB4] =	sst s6  }
0xf: {  	[smem:$0x3FB5] =	sst s7  }
0x10: {  	[smem:$0x3FB6] =	sst s8  }
0x11: {  	[smem:$0x3FB7] =	sst s9;
	s0 =	simm.s32 @!p0 $0x0  }
0x12: {  	s1 =	sld [smem:$0x3F9D];
	s0 =	simm.s32 @p0 $0x1  }
0x13: {  	[smem:$0x3FB8] =	sst s0;
	s0 =	simm.s32 @!p1 $0x0  }
0x14: {  	s2 =	sld [smem:$0x3F9C];
	s0 =	simm.s32 @p1 $0x1  }
0x15: {  	[smem:$0x3FB9] =	sst s0;
	s0 =	simm.s32 @!p2 $0x0  }
0x16: {  	s3 =	sld [smem:$0x3FDB];
	s0 =	simm.s32 @p2 $0x1  }
0x17: {  	s4 =	simm.s32 $0x1BF5;
	[smem:$0x3FBB] =	sst s0  }
0x18: {  	s0 =	sld [smem:$0x3F9E];
	_ =	swait.ge [sflag:s4], $0x0  }
0x19: {  	s7 =	sld [smem:$0x3F9F]  }
0x1a: {  	s8 =	sadd.s32 $0xFFFFE003, lr  }
0x1b: {  	s9 =	sadd.s32 $0xFFFFFEF7, lr;
	s5 =	simm.s32 $0xFFFFFFFF;
	p2 =	slt.u32 s8, $0xFFFFF086  }
0x1c: {  	p1 =	slt.u32 s9, $0xF7A;
	s5 =	simm.s32 @!p2 $0x0  }
0x1d: {  	s5 =	simm.s32 @p1 $0x1;
	p0 =	seq.s32 s7, s2  }
0x1e: {  	s7 =	smul.u32 @!p0 $0xF7A, s2;
	p2 =	seq.s32 @!p0 s5, $0x0  }
0x1f: {  	s9 =	smul.u32 $0xF7A, s1;
	s8 =	simm.s32 @!p0 $0x1BF5;
	p2 =	por !p2, p0  }
0x20: {  	[sflag:s8] =	ssyncset.s32 @!p0 $0xFFFFF086;
	s6 =	sadd.s32 @!p0 s3, s7;
	s7 =	simm.s32 @!p0 $0x108  }
0x21: {  	s3 =	sadd.s32 s3, s9;
	s6 =	sadd.s32 @!p0 $0x88, s6;
	s7 =	simm.s32 @p2 $0x1082  }
0x22: {  	[simem:s7], [sflag:s8] =	dma.local @!p0 [hbm:s6], $0xF7A  }
0x23: {  	s9 =	sor.u32 $0xD0000000, s2;
	s6 =	simm.s32 $0x108;
	_ =	swait.ge @!p0 [sflag:s8], $0x0  }
0x24: {  	s3 =	sadd.s32 $0x88, s3;
	s6 =	simm.s32 @!p1 $0x1082;
	[sflag:s4] =	ssyncset.s32 $0xFFFFF086  }
0x25: {  	[simem:s6], [sflag:s4] =	dma.local [hbm:s3], $0xF7A  }
0x26: {  	[smem:$0x3F9F] =	sst s1;
	(tag) =	ssettag s2;
	_ =	strace s9  }
0x27: {  	s1 =	sld [smem:$0x3FAF]  }
0x28: {  	s2 =	sld [smem:$0x3FB0]  }
0x29: {  	s4 =	sld [smem:$0x3FB2]  }
0x2a: {  	p0 =	seq.s32 s5, $0x0;
	s5 =	sld [smem:$0x3FB3]  }
0x2b: {  	s6 =	sld [smem:$0x3FB4]  }
0x2c: {  	s7 =	sld [smem:$0x3FB5]  }
0x2d: {  	s3 =	simm.s32 $0x108;
	s8 =	sld [smem:$0x3FB6]  }
0x2e: {  	s3 =	simm.s32 @!p0 $0x1082;
	s9 =	sld [smem:$0x3FB7]  }
0x2f: {  	lr =	sadd.s32 s0, s3;
	s0 =	sld [smem:$0x3FAE]  }
0x30: {  	s3 =	sld [smem:$0x3FB1]  }
0x31: {  	[smem:$0x3FBA] =	sst s10  }
0x32: {  	s10 =	sld [smem:$0x3FB8];
	_ =	sdelay $0x3  }
0x33: {  	p0 =	seq.s32 s10, $0x1;
	s10 =	sld [smem:$0x3FBA];
	_ =	sdelay $0x3  }
0x34: {  	[smem:$0x3FBA] =	sst s10  }
0x35: {  	s10 =	sld [smem:$0x3FB9];
	_ =	sdelay $0x3  }
0x36: {  	p1 =	seq.s32 s10, $0x1;
	s10 =	sld [smem:$0x3FBA];
	_ =	sdelay $0x3  }
0x37: {  	[smem:$0x3FBA] =	sst s10  }
0x38: {  	s10 =	sld [smem:$0x3FBB]  }
0x39: {  	_ = 	snop;
	(pc) =	sbr.ind lr, $3  }
0x3a: {  	_ = 	snop  }
0x3b: {  	_ = 	snop  }
0x3c: {  	p2 =	seq.s32 s10, $0x1;
	s10 =	sld [smem:$0x3FBA]  }
0x3d: {  	_ =	shalt  }
0x3e: {  	_ =	shalt  }
0x3f: {  	_ =	shalt  }
0x40: {  	_ =	shalt  }
0x41: {  	_ =	shalt  }
0x42: {  	_ =	shalt  }
0x43: {  	_ =	shalt  }
0x44: {  	_ =	shalt  }
0x45: {  	_ =	shalt  }
0x46: {  	_ =	shalt  }
0x47: {  	_ =	shalt  }
0x48: {  	_ =	shalt  }
0x49: {  	_ =	shalt  }
0x4a: {  	_ =	shalt  }
0x4b: {  	_ =	shalt  }
0x4c: {  	_ =	shalt  }
0x4d: {  	_ =	shalt  }
0x4e: {  	_ =	shalt  }
0x4f: {  	_ =	shalt  }
0x50: {  	_ =	shalt  }
0x51: {  	_ =	shalt  }
0x52: {  	_ =	shalt  }
0x53: {  	_ =	shalt  }
0x54: {  	_ =	shalt  }
0x55: {  	_ =	shalt  }
0x56: {  	_ =	shalt  }
0x57: {  	_ =	shalt  }
0x58: {  	_ =	shalt  }
0x59: {  	_ =	shalt  }
0x5a: {  	_ =	shalt  }
0x5b: {  	_ =	shalt  }
0x5c: {  	_ =	shalt  }
0x5d: {  	_ =	shalt  }
0x5e: {  	_ =	shalt  }
0x5f: {  	_ =	shalt  }
0x60: {  	_ =	shalt  }
0x61: {  	_ =	shalt  }
0x62: {  	_ =	shalt  }
0x63: {  	_ =	shalt  }
0x64: {  	_ =	shalt  }
0x65: {  	_ =	shalt  }
0x66: {  	_ =	shalt  }
0x67: {  	_ =	shalt  }
0x68: {  	_ =	shalt  }
0x69: {  	_ =	shalt  }
0x6a: {  	_ =	shalt  }
0x6b: {  	_ =	shalt  }
0x6c: {  	_ =	shalt  }
0x6d: {  	_ =	shalt  }
0x6e: {  	_ =	shalt  }
0x6f: {  	_ =	shalt  }
0x70: {  	_ =	shalt  }
0x71: {  	_ =	shalt  }
0x72: {  	_ =	shalt  }
0x73: {  	_ =	shalt  }
0x74: {  	_ =	shalt  }
0x75: {  	_ =	shalt  }
0x76: {  	_ =	shalt  }
0x77: {  	_ =	shalt  }
0x78: {  	_ =	shalt  }
0x79: {  	_ =	shalt  }
0x7a: {  	_ =	shalt  }
0x7b: {  	_ =	shalt  }
0x7c: {  	_ =	shalt  }
0x7d: {  	_ =	shalt  }
0x7e: {  	_ =	shalt  }
0x7f: {  	_ =	shalt  }
0x80: {  	_ =	shalt  }
0x81: {  	_ =	shalt  }
0x82: {  	_ =	shalt  }
0x83: {  	_ =	shalt  }
0x84: {  	_ =	shalt  }
0x85: {  	_ =	shalt  }
0x86: {  	_ =	shalt  }
0x87: {  	_ =	shalt  }
.Lfunc_end0:
.L_simem_size_0:
called_computation_lowered:
.L_overlay_start_0:
0x88: {  	s2 =	sld [smem:$0x3FD9]  }
0x89: {  	s3 =	sld [smem:$0x3FFE];
	_ =	sdelay $0x1  }
0x8a: {  	s1 =	srdreg.scid  }
0x8b: {  	s0 =	sand.u32 $0x1, s1  }
0x8c: {  	s18 =	sshll.u32 s0, $0xA;
	s2 =	sadd.s32 s3, s2  }
0x8d: {  	s2 =	sadd.s32 s2, s18  }
0x8e: {  	[smem:$0x3FC6] =	sst s2  }
0x8f: {  	_ = 	snop  }
0x90: {  	s2 =	sld [smem:$0x3FC9]  }
0x91: {  	s19 =	sld [smem:$0x3FC8]  }
0x92: {  	s4 =	sld [smem:$0x3FD0];
	(tm) =	ssettm $0x1  }
0x93: {  	s5 =	sld [smem:$0x3FFB];
	_ =	sdelay $0x3  }
0x94: {  	_ =	strace s5  }
0x95: {  	s5 =	sld [smem:$0x3FFC];
	_ =	sdelay $0x3  }
0x96: {  	_ =	strace s5  }
0x97: {  	s5 =	sld [smem:$0x3FFD];
	_ =	sdelay $0x3  }
0x98: {  	_ =	strace s5  }
0x99: {  	_ =	strace $0x8FFFFFFF  }
0x9a: {  	s20 =	sld [smem:$0x3FDB];
	_ =	sdelay $0x1  }
0x9b: {  	s6 =	simm.s32 $_scs_section_size  }
0x9c: {  	s7 =	simm.s32 $_size__tile_overlayer_lowered;
	s8 =	simm.s32 $_tile_overlayer_lowered  }
0x9d: {  	s23 =	simm.s32 $0x1BFF;
	s22 =	sshll.u32 s8, $0x1;
	s5 =	sadd.s32 s6, s20  }
0x9e: {  	s9 =	simm.s32 $0x0;
	s21 =	sshll.u32 s7, $0x1;
	s7 =	sadd.s32 s22, s5  }
0x9f: {  	[timem:s9], [sflag:s23] =	dma.local [hbm:s7], s21  }
0xa0: {  	_ =	swait.ge [sflag:s23], s21  }
0xa1: {  	s6 =	ssub.s32 $0x0, s21;
	[sflag:s23] =	ssyncset.done $0x0  }
0xa2: {  	[sflag:s23] =	ssyncadd.s32 s6;
	_ =	sdelay $0x1  }
0xa3: {  	s24 =	simm.s32 $0x1B8B  }
0xa4: {  	_ =	swait.ge [sflag:s24], $0x1  }
0xa5: {  	[sflag:s24] =	ssyncset.done $0x0  }
0xa6: {  	s25 =	simm.s32 $0x1B8E;
	[sflag:s24] =	ssyncadd.s32 $0xFFFFFFFF  }
0xa7: {  	s26 =	simm.s32 $execute0_lowered;
	[smem:$0x3FD2] =	sst s25  }
0xa8: {  	s6 =	sshll.u32 s26, $0x1;
	_ =	strace $0x80000046;
	[dreg:$0x1] =	wrdreg $0xFFFFFFFF  }
0xa9: {  	s28 =	simm.s32 $_size_execute0_lowered;
	s5 =	sadd.s32 s5, s6;
	[dreg:$0x0] =	wrdreg $0x0  }
0xaa: {  	s6 =	sshll.u32 s28, $0x1;
	[dreg:$0x2] =	wrdreg s5  }
0xab: {  	[dreg:$0x3] =	wrdreg s6  }
0xac: {  	[dreg:$0x4] =	wrdreg $0xC0  }
0xad: {  	_ =	task [dreg:s9], $0x5FFFF  }
0xae: {  	[dreg:$0x1] =	wrdreg $0xFFFFFFFF  }
0xaf: {  	[dreg:$0x0] =	wrdreg $0x60  }
0xb0: {  	[dreg:$0x2] =	wrdreg s2  }
0xb1: {  	[dreg:$0x3] =	wrdreg s19  }
0xb2: {  	[dreg:$0x4] =	wrdreg s4  }
0xb3: {  	[dreg:$0x5] =	wrdreg $0x9  }
0xb4: {  	_ =	task.clear_ibuf [dreg:s9], $0x6FFFF;
	_ =	strace $0x90000046  }
0xb5: {  	s29 =	simm.s32 $0x9;
	_ =	strace $0x80000048  }
0xb6: {  	_ =	swait.ge [sflag:s29], $0x1  }
0xb7: {  	[sflag:s29] =	ssyncadd.s32 $0xFFFFFFFF  }
0xb8: {  	_ =	strace $0x90000048  }
0xb9: {  	_ =	sfence  }
0xba: {  	s30 =	sld [smem:$0x0];
	_ =	sdelay $0x2  }
0xbb: {  	s31 =	sshll.u32 s1, $0xD;
	s1 =	sshrl.u32 s1, $0x2  }
0xbc: {  	s3 =	sand.u32 $0x4000, s31;
	s1 =	sadd.s32 s1, s30  }
0xbd: {  	s0 =	sor.u32 s3, s0;
	s1 =	sshll.u32 s1, $0x11  }
0xbe: {  	s0 =	sor.u32 s1, s0  }
0xbf: {  	s0 =	sadd.s32 $0x8F2B, s0  }
0xc0: {  	[sflag:s0] =	ssyncadd.remote.s32 $0x1  }
0xc1: {  	_ =	sfence.sel $0xFFFF  }
0xc2: {  	[dreg:$0x0] =	wrdreg $0xFFFFFFFF;
	(pc) =	sbr.abs _section_cstart, $3  }
0xc3: {  	[dreg:$0x1] =	wrdreg $0xFFFFFFFF  }
0xc4: {  	_ =	task.clear_ibuf [dreg:s9], $0x2FFFF;
	_ =	strace $0x9FFFFFFF  }
0xc5: {  	(tm) =	ssettm $0x7FFFFFFF  }
tec
execute0_lowered:
.L_overlay_start_1:
0x0: {  	(tag) =	ssettag $0x1  }
0x1: {  	s1 =	rddreg [dreg:$0x0]  }
0x2: {  	s7 =	rddreg [dreg:$0x1]  }
0x3: {  	s3 =	rddreg [dreg:$0x2]  }
0x4: {  	s5 =	simm.s32 $0x0;
	s0 =	srdreg.scid;
	s4 =	stileid.u32  }
0x5: {  	s12 =	simm.s32 $0x8000;
	s13 =	simm.s32 $0xC000;
	s14 =	simm.s32 $0x1  }
0x6: {  	s16 =	simm.s32 $0x3;
	s17 =	simm.s32 $0x10000;
	s18 =	simm.s32 $0x4  }
0x7: {  	s19 =	simm.s32 $0x14000;
	s20 =	simm.s32 $0x5;
	s21 =	simm.s32 $0x7  }
0x8: {  	s22 =	simm.s32 $0x6;
	s23 =	simm.s32 $0x8;
	s0 =	sand.u32 $0x1, s0  }
0x9: {  	s4 =	sshll.u32 s4, $0x7;
	s2 =	ssub.s32 $0x2, s0;
	s0 =	sshll.u32 s0, $0x6  }
0xa: {  	s24 =	simm.s32 $0x2;
	s25 =	simm.s32 $0x9;
	s0 =	sor.u32 s0, s4  }
0xb: {  	s26 =	simm.s32 $0xA;
	[smem:$0x7FF] =	sst s5;
	s4 =	sshll.u32 s0, $0x9  }
0xc: {  	s8 =	sadd.s32 $0x100000, s1;
	_ =	strace $0x80000047;
	s29 =	sadd.s32 s7, s4  }
0xd: {  	s6 =	sshrl.u32 s2, $0x1;
	s30 =	sadd.s32 s1, s4;
	[dreg:$0x4] =	wrdreg s29  }
0xe: {  	s2 =	ssub.s32 s2, s6;
	s4 =	sadd.s32 s4, s8;
	[dreg:$0x5] =	wrdreg s30  }
0xf: {  	s6 =	smov.u32 s8;
	s31 =	smax.u32 s2, $0x1;
	[dreg:$0x6] =	wrdreg s4  }
0x10: {  	s10 =	sshrl.u32 s0, $0x3;
	s2 =	simm.s32 $0x0;
	[dreg:$0x7] =	wrdreg s31  }
.LBB2_1:
0x11: {  	[dreg:$0x8] =	wrdreg s2  }
0x12: {  	s0 =	rddreg [dreg:$0x4]  }
0x13: {  	[tilespmem:s5], [sflag:$0x1] =	stream.linear.gather [hbm4b:s0+s5], $0x4000, $0x38;
	[tilespmem:$0x18000] =	vst v63  }
0x14: {  	s29 =	rddreg [dreg:$0x5]  }
0x15: {  	[tilespmem:s12], [sflag:$0x3] =	stream.linear.gather [hbm4b:s29+s5], $0x4000, $0x38;
	[tilespmem:$0x18000] =	vst v63  }
0x16: {  	s30 =	rddreg [dreg:$0x6];
	s31 =	simm.s32 $0x0  }
0x17: {  	[tilespmem:s13], [sflag:$0x4] =	stream.linear.gather [hbm4b:s30+s5], $0x4000, $0x38;
	[tilespmem:$0x18000] =	vst v63  }
.LBB2_2:
0x18: {  	_ =	swait.ge [sflag:s14], $0x4000  }
0x19: {  	s0 =	sor.u32 s10, s31;
	[sflag:s14] =	ssyncset.done $0x0  }
0x1a: {  	s29 =	sshll.u32 s0, $0xC;
	[sflag:s14] =	ssyncadd.s32 $0xFFFFC000  }
0x1b: {  	s30 =	sor.u32 $0x800, s29;
	s15 =	rddreg [dreg:$0x1]  }
0x1c: {  	s2 =	simm.s32 $0x4000;
	s0 =	sadd.s32 s15, s30  }
0x1d: {  	[tilespmem:s2], [sflag:$0x2] =	stream.linear.gather [hbm4b:s0+s5], $0x4000, $0x38;
	[tilespmem:$0x18000] =	vst v63  }
0x1e: {  	_ =	swait.ge [sflag:s16], $0x4000  }
0x1f: {  	p0 =	seq.s32 s31, $0x0;
	[sflag:s16] =	ssyncset.done $0x0  }
0x20: {  	s2 =	simm.s32 @!p0 $0x9;
	[sflag:s16] =	ssyncadd.s32 $0xFFFFC000  }
0x21: {  	_ =	swait.ge @!p0 [sflag:s2], $0x4000  }
0x22: {  	s0 =	sor.u32 $0x200000, s29;
	[sflag:s2] =	ssyncset.done @!p0 $0x0  }
0x23: {  	s7 =	simm.s32 $0x8040;
	s28 =	sadd.s32 s1, s0;
	[sflag:s2] =	ssyncadd.s32 @!p0 $0xFFFFC000  }
0x24: {  	[tilespmem:s17], [sflag:$0x5] =	stream.linear.gather [hbm4b:s28+s5], $0x4000, $0x38;
	[tilespmem:$0x18000] =	vst v63  }
0x25: {  	s9 =	simm.s32 $0x40;
	v1 =	vld [tilespmem:s7+$0x30]  }
0x26: {  	v2 =	vld [tilespmem:s9+$0x30]  }
0x27: {  	v0 =	vld [tilespmem:s9+$0xFFFFFFC0]  }
0x28: {  	v3 =	vld [tilespmem:s7+$0xFFFFFFD0]  }
0x29: {  	v4 =	vld [tilespmem:s9+$0xFFFFFFD0]  }
0x2a: {  	v5 =	vld [tilespmem:s7+$0xFFFFFFE0]  }
0x2b: {  	v6 =	vld [tilespmem:s9+$0xFFFFFFE0]  }
0x2c: {  	v7 =	vld [tilespmem:s7+$0xFFFFFFF0]  }
0x2d: {  	v8 =	vld [tilespmem:s9+$0xFFFFFFF0]  }
0x2e: {  	v9 =	vld [tilespmem:s7+$0x0]  }
0x2f: {  	v10 =	vld [tilespmem:s9+$0x0];
	v2 =	vadd.f32 v2, v1  }
0x30: {  	v4 =	vadd.f32 v4, v3;
	v1 =	vld [tilespmem:s7+$0x10]  }
0x31: {  	v5 =	vadd.f32 v6, v5;
	v3 =	vld [tilespmem:s9+$0x10];
	[tilespmem:s7+$0x30] =	vst v2  }
0x32: {  	v6 =	vadd.f32 v8, v7;
	[tilespmem:s7+$0xFFFFFFD0] =	vst v4;
	v2 =	vld [tilespmem:s7+$0x20]  }
0x33: {  	s11 =	simm.s32 $0x0;
	[tilespmem:s7+$0xFFFFFFE0] =	vst v5;
	v4 =	vld [tilespmem:s9+$0x20]  }
0x34: {  	s8 =	simm.s32 $0xF0;
	s4 =	simm.s32 $0x80F0;
	s2 =	simm.s32 $0x8440;
	v5 =	vld [tilespmem:s7+$0xFFFFFFC0];
	[tilespmem:s7+$0xFFFFFFF0] =	vst v6;
	v6 =	vadd.f32 v10, v9  }
.LBB2_3:
0x35: {  	v7 =	vld [tilespmem:s2+$0x30];
	s9 =	sadd.s32 $0x400, s9  }
0x36: {  	s11 =	sadd.s32 $0x80, s11;
	v8 =	vld [tilespmem:s9+$0x30];
	[tilespmem:s7+$0x0] =	vst v6;
	v1 =	vadd.f32 v3, v1  }
0x37: {  	p1 =	slt.u32 s11, $0x780;
	v3 =	vld [tilespmem:s9+$0xFFFFFFC0]  }
0x38: {  	v6 =	vld [tilespmem:s2+$0xFFFFFFD0];
	[tilespmem:s7+$0x10] =	vst v1;
	v1 =	vadd.f32 v4, v2  }
0x39: {  	v2 =	vld [tilespmem:s9+$0xFFFFFFD0];
	v9 =	vadd.f32 v0, v5  }
0x3a: {  	v4 =	vld [tilespmem:s2+$0xFFFFFFE0];
	[tilespmem:s7+$0x20] =	vst v1  }
0x3b: {  	v1 =	vld [tilespmem:s9+$0xFFFFFFE0];
	v5 =	vadd.f32 v8, v7;
	[tilespmem:s7+$0xFFFFFFC0] =	vst v9;
	s7 =	smov.u32 s2  }
0x3c: {  	v7 =	vld [tilespmem:s2+$0xFFFFFFF0];
	v0 =	vmov v3  }
0x3d: {  	v8 =	vld [tilespmem:s9+$0xFFFFFFF0];
	[tilespmem:s2+$0x30] =	vst v5  }
0x3e: {  	v2 =	vadd.f32 v2, v6;
	v6 =	vld [tilespmem:s2+$0x0]  }
0x3f: {  	v9 =	vld [tilespmem:s9+$0x0]  }
.Ltmp0:
0x40: {  	[tilespmem:s2+$0xFFFFFFD0] =	vst v2;
	v2 =	vadd.f32 v1, v4;
	v1 =	vld [tilespmem:s2+$0x10];
	(pc) =	sbr.rel @p1 .LBB2_3-.Ltmp0, $4  }
0x41: {  	v3 =	vld [tilespmem:s9+$0x10]  }
0x42: {  	[tilespmem:s2+$0xFFFFFFE0] =	vst v2;
	v7 =	vadd.f32 v8, v7;
	v2 =	vld [tilespmem:s2+$0x20]  }
0x43: {  	v4 =	vld [tilespmem:s9+$0x20]  }
0x44: {  	s2 =	sadd.s32 $0x400, s2;
	v5 =	vld [tilespmem:s7+$0xFFFFFFC0];
	[tilespmem:s7+$0xFFFFFFF0] =	vst v7;
	v6 =	vadd.f32 v9, v6  }
0x45: {  	_ =	sdelay $0x1  }
0x46: {  	v1 =	vadd.f32 v3, v1  }
0x47: {  	[tilespmem:s7+$0x0] =	vst v6;
	v2 =	vadd.f32 v4, v2  }
0x48: {  	[tilespmem:s7+$0x10] =	vst v1;
	v0 =	vadd.f32 v0, v5  }
0x49: {  	[tilespmem:s7+$0x20] =	vst v2  }
0x4a: {  	[tilespmem:s7+$0xFFFFFFC0] =	vst v0  }
0x4b: {  	v1 =	vld [tilespmem:s4+$0x0]  }
0x4c: {  	v2 =	vld [tilespmem:s8+$0x0]  }
0x4d: {  	v0 =	vld [tilespmem:s8+$0xFFFFFF90]  }
0x4e: {  	v3 =	vld [tilespmem:s4+$0xFFFFFFA0]  }
0x4f: {  	v4 =	vld [tilespmem:s8+$0xFFFFFFA0]  }
0x50: {  	v5 =	vld [tilespmem:s4+$0xFFFFFFB0]  }
0x51: {  	v6 =	vld [tilespmem:s8+$0xFFFFFFB0]  }
0x52: {  	v7 =	vld [tilespmem:s4+$0xFFFFFFC0]  }
0x53: {  	v8 =	vld [tilespmem:s8+$0xFFFFFFC0]  }
0x54: {  	v9 =	vld [tilespmem:s4+$0xFFFFFFD0]  }
0x55: {  	v10 =	vld [tilespmem:s8+$0xFFFFFFD0];
	v2 =	vadd.f32 v2, v1  }
0x56: {  	v4 =	vadd.f32 v4, v3;
	v1 =	vld [tilespmem:s4+$0xFFFFFFE0]  }
0x57: {  	v5 =	vadd.f32 v6, v5;
	v3 =	vld [tilespmem:s8+$0xFFFFFFE0];
	[tilespmem:s4+$0x0] =	vst v2  }
0x58: {  	v6 =	vadd.f32 v8, v7;
	[tilespmem:s4+$0xFFFFFFA0] =	vst v4;
	v2 =	vld [tilespmem:s4+$0xFFFFFFF0]  }
0x59: {  	s11 =	simm.s32 $0x0;
	[tilespmem:s4+$0xFFFFFFB0] =	vst v5;
	v4 =	vld [tilespmem:s8+$0xFFFFFFF0]  }
0x5a: {  	s9 =	simm.s32 $0x170;
	s2 =	simm.s32 $0x84F0;
	s7 =	simm.s32 $0x8170;
	v5 =	vld [tilespmem:s4+$0xFFFFFF90];
	[tilespmem:s4+$0xFFFFFFC0] =	vst v6;
	v6 =	vadd.f32 v10, v9  }
.LBB2_5:
0x5b: {  	v7 =	vld [tilespmem:s2+$0x0];
	s8 =	sadd.s32 $0x400, s8  }
0x5c: {  	s11 =	sadd.s32 $0x80, s11;
	v8 =	vld [tilespmem:s8+$0x0];
	[tilespmem:s4+$0xFFFFFFD0] =	vst v6;
	v1 =	vadd.f32 v3, v1  }
0x5d: {  	p1 =	slt.u32 s11, $0x780;
	v3 =	vld [tilespmem:s8+$0xFFFFFF90]  }
0x5e: {  	v6 =	vld [tilespmem:s2+$0xFFFFFFA0];
	[tilespmem:s4+$0xFFFFFFE0] =	vst v1;
	v1 =	vadd.f32 v4, v2  }
0x5f: {  	v2 =	vld [tilespmem:s8+$0xFFFFFFA0];
	v9 =	vadd.f32 v0, v5  }
0x60: {  	v4 =	vld [tilespmem:s2+$0xFFFFFFB0];
	[tilespmem:s4+$0xFFFFFFF0] =	vst v1  }
0x61: {  	v1 =	vld [tilespmem:s8+$0xFFFFFFB0];
	v5 =	vadd.f32 v8, v7;
	[tilespmem:s4+$0xFFFFFF90] =	vst v9;
	s4 =	smov.u32 s2  }
0x62: {  	v7 =	vld [tilespmem:s2+$0xFFFFFFC0];
	v0 =	vmov v3  }
0x63: {  	v8 =	vld [tilespmem:s8+$0xFFFFFFC0];
	[tilespmem:s2+$0x0] =	vst v5  }
0x64: {  	v2 =	vadd.f32 v2, v6;
	v6 =	vld [tilespmem:s2+$0xFFFFFFD0]  }
0x65: {  	v9 =	vld [tilespmem:s8+$0xFFFFFFD0]  }
.Ltmp1:
0x66: {  	[tilespmem:s2+$0xFFFFFFA0] =	vst v2;
	v2 =	vadd.f32 v1, v4;
	v1 =	vld [tilespmem:s2+$0xFFFFFFE0];
	(pc) =	sbr.rel @p1 .LBB2_5-.Ltmp1, $4  }
0x67: {  	v3 =	vld [tilespmem:s8+$0xFFFFFFE0]  }
0x68: {  	[tilespmem:s2+$0xFFFFFFB0] =	vst v2;
	v7 =	vadd.f32 v8, v7;
	v2 =	vld [tilespmem:s2+$0xFFFFFFF0]  }
0x69: {  	v4 =	vld [tilespmem:s8+$0xFFFFFFF0]  }
0x6a: {  	s2 =	sadd.s32 $0x400, s2;
	v5 =	vld [tilespmem:s4+$0xFFFFFF90];
	[tilespmem:s4+$0xFFFFFFC0] =	vst v7;
	v6 =	vadd.f32 v9, v6  }
0x6b: {  	_ =	sdelay $0x1  }
0x6c: {  	v1 =	vadd.f32 v3, v1  }
0x6d: {  	[tilespmem:s4+$0xFFFFFFD0] =	vst v6;
	v2 =	vadd.f32 v4, v2  }
0x6e: {  	[tilespmem:s4+$0xFFFFFFE0] =	vst v1;
	v0 =	vadd.f32 v0, v5  }
0x6f: {  	[tilespmem:s4+$0xFFFFFFF0] =	vst v2  }
0x70: {  	[tilespmem:s4+$0xFFFFFF90] =	vst v0  }
0x71: {  	v1 =	vld [tilespmem:s7+$0x0]  }
0x72: {  	v2 =	vld [tilespmem:s9+$0x0]  }
0x73: {  	v0 =	vld [tilespmem:s9+$0xFFFFFF90]  }
0x74: {  	v3 =	vld [tilespmem:s7+$0xFFFFFFA0]  }
0x75: {  	v4 =	vld [tilespmem:s9+$0xFFFFFFA0]  }
0x76: {  	v5 =	vld [tilespmem:s7+$0xFFFFFFB0]  }
0x77: {  	v6 =	vld [tilespmem:s9+$0xFFFFFFB0]  }
0x78: {  	v7 =	vld [tilespmem:s7+$0xFFFFFFC0]  }
0x79: {  	v8 =	vld [tilespmem:s9+$0xFFFFFFC0]  }
0x7a: {  	v9 =	vld [tilespmem:s7+$0xFFFFFFD0]  }
0x7b: {  	v10 =	vld [tilespmem:s9+$0xFFFFFFD0];
	v2 =	vadd.f32 v2, v1  }
0x7c: {  	v4 =	vadd.f32 v4, v3;
	v1 =	vld [tilespmem:s7+$0xFFFFFFE0]  }
0x7d: {  	v5 =	vadd.f32 v6, v5;
	v3 =	vld [tilespmem:s9+$0xFFFFFFE0];
	[tilespmem:s7+$0x0] =	vst v2  }
0x7e: {  	v6 =	vadd.f32 v8, v7;
	[tilespmem:s7+$0xFFFFFFA0] =	vst v4;
	v2 =	vld [tilespmem:s7+$0xFFFFFFF0]  }
0x7f: {  	s11 =	simm.s32 $0x0;
	[tilespmem:s7+$0xFFFFFFB0] =	vst v5;
	v4 =	vld [tilespmem:s9+$0xFFFFFFF0]  }
0x80: {  	s8 =	simm.s32 $0x1F0;
	s2 =	simm.s32 $0x8570;
	s4 =	simm.s32 $0x81F0;
	v5 =	vld [tilespmem:s7+$0xFFFFFF90];
	[tilespmem:s7+$0xFFFFFFC0] =	vst v6;
	v6 =	vadd.f32 v10, v9  }
.LBB2_7:
0x81: {  	v7 =	vld [tilespmem:s2+$0x0];
	s9 =	sadd.s32 $0x400, s9  }
0x82: {  	s11 =	sadd.s32 $0x80, s11;
	v8 =	vld [tilespmem:s9+$0x0];
	[tilespmem:s7+$0xFFFFFFD0] =	vst v6;
	v1 =	vadd.f32 v3, v1  }
0x83: {  	p1 =	slt.u32 s11, $0x780;
	v3 =	vld [tilespmem:s9+$0xFFFFFF90]  }
0x84: {  	v6 =	vld [tilespmem:s2+$0xFFFFFFA0];
	[tilespmem:s7+$0xFFFFFFE0] =	vst v1;
	v1 =	vadd.f32 v4, v2  }
0x85: {  	v2 =	vld [tilespmem:s9+$0xFFFFFFA0];
	v9 =	vadd.f32 v0, v5  }
0x86: {  	v4 =	vld [tilespmem:s2+$0xFFFFFFB0];
	[tilespmem:s7+$0xFFFFFFF0] =	vst v1  }
0x87: {  	v1 =	vld [tilespmem:s9+$0xFFFFFFB0];
	v5 =	vadd.f32 v8, v7;
	[tilespmem:s7+$0xFFFFFF90] =	vst v9;
	s7 =	smov.u32 s2  }
0x88: {  	v7 =	vld [tilespmem:s2+$0xFFFFFFC0];
	v0 =	vmov v3  }
0x89: {  	v8 =	vld [tilespmem:s9+$0xFFFFFFC0];
	[tilespmem:s2+$0x0] =	vst v5  }
0x8a: {  	v2 =	vadd.f32 v2, v6;
	v6 =	vld [tilespmem:s2+$0xFFFFFFD0]  }
0x8b: {  	v9 =	vld [tilespmem:s9+$0xFFFFFFD0]  }
.Ltmp2:
0x8c: {  	[tilespmem:s2+$0xFFFFFFA0] =	vst v2;
	v2 =	vadd.f32 v1, v4;
	v1 =	vld [tilespmem:s2+$0xFFFFFFE0];
	(pc) =	sbr.rel @p1 .LBB2_7-.Ltmp2, $4  }
0x8d: {  	v3 =	vld [tilespmem:s9+$0xFFFFFFE0]  }
0x8e: {  	[tilespmem:s2+$0xFFFFFFB0] =	vst v2;
	v7 =	vadd.f32 v8, v7;
	v2 =	vld [tilespmem:s2+$0xFFFFFFF0]  }
0x8f: {  	v4 =	vld [tilespmem:s9+$0xFFFFFFF0]  }
0x90: {  	s2 =	sadd.s32 $0x400, s2;
	v5 =	vld [tilespmem:s7+$0xFFFFFF90];
	[tilespmem:s7+$0xFFFFFFC0] =	vst v7;
	v6 =	vadd.f32 v9, v6  }
0x91: {  	_ =	sdelay $0x1  }
0x92: {  	v1 =	vadd.f32 v3, v1  }
0x93: {  	[tilespmem:s7+$0xFFFFFFD0] =	vst v6;
	v2 =	vadd.f32 v4, v2  }
0x94: {  	[tilespmem:s7+$0xFFFFFFE0] =	vst v1;
	v0 =	vadd.f32 v0, v5  }
0x95: {  	[tilespmem:s7+$0xFFFFFFF0] =	vst v2  }
0x96: {  	[tilespmem:s7+$0xFFFFFF90] =	vst v0  }
0x97: {  	v1 =	vld [tilespmem:s4+$0x0]  }
0x98: {  	v2 =	vld [tilespmem:s8+$0x0]  }
0x99: {  	v0 =	vld [tilespmem:s8+$0xFFFFFF90]  }
0x9a: {  	v3 =	vld [tilespmem:s4+$0xFFFFFFA0]  }
0x9b: {  	v4 =	vld [tilespmem:s8+$0xFFFFFFA0]  }
0x9c: {  	v5 =	vld [tilespmem:s4+$0xFFFFFFB0]  }
0x9d: {  	v6 =	vld [tilespmem:s8+$0xFFFFFFB0]  }
0x9e: {  	v7 =	vld [tilespmem:s4+$0xFFFFFFC0]  }
0x9f: {  	v8 =	vld [tilespmem:s8+$0xFFFFFFC0]  }
0xa0: {  	v9 =	vld [tilespmem:s4+$0xFFFFFFD0]  }
0xa1: {  	v10 =	vld [tilespmem:s8+$0xFFFFFFD0];
	v2 =	vadd.f32 v2, v1  }
0xa2: {  	v4 =	vadd.f32 v4, v3;
	v1 =	vld [tilespmem:s4+$0xFFFFFFE0]  }
0xa3: {  	v5 =	vadd.f32 v6, v5;
	v3 =	vld [tilespmem:s8+$0xFFFFFFE0];
	[tilespmem:s4+$0x0] =	vst v2  }
0xa4: {  	v6 =	vadd.f32 v8, v7;
	[tilespmem:s4+$0xFFFFFFA0] =	vst v4;
	v2 =	vld [tilespmem:s4+$0xFFFFFFF0]  }
0xa5: {  	s11 =	simm.s32 $0x0;
	[tilespmem:s4+$0xFFFFFFB0] =	vst v5;
	v4 =	vld [tilespmem:s8+$0xFFFFFFF0]  }
0xa6: {  	s9 =	simm.s32 $0x270;
	s2 =	simm.s32 $0x85F0;
	s7 =	simm.s32 $0x8270;
	v5 =	vld [tilespmem:s4+$0xFFFFFF90];
	[tilespmem:s4+$0xFFFFFFC0] =	vst v6;
	v6 =	vadd.f32 v10, v9  }
.LBB2_9:
0xa7: {  	v7 =	vld [tilespmem:s2+$0x0];
	s8 =	sadd.s32 $0x400, s8  }
0xa8: {  	s11 =	sadd.s32 $0x80, s11;
	v8 =	vld [tilespmem:s8+$0x0];
	[tilespmem:s4+$0xFFFFFFD0] =	vst v6;
	v1 =	vadd.f32 v3, v1  }
0xa9: {  	p1 =	slt.u32 s11, $0x780;
	v3 =	vld [tilespmem:s8+$0xFFFFFF90]  }
0xaa: {  	v6 =	vld [tilespmem:s2+$0xFFFFFFA0];
	[tilespmem:s4+$0xFFFFFFE0] =	vst v1;
	v1 =	vadd.f32 v4, v2  }
0xab: {  	v2 =	vld [tilespmem:s8+$0xFFFFFFA0];
	v9 =	vadd.f32 v0, v5  }
0xac: {  	v4 =	vld [tilespmem:s2+$0xFFFFFFB0];
	[tilespmem:s4+$0xFFFFFFF0] =	vst v1  }
0xad: {  	v1 =	vld [tilespmem:s8+$0xFFFFFFB0];
	v5 =	vadd.f32 v8, v7;
	[tilespmem:s4+$0xFFFFFF90] =	vst v9;
	s4 =	smov.u32 s2  }
0xae: {  	v7 =	vld [tilespmem:s2+$0xFFFFFFC0];
	v0 =	vmov v3  }
0xaf: {  	v8 =	vld [tilespmem:s8+$0xFFFFFFC0];
	[tilespmem:s2+$0x0] =	vst v5  }
0xb0: {  	v2 =	vadd.f32 v2, v6;
	v6 =	vld [tilespmem:s2+$0xFFFFFFD0]  }
0xb1: {  	v9 =	vld [tilespmem:s8+$0xFFFFFFD0]  }
.Ltmp3:
0xb2: {  	[tilespmem:s2+$0xFFFFFFA0] =	vst v2;
	v2 =	vadd.f32 v1, v4;
	v1 =	vld [tilespmem:s2+$0xFFFFFFE0];
	(pc) =	sbr.rel @p1 .LBB2_9-.Ltmp3, $4  }
0xb3: {  	v3 =	vld [tilespmem:s8+$0xFFFFFFE0]  }
0xb4: {  	[tilespmem:s2+$0xFFFFFFB0] =	vst v2;
	v7 =	vadd.f32 v8, v7;
	v2 =	vld [tilespmem:s2+$0xFFFFFFF0]  }
0xb5: {  	v4 =	vld [tilespmem:s8+$0xFFFFFFF0]  }
0xb6: {  	s2 =	sadd.s32 $0x400, s2;
	v5 =	vld [tilespmem:s4+$0xFFFFFF90];
	[tilespmem:s4+$0xFFFFFFC0] =	vst v7;
	v6 =	vadd.f32 v9, v6  }
0xb7: {  	_ =	sdelay $0x1  }
0xb8: {  	v1 =	vadd.f32 v3, v1  }
0xb9: {  	[tilespmem:s4+$0xFFFFFFD0] =	vst v6;
	v2 =	vadd.f32 v4, v2  }
0xba: {  	[tilespmem:s4+$0xFFFFFFE0] =	vst v1;
	v0 =	vadd.f32 v0, v5  }
0xbb: {  	[tilespmem:s4+$0xFFFFFFF0] =	vst v2  }
0xbc: {  	[tilespmem:s4+$0xFFFFFF90] =	vst v0  }
0xbd: {  	v1 =	vld [tilespmem:s7+$0x0]  }
0xbe: {  	v2 =	vld [tilespmem:s9+$0x0]  }
0xbf: {  	v0 =	vld [tilespmem:s9+$0xFFFFFF90]  }
0xc0: {  	v3 =	vld [tilespmem:s7+$0xFFFFFFA0]  }
0xc1: {  	v4 =	vld [tilespmem:s9+$0xFFFFFFA0]  }
0xc2: {  	v5 =	vld [tilespmem:s7+$0xFFFFFFB0]  }
0xc3: {  	v6 =	vld [tilespmem:s9+$0xFFFFFFB0]  }
0xc4: {  	v7 =	vld [tilespmem:s7+$0xFFFFFFC0]  }
0xc5: {  	v8 =	vld [tilespmem:s9+$0xFFFFFFC0]  }
0xc6: {  	v9 =	vld [tilespmem:s7+$0xFFFFFFD0]  }
0xc7: {  	v10 =	vld [tilespmem:s9+$0xFFFFFFD0];
	v2 =	vadd.f32 v2, v1  }
0xc8: {  	v4 =	vadd.f32 v4, v3;
	v1 =	vld [tilespmem:s7+$0xFFFFFFE0]  }
0xc9: {  	v5 =	vadd.f32 v6, v5;
	v3 =	vld [tilespmem:s9+$0xFFFFFFE0];
	[tilespmem:s7+$0x0] =	vst v2  }
0xca: {  	v6 =	vadd.f32 v8, v7;
	[tilespmem:s7+$0xFFFFFFA0] =	vst v4;
	v2 =	vld [tilespmem:s7+$0xFFFFFFF0]  }
0xcb: {  	s11 =	simm.s32 $0x0;
	[tilespmem:s7+$0xFFFFFFB0] =	vst v5;
	v4 =	vld [tilespmem:s9+$0xFFFFFFF0]  }
0xcc: {  	s8 =	simm.s32 $0x2F0;
	s2 =	simm.s32 $0x8670;
	s4 =	simm.s32 $0x82F0;
	v5 =	vld [tilespmem:s7+$0xFFFFFF90];
	[tilespmem:s7+$0xFFFFFFC0] =	vst v6;
	v6 =	vadd.f32 v10, v9  }
.LBB2_11:
0xcd: {  	v7 =	vld [tilespmem:s2+$0x0];
	s9 =	sadd.s32 $0x400, s9  }
0xce: {  	s11 =	sadd.s32 $0x80, s11;
	v8 =	vld [tilespmem:s9+$0x0];
	[tilespmem:s7+$0xFFFFFFD0] =	vst v6;
	v1 =	vadd.f32 v3, v1  }
0xcf: {  	p1 =	slt.u32 s11, $0x780;
	v3 =	vld [tilespmem:s9+$0xFFFFFF90]  }
0xd0: {  	v6 =	vld [tilespmem:s2+$0xFFFFFFA0];
	[tilespmem:s7+$0xFFFFFFE0] =	vst v1;
	v1 =	vadd.f32 v4, v2  }
0xd1: {  	v2 =	vld [tilespmem:s9+$0xFFFFFFA0];
	v9 =	vadd.f32 v0, v5  }
0xd2: {  	v4 =	vld [tilespmem:s2+$0xFFFFFFB0];
	[tilespmem:s7+$0xFFFFFFF0] =	vst v1  }
0xd3: {  	v1 =	vld [tilespmem:s9+$0xFFFFFFB0];
	v5 =	vadd.f32 v8, v7;
	[tilespmem:s7+$0xFFFFFF90] =	vst v9;
	s7 =	smov.u32 s2  }
0xd4: {  	v7 =	vld [tilespmem:s2+$0xFFFFFFC0];
	v0 =	vmov v3  }
0xd5: {  	v8 =	vld [tilespmem:s9+$0xFFFFFFC0];
	[tilespmem:s2+$0x0] =	vst v5  }
0xd6: {  	v2 =	vadd.f32 v2, v6;
	v6 =	vld [tilespmem:s2+$0xFFFFFFD0]  }
0xd7: {  	v9 =	vld [tilespmem:s9+$0xFFFFFFD0]  }
.Ltmp4:
0xd8: {  	[tilespmem:s2+$0xFFFFFFA0] =	vst v2;
	v2 =	vadd.f32 v1, v4;
	v1 =	vld [tilespmem:s2+$0xFFFFFFE0];
	(pc) =	sbr.rel @p1 .LBB2_11-.Ltmp4, $4  }
0xd9: {  	v3 =	vld [tilespmem:s9+$0xFFFFFFE0]  }
0xda: {  	[tilespmem:s2+$0xFFFFFFB0] =	vst v2;
	v7 =	vadd.f32 v8, v7;
	v2 =	vld [tilespmem:s2+$0xFFFFFFF0]  }
0xdb: {  	v4 =	vld [tilespmem:s9+$0xFFFFFFF0]  }
0xdc: {  	s2 =	sadd.s32 $0x400, s2;
	v5 =	vld [tilespmem:s7+$0xFFFFFF90];
	[tilespmem:s7+$0xFFFFFFC0] =	vst v7;
	v6 =	vadd.f32 v9, v6  }
0xdd: {  	_ =	sdelay $0x1  }
0xde: {  	v1 =	vadd.f32 v3, v1  }
0xdf: {  	[tilespmem:s7+$0xFFFFFFD0] =	vst v6;
	v2 =	vadd.f32 v4, v2  }
0xe0: {  	[tilespmem:s7+$0xFFFFFFE0] =	vst v1;
	v0 =	vadd.f32 v0, v5  }
0xe1: {  	[tilespmem:s7+$0xFFFFFFF0] =	vst v2  }
0xe2: {  	[tilespmem:s7+$0xFFFFFF90] =	vst v0  }
0xe3: {  	v1 =	vld [tilespmem:s4+$0x0]  }
0xe4: {  	v2 =	vld [tilespmem:s8+$0x0]  }
0xe5: {  	v0 =	vld [tilespmem:s8+$0xFFFFFF90]  }
0xe6: {  	v3 =	vld [tilespmem:s4+$0xFFFFFFA0]  }
0xe7: {  	v4 =	vld [tilespmem:s8+$0xFFFFFFA0]  }
0xe8: {  	v5 =	vld [tilespmem:s4+$0xFFFFFFB0]  }
0xe9: {  	v6 =	vld [tilespmem:s8+$0xFFFFFFB0]  }
0xea: {  	v7 =	vld [tilespmem:s4+$0xFFFFFFC0]  }
0xeb: {  	v8 =	vld [tilespmem:s8+$0xFFFFFFC0]  }
0xec: {  	v9 =	vld [tilespmem:s4+$0xFFFFFFD0]  }
0xed: {  	v10 =	vld [tilespmem:s8+$0xFFFFFFD0];
	v2 =	vadd.f32 v2, v1  }
0xee: {  	v4 =	vadd.f32 v4, v3;
	v1 =	vld [tilespmem:s4+$0xFFFFFFE0]  }
0xef: {  	v5 =	vadd.f32 v6, v5;
	v3 =	vld [tilespmem:s8+$0xFFFFFFE0];
	[tilespmem:s4+$0x0] =	vst v2  }
0xf0: {  	v6 =	vadd.f32 v8, v7;
	[tilespmem:s4+$0xFFFFFFA0] =	vst v4;
	v2 =	vld [tilespmem:s4+$0xFFFFFFF0]  }
0xf1: {  	s11 =	simm.s32 $0x0;
	[tilespmem:s4+$0xFFFFFFB0] =	vst v5;
	v4 =	vld [tilespmem:s8+$0xFFFFFFF0]  }
0xf2: {  	s9 =	simm.s32 $0x370;
	s2 =	simm.s32 $0x86F0;
	s7 =	simm.s32 $0x8370;
	v5 =	vld [tilespmem:s4+$0xFFFFFF90];
	[tilespmem:s4+$0xFFFFFFC0] =	vst v6;
	v6 =	vadd.f32 v10, v9  }
.LBB2_13:
0xf3: {  	v7 =	vld [tilespmem:s2+$0x0];
	s8 =	sadd.s32 $0x400, s8  }
0xf4: {  	s11 =	sadd.s32 $0x80, s11;
	v8 =	vld [tilespmem:s8+$0x0];
	[tilespmem:s4+$0xFFFFFFD0] =	vst v6;
	v1 =	vadd.f32 v3, v1  }
0xf5: {  	p1 =	slt.u32 s11, $0x780;
	v3 =	vld [tilespmem:s8+$0xFFFFFF90]  }
0xf6: {  	v6 =	vld [tilespmem:s2+$0xFFFFFFA0];
	[tilespmem:s4+$0xFFFFFFE0] =	vst v1;
	v1 =	vadd.f32 v4, v2  }
0xf7: {  	v2 =	vld [tilespmem:s8+$0xFFFFFFA0];
	v9 =	vadd.f32 v0, v5  }
0xf8: {  	v4 =	vld [tilespmem:s2+$0xFFFFFFB0];
	[tilespmem:s4+$0xFFFFFFF0] =	vst v1  }
0xf9: {  	v1 =	vld [tilespmem:s8+$0xFFFFFFB0];
	v5 =	vadd.f32 v8, v7;
	[tilespmem:s4+$0xFFFFFF90] =	vst v9;
	s4 =	smov.u32 s2  }
0xfa: {  	v7 =	vld [tilespmem:s2+$0xFFFFFFC0];
	v0 =	vmov v3  }
0xfb: {  	v8 =	vld [tilespmem:s8+$0xFFFFFFC0];
	[tilespmem:s2+$0x0] =	vst v5  }
0xfc: {  	v2 =	vadd.f32 v2, v6;
	v6 =	vld [tilespmem:s2+$0xFFFFFFD0]  }
0xfd: {  	v9 =	vld [tilespmem:s8+$0xFFFFFFD0]  }
.Ltmp5:
0xfe: {  	[tilespmem:s2+$0xFFFFFFA0] =	vst v2;
	v2 =	vadd.f32 v1, v4;
	v1 =	vld [tilespmem:s2+$0xFFFFFFE0];
	(pc) =	sbr.rel @p1 .LBB2_13-.Ltmp5, $4  }
0xff: {  	v3 =	vld [tilespmem:s8+$0xFFFFFFE0]  }
0x100: {  	[tilespmem:s2+$0xFFFFFFB0] =	vst v2;
	v7 =	vadd.f32 v8, v7;
	v2 =	vld [tilespmem:s2+$0xFFFFFFF0]  }
0x101: {  	v4 =	vld [tilespmem:s8+$0xFFFFFFF0]  }
0x102: {  	s2 =	sadd.s32 $0x400, s2;
	v5 =	vld [tilespmem:s4+$0xFFFFFF90];
	[tilespmem:s4+$0xFFFFFFC0] =	vst v7;
	v6 =	vadd.f32 v9, v6  }
0x103: {  	_ =	sdelay $0x1  }
0x104: {  	v1 =	vadd.f32 v3, v1  }
0x105: {  	[tilespmem:s4+$0xFFFFFFD0] =	vst v6;
	v2 =	vadd.f32 v4, v2  }
0x106: {  	[tilespmem:s4+$0xFFFFFFE0] =	vst v1;
	v0 =	vadd.f32 v0, v5  }
0x107: {  	[tilespmem:s4+$0xFFFFFFF0] =	vst v2  }
0x108: {  	[tilespmem:s4+$0xFFFFFF90] =	vst v0  }
0x109: {  	v1 =	vld [tilespmem:s7+$0x0]  }
0x10a: {  	v2 =	vld [tilespmem:s9+$0x0]  }
0x10b: {  	v0 =	vld [tilespmem:s9+$0xFFFFFF90]  }
0x10c: {  	v3 =	vld [tilespmem:s7+$0xFFFFFFA0]  }
0x10d: {  	v4 =	vld [tilespmem:s9+$0xFFFFFFA0]  }
0x10e: {  	v5 =	vld [tilespmem:s7+$0xFFFFFFB0]  }
0x10f: {  	v6 =	vld [tilespmem:s9+$0xFFFFFFB0]  }
0x110: {  	v7 =	vld [tilespmem:s7+$0xFFFFFFC0]  }
0x111: {  	v8 =	vld [tilespmem:s9+$0xFFFFFFC0]  }
0x112: {  	v9 =	vld [tilespmem:s7+$0xFFFFFFD0]  }
0x113: {  	v10 =	vld [tilespmem:s9+$0xFFFFFFD0];
	v2 =	vadd.f32 v2, v1  }
0x114: {  	v4 =	vadd.f32 v4, v3;
	v1 =	vld [tilespmem:s7+$0xFFFFFFE0]  }
0x115: {  	v5 =	vadd.f32 v6, v5;
	v3 =	vld [tilespmem:s9+$0xFFFFFFE0];
	[tilespmem:s7+$0x0] =	vst v2  }
0x116: {  	v6 =	vadd.f32 v8, v7;
	[tilespmem:s7+$0xFFFFFFA0] =	vst v4;
	v2 =	vld [tilespmem:s7+$0xFFFFFFF0]  }
0x117: {  	s11 =	simm.s32 $0x0;
	[tilespmem:s7+$0xFFFFFFB0] =	vst v5;
	v4 =	vld [tilespmem:s9+$0xFFFFFFF0]  }
0x118: {  	s8 =	simm.s32 $0x3F0;
	s2 =	simm.s32 $0x8770;
	s4 =	simm.s32 $0x83F0;
	v5 =	vld [tilespmem:s7+$0xFFFFFF90];
	[tilespmem:s7+$0xFFFFFFC0] =	vst v6;
	v6 =	vadd.f32 v10, v9  }
.LBB2_15:
0x119: {  	v7 =	vld [tilespmem:s2+$0x0];
	s9 =	sadd.s32 $0x400, s9  }
0x11a: {  	s11 =	sadd.s32 $0x80, s11;
	v8 =	vld [tilespmem:s9+$0x0];
	[tilespmem:s7+$0xFFFFFFD0] =	vst v6;
	v1 =	vadd.f32 v3, v1  }
0x11b: {  	p1 =	slt.u32 s11, $0x780;
	v3 =	vld [tilespmem:s9+$0xFFFFFF90]  }
0x11c: {  	v6 =	vld [tilespmem:s2+$0xFFFFFFA0];
	[tilespmem:s7+$0xFFFFFFE0] =	vst v1;
	v1 =	vadd.f32 v4, v2  }
0x11d: {  	v2 =	vld [tilespmem:s9+$0xFFFFFFA0];
	v9 =	vadd.f32 v0, v5  }
0x11e: {  	v4 =	vld [tilespmem:s2+$0xFFFFFFB0];
	[tilespmem:s7+$0xFFFFFFF0] =	vst v1  }
0x11f: {  	v1 =	vld [tilespmem:s9+$0xFFFFFFB0];
	v5 =	vadd.f32 v8, v7;
	[tilespmem:s7+$0xFFFFFF90] =	vst v9;
	s7 =	smov.u32 s2  }
0x120: {  	v7 =	vld [tilespmem:s2+$0xFFFFFFC0];
	v0 =	vmov v3  }
0x121: {  	v8 =	vld [tilespmem:s9+$0xFFFFFFC0];
	[tilespmem:s2+$0x0] =	vst v5  }
0x122: {  	v2 =	vadd.f32 v2, v6;
	v6 =	vld [tilespmem:s2+$0xFFFFFFD0]  }
0x123: {  	v9 =	vld [tilespmem:s9+$0xFFFFFFD0]  }
.Ltmp6:
0x124: {  	[tilespmem:s2+$0xFFFFFFA0] =	vst v2;
	v2 =	vadd.f32 v1, v4;
	v1 =	vld [tilespmem:s2+$0xFFFFFFE0];
	(pc) =	sbr.rel @p1 .LBB2_15-.Ltmp6, $4  }
0x125: {  	v3 =	vld [tilespmem:s9+$0xFFFFFFE0]  }
0x126: {  	[tilespmem:s2+$0xFFFFFFB0] =	vst v2;
	v7 =	vadd.f32 v8, v7;
	v2 =	vld [tilespmem:s2+$0xFFFFFFF0]  }
0x127: {  	v4 =	vld [tilespmem:s9+$0xFFFFFFF0]  }
0x128: {  	s2 =	sadd.s32 $0x400, s2;
	v5 =	vld [tilespmem:s7+$0xFFFFFF90];
	[tilespmem:s7+$0xFFFFFFC0] =	vst v7;
	v6 =	vadd.f32 v9, v6  }
0x129: {  	_ =	sdelay $0x1  }
0x12a: {  	v1 =	vadd.f32 v3, v1  }
0x12b: {  	[tilespmem:s7+$0xFFFFFFD0] =	vst v6;
	v2 =	vadd.f32 v4, v2  }
0x12c: {  	[tilespmem:s7+$0xFFFFFFE0] =	vst v1;
	v0 =	vadd.f32 v0, v5  }
0x12d: {  	[tilespmem:s7+$0xFFFFFFF0] =	vst v2  }
0x12e: {  	[tilespmem:s7+$0xFFFFFF90] =	vst v0  }
0x12f: {  	v1 =	vld [tilespmem:s4+$0x0]  }
0x130: {  	v2 =	vld [tilespmem:s8+$0x0]  }
0x131: {  	v0 =	vld [tilespmem:s8+$0xFFFFFF90]  }
0x132: {  	v3 =	vld [tilespmem:s4+$0xFFFFFFA0]  }
0x133: {  	v4 =	vld [tilespmem:s8+$0xFFFFFFA0]  }
0x134: {  	v5 =	vld [tilespmem:s4+$0xFFFFFFB0]  }
0x135: {  	v6 =	vld [tilespmem:s8+$0xFFFFFFB0]  }
0x136: {  	v7 =	vld [tilespmem:s4+$0xFFFFFFC0]  }
0x137: {  	v8 =	vld [tilespmem:s8+$0xFFFFFFC0]  }
0x138: {  	v9 =	vld [tilespmem:s4+$0xFFFFFFD0]  }
0x139: {  	v10 =	vld [tilespmem:s8+$0xFFFFFFD0];
	v2 =	vadd.f32 v2, v1  }
0x13a: {  	v4 =	vadd.f32 v4, v3;
	v1 =	vld [tilespmem:s4+$0xFFFFFFE0]  }
0x13b: {  	v5 =	vadd.f32 v6, v5;
	v3 =	vld [tilespmem:s8+$0xFFFFFFE0];
	[tilespmem:s4+$0x0] =	vst v2  }
0x13c: {  	v6 =	vadd.f32 v8, v7;
	[tilespmem:s4+$0xFFFFFFA0] =	vst v4;
	v2 =	vld [tilespmem:s4+$0xFFFFFFF0]  }
0x13d: {  	[tilespmem:s4+$0xFFFFFFB0] =	vst v5;
	v5 =	vld [tilespmem:s8+$0xFFFFFFF0]  }
0x13e: {  	s2 =	simm.s32 $0x87F0;
	s7 =	simm.s32 $0x0;
	v4 =	vld [tilespmem:s4+$0xFFFFFF90];
	[tilespmem:s4+$0xFFFFFFC0] =	vst v6;
	v6 =	vadd.f32 v10, v9  }
.LBB2_17:
0x13f: {  	v7 =	vld [tilespmem:s2+$0x0];
	s8 =	sadd.s32 $0x400, s8  }
0x140: {  	s7 =	sadd.s32 $0x80, s7;
	v8 =	vld [tilespmem:s8+$0x0];
	[tilespmem:s4+$0xFFFFFFD0] =	vst v6;
	v1 =	vadd.f32 v3, v1  }
0x141: {  	p1 =	slt.u32 s7, $0x780;
	v3 =	vld [tilespmem:s8+$0xFFFFFF90]  }
0x142: {  	v6 =	vld [tilespmem:s2+$0xFFFFFFA0];
	[tilespmem:s4+$0xFFFFFFE0] =	vst v1;
	v1 =	vadd.f32 v5, v2  }
0x143: {  	v2 =	vld [tilespmem:s8+$0xFFFFFFA0];
	v9 =	vadd.f32 v0, v4  }
0x144: {  	v4 =	vld [tilespmem:s2+$0xFFFFFFB0];
	[tilespmem:s4+$0xFFFFFFF0] =	vst v1  }
0x145: {  	v1 =	vld [tilespmem:s8+$0xFFFFFFB0];
	v5 =	vadd.f32 v8, v7;
	[tilespmem:s4+$0xFFFFFF90] =	vst v9;
	s4 =	smov.u32 s2  }
0x146: {  	v7 =	vld [tilespmem:s2+$0xFFFFFFC0];
	v0 =	vmov v3  }
0x147: {  	v8 =	vld [tilespmem:s8+$0xFFFFFFC0];
	[tilespmem:s2+$0x0] =	vst v5  }
0x148: {  	v2 =	vadd.f32 v2, v6;
	v6 =	vld [tilespmem:s2+$0xFFFFFFD0]  }
0x149: {  	v9 =	vld [tilespmem:s8+$0xFFFFFFD0]  }
.Ltmp7:
0x14a: {  	[tilespmem:s2+$0xFFFFFFA0] =	vst v2;
	v2 =	vadd.f32 v1, v4;
	v1 =	vld [tilespmem:s2+$0xFFFFFFE0];
	(pc) =	sbr.rel @p1 .LBB2_17-.Ltmp7, $4  }
0x14b: {  	v3 =	vld [tilespmem:s8+$0xFFFFFFE0]  }
0x14c: {  	[tilespmem:s2+$0xFFFFFFB0] =	vst v2;
	v7 =	vadd.f32 v8, v7;
	v2 =	vld [tilespmem:s2+$0xFFFFFFF0]  }
0x14d: {  	v5 =	vld [tilespmem:s8+$0xFFFFFFF0]  }
0x14e: {  	s2 =	sadd.s32 $0x400, s2;
	v4 =	vld [tilespmem:s4+$0xFFFFFF90];
	[tilespmem:s4+$0xFFFFFFC0] =	vst v7;
	v6 =	vadd.f32 v9, v6  }
0x14f: {  	_ =	sdelay $0x1  }
0x150: {  	v1 =	vadd.f32 v3, v1  }
0x151: {  	[tilespmem:s4+$0xFFFFFFD0] =	vst v6;
	v2 =	vadd.f32 v5, v2  }
0x152: {  	[tilespmem:s4+$0xFFFFFFE0] =	vst v1;
	v0 =	vadd.f32 v0, v4  }
0x153: {  	[tilespmem:s4+$0xFFFFFFF0] =	vst v2  }
0x154: {  	s2 =	sadd.s32 s3, s29;
	[tilespmem:s4+$0xFFFFFF90] =	vst v0  }
0x155: {  	[hbm4b:s2+s5] =	stream.linear.scatter [tilespmem:s12], [sflag:$0x7], $0x4000, $0x38;
	[tilespmem:$0x18000] =	vst v63  }
0x156: {  	_ =	swait.ge [sflag:s18], $0x4000  }
0x157: {  	[sflag:s18] =	ssyncset.done $0x0  }
0x158: {  	s2 =	simm.s32 @!p0 $0xA;
	[sflag:s18] =	ssyncadd.s32 $0xFFFFC000  }
0x159: {  	_ =	swait.ge @!p0 [sflag:s2], $0x4000  }
0x15a: {  	s7 =	sor.u32 $0x300000, s29;
	[sflag:s2] =	ssyncset.done @!p0 $0x0  }
0x15b: {  	s8 =	simm.s32 $0xC040;
	s15 =	sadd.s32 s1, s7;
	[sflag:s2] =	ssyncadd.s32 @!p0 $0xFFFFC000  }
0x15c: {  	[tilespmem:s19], [sflag:$0x6] =	stream.linear.gather [hbm4b:s15+s5], $0x4000, $0x38;
	[tilespmem:$0x18000] =	vst v63  }
0x15d: {  	s11 =	simm.s32 $0x40;
	v1 =	vld [tilespmem:s8+$0x30]  }
0x15e: {  	v2 =	vld [tilespmem:s11+$0x30]  }
0x15f: {  	v0 =	vld [tilespmem:s11+$0xFFFFFFC0]  }
0x160: {  	v3 =	vld [tilespmem:s8+$0xFFFFFFD0]  }
0x161: {  	v4 =	vld [tilespmem:s11+$0xFFFFFFD0]  }
0x162: {  	v5 =	vld [tilespmem:s8+$0xFFFFFFE0]  }
0x163: {  	v6 =	vld [tilespmem:s11+$0xFFFFFFE0]  }
0x164: {  	v7 =	vld [tilespmem:s8+$0xFFFFFFF0]  }
0x165: {  	v8 =	vld [tilespmem:s11+$0xFFFFFFF0]  }
0x166: {  	v9 =	vld [tilespmem:s8+$0x0]  }
0x167: {  	v10 =	vld [tilespmem:s11+$0x0];
	v2 =	vadd.f32 v2, v1  }
0x168: {  	v4 =	vadd.f32 v4, v3;
	v1 =	vld [tilespmem:s8+$0x10]  }
0x169: {  	v5 =	vadd.f32 v6, v5;
	v3 =	vld [tilespmem:s11+$0x10];
	[tilespmem:s8+$0x30] =	vst v2  }
0x16a: {  	v6 =	vadd.f32 v8, v7;
	[tilespmem:s8+$0xFFFFFFD0] =	vst v4;
	v2 =	vld [tilespmem:s8+$0x20]  }
0x16b: {  	[tilespmem:s8+$0xFFFFFFE0] =	vst v5;
	v4 =	vld [tilespmem:s11+$0x20]  }
0x16c: {  	s28 =	simm.s32 $0x0;
	s4 =	simm.s32 $0xC0F0;
	s15 =	simm.s32 $0xC440;
	v5 =	vld [tilespmem:s8+$0xFFFFFFC0];
	[tilespmem:s8+$0xFFFFFFF0] =	vst v6;
	v6 =	vadd.f32 v10, v9  }
.LBB2_19:
0x16d: {  	v7 =	vld [tilespmem:s15+$0x30];
	s11 =	sadd.s32 $0x400, s11  }
0x16e: {  	s28 =	sadd.s32 $0x80, s28;
	v8 =	vld [tilespmem:s11+$0x30];
	[tilespmem:s8+$0x0] =	vst v6;
	v1 =	vadd.f32 v3, v1  }
0x16f: {  	p0 =	slt.u32 s28, $0x780;
	v3 =	vld [tilespmem:s11+$0xFFFFFFC0]  }
0x170: {  	v6 =	vld [tilespmem:s15+$0xFFFFFFD0];
	[tilespmem:s8+$0x10] =	vst v1;
	v1 =	vadd.f32 v4, v2  }
0x171: {  	v2 =	vld [tilespmem:s11+$0xFFFFFFD0];
	v9 =	vadd.f32 v0, v5  }
0x172: {  	v4 =	vld [tilespmem:s15+$0xFFFFFFE0];
	[tilespmem:s8+$0x20] =	vst v1  }
0x173: {  	v1 =	vld [tilespmem:s11+$0xFFFFFFE0];
	v5 =	vadd.f32 v8, v7;
	[tilespmem:s8+$0xFFFFFFC0] =	vst v9;
	s8 =	smov.u32 s15  }
0x174: {  	v7 =	vld [tilespmem:s15+$0xFFFFFFF0];
	v0 =	vmov v3  }
0x175: {  	s9 =	simm.s32 $0xF0;
	v8 =	vld [tilespmem:s11+$0xFFFFFFF0];
	[tilespmem:s15+$0x30] =	vst v5  }
0x176: {  	v2 =	vadd.f32 v2, v6;
	v6 =	vld [tilespmem:s15+$0x0]  }
0x177: {  	v9 =	vld [tilespmem:s11+$0x0]  }
.Ltmp8:
0x178: {  	[tilespmem:s15+$0xFFFFFFD0] =	vst v2;
	v2 =	vadd.f32 v1, v4;
	v1 =	vld [tilespmem:s15+$0x10];
	(pc) =	sbr.rel @p0 .LBB2_19-.Ltmp8, $4  }
0x179: {  	v3 =	vld [tilespmem:s11+$0x10]  }
0x17a: {  	[tilespmem:s15+$0xFFFFFFE0] =	vst v2;
	v7 =	vadd.f32 v8, v7;
	v2 =	vld [tilespmem:s15+$0x20]  }
0x17b: {  	v4 =	vld [tilespmem:s11+$0x20]  }
0x17c: {  	s15 =	sadd.s32 $0x400, s15;
	v5 =	vld [tilespmem:s8+$0xFFFFFFC0];
	[tilespmem:s8+$0xFFFFFFF0] =	vst v7;
	v6 =	vadd.f32 v9, v6  }
0x17d: {  	_ =	sdelay $0x1  }
0x17e: {  	v1 =	vadd.f32 v3, v1  }
0x17f: {  	[tilespmem:s8+$0x0] =	vst v6;
	v2 =	vadd.f32 v4, v2  }
0x180: {  	[tilespmem:s8+$0x10] =	vst v1;
	v0 =	vadd.f32 v0, v5  }
0x181: {  	[tilespmem:s8+$0x20] =	vst v2  }
0x182: {  	[tilespmem:s8+$0xFFFFFFC0] =	vst v0  }
0x183: {  	v1 =	vld [tilespmem:s4+$0x0]  }
0x184: {  	v2 =	vld [tilespmem:s9+$0x0]  }
0x185: {  	v0 =	vld [tilespmem:s9+$0xFFFFFF90]  }
0x186: {  	v3 =	vld [tilespmem:s4+$0xFFFFFFA0]  }
0x187: {  	v4 =	vld [tilespmem:s9+$0xFFFFFFA0]  }
0x188: {  	v5 =	vld [tilespmem:s4+$0xFFFFFFB0]  }
0x189: {  	v6 =	vld [tilespmem:s9+$0xFFFFFFB0]  }
0x18a: {  	v7 =	vld [tilespmem:s4+$0xFFFFFFC0]  }
0x18b: {  	v8 =	vld [tilespmem:s9+$0xFFFFFFC0]  }
0x18c: {  	v9 =	vld [tilespmem:s4+$0xFFFFFFD0]  }
0x18d: {  	v10 =	vld [tilespmem:s9+$0xFFFFFFD0];
	v2 =	vadd.f32 v2, v1  }
0x18e: {  	v4 =	vadd.f32 v4, v3;
	v1 =	vld [tilespmem:s4+$0xFFFFFFE0]  }
0x18f: {  	v5 =	vadd.f32 v6, v5;
	v3 =	vld [tilespmem:s9+$0xFFFFFFE0];
	[tilespmem:s4+$0x0] =	vst v2  }
0x190: {  	v6 =	vadd.f32 v8, v7;
	[tilespmem:s4+$0xFFFFFFA0] =	vst v4;
	v2 =	vld [tilespmem:s4+$0xFFFFFFF0]  }
0x191: {  	[tilespmem:s4+$0xFFFFFFB0] =	vst v5;
	v4 =	vld [tilespmem:s9+$0xFFFFFFF0]  }
0x192: {  	s28 =	simm.s32 $0x0;
	s15 =	simm.s32 $0xC4F0;
	s8 =	simm.s32 $0xC170;
	v5 =	vld [tilespmem:s4+$0xFFFFFF90];
	[tilespmem:s4+$0xFFFFFFC0] =	vst v6;
	v6 =	vadd.f32 v10, v9  }
.LBB2_21:
0x193: {  	v7 =	vld [tilespmem:s15+$0x0];
	s9 =	sadd.s32 $0x400, s9  }
0x194: {  	s28 =	sadd.s32 $0x80, s28;
	v8 =	vld [tilespmem:s9+$0x0];
	[tilespmem:s4+$0xFFFFFFD0] =	vst v6;
	v1 =	vadd.f32 v3, v1  }
0x195: {  	p0 =	slt.u32 s28, $0x780;
	v3 =	vld [tilespmem:s9+$0xFFFFFF90]  }
0x196: {  	v6 =	vld [tilespmem:s15+$0xFFFFFFA0];
	[tilespmem:s4+$0xFFFFFFE0] =	vst v1;
	v1 =	vadd.f32 v4, v2  }
0x197: {  	v2 =	vld [tilespmem:s9+$0xFFFFFFA0];
	v9 =	vadd.f32 v0, v5  }
0x198: {  	v4 =	vld [tilespmem:s15+$0xFFFFFFB0];
	[tilespmem:s4+$0xFFFFFFF0] =	vst v1  }
0x199: {  	v1 =	vld [tilespmem:s9+$0xFFFFFFB0];
	v5 =	vadd.f32 v8, v7;
	[tilespmem:s4+$0xFFFFFF90] =	vst v9;
	s4 =	smov.u32 s15  }
0x19a: {  	v7 =	vld [tilespmem:s15+$0xFFFFFFC0];
	v0 =	vmov v3  }
0x19b: {  	s11 =	simm.s32 $0x170;
	v8 =	vld [tilespmem:s9+$0xFFFFFFC0];
	[tilespmem:s15+$0x0] =	vst v5  }
0x19c: {  	v2 =	vadd.f32 v2, v6;
	v6 =	vld [tilespmem:s15+$0xFFFFFFD0]  }
0x19d: {  	v9 =	vld [tilespmem:s9+$0xFFFFFFD0]  }
.Ltmp9:
0x19e: {  	[tilespmem:s15+$0xFFFFFFA0] =	vst v2;
	v2 =	vadd.f32 v1, v4;
	v1 =	vld [tilespmem:s15+$0xFFFFFFE0];
	(pc) =	sbr.rel @p0 .LBB2_21-.Ltmp9, $4  }
0x19f: {  	v3 =	vld [tilespmem:s9+$0xFFFFFFE0]  }
0x1a0: {  	[tilespmem:s15+$0xFFFFFFB0] =	vst v2;
	v7 =	vadd.f32 v8, v7;
	v2 =	vld [tilespmem:s15+$0xFFFFFFF0]  }
0x1a1: {  	v4 =	vld [tilespmem:s9+$0xFFFFFFF0]  }
0x1a2: {  	s15 =	sadd.s32 $0x400, s15;
	v5 =	vld [tilespmem:s4+$0xFFFFFF90];
	[tilespmem:s4+$0xFFFFFFC0] =	vst v7;
	v6 =	vadd.f32 v9, v6  }
0x1a3: {  	_ =	sdelay $0x1  }
0x1a4: {  	v1 =	vadd.f32 v3, v1  }
0x1a5: {  	[tilespmem:s4+$0xFFFFFFD0] =	vst v6;
	v2 =	vadd.f32 v4, v2  }
0x1a6: {  	[tilespmem:s4+$0xFFFFFFE0] =	vst v1;
	v0 =	vadd.f32 v0, v5  }
0x1a7: {  	[tilespmem:s4+$0xFFFFFFF0] =	vst v2  }
0x1a8: {  	[tilespmem:s4+$0xFFFFFF90] =	vst v0  }
0x1a9: {  	v1 =	vld [tilespmem:s8+$0x0]  }
0x1aa: {  	v2 =	vld [tilespmem:s11+$0x0]  }
0x1ab: {  	v0 =	vld [tilespmem:s11+$0xFFFFFF90]  }
0x1ac: {  	v3 =	vld [tilespmem:s8+$0xFFFFFFA0]  }
0x1ad: {  	v4 =	vld [tilespmem:s11+$0xFFFFFFA0]  }
0x1ae: {  	v5 =	vld [tilespmem:s8+$0xFFFFFFB0]  }
0x1af: {  	v6 =	vld [tilespmem:s11+$0xFFFFFFB0]  }
0x1b0: {  	v7 =	vld [tilespmem:s8+$0xFFFFFFC0]  }
0x1b1: {  	v8 =	vld [tilespmem:s11+$0xFFFFFFC0]  }
0x1b2: {  	v9 =	vld [tilespmem:s8+$0xFFFFFFD0]  }
0x1b3: {  	v10 =	vld [tilespmem:s11+$0xFFFFFFD0];
	v2 =	vadd.f32 v2, v1  }
0x1b4: {  	v4 =	vadd.f32 v4, v3;
	v1 =	vld [tilespmem:s8+$0xFFFFFFE0]  }
0x1b5: {  	v5 =	vadd.f32 v6, v5;
	v3 =	vld [tilespmem:s11+$0xFFFFFFE0];
	[tilespmem:s8+$0x0] =	vst v2  }
0x1b6: {  	v6 =	vadd.f32 v8, v7;
	[tilespmem:s8+$0xFFFFFFA0] =	vst v4;
	v2 =	vld [tilespmem:s8+$0xFFFFFFF0]  }
0x1b7: {  	[tilespmem:s8+$0xFFFFFFB0] =	vst v5;
	v4 =	vld [tilespmem:s11+$0xFFFFFFF0]  }
0x1b8: {  	s28 =	simm.s32 $0x0;
	s15 =	simm.s32 $0xC570;
	s4 =	simm.s32 $0xC1F0;
	v5 =	vld [tilespmem:s8+$0xFFFFFF90];
	[tilespmem:s8+$0xFFFFFFC0] =	vst v6;
	v6 =	vadd.f32 v10, v9  }
.LBB2_23:
0x1b9: {  	v7 =	vld [tilespmem:s15+$0x0];
	s11 =	sadd.s32 $0x400, s11  }
0x1ba: {  	s28 =	sadd.s32 $0x80, s28;
	v8 =	vld [tilespmem:s11+$0x0];
	[tilespmem:s8+$0xFFFFFFD0] =	vst v6;
	v1 =	vadd.f32 v3, v1  }
0x1bb: {  	p0 =	slt.u32 s28, $0x780;
	v3 =	vld [tilespmem:s11+$0xFFFFFF90]  }
0x1bc: {  	v6 =	vld [tilespmem:s15+$0xFFFFFFA0];
	[tilespmem:s8+$0xFFFFFFE0] =	vst v1;
	v1 =	vadd.f32 v4, v2  }
0x1bd: {  	v2 =	vld [tilespmem:s11+$0xFFFFFFA0];
	v9 =	vadd.f32 v0, v5  }
0x1be: {  	v4 =	vld [tilespmem:s15+$0xFFFFFFB0];
	[tilespmem:s8+$0xFFFFFFF0] =	vst v1  }
0x1bf: {  	v1 =	vld [tilespmem:s11+$0xFFFFFFB0];
	v5 =	vadd.f32 v8, v7;
	[tilespmem:s8+$0xFFFFFF90] =	vst v9;
	s8 =	smov.u32 s15  }
0x1c0: {  	v7 =	vld [tilespmem:s15+$0xFFFFFFC0];
	v0 =	vmov v3  }
0x1c1: {  	s9 =	simm.s32 $0x1F0;
	v8 =	vld [tilespmem:s11+$0xFFFFFFC0];
	[tilespmem:s15+$0x0] =	vst v5  }
0x1c2: {  	v2 =	vadd.f32 v2, v6;
	v6 =	vld [tilespmem:s15+$0xFFFFFFD0]  }
0x1c3: {  	v9 =	vld [tilespmem:s11+$0xFFFFFFD0]  }
.Ltmp10:
0x1c4: {  	[tilespmem:s15+$0xFFFFFFA0] =	vst v2;
	v2 =	vadd.f32 v1, v4;
	v1 =	vld [tilespmem:s15+$0xFFFFFFE0];
	(pc) =	sbr.rel @p0 .LBB2_23-.Ltmp10, $4  }
0x1c5: {  	v3 =	vld [tilespmem:s11+$0xFFFFFFE0]  }
0x1c6: {  	[tilespmem:s15+$0xFFFFFFB0] =	vst v2;
	v7 =	vadd.f32 v8, v7;
	v2 =	vld [tilespmem:s15+$0xFFFFFFF0]  }
0x1c7: {  	v4 =	vld [tilespmem:s11+$0xFFFFFFF0]  }
0x1c8: {  	s15 =	sadd.s32 $0x400, s15;
	v5 =	vld [tilespmem:s8+$0xFFFFFF90];
	[tilespmem:s8+$0xFFFFFFC0] =	vst v7;
	v6 =	vadd.f32 v9, v6  }
0x1c9: {  	_ =	sdelay $0x1  }
0x1ca: {  	v1 =	vadd.f32 v3, v1  }
0x1cb: {  	[tilespmem:s8+$0xFFFFFFD0] =	vst v6;
	v2 =	vadd.f32 v4, v2  }
0x1cc: {  	[tilespmem:s8+$0xFFFFFFE0] =	vst v1;
	v0 =	vadd.f32 v0, v5  }
0x1cd: {  	[tilespmem:s8+$0xFFFFFFF0] =	vst v2  }
0x1ce: {  	[tilespmem:s8+$0xFFFFFF90] =	vst v0  }
0x1cf: {  	v1 =	vld [tilespmem:s4+$0x0]  }
0x1d0: {  	v2 =	vld [tilespmem:s9+$0x0]  }
0x1d1: {  	v0 =	vld [tilespmem:s9+$0xFFFFFF90]  }
0x1d2: {  	v3 =	vld [tilespmem:s4+$0xFFFFFFA0]  }
0x1d3: {  	v4 =	vld [tilespmem:s9+$0xFFFFFFA0]  }
0x1d4: {  	v5 =	vld [tilespmem:s4+$0xFFFFFFB0]  }
0x1d5: {  	v6 =	vld [tilespmem:s9+$0xFFFFFFB0]  }
0x1d6: {  	v7 =	vld [tilespmem:s4+$0xFFFFFFC0]  }
0x1d7: {  	v8 =	vld [tilespmem:s9+$0xFFFFFFC0]  }
0x1d8: {  	v9 =	vld [tilespmem:s4+$0xFFFFFFD0]  }
0x1d9: {  	v10 =	vld [tilespmem:s9+$0xFFFFFFD0];
	v2 =	vadd.f32 v2, v1  }
0x1da: {  	v4 =	vadd.f32 v4, v3;
	v1 =	vld [tilespmem:s4+$0xFFFFFFE0]  }
0x1db: {  	v5 =	vadd.f32 v6, v5;
	v3 =	vld [tilespmem:s9+$0xFFFFFFE0];
	[tilespmem:s4+$0x0] =	vst v2  }
0x1dc: {  	v6 =	vadd.f32 v8, v7;
	[tilespmem:s4+$0xFFFFFFA0] =	vst v4;
	v2 =	vld [tilespmem:s4+$0xFFFFFFF0]  }
0x1dd: {  	[tilespmem:s4+$0xFFFFFFB0] =	vst v5;
	v4 =	vld [tilespmem:s9+$0xFFFFFFF0]  }
0x1de: {  	s28 =	simm.s32 $0x0;
	s15 =	simm.s32 $0xC5F0;
	s8 =	simm.s32 $0xC270;
	v5 =	vld [tilespmem:s4+$0xFFFFFF90];
	[tilespmem:s4+$0xFFFFFFC0] =	vst v6;
	v6 =	vadd.f32 v10, v9  }
.LBB2_25:
0x1df: {  	v7 =	vld [tilespmem:s15+$0x0];
	s9 =	sadd.s32 $0x400, s9  }
0x1e0: {  	s28 =	sadd.s32 $0x80, s28;
	v8 =	vld [tilespmem:s9+$0x0];
	[tilespmem:s4+$0xFFFFFFD0] =	vst v6;
	v1 =	vadd.f32 v3, v1  }
0x1e1: {  	p0 =	slt.u32 s28, $0x780;
	v3 =	vld [tilespmem:s9+$0xFFFFFF90]  }
0x1e2: {  	v6 =	vld [tilespmem:s15+$0xFFFFFFA0];
	[tilespmem:s4+$0xFFFFFFE0] =	vst v1;
	v1 =	vadd.f32 v4, v2  }
0x1e3: {  	v2 =	vld [tilespmem:s9+$0xFFFFFFA0];
	v9 =	vadd.f32 v0, v5  }
0x1e4: {  	v4 =	vld [tilespmem:s15+$0xFFFFFFB0];
	[tilespmem:s4+$0xFFFFFFF0] =	vst v1  }
0x1e5: {  	v1 =	vld [tilespmem:s9+$0xFFFFFFB0];
	v5 =	vadd.f32 v8, v7;
	[tilespmem:s4+$0xFFFFFF90] =	vst v9;
	s4 =	smov.u32 s15  }
0x1e6: {  	v7 =	vld [tilespmem:s15+$0xFFFFFFC0];
	v0 =	vmov v3  }
0x1e7: {  	s11 =	simm.s32 $0x270;
	v8 =	vld [tilespmem:s9+$0xFFFFFFC0];
	[tilespmem:s15+$0x0] =	vst v5  }
0x1e8: {  	v2 =	vadd.f32 v2, v6;
	v6 =	vld [tilespmem:s15+$0xFFFFFFD0]  }
0x1e9: {  	v9 =	vld [tilespmem:s9+$0xFFFFFFD0]  }
.Ltmp11:
0x1ea: {  	[tilespmem:s15+$0xFFFFFFA0] =	vst v2;
	v2 =	vadd.f32 v1, v4;
	v1 =	vld [tilespmem:s15+$0xFFFFFFE0];
	(pc) =	sbr.rel @p0 .LBB2_25-.Ltmp11, $4  }
0x1eb: {  	v3 =	vld [tilespmem:s9+$0xFFFFFFE0]  }
0x1ec: {  	[tilespmem:s15+$0xFFFFFFB0] =	vst v2;
	v7 =	vadd.f32 v8, v7;
	v2 =	vld [tilespmem:s15+$0xFFFFFFF0]  }
0x1ed: {  	v4 =	vld [tilespmem:s9+$0xFFFFFFF0]  }
0x1ee: {  	s15 =	sadd.s32 $0x400, s15;
	v5 =	vld [tilespmem:s4+$0xFFFFFF90];
	[tilespmem:s4+$0xFFFFFFC0] =	vst v7;
	v6 =	vadd.f32 v9, v6  }
0x1ef: {  	_ =	sdelay $0x1  }
0x1f0: {  	v1 =	vadd.f32 v3, v1  }
0x1f1: {  	[tilespmem:s4+$0xFFFFFFD0] =	vst v6;
	v2 =	vadd.f32 v4, v2  }
0x1f2: {  	[tilespmem:s4+$0xFFFFFFE0] =	vst v1;
	v0 =	vadd.f32 v0, v5  }
0x1f3: {  	[tilespmem:s4+$0xFFFFFFF0] =	vst v2  }
0x1f4: {  	[tilespmem:s4+$0xFFFFFF90] =	vst v0  }
0x1f5: {  	v1 =	vld [tilespmem:s8+$0x0]  }
0x1f6: {  	v2 =	vld [tilespmem:s11+$0x0]  }
0x1f7: {  	v0 =	vld [tilespmem:s11+$0xFFFFFF90]  }
0x1f8: {  	v3 =	vld [tilespmem:s8+$0xFFFFFFA0]  }
0x1f9: {  	v4 =	vld [tilespmem:s11+$0xFFFFFFA0]  }
0x1fa: {  	v5 =	vld [tilespmem:s8+$0xFFFFFFB0]  }
0x1fb: {  	v6 =	vld [tilespmem:s11+$0xFFFFFFB0]  }
0x1fc: {  	v7 =	vld [tilespmem:s8+$0xFFFFFFC0]  }
0x1fd: {  	v8 =	vld [tilespmem:s11+$0xFFFFFFC0]  }
0x1fe: {  	v9 =	vld [tilespmem:s8+$0xFFFFFFD0]  }
0x1ff: {  	v10 =	vld [tilespmem:s11+$0xFFFFFFD0];
	v2 =	vadd.f32 v2, v1  }
0x200: {  	v4 =	vadd.f32 v4, v3;
	v1 =	vld [tilespmem:s8+$0xFFFFFFE0]  }
0x201: {  	v5 =	vadd.f32 v6, v5;
	v3 =	vld [tilespmem:s11+$0xFFFFFFE0];
	[tilespmem:s8+$0x0] =	vst v2  }
0x202: {  	v6 =	vadd.f32 v8, v7;
	[tilespmem:s8+$0xFFFFFFA0] =	vst v4;
	v2 =	vld [tilespmem:s8+$0xFFFFFFF0]  }
0x203: {  	[tilespmem:s8+$0xFFFFFFB0] =	vst v5;
	v4 =	vld [tilespmem:s11+$0xFFFFFFF0]  }
0x204: {  	s28 =	simm.s32 $0x0;
	s15 =	simm.s32 $0xC670;
	s4 =	simm.s32 $0xC2F0;
	v5 =	vld [tilespmem:s8+$0xFFFFFF90];
	[tilespmem:s8+$0xFFFFFFC0] =	vst v6;
	v6 =	vadd.f32 v10, v9  }
.LBB2_27:
0x205: {  	v7 =	vld [tilespmem:s15+$0x0];
	s11 =	sadd.s32 $0x400, s11  }
0x206: {  	s28 =	sadd.s32 $0x80, s28;
	v8 =	vld [tilespmem:s11+$0x0];
	[tilespmem:s8+$0xFFFFFFD0] =	vst v6;
	v1 =	vadd.f32 v3, v1  }
0x207: {  	p0 =	slt.u32 s28, $0x780;
	v3 =	vld [tilespmem:s11+$0xFFFFFF90]  }
0x208: {  	v6 =	vld [tilespmem:s15+$0xFFFFFFA0];
	[tilespmem:s8+$0xFFFFFFE0] =	vst v1;
	v1 =	vadd.f32 v4, v2  }
0x209: {  	v2 =	vld [tilespmem:s11+$0xFFFFFFA0];
	v9 =	vadd.f32 v0, v5  }
0x20a: {  	v4 =	vld [tilespmem:s15+$0xFFFFFFB0];
	[tilespmem:s8+$0xFFFFFFF0] =	vst v1  }
0x20b: {  	v1 =	vld [tilespmem:s11+$0xFFFFFFB0];
	v5 =	vadd.f32 v8, v7;
	[tilespmem:s8+$0xFFFFFF90] =	vst v9;
	s8 =	smov.u32 s15  }
0x20c: {  	v7 =	vld [tilespmem:s15+$0xFFFFFFC0];
	v0 =	vmov v3  }
0x20d: {  	s9 =	simm.s32 $0x2F0;
	v8 =	vld [tilespmem:s11+$0xFFFFFFC0];
	[tilespmem:s15+$0x0] =	vst v5  }
0x20e: {  	v2 =	vadd.f32 v2, v6;
	v6 =	vld [tilespmem:s15+$0xFFFFFFD0]  }
0x20f: {  	v9 =	vld [tilespmem:s11+$0xFFFFFFD0]  }
.Ltmp12:
0x210: {  	[tilespmem:s15+$0xFFFFFFA0] =	vst v2;
	v2 =	vadd.f32 v1, v4;
	v1 =	vld [tilespmem:s15+$0xFFFFFFE0];
	(pc) =	sbr.rel @p0 .LBB2_27-.Ltmp12, $4  }
0x211: {  	v3 =	vld [tilespmem:s11+$0xFFFFFFE0]  }
0x212: {  	[tilespmem:s15+$0xFFFFFFB0] =	vst v2;
	v7 =	vadd.f32 v8, v7;
	v2 =	vld [tilespmem:s15+$0xFFFFFFF0]  }
0x213: {  	v4 =	vld [tilespmem:s11+$0xFFFFFFF0]  }
0x214: {  	s15 =	sadd.s32 $0x400, s15;
	v5 =	vld [tilespmem:s8+$0xFFFFFF90];
	[tilespmem:s8+$0xFFFFFFC0] =	vst v7;
	v6 =	vadd.f32 v9, v6  }
0x215: {  	_ =	sdelay $0x1  }
0x216: {  	v1 =	vadd.f32 v3, v1  }
0x217: {  	[tilespmem:s8+$0xFFFFFFD0] =	vst v6;
	v2 =	vadd.f32 v4, v2  }
0x218: {  	[tilespmem:s8+$0xFFFFFFE0] =	vst v1;
	v0 =	vadd.f32 v0, v5  }
0x219: {  	[tilespmem:s8+$0xFFFFFFF0] =	vst v2  }
0x21a: {  	[tilespmem:s8+$0xFFFFFF90] =	vst v0  }
0x21b: {  	v1 =	vld [tilespmem:s4+$0x0]  }
0x21c: {  	v2 =	vld [tilespmem:s9+$0x0]  }
0x21d: {  	v0 =	vld [tilespmem:s9+$0xFFFFFF90]  }
0x21e: {  	v3 =	vld [tilespmem:s4+$0xFFFFFFA0]  }
0x21f: {  	v4 =	vld [tilespmem:s9+$0xFFFFFFA0]  }
0x220: {  	v5 =	vld [tilespmem:s4+$0xFFFFFFB0]  }
0x221: {  	v6 =	vld [tilespmem:s9+$0xFFFFFFB0]  }
0x222: {  	v7 =	vld [tilespmem:s4+$0xFFFFFFC0]  }
0x223: {  	v8 =	vld [tilespmem:s9+$0xFFFFFFC0]  }
0x224: {  	v9 =	vld [tilespmem:s4+$0xFFFFFFD0]  }
0x225: {  	v10 =	vld [tilespmem:s9+$0xFFFFFFD0];
	v2 =	vadd.f32 v2, v1  }
0x226: {  	v4 =	vadd.f32 v4, v3;
	v1 =	vld [tilespmem:s4+$0xFFFFFFE0]  }
0x227: {  	v5 =	vadd.f32 v6, v5;
	v3 =	vld [tilespmem:s9+$0xFFFFFFE0];
	[tilespmem:s4+$0x0] =	vst v2  }
0x228: {  	v6 =	vadd.f32 v8, v7;
	[tilespmem:s4+$0xFFFFFFA0] =	vst v4;
	v2 =	vld [tilespmem:s4+$0xFFFFFFF0]  }
0x229: {  	[tilespmem:s4+$0xFFFFFFB0] =	vst v5;
	v4 =	vld [tilespmem:s9+$0xFFFFFFF0]  }
0x22a: {  	s28 =	simm.s32 $0x0;
	s15 =	simm.s32 $0xC6F0;
	s8 =	simm.s32 $0xC370;
	v5 =	vld [tilespmem:s4+$0xFFFFFF90];
	[tilespmem:s4+$0xFFFFFFC0] =	vst v6;
	v6 =	vadd.f32 v10, v9  }
.LBB2_29:
0x22b: {  	v7 =	vld [tilespmem:s15+$0x0];
	s9 =	sadd.s32 $0x400, s9  }
0x22c: {  	s28 =	sadd.s32 $0x80, s28;
	v8 =	vld [tilespmem:s9+$0x0];
	[tilespmem:s4+$0xFFFFFFD0] =	vst v6;
	v1 =	vadd.f32 v3, v1  }
0x22d: {  	p0 =	slt.u32 s28, $0x780;
	v3 =	vld [tilespmem:s9+$0xFFFFFF90]  }
0x22e: {  	v6 =	vld [tilespmem:s15+$0xFFFFFFA0];
	[tilespmem:s4+$0xFFFFFFE0] =	vst v1;
	v1 =	vadd.f32 v4, v2  }
0x22f: {  	v2 =	vld [tilespmem:s9+$0xFFFFFFA0];
	v9 =	vadd.f32 v0, v5  }
0x230: {  	v4 =	vld [tilespmem:s15+$0xFFFFFFB0];
	[tilespmem:s4+$0xFFFFFFF0] =	vst v1  }
0x231: {  	v1 =	vld [tilespmem:s9+$0xFFFFFFB0];
	v5 =	vadd.f32 v8, v7;
	[tilespmem:s4+$0xFFFFFF90] =	vst v9;
	s4 =	smov.u32 s15  }
0x232: {  	v7 =	vld [tilespmem:s15+$0xFFFFFFC0];
	v0 =	vmov v3  }
0x233: {  	s11 =	simm.s32 $0x370;
	v8 =	vld [tilespmem:s9+$0xFFFFFFC0];
	[tilespmem:s15+$0x0] =	vst v5  }
0x234: {  	v2 =	vadd.f32 v2, v6;
	v6 =	vld [tilespmem:s15+$0xFFFFFFD0]  }
0x235: {  	v9 =	vld [tilespmem:s9+$0xFFFFFFD0]  }
.Ltmp13:
0x236: {  	[tilespmem:s15+$0xFFFFFFA0] =	vst v2;
	v2 =	vadd.f32 v1, v4;
	v1 =	vld [tilespmem:s15+$0xFFFFFFE0];
	(pc) =	sbr.rel @p0 .LBB2_29-.Ltmp13, $4  }
0x237: {  	v3 =	vld [tilespmem:s9+$0xFFFFFFE0]  }
0x238: {  	[tilespmem:s15+$0xFFFFFFB0] =	vst v2;
	v7 =	vadd.f32 v8, v7;
	v2 =	vld [tilespmem:s15+$0xFFFFFFF0]  }
0x239: {  	v4 =	vld [tilespmem:s9+$0xFFFFFFF0]  }
0x23a: {  	s15 =	sadd.s32 $0x400, s15;
	v5 =	vld [tilespmem:s4+$0xFFFFFF90];
	[tilespmem:s4+$0xFFFFFFC0] =	vst v7;
	v6 =	vadd.f32 v9, v6  }
0x23b: {  	_ =	sdelay $0x1  }
0x23c: {  	v1 =	vadd.f32 v3, v1  }
0x23d: {  	[tilespmem:s4+$0xFFFFFFD0] =	vst v6;
	v2 =	vadd.f32 v4, v2  }
0x23e: {  	[tilespmem:s4+$0xFFFFFFE0] =	vst v1;
	v0 =	vadd.f32 v0, v5  }
0x23f: {  	[tilespmem:s4+$0xFFFFFFF0] =	vst v2  }
0x240: {  	[tilespmem:s4+$0xFFFFFF90] =	vst v0  }
0x241: {  	v1 =	vld [tilespmem:s8+$0x0]  }
0x242: {  	v2 =	vld [tilespmem:s11+$0x0]  }
0x243: {  	v0 =	vld [tilespmem:s11+$0xFFFFFF90]  }
0x244: {  	v3 =	vld [tilespmem:s8+$0xFFFFFFA0]  }
0x245: {  	v4 =	vld [tilespmem:s11+$0xFFFFFFA0]  }
0x246: {  	v5 =	vld [tilespmem:s8+$0xFFFFFFB0]  }
0x247: {  	v6 =	vld [tilespmem:s11+$0xFFFFFFB0]  }
0x248: {  	v7 =	vld [tilespmem:s8+$0xFFFFFFC0]  }
0x249: {  	v8 =	vld [tilespmem:s11+$0xFFFFFFC0]  }
0x24a: {  	v9 =	vld [tilespmem:s8+$0xFFFFFFD0]  }
0x24b: {  	v10 =	vld [tilespmem:s11+$0xFFFFFFD0];
	v2 =	vadd.f32 v2, v1  }
0x24c: {  	v4 =	vadd.f32 v4, v3;
	v1 =	vld [tilespmem:s8+$0xFFFFFFE0]  }
0x24d: {  	v5 =	vadd.f32 v6, v5;
	v3 =	vld [tilespmem:s11+$0xFFFFFFE0];
	[tilespmem:s8+$0x0] =	vst v2  }
0x24e: {  	v6 =	vadd.f32 v8, v7;
	[tilespmem:s8+$0xFFFFFFA0] =	vst v4;
	v2 =	vld [tilespmem:s8+$0xFFFFFFF0]  }
0x24f: {  	[tilespmem:s8+$0xFFFFFFB0] =	vst v5;
	v4 =	vld [tilespmem:s11+$0xFFFFFFF0]  }
0x250: {  	s28 =	simm.s32 $0x0;
	s15 =	simm.s32 $0xC770;
	s4 =	simm.s32 $0xC3F0;
	v5 =	vld [tilespmem:s8+$0xFFFFFF90];
	[tilespmem:s8+$0xFFFFFFC0] =	vst v6;
	v6 =	vadd.f32 v10, v9  }
.LBB2_31:
0x251: {  	v7 =	vld [tilespmem:s15+$0x0];
	s11 =	sadd.s32 $0x400, s11  }
0x252: {  	s28 =	sadd.s32 $0x80, s28;
	v8 =	vld [tilespmem:s11+$0x0];
	[tilespmem:s8+$0xFFFFFFD0] =	vst v6;
	v1 =	vadd.f32 v3, v1  }
0x253: {  	p0 =	slt.u32 s28, $0x780;
	v3 =	vld [tilespmem:s11+$0xFFFFFF90]  }
0x254: {  	v6 =	vld [tilespmem:s15+$0xFFFFFFA0];
	[tilespmem:s8+$0xFFFFFFE0] =	vst v1;
	v1 =	vadd.f32 v4, v2  }
0x255: {  	v2 =	vld [tilespmem:s11+$0xFFFFFFA0];
	v9 =	vadd.f32 v0, v5  }
0x256: {  	v4 =	vld [tilespmem:s15+$0xFFFFFFB0];
	[tilespmem:s8+$0xFFFFFFF0] =	vst v1  }
0x257: {  	v1 =	vld [tilespmem:s11+$0xFFFFFFB0];
	v5 =	vadd.f32 v8, v7;
	[tilespmem:s8+$0xFFFFFF90] =	vst v9;
	s8 =	smov.u32 s15  }
0x258: {  	v7 =	vld [tilespmem:s15+$0xFFFFFFC0];
	v0 =	vmov v3  }
0x259: {  	s9 =	simm.s32 $0x3F0;
	v8 =	vld [tilespmem:s11+$0xFFFFFFC0];
	[tilespmem:s15+$0x0] =	vst v5  }
0x25a: {  	v2 =	vadd.f32 v2, v6;
	v6 =	vld [tilespmem:s15+$0xFFFFFFD0]  }
0x25b: {  	v9 =	vld [tilespmem:s11+$0xFFFFFFD0]  }
.Ltmp14:
0x25c: {  	[tilespmem:s15+$0xFFFFFFA0] =	vst v2;
	v2 =	vadd.f32 v1, v4;
	v1 =	vld [tilespmem:s15+$0xFFFFFFE0];
	(pc) =	sbr.rel @p0 .LBB2_31-.Ltmp14, $4  }
0x25d: {  	v3 =	vld [tilespmem:s11+$0xFFFFFFE0]  }
0x25e: {  	[tilespmem:s15+$0xFFFFFFB0] =	vst v2;
	v7 =	vadd.f32 v8, v7;
	v2 =	vld [tilespmem:s15+$0xFFFFFFF0]  }
0x25f: {  	v4 =	vld [tilespmem:s11+$0xFFFFFFF0]  }
0x260: {  	s15 =	sadd.s32 $0x400, s15;
	v5 =	vld [tilespmem:s8+$0xFFFFFF90];
	[tilespmem:s8+$0xFFFFFFC0] =	vst v7;
	v6 =	vadd.f32 v9, v6  }
0x261: {  	_ =	sdelay $0x1  }
0x262: {  	v1 =	vadd.f32 v3, v1  }
0x263: {  	[tilespmem:s8+$0xFFFFFFD0] =	vst v6;
	v2 =	vadd.f32 v4, v2  }
0x264: {  	[tilespmem:s8+$0xFFFFFFE0] =	vst v1;
	v0 =	vadd.f32 v0, v5  }
0x265: {  	[tilespmem:s8+$0xFFFFFFF0] =	vst v2  }
0x266: {  	[tilespmem:s8+$0xFFFFFF90] =	vst v0  }
0x267: {  	v1 =	vld [tilespmem:s4+$0x0]  }
0x268: {  	v2 =	vld [tilespmem:s9+$0x0]  }
0x269: {  	v0 =	vld [tilespmem:s9+$0xFFFFFF90]  }
0x26a: {  	v3 =	vld [tilespmem:s4+$0xFFFFFFA0]  }
0x26b: {  	v4 =	vld [tilespmem:s9+$0xFFFFFFA0]  }
0x26c: {  	v5 =	vld [tilespmem:s4+$0xFFFFFFB0]  }
0x26d: {  	v6 =	vld [tilespmem:s9+$0xFFFFFFB0]  }
0x26e: {  	v7 =	vld [tilespmem:s4+$0xFFFFFFC0]  }
0x26f: {  	v8 =	vld [tilespmem:s9+$0xFFFFFFC0]  }
0x270: {  	v9 =	vld [tilespmem:s4+$0xFFFFFFD0]  }
0x271: {  	v10 =	vld [tilespmem:s9+$0xFFFFFFD0];
	v2 =	vadd.f32 v2, v1  }
0x272: {  	v4 =	vadd.f32 v4, v3;
	v1 =	vld [tilespmem:s4+$0xFFFFFFE0]  }
0x273: {  	v5 =	vadd.f32 v6, v5;
	v3 =	vld [tilespmem:s9+$0xFFFFFFE0];
	[tilespmem:s4+$0x0] =	vst v2  }
0x274: {  	v6 =	vadd.f32 v8, v7;
	[tilespmem:s4+$0xFFFFFFA0] =	vst v4;
	v2 =	vld [tilespmem:s4+$0xFFFFFFF0]  }
0x275: {  	[tilespmem:s4+$0xFFFFFFB0] =	vst v5;
	v5 =	vld [tilespmem:s9+$0xFFFFFFF0]  }
0x276: {  	s2 =	simm.s32 $0xC7F0;
	s8 =	simm.s32 $0x0;
	v4 =	vld [tilespmem:s4+$0xFFFFFF90];
	[tilespmem:s4+$0xFFFFFFC0] =	vst v6;
	v6 =	vadd.f32 v10, v9  }
.LBB2_33:
0x277: {  	v7 =	vld [tilespmem:s2+$0x0];
	s9 =	sadd.s32 $0x400, s9  }
0x278: {  	s8 =	sadd.s32 $0x80, s8;
	v8 =	vld [tilespmem:s9+$0x0];
	[tilespmem:s4+$0xFFFFFFD0] =	vst v6;
	v1 =	vadd.f32 v3, v1  }
0x279: {  	p0 =	slt.u32 s8, $0x780;
	v3 =	vld [tilespmem:s9+$0xFFFFFF90]  }
0x27a: {  	v6 =	vld [tilespmem:s2+$0xFFFFFFA0];
	[tilespmem:s4+$0xFFFFFFE0] =	vst v1;
	v1 =	vadd.f32 v5, v2  }
0x27b: {  	v2 =	vld [tilespmem:s9+$0xFFFFFFA0];
	v9 =	vadd.f32 v0, v4  }
0x27c: {  	v4 =	vld [tilespmem:s2+$0xFFFFFFB0];
	[tilespmem:s4+$0xFFFFFFF0] =	vst v1  }
0x27d: {  	v1 =	vld [tilespmem:s9+$0xFFFFFFB0];
	v5 =	vadd.f32 v8, v7;
	[tilespmem:s4+$0xFFFFFF90] =	vst v9;
	s4 =	smov.u32 s2  }
0x27e: {  	v7 =	vld [tilespmem:s2+$0xFFFFFFC0];
	v0 =	vmov v3  }
0x27f: {  	v8 =	vld [tilespmem:s9+$0xFFFFFFC0];
	[tilespmem:s2+$0x0] =	vst v5  }
0x280: {  	v2 =	vadd.f32 v2, v6;
	v6 =	vld [tilespmem:s2+$0xFFFFFFD0]  }
0x281: {  	v9 =	vld [tilespmem:s9+$0xFFFFFFD0]  }
.Ltmp15:
0x282: {  	[tilespmem:s2+$0xFFFFFFA0] =	vst v2;
	v2 =	vadd.f32 v1, v4;
	v1 =	vld [tilespmem:s2+$0xFFFFFFE0];
	(pc) =	sbr.rel @p0 .LBB2_33-.Ltmp15, $4  }
0x283: {  	v3 =	vld [tilespmem:s9+$0xFFFFFFE0]  }
0x284: {  	[tilespmem:s2+$0xFFFFFFB0] =	vst v2;
	v7 =	vadd.f32 v8, v7;
	v2 =	vld [tilespmem:s2+$0xFFFFFFF0]  }
0x285: {  	v5 =	vld [tilespmem:s9+$0xFFFFFFF0]  }
0x286: {  	s2 =	sadd.s32 $0x400, s2;
	v4 =	vld [tilespmem:s4+$0xFFFFFF90];
	[tilespmem:s4+$0xFFFFFFC0] =	vst v7;
	v6 =	vadd.f32 v9, v6  }
0x287: {  	_ =	sdelay $0x1  }
0x288: {  	v1 =	vadd.f32 v3, v1  }
0x289: {  	[tilespmem:s4+$0xFFFFFFD0] =	vst v6;
	v2 =	vadd.f32 v5, v2  }
0x28a: {  	[tilespmem:s4+$0xFFFFFFE0] =	vst v1;
	v0 =	vadd.f32 v0, v4  }
0x28b: {  	s2 =	sor.u32 $0x100000, s29;
	[tilespmem:s4+$0xFFFFFFF0] =	vst v2  }
0x28c: {  	s2 =	sadd.s32 s3, s2;
	[tilespmem:s4+$0xFFFFFF90] =	vst v0  }
0x28d: {  	[hbm4b:s2+s5] =	stream.linear.scatter [tilespmem:s13], [sflag:$0x8], $0x4000, $0x38;
	[tilespmem:$0x18000] =	vst v63  }
0x28e: {  	_ =	swait.ge [sflag:s20], $0x4000  }
0x28f: {  	[sflag:s20] =	ssyncset.done $0x0  }
0x290: {  	[sflag:s20] =	ssyncadd.s32 $0xFFFFC000  }
0x291: {  	_ =	swait.ge [sflag:s21], $0x4000  }
0x292: {  	[sflag:s21] =	ssyncset.done $0x0  }
0x293: {  	s15 =	sadd.s32 s1, s30;
	s8 =	simm.s32 $0x10040;
	[sflag:s21] =	ssyncadd.s32 $0xFFFFC000  }
0x294: {  	[tilespmem:s12], [sflag:$0x3] =	stream.linear.gather [hbm4b:s15+s5], $0x4000, $0x38;
	[tilespmem:$0x18000] =	vst v63  }
0x295: {  	s11 =	simm.s32 $0x40;
	v1 =	vld [tilespmem:s8+$0x30]  }
0x296: {  	v2 =	vld [tilespmem:s11+$0x30]  }
0x297: {  	v0 =	vld [tilespmem:s11+$0xFFFFFFC0]  }
0x298: {  	v3 =	vld [tilespmem:s8+$0xFFFFFFD0]  }
0x299: {  	v4 =	vld [tilespmem:s11+$0xFFFFFFD0]  }
0x29a: {  	v5 =	vld [tilespmem:s8+$0xFFFFFFE0]  }
0x29b: {  	v6 =	vld [tilespmem:s11+$0xFFFFFFE0]  }
0x29c: {  	v7 =	vld [tilespmem:s8+$0xFFFFFFF0]  }
0x29d: {  	v8 =	vld [tilespmem:s11+$0xFFFFFFF0]  }
0x29e: {  	v9 =	vld [tilespmem:s8+$0x0]  }
0x29f: {  	v10 =	vld [tilespmem:s11+$0x0];
	v2 =	vadd.f32 v2, v1  }
0x2a0: {  	v4 =	vadd.f32 v4, v3;
	v1 =	vld [tilespmem:s8+$0x10]  }
0x2a1: {  	v5 =	vadd.f32 v6, v5;
	v3 =	vld [tilespmem:s11+$0x10];
	[tilespmem:s8+$0x30] =	vst v2  }
0x2a2: {  	v6 =	vadd.f32 v8, v7;
	[tilespmem:s8+$0xFFFFFFD0] =	vst v4;
	v2 =	vld [tilespmem:s8+$0x20]  }
0x2a3: {  	[tilespmem:s8+$0xFFFFFFE0] =	vst v5;
	v4 =	vld [tilespmem:s11+$0x20]  }
0x2a4: {  	s28 =	simm.s32 $0x0;
	s4 =	simm.s32 $0x100F0;
	s15 =	simm.s32 $0x10440;
	v5 =	vld [tilespmem:s8+$0xFFFFFFC0];
	[tilespmem:s8+$0xFFFFFFF0] =	vst v6;
	v6 =	vadd.f32 v10, v9  }
.LBB2_35:
0x2a5: {  	v7 =	vld [tilespmem:s15+$0x30];
	s11 =	sadd.s32 $0x400, s11  }
0x2a6: {  	s28 =	sadd.s32 $0x80, s28;
	v8 =	vld [tilespmem:s11+$0x30];
	[tilespmem:s8+$0x0] =	vst v6;
	v1 =	vadd.f32 v3, v1  }
0x2a7: {  	p0 =	slt.u32 s28, $0x780;
	v3 =	vld [tilespmem:s11+$0xFFFFFFC0]  }
0x2a8: {  	v6 =	vld [tilespmem:s15+$0xFFFFFFD0];
	[tilespmem:s8+$0x10] =	vst v1;
	v1 =	vadd.f32 v4, v2  }
0x2a9: {  	v2 =	vld [tilespmem:s11+$0xFFFFFFD0];
	v9 =	vadd.f32 v0, v5  }
0x2aa: {  	v4 =	vld [tilespmem:s15+$0xFFFFFFE0];
	[tilespmem:s8+$0x20] =	vst v1  }
0x2ab: {  	v1 =	vld [tilespmem:s11+$0xFFFFFFE0];
	v5 =	vadd.f32 v8, v7;
	[tilespmem:s8+$0xFFFFFFC0] =	vst v9;
	s8 =	smov.u32 s15  }
0x2ac: {  	v7 =	vld [tilespmem:s15+$0xFFFFFFF0];
	v0 =	vmov v3  }
0x2ad: {  	s9 =	simm.s32 $0xF0;
	v8 =	vld [tilespmem:s11+$0xFFFFFFF0];
	[tilespmem:s15+$0x30] =	vst v5  }
0x2ae: {  	v2 =	vadd.f32 v2, v6;
	v6 =	vld [tilespmem:s15+$0x0]  }
0x2af: {  	v9 =	vld [tilespmem:s11+$0x0]  }
.Ltmp16:
0x2b0: {  	[tilespmem:s15+$0xFFFFFFD0] =	vst v2;
	v2 =	vadd.f32 v1, v4;
	v1 =	vld [tilespmem:s15+$0x10];
	(pc) =	sbr.rel @p0 .LBB2_35-.Ltmp16, $4  }
0x2b1: {  	v3 =	vld [tilespmem:s11+$0x10]  }
0x2b2: {  	[tilespmem:s15+$0xFFFFFFE0] =	vst v2;
	v7 =	vadd.f32 v8, v7;
	v2 =	vld [tilespmem:s15+$0x20]  }
0x2b3: {  	v4 =	vld [tilespmem:s11+$0x20]  }
0x2b4: {  	s15 =	sadd.s32 $0x400, s15;
	v5 =	vld [tilespmem:s8+$0xFFFFFFC0];
	[tilespmem:s8+$0xFFFFFFF0] =	vst v7;
	v6 =	vadd.f32 v9, v6  }
0x2b5: {  	_ =	sdelay $0x1  }
0x2b6: {  	v1 =	vadd.f32 v3, v1  }
0x2b7: {  	[tilespmem:s8+$0x0] =	vst v6;
	v2 =	vadd.f32 v4, v2  }
0x2b8: {  	[tilespmem:s8+$0x10] =	vst v1;
	v0 =	vadd.f32 v0, v5  }
0x2b9: {  	[tilespmem:s8+$0x20] =	vst v2  }
0x2ba: {  	[tilespmem:s8+$0xFFFFFFC0] =	vst v0  }
0x2bb: {  	v1 =	vld [tilespmem:s4+$0x0]  }
0x2bc: {  	v2 =	vld [tilespmem:s9+$0x0]  }
0x2bd: {  	v0 =	vld [tilespmem:s9+$0xFFFFFF90]  }
0x2be: {  	v3 =	vld [tilespmem:s4+$0xFFFFFFA0]  }
0x2bf: {  	v4 =	vld [tilespmem:s9+$0xFFFFFFA0]  }
0x2c0: {  	v5 =	vld [tilespmem:s4+$0xFFFFFFB0]  }
0x2c1: {  	v6 =	vld [tilespmem:s9+$0xFFFFFFB0]  }
0x2c2: {  	v7 =	vld [tilespmem:s4+$0xFFFFFFC0]  }
0x2c3: {  	v8 =	vld [tilespmem:s9+$0xFFFFFFC0]  }
0x2c4: {  	v9 =	vld [tilespmem:s4+$0xFFFFFFD0]  }
0x2c5: {  	v10 =	vld [tilespmem:s9+$0xFFFFFFD0];
	v2 =	vadd.f32 v2, v1  }
0x2c6: {  	v4 =	vadd.f32 v4, v3;
	v1 =	vld [tilespmem:s4+$0xFFFFFFE0]  }
0x2c7: {  	v5 =	vadd.f32 v6, v5;
	v3 =	vld [tilespmem:s9+$0xFFFFFFE0];
	[tilespmem:s4+$0x0] =	vst v2  }
0x2c8: {  	v6 =	vadd.f32 v8, v7;
	[tilespmem:s4+$0xFFFFFFA0] =	vst v4;
	v2 =	vld [tilespmem:s4+$0xFFFFFFF0]  }
0x2c9: {  	[tilespmem:s4+$0xFFFFFFB0] =	vst v5;
	v4 =	vld [tilespmem:s9+$0xFFFFFFF0]  }
0x2ca: {  	s28 =	simm.s32 $0x0;
	s15 =	simm.s32 $0x104F0;
	s8 =	simm.s32 $0x10170;
	v5 =	vld [tilespmem:s4+$0xFFFFFF90];
	[tilespmem:s4+$0xFFFFFFC0] =	vst v6;
	v6 =	vadd.f32 v10, v9  }
.LBB2_37:
0x2cb: {  	v7 =	vld [tilespmem:s15+$0x0];
	s9 =	sadd.s32 $0x400, s9  }
0x2cc: {  	s28 =	sadd.s32 $0x80, s28;
	v8 =	vld [tilespmem:s9+$0x0];
	[tilespmem:s4+$0xFFFFFFD0] =	vst v6;
	v1 =	vadd.f32 v3, v1  }
0x2cd: {  	p0 =	slt.u32 s28, $0x780;
	v3 =	vld [tilespmem:s9+$0xFFFFFF90]  }
0x2ce: {  	v6 =	vld [tilespmem:s15+$0xFFFFFFA0];
	[tilespmem:s4+$0xFFFFFFE0] =	vst v1;
	v1 =	vadd.f32 v4, v2  }
0x2cf: {  	v2 =	vld [tilespmem:s9+$0xFFFFFFA0];
	v9 =	vadd.f32 v0, v5  }
0x2d0: {  	v4 =	vld [tilespmem:s15+$0xFFFFFFB0];
	[tilespmem:s4+$0xFFFFFFF0] =	vst v1  }
0x2d1: {  	v1 =	vld [tilespmem:s9+$0xFFFFFFB0];
	v5 =	vadd.f32 v8, v7;
	[tilespmem:s4+$0xFFFFFF90] =	vst v9;
	s4 =	smov.u32 s15  }
0x2d2: {  	v7 =	vld [tilespmem:s15+$0xFFFFFFC0];
	v0 =	vmov v3  }
0x2d3: {  	s11 =	simm.s32 $0x170;
	v8 =	vld [tilespmem:s9+$0xFFFFFFC0];
	[tilespmem:s15+$0x0] =	vst v5  }
0x2d4: {  	v2 =	vadd.f32 v2, v6;
	v6 =	vld [tilespmem:s15+$0xFFFFFFD0]  }
0x2d5: {  	v9 =	vld [tilespmem:s9+$0xFFFFFFD0]  }
.Ltmp17:
0x2d6: {  	[tilespmem:s15+$0xFFFFFFA0] =	vst v2;
	v2 =	vadd.f32 v1, v4;
	v1 =	vld [tilespmem:s15+$0xFFFFFFE0];
	(pc) =	sbr.rel @p0 .LBB2_37-.Ltmp17, $4  }
0x2d7: {  	v3 =	vld [tilespmem:s9+$0xFFFFFFE0]  }
0x2d8: {  	[tilespmem:s15+$0xFFFFFFB0] =	vst v2;
	v7 =	vadd.f32 v8, v7;
	v2 =	vld [tilespmem:s15+$0xFFFFFFF0]  }
0x2d9: {  	v4 =	vld [tilespmem:s9+$0xFFFFFFF0]  }
0x2da: {  	s15 =	sadd.s32 $0x400, s15;
	v5 =	vld [tilespmem:s4+$0xFFFFFF90];
	[tilespmem:s4+$0xFFFFFFC0] =	vst v7;
	v6 =	vadd.f32 v9, v6  }
0x2db: {  	_ =	sdelay $0x1  }
0x2dc: {  	v1 =	vadd.f32 v3, v1  }
0x2dd: {  	[tilespmem:s4+$0xFFFFFFD0] =	vst v6;
	v2 =	vadd.f32 v4, v2  }
0x2de: {  	[tilespmem:s4+$0xFFFFFFE0] =	vst v1;
	v0 =	vadd.f32 v0, v5  }
0x2df: {  	[tilespmem:s4+$0xFFFFFFF0] =	vst v2  }
0x2e0: {  	[tilespmem:s4+$0xFFFFFF90] =	vst v0  }
0x2e1: {  	v1 =	vld [tilespmem:s8+$0x0]  }
0x2e2: {  	v2 =	vld [tilespmem:s11+$0x0]  }
0x2e3: {  	v0 =	vld [tilespmem:s11+$0xFFFFFF90]  }
0x2e4: {  	v3 =	vld [tilespmem:s8+$0xFFFFFFA0]  }
0x2e5: {  	v4 =	vld [tilespmem:s11+$0xFFFFFFA0]  }
0x2e6: {  	v5 =	vld [tilespmem:s8+$0xFFFFFFB0]  }
0x2e7: {  	v6 =	vld [tilespmem:s11+$0xFFFFFFB0]  }
0x2e8: {  	v7 =	vld [tilespmem:s8+$0xFFFFFFC0]  }
0x2e9: {  	v8 =	vld [tilespmem:s11+$0xFFFFFFC0]  }
0x2ea: {  	v9 =	vld [tilespmem:s8+$0xFFFFFFD0]  }
0x2eb: {  	v10 =	vld [tilespmem:s11+$0xFFFFFFD0];
	v2 =	vadd.f32 v2, v1  }
0x2ec: {  	v4 =	vadd.f32 v4, v3;
	v1 =	vld [tilespmem:s8+$0xFFFFFFE0]  }
0x2ed: {  	v5 =	vadd.f32 v6, v5;
	v3 =	vld [tilespmem:s11+$0xFFFFFFE0];
	[tilespmem:s8+$0x0] =	vst v2  }
0x2ee: {  	v6 =	vadd.f32 v8, v7;
	[tilespmem:s8+$0xFFFFFFA0] =	vst v4;
	v2 =	vld [tilespmem:s8+$0xFFFFFFF0]  }
0x2ef: {  	[tilespmem:s8+$0xFFFFFFB0] =	vst v5;
	v4 =	vld [tilespmem:s11+$0xFFFFFFF0]  }
0x2f0: {  	s28 =	simm.s32 $0x0;
	s15 =	simm.s32 $0x10570;
	s4 =	simm.s32 $0x101F0;
	v5 =	vld [tilespmem:s8+$0xFFFFFF90];
	[tilespmem:s8+$0xFFFFFFC0] =	vst v6;
	v6 =	vadd.f32 v10, v9  }
.LBB2_39:
0x2f1: {  	v7 =	vld [tilespmem:s15+$0x0];
	s11 =	sadd.s32 $0x400, s11  }
0x2f2: {  	s28 =	sadd.s32 $0x80, s28;
	v8 =	vld [tilespmem:s11+$0x0];
	[tilespmem:s8+$0xFFFFFFD0] =	vst v6;
	v1 =	vadd.f32 v3, v1  }
0x2f3: {  	p0 =	slt.u32 s28, $0x780;
	v3 =	vld [tilespmem:s11+$0xFFFFFF90]  }
0x2f4: {  	v6 =	vld [tilespmem:s15+$0xFFFFFFA0];
	[tilespmem:s8+$0xFFFFFFE0] =	vst v1;
	v1 =	vadd.f32 v4, v2  }
0x2f5: {  	v2 =	vld [tilespmem:s11+$0xFFFFFFA0];
	v9 =	vadd.f32 v0, v5  }
0x2f6: {  	v4 =	vld [tilespmem:s15+$0xFFFFFFB0];
	[tilespmem:s8+$0xFFFFFFF0] =	vst v1  }
0x2f7: {  	v1 =	vld [tilespmem:s11+$0xFFFFFFB0];
	v5 =	vadd.f32 v8, v7;
	[tilespmem:s8+$0xFFFFFF90] =	vst v9;
	s8 =	smov.u32 s15  }
0x2f8: {  	v7 =	vld [tilespmem:s15+$0xFFFFFFC0];
	v0 =	vmov v3  }
0x2f9: {  	s9 =	simm.s32 $0x1F0;
	v8 =	vld [tilespmem:s11+$0xFFFFFFC0];
	[tilespmem:s15+$0x0] =	vst v5  }
0x2fa: {  	v2 =	vadd.f32 v2, v6;
	v6 =	vld [tilespmem:s15+$0xFFFFFFD0]  }
0x2fb: {  	v9 =	vld [tilespmem:s11+$0xFFFFFFD0]  }
.Ltmp18:
0x2fc: {  	[tilespmem:s15+$0xFFFFFFA0] =	vst v2;
	v2 =	vadd.f32 v1, v4;
	v1 =	vld [tilespmem:s15+$0xFFFFFFE0];
	(pc) =	sbr.rel @p0 .LBB2_39-.Ltmp18, $4  }
0x2fd: {  	v3 =	vld [tilespmem:s11+$0xFFFFFFE0]  }
0x2fe: {  	[tilespmem:s15+$0xFFFFFFB0] =	vst v2;
	v7 =	vadd.f32 v8, v7;
	v2 =	vld [tilespmem:s15+$0xFFFFFFF0]  }
0x2ff: {  	v4 =	vld [tilespmem:s11+$0xFFFFFFF0]  }
0x300: {  	s15 =	sadd.s32 $0x400, s15;
	v5 =	vld [tilespmem:s8+$0xFFFFFF90];
	[tilespmem:s8+$0xFFFFFFC0] =	vst v7;
	v6 =	vadd.f32 v9, v6  }
0x301: {  	_ =	sdelay $0x1  }
0x302: {  	v1 =	vadd.f32 v3, v1  }
0x303: {  	[tilespmem:s8+$0xFFFFFFD0] =	vst v6;
	v2 =	vadd.f32 v4, v2  }
0x304: {  	[tilespmem:s8+$0xFFFFFFE0] =	vst v1;
	v0 =	vadd.f32 v0, v5  }
0x305: {  	[tilespmem:s8+$0xFFFFFFF0] =	vst v2  }
0x306: {  	[tilespmem:s8+$0xFFFFFF90] =	vst v0  }
0x307: {  	v1 =	vld [tilespmem:s4+$0x0]  }
0x308: {  	v2 =	vld [tilespmem:s9+$0x0]  }
0x309: {  	v0 =	vld [tilespmem:s9+$0xFFFFFF90]  }
0x30a: {  	v3 =	vld [tilespmem:s4+$0xFFFFFFA0]  }
0x30b: {  	v4 =	vld [tilespmem:s9+$0xFFFFFFA0]  }
0x30c: {  	v5 =	vld [tilespmem:s4+$0xFFFFFFB0]  }
0x30d: {  	v6 =	vld [tilespmem:s9+$0xFFFFFFB0]  }
0x30e: {  	v7 =	vld [tilespmem:s4+$0xFFFFFFC0]  }
0x30f: {  	v8 =	vld [tilespmem:s9+$0xFFFFFFC0]  }
0x310: {  	v9 =	vld [tilespmem:s4+$0xFFFFFFD0]  }
0x311: {  	v10 =	vld [tilespmem:s9+$0xFFFFFFD0];
	v2 =	vadd.f32 v2, v1  }
0x312: {  	v4 =	vadd.f32 v4, v3;
	v1 =	vld [tilespmem:s4+$0xFFFFFFE0]  }
0x313: {  	v5 =	vadd.f32 v6, v5;
	v3 =	vld [tilespmem:s9+$0xFFFFFFE0];
	[tilespmem:s4+$0x0] =	vst v2  }
0x314: {  	v6 =	vadd.f32 v8, v7;
	[tilespmem:s4+$0xFFFFFFA0] =	vst v4;
	v2 =	vld [tilespmem:s4+$0xFFFFFFF0]  }
0x315: {  	[tilespmem:s4+$0xFFFFFFB0] =	vst v5;
	v4 =	vld [tilespmem:s9+$0xFFFFFFF0]  }
0x316: {  	s28 =	simm.s32 $0x0;
	s15 =	simm.s32 $0x105F0;
	s8 =	simm.s32 $0x10270;
	v5 =	vld [tilespmem:s4+$0xFFFFFF90];
	[tilespmem:s4+$0xFFFFFFC0] =	vst v6;
	v6 =	vadd.f32 v10, v9  }
.LBB2_41:
0x317: {  	v7 =	vld [tilespmem:s15+$0x0];
	s9 =	sadd.s32 $0x400, s9  }
0x318: {  	s28 =	sadd.s32 $0x80, s28;
	v8 =	vld [tilespmem:s9+$0x0];
	[tilespmem:s4+$0xFFFFFFD0] =	vst v6;
	v1 =	vadd.f32 v3, v1  }
0x319: {  	p0 =	slt.u32 s28, $0x780;
	v3 =	vld [tilespmem:s9+$0xFFFFFF90]  }
0x31a: {  	v6 =	vld [tilespmem:s15+$0xFFFFFFA0];
	[tilespmem:s4+$0xFFFFFFE0] =	vst v1;
	v1 =	vadd.f32 v4, v2  }
0x31b: {  	v2 =	vld [tilespmem:s9+$0xFFFFFFA0];
	v9 =	vadd.f32 v0, v5  }
0x31c: {  	v4 =	vld [tilespmem:s15+$0xFFFFFFB0];
	[tilespmem:s4+$0xFFFFFFF0] =	vst v1  }
0x31d: {  	v1 =	vld [tilespmem:s9+$0xFFFFFFB0];
	v5 =	vadd.f32 v8, v7;
	[tilespmem:s4+$0xFFFFFF90] =	vst v9;
	s4 =	smov.u32 s15  }
0x31e: {  	v7 =	vld [tilespmem:s15+$0xFFFFFFC0];
	v0 =	vmov v3  }
0x31f: {  	s11 =	simm.s32 $0x270;
	v8 =	vld [tilespmem:s9+$0xFFFFFFC0];
	[tilespmem:s15+$0x0] =	vst v5  }
0x320: {  	v2 =	vadd.f32 v2, v6;
	v6 =	vld [tilespmem:s15+$0xFFFFFFD0]  }
0x321: {  	v9 =	vld [tilespmem:s9+$0xFFFFFFD0]  }
.Ltmp19:
0x322: {  	[tilespmem:s15+$0xFFFFFFA0] =	vst v2;
	v2 =	vadd.f32 v1, v4;
	v1 =	vld [tilespmem:s15+$0xFFFFFFE0];
	(pc) =	sbr.rel @p0 .LBB2_41-.Ltmp19, $4  }
0x323: {  	v3 =	vld [tilespmem:s9+$0xFFFFFFE0]  }
0x324: {  	[tilespmem:s15+$0xFFFFFFB0] =	vst v2;
	v7 =	vadd.f32 v8, v7;
	v2 =	vld [tilespmem:s15+$0xFFFFFFF0]  }
0x325: {  	v4 =	vld [tilespmem:s9+$0xFFFFFFF0]  }
0x326: {  	s15 =	sadd.s32 $0x400, s15;
	v5 =	vld [tilespmem:s4+$0xFFFFFF90];
	[tilespmem:s4+$0xFFFFFFC0] =	vst v7;
	v6 =	vadd.f32 v9, v6  }
0x327: {  	_ =	sdelay $0x1  }
0x328: {  	v1 =	vadd.f32 v3, v1  }
0x329: {  	[tilespmem:s4+$0xFFFFFFD0] =	vst v6;
	v2 =	vadd.f32 v4, v2  }
0x32a: {  	[tilespmem:s4+$0xFFFFFFE0] =	vst v1;
	v0 =	vadd.f32 v0, v5  }
0x32b: {  	[tilespmem:s4+$0xFFFFFFF0] =	vst v2  }
0x32c: {  	[tilespmem:s4+$0xFFFFFF90] =	vst v0  }
0x32d: {  	v1 =	vld [tilespmem:s8+$0x0]  }
0x32e: {  	v2 =	vld [tilespmem:s11+$0x0]  }
0x32f: {  	v0 =	vld [tilespmem:s11+$0xFFFFFF90]  }
0x330: {  	v3 =	vld [tilespmem:s8+$0xFFFFFFA0]  }
0x331: {  	v4 =	vld [tilespmem:s11+$0xFFFFFFA0]  }
0x332: {  	v5 =	vld [tilespmem:s8+$0xFFFFFFB0]  }
0x333: {  	v6 =	vld [tilespmem:s11+$0xFFFFFFB0]  }
0x334: {  	v7 =	vld [tilespmem:s8+$0xFFFFFFC0]  }
0x335: {  	v8 =	vld [tilespmem:s11+$0xFFFFFFC0]  }
0x336: {  	v9 =	vld [tilespmem:s8+$0xFFFFFFD0]  }
0x337: {  	v10 =	vld [tilespmem:s11+$0xFFFFFFD0];
	v2 =	vadd.f32 v2, v1  }
0x338: {  	v4 =	vadd.f32 v4, v3;
	v1 =	vld [tilespmem:s8+$0xFFFFFFE0]  }
0x339: {  	v5 =	vadd.f32 v6, v5;
	v3 =	vld [tilespmem:s11+$0xFFFFFFE0];
	[tilespmem:s8+$0x0] =	vst v2  }
0x33a: {  	v6 =	vadd.f32 v8, v7;
	[tilespmem:s8+$0xFFFFFFA0] =	vst v4;
	v2 =	vld [tilespmem:s8+$0xFFFFFFF0]  }
0x33b: {  	[tilespmem:s8+$0xFFFFFFB0] =	vst v5;
	v4 =	vld [tilespmem:s11+$0xFFFFFFF0]  }
0x33c: {  	s28 =	simm.s32 $0x0;
	s15 =	simm.s32 $0x10670;
	s4 =	simm.s32 $0x102F0;
	v5 =	vld [tilespmem:s8+$0xFFFFFF90];
	[tilespmem:s8+$0xFFFFFFC0] =	vst v6;
	v6 =	vadd.f32 v10, v9  }
.LBB2_43:
0x33d: {  	v7 =	vld [tilespmem:s15+$0x0];
	s11 =	sadd.s32 $0x400, s11  }
0x33e: {  	s28 =	sadd.s32 $0x80, s28;
	v8 =	vld [tilespmem:s11+$0x0];
	[tilespmem:s8+$0xFFFFFFD0] =	vst v6;
	v1 =	vadd.f32 v3, v1  }
0x33f: {  	p0 =	slt.u32 s28, $0x780;
	v3 =	vld [tilespmem:s11+$0xFFFFFF90]  }
0x340: {  	v6 =	vld [tilespmem:s15+$0xFFFFFFA0];
	[tilespmem:s8+$0xFFFFFFE0] =	vst v1;
	v1 =	vadd.f32 v4, v2  }
0x341: {  	v2 =	vld [tilespmem:s11+$0xFFFFFFA0];
	v9 =	vadd.f32 v0, v5  }
0x342: {  	v4 =	vld [tilespmem:s15+$0xFFFFFFB0];
	[tilespmem:s8+$0xFFFFFFF0] =	vst v1  }
0x343: {  	v1 =	vld [tilespmem:s11+$0xFFFFFFB0];
	v5 =	vadd.f32 v8, v7;
	[tilespmem:s8+$0xFFFFFF90] =	vst v9;
	s8 =	smov.u32 s15  }
0x344: {  	v7 =	vld [tilespmem:s15+$0xFFFFFFC0];
	v0 =	vmov v3  }
0x345: {  	s9 =	simm.s32 $0x2F0;
	v8 =	vld [tilespmem:s11+$0xFFFFFFC0];
	[tilespmem:s15+$0x0] =	vst v5  }
0x346: {  	v2 =	vadd.f32 v2, v6;
	v6 =	vld [tilespmem:s15+$0xFFFFFFD0]  }
0x347: {  	v9 =	vld [tilespmem:s11+$0xFFFFFFD0]  }
.Ltmp20:
0x348: {  	[tilespmem:s15+$0xFFFFFFA0] =	vst v2;
	v2 =	vadd.f32 v1, v4;
	v1 =	vld [tilespmem:s15+$0xFFFFFFE0];
	(pc) =	sbr.rel @p0 .LBB2_43-.Ltmp20, $4  }
0x349: {  	v3 =	vld [tilespmem:s11+$0xFFFFFFE0]  }
0x34a: {  	[tilespmem:s15+$0xFFFFFFB0] =	vst v2;
	v7 =	vadd.f32 v8, v7;
	v2 =	vld [tilespmem:s15+$0xFFFFFFF0]  }
0x34b: {  	v4 =	vld [tilespmem:s11+$0xFFFFFFF0]  }
0x34c: {  	s15 =	sadd.s32 $0x400, s15;
	v5 =	vld [tilespmem:s8+$0xFFFFFF90];
	[tilespmem:s8+$0xFFFFFFC0] =	vst v7;
	v6 =	vadd.f32 v9, v6  }
0x34d: {  	_ =	sdelay $0x1  }
0x34e: {  	v1 =	vadd.f32 v3, v1  }
0x34f: {  	[tilespmem:s8+$0xFFFFFFD0] =	vst v6;
	v2 =	vadd.f32 v4, v2  }
0x350: {  	[tilespmem:s8+$0xFFFFFFE0] =	vst v1;
	v0 =	vadd.f32 v0, v5  }
0x351: {  	[tilespmem:s8+$0xFFFFFFF0] =	vst v2  }
0x352: {  	[tilespmem:s8+$0xFFFFFF90] =	vst v0  }
0x353: {  	v1 =	vld [tilespmem:s4+$0x0]  }
0x354: {  	v2 =	vld [tilespmem:s9+$0x0]  }
0x355: {  	v0 =	vld [tilespmem:s9+$0xFFFFFF90]  }
0x356: {  	v3 =	vld [tilespmem:s4+$0xFFFFFFA0]  }
0x357: {  	v4 =	vld [tilespmem:s9+$0xFFFFFFA0]  }
0x358: {  	v5 =	vld [tilespmem:s4+$0xFFFFFFB0]  }
0x359: {  	v6 =	vld [tilespmem:s9+$0xFFFFFFB0]  }
0x35a: {  	v7 =	vld [tilespmem:s4+$0xFFFFFFC0]  }
0x35b: {  	v8 =	vld [tilespmem:s9+$0xFFFFFFC0]  }
0x35c: {  	v9 =	vld [tilespmem:s4+$0xFFFFFFD0]  }
0x35d: {  	v10 =	vld [tilespmem:s9+$0xFFFFFFD0];
	v2 =	vadd.f32 v2, v1  }
0x35e: {  	v4 =	vadd.f32 v4, v3;
	v1 =	vld [tilespmem:s4+$0xFFFFFFE0]  }
0x35f: {  	v5 =	vadd.f32 v6, v5;
	v3 =	vld [tilespmem:s9+$0xFFFFFFE0];
	[tilespmem:s4+$0x0] =	vst v2  }
0x360: {  	v6 =	vadd.f32 v8, v7;
	[tilespmem:s4+$0xFFFFFFA0] =	vst v4;
	v2 =	vld [tilespmem:s4+$0xFFFFFFF0]  }
0x361: {  	[tilespmem:s4+$0xFFFFFFB0] =	vst v5;
	v4 =	vld [tilespmem:s9+$0xFFFFFFF0]  }
0x362: {  	s28 =	simm.s32 $0x0;
	s15 =	simm.s32 $0x106F0;
	s8 =	simm.s32 $0x10370;
	v5 =	vld [tilespmem:s4+$0xFFFFFF90];
	[tilespmem:s4+$0xFFFFFFC0] =	vst v6;
	v6 =	vadd.f32 v10, v9  }
.LBB2_45:
0x363: {  	v7 =	vld [tilespmem:s15+$0x0];
	s9 =	sadd.s32 $0x400, s9  }
0x364: {  	s28 =	sadd.s32 $0x80, s28;
	v8 =	vld [tilespmem:s9+$0x0];
	[tilespmem:s4+$0xFFFFFFD0] =	vst v6;
	v1 =	vadd.f32 v3, v1  }
0x365: {  	p0 =	slt.u32 s28, $0x780;
	v3 =	vld [tilespmem:s9+$0xFFFFFF90]  }
0x366: {  	v6 =	vld [tilespmem:s15+$0xFFFFFFA0];
	[tilespmem:s4+$0xFFFFFFE0] =	vst v1;
	v1 =	vadd.f32 v4, v2  }
0x367: {  	v2 =	vld [tilespmem:s9+$0xFFFFFFA0];
	v9 =	vadd.f32 v0, v5  }
0x368: {  	v4 =	vld [tilespmem:s15+$0xFFFFFFB0];
	[tilespmem:s4+$0xFFFFFFF0] =	vst v1  }
0x369: {  	v1 =	vld [tilespmem:s9+$0xFFFFFFB0];
	v5 =	vadd.f32 v8, v7;
	[tilespmem:s4+$0xFFFFFF90] =	vst v9;
	s4 =	smov.u32 s15  }
0x36a: {  	v7 =	vld [tilespmem:s15+$0xFFFFFFC0];
	v0 =	vmov v3  }
0x36b: {  	s11 =	simm.s32 $0x370;
	v8 =	vld [tilespmem:s9+$0xFFFFFFC0];
	[tilespmem:s15+$0x0] =	vst v5  }
0x36c: {  	v2 =	vadd.f32 v2, v6;
	v6 =	vld [tilespmem:s15+$0xFFFFFFD0]  }
0x36d: {  	v9 =	vld [tilespmem:s9+$0xFFFFFFD0]  }
.Ltmp21:
0x36e: {  	[tilespmem:s15+$0xFFFFFFA0] =	vst v2;
	v2 =	vadd.f32 v1, v4;
	v1 =	vld [tilespmem:s15+$0xFFFFFFE0];
	(pc) =	sbr.rel @p0 .LBB2_45-.Ltmp21, $4  }
0x36f: {  	v3 =	vld [tilespmem:s9+$0xFFFFFFE0]  }
0x370: {  	[tilespmem:s15+$0xFFFFFFB0] =	vst v2;
	v7 =	vadd.f32 v8, v7;
	v2 =	vld [tilespmem:s15+$0xFFFFFFF0]  }
0x371: {  	v4 =	vld [tilespmem:s9+$0xFFFFFFF0]  }
0x372: {  	s15 =	sadd.s32 $0x400, s15;
	v5 =	vld [tilespmem:s4+$0xFFFFFF90];
	[tilespmem:s4+$0xFFFFFFC0] =	vst v7;
	v6 =	vadd.f32 v9, v6  }
0x373: {  	_ =	sdelay $0x1  }
0x374: {  	v1 =	vadd.f32 v3, v1  }
0x375: {  	[tilespmem:s4+$0xFFFFFFD0] =	vst v6;
	v2 =	vadd.f32 v4, v2  }
0x376: {  	[tilespmem:s4+$0xFFFFFFE0] =	vst v1;
	v0 =	vadd.f32 v0, v5  }
0x377: {  	[tilespmem:s4+$0xFFFFFFF0] =	vst v2  }
0x378: {  	[tilespmem:s4+$0xFFFFFF90] =	vst v0  }
0x379: {  	v1 =	vld [tilespmem:s8+$0x0]  }
0x37a: {  	v2 =	vld [tilespmem:s11+$0x0]  }
0x37b: {  	v0 =	vld [tilespmem:s11+$0xFFFFFF90]  }
0x37c: {  	v3 =	vld [tilespmem:s8+$0xFFFFFFA0]  }
0x37d: {  	v4 =	vld [tilespmem:s11+$0xFFFFFFA0]  }
0x37e: {  	v5 =	vld [tilespmem:s8+$0xFFFFFFB0]  }
0x37f: {  	v6 =	vld [tilespmem:s11+$0xFFFFFFB0]  }
0x380: {  	v7 =	vld [tilespmem:s8+$0xFFFFFFC0]  }
0x381: {  	v8 =	vld [tilespmem:s11+$0xFFFFFFC0]  }
0x382: {  	v9 =	vld [tilespmem:s8+$0xFFFFFFD0]  }
0x383: {  	v10 =	vld [tilespmem:s11+$0xFFFFFFD0];
	v2 =	vadd.f32 v2, v1  }
0x384: {  	v4 =	vadd.f32 v4, v3;
	v1 =	vld [tilespmem:s8+$0xFFFFFFE0]  }
0x385: {  	v5 =	vadd.f32 v6, v5;
	v3 =	vld [tilespmem:s11+$0xFFFFFFE0];
	[tilespmem:s8+$0x0] =	vst v2  }
0x386: {  	v6 =	vadd.f32 v8, v7;
	[tilespmem:s8+$0xFFFFFFA0] =	vst v4;
	v2 =	vld [tilespmem:s8+$0xFFFFFFF0]  }
0x387: {  	[tilespmem:s8+$0xFFFFFFB0] =	vst v5;
	v4 =	vld [tilespmem:s11+$0xFFFFFFF0]  }
0x388: {  	s28 =	simm.s32 $0x0;
	s15 =	simm.s32 $0x10770;
	s4 =	simm.s32 $0x103F0;
	v5 =	vld [tilespmem:s8+$0xFFFFFF90];
	[tilespmem:s8+$0xFFFFFFC0] =	vst v6;
	v6 =	vadd.f32 v10, v9  }
.LBB2_47:
0x389: {  	v7 =	vld [tilespmem:s15+$0x0];
	s11 =	sadd.s32 $0x400, s11  }
0x38a: {  	s28 =	sadd.s32 $0x80, s28;
	v8 =	vld [tilespmem:s11+$0x0];
	[tilespmem:s8+$0xFFFFFFD0] =	vst v6;
	v1 =	vadd.f32 v3, v1  }
0x38b: {  	p0 =	slt.u32 s28, $0x780;
	v3 =	vld [tilespmem:s11+$0xFFFFFF90]  }
0x38c: {  	v6 =	vld [tilespmem:s15+$0xFFFFFFA0];
	[tilespmem:s8+$0xFFFFFFE0] =	vst v1;
	v1 =	vadd.f32 v4, v2  }
0x38d: {  	v2 =	vld [tilespmem:s11+$0xFFFFFFA0];
	v9 =	vadd.f32 v0, v5  }
0x38e: {  	v4 =	vld [tilespmem:s15+$0xFFFFFFB0];
	[tilespmem:s8+$0xFFFFFFF0] =	vst v1  }
0x38f: {  	v1 =	vld [tilespmem:s11+$0xFFFFFFB0];
	v5 =	vadd.f32 v8, v7;
	[tilespmem:s8+$0xFFFFFF90] =	vst v9;
	s8 =	smov.u32 s15  }
0x390: {  	v7 =	vld [tilespmem:s15+$0xFFFFFFC0];
	v0 =	vmov v3  }
0x391: {  	s9 =	simm.s32 $0x3F0;
	v8 =	vld [tilespmem:s11+$0xFFFFFFC0];
	[tilespmem:s15+$0x0] =	vst v5  }
0x392: {  	v2 =	vadd.f32 v2, v6;
	v6 =	vld [tilespmem:s15+$0xFFFFFFD0]  }
0x393: {  	v9 =	vld [tilespmem:s11+$0xFFFFFFD0]  }
.Ltmp22:
0x394: {  	[tilespmem:s15+$0xFFFFFFA0] =	vst v2;
	v2 =	vadd.f32 v1, v4;
	v1 =	vld [tilespmem:s15+$0xFFFFFFE0];
	(pc) =	sbr.rel @p0 .LBB2_47-.Ltmp22, $4  }
0x395: {  	v3 =	vld [tilespmem:s11+$0xFFFFFFE0]  }
0x396: {  	[tilespmem:s15+$0xFFFFFFB0] =	vst v2;
	v7 =	vadd.f32 v8, v7;
	v2 =	vld [tilespmem:s15+$0xFFFFFFF0]  }
0x397: {  	v4 =	vld [tilespmem:s11+$0xFFFFFFF0]  }
0x398: {  	s15 =	sadd.s32 $0x400, s15;
	v5 =	vld [tilespmem:s8+$0xFFFFFF90];
	[tilespmem:s8+$0xFFFFFFC0] =	vst v7;
	v6 =	vadd.f32 v9, v6  }
0x399: {  	_ =	sdelay $0x1  }
0x39a: {  	v1 =	vadd.f32 v3, v1  }
0x39b: {  	[tilespmem:s8+$0xFFFFFFD0] =	vst v6;
	v2 =	vadd.f32 v4, v2  }
0x39c: {  	[tilespmem:s8+$0xFFFFFFE0] =	vst v1;
	v0 =	vadd.f32 v0, v5  }
0x39d: {  	[tilespmem:s8+$0xFFFFFFF0] =	vst v2  }
0x39e: {  	[tilespmem:s8+$0xFFFFFF90] =	vst v0  }
0x39f: {  	v1 =	vld [tilespmem:s4+$0x0]  }
0x3a0: {  	v2 =	vld [tilespmem:s9+$0x0]  }
0x3a1: {  	v0 =	vld [tilespmem:s9+$0xFFFFFF90]  }
0x3a2: {  	v3 =	vld [tilespmem:s4+$0xFFFFFFA0]  }
0x3a3: {  	v4 =	vld [tilespmem:s9+$0xFFFFFFA0]  }
0x3a4: {  	v5 =	vld [tilespmem:s4+$0xFFFFFFB0]  }
0x3a5: {  	v6 =	vld [tilespmem:s9+$0xFFFFFFB0]  }
0x3a6: {  	v7 =	vld [tilespmem:s4+$0xFFFFFFC0]  }
0x3a7: {  	v8 =	vld [tilespmem:s9+$0xFFFFFFC0]  }
0x3a8: {  	v9 =	vld [tilespmem:s4+$0xFFFFFFD0]  }
0x3a9: {  	v10 =	vld [tilespmem:s9+$0xFFFFFFD0];
	v2 =	vadd.f32 v2, v1  }
0x3aa: {  	v4 =	vadd.f32 v4, v3;
	v1 =	vld [tilespmem:s4+$0xFFFFFFE0]  }
0x3ab: {  	v5 =	vadd.f32 v6, v5;
	v3 =	vld [tilespmem:s9+$0xFFFFFFE0];
	[tilespmem:s4+$0x0] =	vst v2  }
0x3ac: {  	v6 =	vadd.f32 v8, v7;
	[tilespmem:s4+$0xFFFFFFA0] =	vst v4;
	v2 =	vld [tilespmem:s4+$0xFFFFFFF0]  }
0x3ad: {  	[tilespmem:s4+$0xFFFFFFB0] =	vst v5;
	v5 =	vld [tilespmem:s9+$0xFFFFFFF0]  }
0x3ae: {  	s2 =	simm.s32 $0x107F0;
	s8 =	simm.s32 $0x0;
	v4 =	vld [tilespmem:s4+$0xFFFFFF90];
	[tilespmem:s4+$0xFFFFFFC0] =	vst v6;
	v6 =	vadd.f32 v10, v9  }
.LBB2_49:
0x3af: {  	v7 =	vld [tilespmem:s2+$0x0];
	s9 =	sadd.s32 $0x400, s9  }
0x3b0: {  	s8 =	sadd.s32 $0x80, s8;
	v8 =	vld [tilespmem:s9+$0x0];
	[tilespmem:s4+$0xFFFFFFD0] =	vst v6;
	v1 =	vadd.f32 v3, v1  }
0x3b1: {  	p0 =	slt.u32 s8, $0x780;
	v3 =	vld [tilespmem:s9+$0xFFFFFF90]  }
0x3b2: {  	v6 =	vld [tilespmem:s2+$0xFFFFFFA0];
	[tilespmem:s4+$0xFFFFFFE0] =	vst v1;
	v1 =	vadd.f32 v5, v2  }
0x3b3: {  	v2 =	vld [tilespmem:s9+$0xFFFFFFA0];
	v9 =	vadd.f32 v0, v4  }
0x3b4: {  	v4 =	vld [tilespmem:s2+$0xFFFFFFB0];
	[tilespmem:s4+$0xFFFFFFF0] =	vst v1  }
0x3b5: {  	v1 =	vld [tilespmem:s9+$0xFFFFFFB0];
	v5 =	vadd.f32 v8, v7;
	[tilespmem:s4+$0xFFFFFF90] =	vst v9;
	s4 =	smov.u32 s2  }
0x3b6: {  	v7 =	vld [tilespmem:s2+$0xFFFFFFC0];
	v0 =	vmov v3  }
0x3b7: {  	v8 =	vld [tilespmem:s9+$0xFFFFFFC0];
	[tilespmem:s2+$0x0] =	vst v5  }
0x3b8: {  	v2 =	vadd.f32 v2, v6;
	v6 =	vld [tilespmem:s2+$0xFFFFFFD0]  }
0x3b9: {  	v9 =	vld [tilespmem:s9+$0xFFFFFFD0]  }
.Ltmp23:
0x3ba: {  	[tilespmem:s2+$0xFFFFFFA0] =	vst v2;
	v2 =	vadd.f32 v1, v4;
	v1 =	vld [tilespmem:s2+$0xFFFFFFE0];
	(pc) =	sbr.rel @p0 .LBB2_49-.Ltmp23, $4  }
0x3bb: {  	v3 =	vld [tilespmem:s9+$0xFFFFFFE0]  }
0x3bc: {  	[tilespmem:s2+$0xFFFFFFB0] =	vst v2;
	v7 =	vadd.f32 v8, v7;
	v2 =	vld [tilespmem:s2+$0xFFFFFFF0]  }
0x3bd: {  	v5 =	vld [tilespmem:s9+$0xFFFFFFF0]  }
0x3be: {  	s2 =	sadd.s32 $0x400, s2;
	v4 =	vld [tilespmem:s4+$0xFFFFFF90];
	[tilespmem:s4+$0xFFFFFFC0] =	vst v7;
	v6 =	vadd.f32 v9, v6  }
0x3bf: {  	_ =	sdelay $0x1  }
0x3c0: {  	v1 =	vadd.f32 v3, v1  }
0x3c1: {  	[tilespmem:s4+$0xFFFFFFD0] =	vst v6;
	v2 =	vadd.f32 v5, v2  }
0x3c2: {  	[tilespmem:s4+$0xFFFFFFE0] =	vst v1;
	v0 =	vadd.f32 v0, v4  }
0x3c3: {  	[tilespmem:s4+$0xFFFFFFF0] =	vst v2  }
0x3c4: {  	s0 =	sadd.s32 s3, s0;
	[tilespmem:s4+$0xFFFFFF90] =	vst v0  }
0x3c5: {  	[hbm4b:s0+s5] =	stream.linear.scatter [tilespmem:s17], [sflag:$0x9], $0x4000, $0x38;
	[tilespmem:$0x18000] =	vst v63  }
0x3c6: {  	_ =	swait.ge [sflag:s22], $0x4000  }
0x3c7: {  	[sflag:s22] =	ssyncset.done $0x0  }
0x3c8: {  	[sflag:s22] =	ssyncadd.s32 $0xFFFFC000  }
0x3c9: {  	_ =	swait.ge [sflag:s23], $0x4000  }
0x3ca: {  	s4 =	sor.u32 $0x100800, s29;
	[sflag:s23] =	ssyncset.done $0x0  }
0x3cb: {  	s8 =	simm.s32 $0x14040;
	s15 =	sadd.s32 s1, s4;
	[sflag:s23] =	ssyncadd.s32 $0xFFFFC000  }
0x3cc: {  	[tilespmem:s13], [sflag:$0x4] =	stream.linear.gather [hbm4b:s15+s5], $0x4000, $0x38;
	[tilespmem:$0x18000] =	vst v63  }
0x3cd: {  	s11 =	simm.s32 $0x40;
	v1 =	vld [tilespmem:s8+$0x30]  }
0x3ce: {  	v2 =	vld [tilespmem:s11+$0x30]  }
0x3cf: {  	v0 =	vld [tilespmem:s11+$0xFFFFFFC0]  }
0x3d0: {  	v3 =	vld [tilespmem:s8+$0xFFFFFFD0]  }
0x3d1: {  	v4 =	vld [tilespmem:s11+$0xFFFFFFD0]  }
0x3d2: {  	v5 =	vld [tilespmem:s8+$0xFFFFFFE0]  }
0x3d3: {  	v6 =	vld [tilespmem:s11+$0xFFFFFFE0]  }
0x3d4: {  	v7 =	vld [tilespmem:s8+$0xFFFFFFF0]  }
0x3d5: {  	v8 =	vld [tilespmem:s11+$0xFFFFFFF0]  }
0x3d6: {  	v9 =	vld [tilespmem:s8+$0x0]  }
0x3d7: {  	v10 =	vld [tilespmem:s11+$0x0];
	v2 =	vadd.f32 v2, v1  }
0x3d8: {  	v4 =	vadd.f32 v4, v3;
	v1 =	vld [tilespmem:s8+$0x10]  }
0x3d9: {  	v5 =	vadd.f32 v6, v5;
	v3 =	vld [tilespmem:s11+$0x10];
	[tilespmem:s8+$0x30] =	vst v2  }
0x3da: {  	v6 =	vadd.f32 v8, v7;
	[tilespmem:s8+$0xFFFFFFD0] =	vst v4;
	v2 =	vld [tilespmem:s8+$0x20]  }
0x3db: {  	[tilespmem:s8+$0xFFFFFFE0] =	vst v5;
	v4 =	vld [tilespmem:s11+$0x20]  }
0x3dc: {  	s28 =	simm.s32 $0x0;
	s0 =	simm.s32 $0x140F0;
	s15 =	simm.s32 $0x14440;
	v5 =	vld [tilespmem:s8+$0xFFFFFFC0];
	[tilespmem:s8+$0xFFFFFFF0] =	vst v6;
	v6 =	vadd.f32 v10, v9  }
.LBB2_51:
0x3dd: {  	v7 =	vld [tilespmem:s15+$0x30];
	s11 =	sadd.s32 $0x400, s11  }
0x3de: {  	s28 =	sadd.s32 $0x80, s28;
	v8 =	vld [tilespmem:s11+$0x30];
	[tilespmem:s8+$0x0] =	vst v6;
	v1 =	vadd.f32 v3, v1  }
0x3df: {  	p0 =	slt.u32 s28, $0x780;
	v3 =	vld [tilespmem:s11+$0xFFFFFFC0]  }
0x3e0: {  	v6 =	vld [tilespmem:s15+$0xFFFFFFD0];
	[tilespmem:s8+$0x10] =	vst v1;
	v1 =	vadd.f32 v4, v2  }
0x3e1: {  	v2 =	vld [tilespmem:s11+$0xFFFFFFD0];
	v9 =	vadd.f32 v0, v5  }
0x3e2: {  	v4 =	vld [tilespmem:s15+$0xFFFFFFE0];
	[tilespmem:s8+$0x20] =	vst v1  }
0x3e3: {  	v1 =	vld [tilespmem:s11+$0xFFFFFFE0];
	v5 =	vadd.f32 v8, v7;
	[tilespmem:s8+$0xFFFFFFC0] =	vst v9;
	s8 =	smov.u32 s15  }
0x3e4: {  	v7 =	vld [tilespmem:s15+$0xFFFFFFF0];
	v0 =	vmov v3  }
0x3e5: {  	s9 =	simm.s32 $0xF0;
	v8 =	vld [tilespmem:s11+$0xFFFFFFF0];
	[tilespmem:s15+$0x30] =	vst v5  }
0x3e6: {  	v2 =	vadd.f32 v2, v6;
	v6 =	vld [tilespmem:s15+$0x0]  }
0x3e7: {  	v9 =	vld [tilespmem:s11+$0x0]  }
.Ltmp24:
0x3e8: {  	[tilespmem:s15+$0xFFFFFFD0] =	vst v2;
	v2 =	vadd.f32 v1, v4;
	v1 =	vld [tilespmem:s15+$0x10];
	(pc) =	sbr.rel @p0 .LBB2_51-.Ltmp24, $4  }
0x3e9: {  	v3 =	vld [tilespmem:s11+$0x10]  }
0x3ea: {  	[tilespmem:s15+$0xFFFFFFE0] =	vst v2;
	v7 =	vadd.f32 v8, v7;
	v2 =	vld [tilespmem:s15+$0x20]  }
0x3eb: {  	v4 =	vld [tilespmem:s11+$0x20]  }
0x3ec: {  	s15 =	sadd.s32 $0x400, s15;
	v5 =	vld [tilespmem:s8+$0xFFFFFFC0];
	[tilespmem:s8+$0xFFFFFFF0] =	vst v7;
	v6 =	vadd.f32 v9, v6  }
0x3ed: {  	_ =	sdelay $0x1  }
0x3ee: {  	v1 =	vadd.f32 v3, v1  }
0x3ef: {  	[tilespmem:s8+$0x0] =	vst v6;
	v2 =	vadd.f32 v4, v2  }
0x3f0: {  	[tilespmem:s8+$0x10] =	vst v1;
	v0 =	vadd.f32 v0, v5  }
0x3f1: {  	[tilespmem:s8+$0x20] =	vst v2  }
0x3f2: {  	[tilespmem:s8+$0xFFFFFFC0] =	vst v0  }
0x3f3: {  	v1 =	vld [tilespmem:s0+$0x0]  }
0x3f4: {  	v2 =	vld [tilespmem:s9+$0x0]  }
0x3f5: {  	v0 =	vld [tilespmem:s9+$0xFFFFFF90]  }
0x3f6: {  	v3 =	vld [tilespmem:s0+$0xFFFFFFA0]  }
0x3f7: {  	v4 =	vld [tilespmem:s9+$0xFFFFFFA0]  }
0x3f8: {  	v5 =	vld [tilespmem:s0+$0xFFFFFFB0]  }
0x3f9: {  	v6 =	vld [tilespmem:s9+$0xFFFFFFB0]  }
0x3fa: {  	v7 =	vld [tilespmem:s0+$0xFFFFFFC0]  }
0x3fb: {  	v8 =	vld [tilespmem:s9+$0xFFFFFFC0]  }
0x3fc: {  	v9 =	vld [tilespmem:s0+$0xFFFFFFD0]  }
0x3fd: {  	v10 =	vld [tilespmem:s9+$0xFFFFFFD0];
	v2 =	vadd.f32 v2, v1  }
0x3fe: {  	v4 =	vadd.f32 v4, v3;
	v1 =	vld [tilespmem:s0+$0xFFFFFFE0]  }
0x3ff: {  	v5 =	vadd.f32 v6, v5;
	v3 =	vld [tilespmem:s9+$0xFFFFFFE0];
	[tilespmem:s0+$0x0] =	vst v2  }
0x400: {  	v6 =	vadd.f32 v8, v7;
	[tilespmem:s0+$0xFFFFFFA0] =	vst v4;
	v2 =	vld [tilespmem:s0+$0xFFFFFFF0]  }
0x401: {  	[tilespmem:s0+$0xFFFFFFB0] =	vst v5;
	v4 =	vld [tilespmem:s9+$0xFFFFFFF0]  }
0x402: {  	s28 =	simm.s32 $0x0;
	s15 =	simm.s32 $0x144F0;
	s8 =	simm.s32 $0x14170;
	v5 =	vld [tilespmem:s0+$0xFFFFFF90];
	[tilespmem:s0+$0xFFFFFFC0] =	vst v6;
	v6 =	vadd.f32 v10, v9  }
.LBB2_53:
0x403: {  	v7 =	vld [tilespmem:s15+$0x0];
	s9 =	sadd.s32 $0x400, s9  }
0x404: {  	s28 =	sadd.s32 $0x80, s28;
	v8 =	vld [tilespmem:s9+$0x0];
	[tilespmem:s0+$0xFFFFFFD0] =	vst v6;
	v1 =	vadd.f32 v3, v1  }
0x405: {  	p0 =	slt.u32 s28, $0x780;
	v3 =	vld [tilespmem:s9+$0xFFFFFF90]  }
0x406: {  	v6 =	vld [tilespmem:s15+$0xFFFFFFA0];
	[tilespmem:s0+$0xFFFFFFE0] =	vst v1;
	v1 =	vadd.f32 v4, v2  }
0x407: {  	v2 =	vld [tilespmem:s9+$0xFFFFFFA0];
	v9 =	vadd.f32 v0, v5  }
0x408: {  	v4 =	vld [tilespmem:s15+$0xFFFFFFB0];
	[tilespmem:s0+$0xFFFFFFF0] =	vst v1  }
0x409: {  	v1 =	vld [tilespmem:s9+$0xFFFFFFB0];
	v5 =	vadd.f32 v8, v7;
	[tilespmem:s0+$0xFFFFFF90] =	vst v9;
	s0 =	smov.u32 s15  }
0x40a: {  	v7 =	vld [tilespmem:s15+$0xFFFFFFC0];
	v0 =	vmov v3  }
0x40b: {  	s11 =	simm.s32 $0x170;
	v8 =	vld [tilespmem:s9+$0xFFFFFFC0];
	[tilespmem:s15+$0x0] =	vst v5  }
0x40c: {  	v2 =	vadd.f32 v2, v6;
	v6 =	vld [tilespmem:s15+$0xFFFFFFD0]  }
0x40d: {  	v9 =	vld [tilespmem:s9+$0xFFFFFFD0]  }
.Ltmp25:
0x40e: {  	[tilespmem:s15+$0xFFFFFFA0] =	vst v2;
	v2 =	vadd.f32 v1, v4;
	v1 =	vld [tilespmem:s15+$0xFFFFFFE0];
	(pc) =	sbr.rel @p0 .LBB2_53-.Ltmp25, $4  }
0x40f: {  	v3 =	vld [tilespmem:s9+$0xFFFFFFE0]  }
0x410: {  	[tilespmem:s15+$0xFFFFFFB0] =	vst v2;
	v7 =	vadd.f32 v8, v7;
	v2 =	vld [tilespmem:s15+$0xFFFFFFF0]  }
0x411: {  	v4 =	vld [tilespmem:s9+$0xFFFFFFF0]  }
0x412: {  	s15 =	sadd.s32 $0x400, s15;
	v5 =	vld [tilespmem:s0+$0xFFFFFF90];
	[tilespmem:s0+$0xFFFFFFC0] =	vst v7;
	v6 =	vadd.f32 v9, v6  }
0x413: {  	_ =	sdelay $0x1  }
0x414: {  	v1 =	vadd.f32 v3, v1  }
0x415: {  	[tilespmem:s0+$0xFFFFFFD0] =	vst v6;
	v2 =	vadd.f32 v4, v2  }
0x416: {  	[tilespmem:s0+$0xFFFFFFE0] =	vst v1;
	v0 =	vadd.f32 v0, v5  }
0x417: {  	[tilespmem:s0+$0xFFFFFFF0] =	vst v2  }
0x418: {  	[tilespmem:s0+$0xFFFFFF90] =	vst v0  }
0x419: {  	v1 =	vld [tilespmem:s8+$0x0]  }
0x41a: {  	v2 =	vld [tilespmem:s11+$0x0]  }
0x41b: {  	v0 =	vld [tilespmem:s11+$0xFFFFFF90]  }
0x41c: {  	v3 =	vld [tilespmem:s8+$0xFFFFFFA0]  }
0x41d: {  	v4 =	vld [tilespmem:s11+$0xFFFFFFA0]  }
0x41e: {  	v5 =	vld [tilespmem:s8+$0xFFFFFFB0]  }
0x41f: {  	v6 =	vld [tilespmem:s11+$0xFFFFFFB0]  }
0x420: {  	v7 =	vld [tilespmem:s8+$0xFFFFFFC0]  }
0x421: {  	v8 =	vld [tilespmem:s11+$0xFFFFFFC0]  }
0x422: {  	v9 =	vld [tilespmem:s8+$0xFFFFFFD0]  }
0x423: {  	v10 =	vld [tilespmem:s11+$0xFFFFFFD0];
	v2 =	vadd.f32 v2, v1  }
0x424: {  	v4 =	vadd.f32 v4, v3;
	v1 =	vld [tilespmem:s8+$0xFFFFFFE0]  }
0x425: {  	v5 =	vadd.f32 v6, v5;
	v3 =	vld [tilespmem:s11+$0xFFFFFFE0];
	[tilespmem:s8+$0x0] =	vst v2  }
0x426: {  	v6 =	vadd.f32 v8, v7;
	[tilespmem:s8+$0xFFFFFFA0] =	vst v4;
	v2 =	vld [tilespmem:s8+$0xFFFFFFF0]  }
0x427: {  	[tilespmem:s8+$0xFFFFFFB0] =	vst v5;
	v4 =	vld [tilespmem:s11+$0xFFFFFFF0]  }
0x428: {  	s28 =	simm.s32 $0x0;
	s15 =	simm.s32 $0x14570;
	s0 =	simm.s32 $0x141F0;
	v5 =	vld [tilespmem:s8+$0xFFFFFF90];
	[tilespmem:s8+$0xFFFFFFC0] =	vst v6;
	v6 =	vadd.f32 v10, v9  }
.LBB2_55:
0x429: {  	v7 =	vld [tilespmem:s15+$0x0];
	s11 =	sadd.s32 $0x400, s11  }
0x42a: {  	s28 =	sadd.s32 $0x80, s28;
	v8 =	vld [tilespmem:s11+$0x0];
	[tilespmem:s8+$0xFFFFFFD0] =	vst v6;
	v1 =	vadd.f32 v3, v1  }
0x42b: {  	p0 =	slt.u32 s28, $0x780;
	v3 =	vld [tilespmem:s11+$0xFFFFFF90]  }
0x42c: {  	v6 =	vld [tilespmem:s15+$0xFFFFFFA0];
	[tilespmem:s8+$0xFFFFFFE0] =	vst v1;
	v1 =	vadd.f32 v4, v2  }
0x42d: {  	v2 =	vld [tilespmem:s11+$0xFFFFFFA0];
	v9 =	vadd.f32 v0, v5  }
0x42e: {  	v4 =	vld [tilespmem:s15+$0xFFFFFFB0];
	[tilespmem:s8+$0xFFFFFFF0] =	vst v1  }
0x42f: {  	v1 =	vld [tilespmem:s11+$0xFFFFFFB0];
	v5 =	vadd.f32 v8, v7;
	[tilespmem:s8+$0xFFFFFF90] =	vst v9;
	s8 =	smov.u32 s15  }
0x430: {  	v7 =	vld [tilespmem:s15+$0xFFFFFFC0];
	v0 =	vmov v3  }
0x431: {  	s9 =	simm.s32 $0x1F0;
	v8 =	vld [tilespmem:s11+$0xFFFFFFC0];
	[tilespmem:s15+$0x0] =	vst v5  }
0x432: {  	v2 =	vadd.f32 v2, v6;
	v6 =	vld [tilespmem:s15+$0xFFFFFFD0]  }
0x433: {  	v9 =	vld [tilespmem:s11+$0xFFFFFFD0]  }
.Ltmp26:
0x434: {  	[tilespmem:s15+$0xFFFFFFA0] =	vst v2;
	v2 =	vadd.f32 v1, v4;
	v1 =	vld [tilespmem:s15+$0xFFFFFFE0];
	(pc) =	sbr.rel @p0 .LBB2_55-.Ltmp26, $4  }
0x435: {  	v3 =	vld [tilespmem:s11+$0xFFFFFFE0]  }
0x436: {  	[tilespmem:s15+$0xFFFFFFB0] =	vst v2;
	v7 =	vadd.f32 v8, v7;
	v2 =	vld [tilespmem:s15+$0xFFFFFFF0]  }
0x437: {  	v4 =	vld [tilespmem:s11+$0xFFFFFFF0]  }
0x438: {  	s15 =	sadd.s32 $0x400, s15;
	v5 =	vld [tilespmem:s8+$0xFFFFFF90];
	[tilespmem:s8+$0xFFFFFFC0] =	vst v7;
	v6 =	vadd.f32 v9, v6  }
0x439: {  	_ =	sdelay $0x1  }
0x43a: {  	v1 =	vadd.f32 v3, v1  }
0x43b: {  	[tilespmem:s8+$0xFFFFFFD0] =	vst v6;
	v2 =	vadd.f32 v4, v2  }
0x43c: {  	[tilespmem:s8+$0xFFFFFFE0] =	vst v1;
	v0 =	vadd.f32 v0, v5  }
0x43d: {  	[tilespmem:s8+$0xFFFFFFF0] =	vst v2  }
0x43e: {  	[tilespmem:s8+$0xFFFFFF90] =	vst v0  }
0x43f: {  	v1 =	vld [tilespmem:s0+$0x0]  }
0x440: {  	v2 =	vld [tilespmem:s9+$0x0]  }
0x441: {  	v0 =	vld [tilespmem:s9+$0xFFFFFF90]  }
0x442: {  	v3 =	vld [tilespmem:s0+$0xFFFFFFA0]  }
0x443: {  	v4 =	vld [tilespmem:s9+$0xFFFFFFA0]  }
0x444: {  	v5 =	vld [tilespmem:s0+$0xFFFFFFB0]  }
0x445: {  	v6 =	vld [tilespmem:s9+$0xFFFFFFB0]  }
0x446: {  	v7 =	vld [tilespmem:s0+$0xFFFFFFC0]  }
0x447: {  	v8 =	vld [tilespmem:s9+$0xFFFFFFC0]  }
0x448: {  	v9 =	vld [tilespmem:s0+$0xFFFFFFD0]  }
0x449: {  	v10 =	vld [tilespmem:s9+$0xFFFFFFD0];
	v2 =	vadd.f32 v2, v1  }
0x44a: {  	v4 =	vadd.f32 v4, v3;
	v1 =	vld [tilespmem:s0+$0xFFFFFFE0]  }
0x44b: {  	v5 =	vadd.f32 v6, v5;
	v3 =	vld [tilespmem:s9+$0xFFFFFFE0];
	[tilespmem:s0+$0x0] =	vst v2  }
0x44c: {  	v6 =	vadd.f32 v8, v7;
	[tilespmem:s0+$0xFFFFFFA0] =	vst v4;
	v2 =	vld [tilespmem:s0+$0xFFFFFFF0]  }
0x44d: {  	[tilespmem:s0+$0xFFFFFFB0] =	vst v5;
	v4 =	vld [tilespmem:s9+$0xFFFFFFF0]  }
0x44e: {  	s28 =	simm.s32 $0x0;
	s15 =	simm.s32 $0x145F0;
	s8 =	simm.s32 $0x14270;
	v5 =	vld [tilespmem:s0+$0xFFFFFF90];
	[tilespmem:s0+$0xFFFFFFC0] =	vst v6;
	v6 =	vadd.f32 v10, v9  }
.LBB2_57:
0x44f: {  	v7 =	vld [tilespmem:s15+$0x0];
	s9 =	sadd.s32 $0x400, s9  }
0x450: {  	s28 =	sadd.s32 $0x80, s28;
	v8 =	vld [tilespmem:s9+$0x0];
	[tilespmem:s0+$0xFFFFFFD0] =	vst v6;
	v1 =	vadd.f32 v3, v1  }
0x451: {  	p0 =	slt.u32 s28, $0x780;
	v3 =	vld [tilespmem:s9+$0xFFFFFF90]  }
0x452: {  	v6 =	vld [tilespmem:s15+$0xFFFFFFA0];
	[tilespmem:s0+$0xFFFFFFE0] =	vst v1;
	v1 =	vadd.f32 v4, v2  }
0x453: {  	v2 =	vld [tilespmem:s9+$0xFFFFFFA0];
	v9 =	vadd.f32 v0, v5  }
0x454: {  	v4 =	vld [tilespmem:s15+$0xFFFFFFB0];
	[tilespmem:s0+$0xFFFFFFF0] =	vst v1  }
0x455: {  	v1 =	vld [tilespmem:s9+$0xFFFFFFB0];
	v5 =	vadd.f32 v8, v7;
	[tilespmem:s0+$0xFFFFFF90] =	vst v9;
	s0 =	smov.u32 s15  }
0x456: {  	v7 =	vld [tilespmem:s15+$0xFFFFFFC0];
	v0 =	vmov v3  }
0x457: {  	s11 =	simm.s32 $0x270;
	v8 =	vld [tilespmem:s9+$0xFFFFFFC0];
	[tilespmem:s15+$0x0] =	vst v5  }
0x458: {  	v2 =	vadd.f32 v2, v6;
	v6 =	vld [tilespmem:s15+$0xFFFFFFD0]  }
0x459: {  	v9 =	vld [tilespmem:s9+$0xFFFFFFD0]  }
.Ltmp27:
0x45a: {  	[tilespmem:s15+$0xFFFFFFA0] =	vst v2;
	v2 =	vadd.f32 v1, v4;
	v1 =	vld [tilespmem:s15+$0xFFFFFFE0];
	(pc) =	sbr.rel @p0 .LBB2_57-.Ltmp27, $4  }
0x45b: {  	v3 =	vld [tilespmem:s9+$0xFFFFFFE0]  }
0x45c: {  	[tilespmem:s15+$0xFFFFFFB0] =	vst v2;
	v7 =	vadd.f32 v8, v7;
	v2 =	vld [tilespmem:s15+$0xFFFFFFF0]  }
0x45d: {  	v4 =	vld [tilespmem:s9+$0xFFFFFFF0]  }
0x45e: {  	s15 =	sadd.s32 $0x400, s15;
	v5 =	vld [tilespmem:s0+$0xFFFFFF90];
	[tilespmem:s0+$0xFFFFFFC0] =	vst v7;
	v6 =	vadd.f32 v9, v6  }
0x45f: {  	_ =	sdelay $0x1  }
0x460: {  	v1 =	vadd.f32 v3, v1  }
0x461: {  	[tilespmem:s0+$0xFFFFFFD0] =	vst v6;
	v2 =	vadd.f32 v4, v2  }
0x462: {  	[tilespmem:s0+$0xFFFFFFE0] =	vst v1;
	v0 =	vadd.f32 v0, v5  }
0x463: {  	[tilespmem:s0+$0xFFFFFFF0] =	vst v2  }
0x464: {  	[tilespmem:s0+$0xFFFFFF90] =	vst v0  }
0x465: {  	v1 =	vld [tilespmem:s8+$0x0]  }
0x466: {  	v2 =	vld [tilespmem:s11+$0x0]  }
0x467: {  	v0 =	vld [tilespmem:s11+$0xFFFFFF90]  }
0x468: {  	v3 =	vld [tilespmem:s8+$0xFFFFFFA0]  }
0x469: {  	v4 =	vld [tilespmem:s11+$0xFFFFFFA0]  }
0x46a: {  	v5 =	vld [tilespmem:s8+$0xFFFFFFB0]  }
0x46b: {  	v6 =	vld [tilespmem:s11+$0xFFFFFFB0]  }
0x46c: {  	v7 =	vld [tilespmem:s8+$0xFFFFFFC0]  }
0x46d: {  	v8 =	vld [tilespmem:s11+$0xFFFFFFC0]  }
0x46e: {  	v9 =	vld [tilespmem:s8+$0xFFFFFFD0]  }
0x46f: {  	v10 =	vld [tilespmem:s11+$0xFFFFFFD0];
	v2 =	vadd.f32 v2, v1  }
0x470: {  	v4 =	vadd.f32 v4, v3;
	v1 =	vld [tilespmem:s8+$0xFFFFFFE0]  }
0x471: {  	v5 =	vadd.f32 v6, v5;
	v3 =	vld [tilespmem:s11+$0xFFFFFFE0];
	[tilespmem:s8+$0x0] =	vst v2  }
0x472: {  	v6 =	vadd.f32 v8, v7;
	[tilespmem:s8+$0xFFFFFFA0] =	vst v4;
	v2 =	vld [tilespmem:s8+$0xFFFFFFF0]  }
0x473: {  	[tilespmem:s8+$0xFFFFFFB0] =	vst v5;
	v4 =	vld [tilespmem:s11+$0xFFFFFFF0]  }
0x474: {  	s28 =	simm.s32 $0x0;
	s15 =	simm.s32 $0x14670;
	s0 =	simm.s32 $0x142F0;
	v5 =	vld [tilespmem:s8+$0xFFFFFF90];
	[tilespmem:s8+$0xFFFFFFC0] =	vst v6;
	v6 =	vadd.f32 v10, v9  }
.LBB2_59:
0x475: {  	v7 =	vld [tilespmem:s15+$0x0];
	s11 =	sadd.s32 $0x400, s11  }
0x476: {  	s28 =	sadd.s32 $0x80, s28;
	v8 =	vld [tilespmem:s11+$0x0];
	[tilespmem:s8+$0xFFFFFFD0] =	vst v6;
	v1 =	vadd.f32 v3, v1  }
0x477: {  	p0 =	slt.u32 s28, $0x780;
	v3 =	vld [tilespmem:s11+$0xFFFFFF90]  }
0x478: {  	v6 =	vld [tilespmem:s15+$0xFFFFFFA0];
	[tilespmem:s8+$0xFFFFFFE0] =	vst v1;
	v1 =	vadd.f32 v4, v2  }
0x479: {  	v2 =	vld [tilespmem:s11+$0xFFFFFFA0];
	v9 =	vadd.f32 v0, v5  }
0x47a: {  	v4 =	vld [tilespmem:s15+$0xFFFFFFB0];
	[tilespmem:s8+$0xFFFFFFF0] =	vst v1  }
0x47b: {  	v1 =	vld [tilespmem:s11+$0xFFFFFFB0];
	v5 =	vadd.f32 v8, v7;
	[tilespmem:s8+$0xFFFFFF90] =	vst v9;
	s8 =	smov.u32 s15  }
0x47c: {  	v7 =	vld [tilespmem:s15+$0xFFFFFFC0];
	v0 =	vmov v3  }
0x47d: {  	s9 =	simm.s32 $0x2F0;
	v8 =	vld [tilespmem:s11+$0xFFFFFFC0];
	[tilespmem:s15+$0x0] =	vst v5  }
0x47e: {  	v2 =	vadd.f32 v2, v6;
	v6 =	vld [tilespmem:s15+$0xFFFFFFD0]  }
0x47f: {  	v9 =	vld [tilespmem:s11+$0xFFFFFFD0]  }
.Ltmp28:
0x480: {  	[tilespmem:s15+$0xFFFFFFA0] =	vst v2;
	v2 =	vadd.f32 v1, v4;
	v1 =	vld [tilespmem:s15+$0xFFFFFFE0];
	(pc) =	sbr.rel @p0 .LBB2_59-.Ltmp28, $4  }
0x481: {  	v3 =	vld [tilespmem:s11+$0xFFFFFFE0]  }
0x482: {  	[tilespmem:s15+$0xFFFFFFB0] =	vst v2;
	v7 =	vadd.f32 v8, v7;
	v2 =	vld [tilespmem:s15+$0xFFFFFFF0]  }
0x483: {  	v4 =	vld [tilespmem:s11+$0xFFFFFFF0]  }
0x484: {  	s15 =	sadd.s32 $0x400, s15;
	v5 =	vld [tilespmem:s8+$0xFFFFFF90];
	[tilespmem:s8+$0xFFFFFFC0] =	vst v7;
	v6 =	vadd.f32 v9, v6  }
0x485: {  	_ =	sdelay $0x1  }
0x486: {  	v1 =	vadd.f32 v3, v1  }
0x487: {  	[tilespmem:s8+$0xFFFFFFD0] =	vst v6;
	v2 =	vadd.f32 v4, v2  }
0x488: {  	[tilespmem:s8+$0xFFFFFFE0] =	vst v1;
	v0 =	vadd.f32 v0, v5  }
0x489: {  	[tilespmem:s8+$0xFFFFFFF0] =	vst v2  }
0x48a: {  	[tilespmem:s8+$0xFFFFFF90] =	vst v0  }
0x48b: {  	v1 =	vld [tilespmem:s0+$0x0]  }
0x48c: {  	v2 =	vld [tilespmem:s9+$0x0]  }
0x48d: {  	v0 =	vld [tilespmem:s9+$0xFFFFFF90]  }
0x48e: {  	v3 =	vld [tilespmem:s0+$0xFFFFFFA0]  }
0x48f: {  	v4 =	vld [tilespmem:s9+$0xFFFFFFA0]  }
0x490: {  	v5 =	vld [tilespmem:s0+$0xFFFFFFB0]  }
0x491: {  	v6 =	vld [tilespmem:s9+$0xFFFFFFB0]  }
0x492: {  	v7 =	vld [tilespmem:s0+$0xFFFFFFC0]  }
0x493: {  	v8 =	vld [tilespmem:s9+$0xFFFFFFC0]  }
0x494: {  	v9 =	vld [tilespmem:s0+$0xFFFFFFD0]  }
0x495: {  	v10 =	vld [tilespmem:s9+$0xFFFFFFD0];
	v2 =	vadd.f32 v2, v1  }
0x496: {  	v4 =	vadd.f32 v4, v3;
	v1 =	vld [tilespmem:s0+$0xFFFFFFE0]  }
0x497: {  	v5 =	vadd.f32 v6, v5;
	v3 =	vld [tilespmem:s9+$0xFFFFFFE0];
	[tilespmem:s0+$0x0] =	vst v2  }
0x498: {  	v6 =	vadd.f32 v8, v7;
	[tilespmem:s0+$0xFFFFFFA0] =	vst v4;
	v2 =	vld [tilespmem:s0+$0xFFFFFFF0]  }
0x499: {  	[tilespmem:s0+$0xFFFFFFB0] =	vst v5;
	v4 =	vld [tilespmem:s9+$0xFFFFFFF0]  }
0x49a: {  	s28 =	simm.s32 $0x0;
	s15 =	simm.s32 $0x146F0;
	s8 =	simm.s32 $0x14370;
	v5 =	vld [tilespmem:s0+$0xFFFFFF90];
	[tilespmem:s0+$0xFFFFFFC0] =	vst v6;
	v6 =	vadd.f32 v10, v9  }
.LBB2_61:
0x49b: {  	v7 =	vld [tilespmem:s15+$0x0];
	s9 =	sadd.s32 $0x400, s9  }
0x49c: {  	s28 =	sadd.s32 $0x80, s28;
	v8 =	vld [tilespmem:s9+$0x0];
	[tilespmem:s0+$0xFFFFFFD0] =	vst v6;
	v1 =	vadd.f32 v3, v1  }
0x49d: {  	p0 =	slt.u32 s28, $0x780;
	v3 =	vld [tilespmem:s9+$0xFFFFFF90]  }
0x49e: {  	v6 =	vld [tilespmem:s15+$0xFFFFFFA0];
	[tilespmem:s0+$0xFFFFFFE0] =	vst v1;
	v1 =	vadd.f32 v4, v2  }
0x49f: {  	v2 =	vld [tilespmem:s9+$0xFFFFFFA0];
	v9 =	vadd.f32 v0, v5  }
0x4a0: {  	v4 =	vld [tilespmem:s15+$0xFFFFFFB0];
	[tilespmem:s0+$0xFFFFFFF0] =	vst v1  }
0x4a1: {  	v1 =	vld [tilespmem:s9+$0xFFFFFFB0];
	v5 =	vadd.f32 v8, v7;
	[tilespmem:s0+$0xFFFFFF90] =	vst v9;
	s0 =	smov.u32 s15  }
0x4a2: {  	v7 =	vld [tilespmem:s15+$0xFFFFFFC0];
	v0 =	vmov v3  }
0x4a3: {  	s11 =	simm.s32 $0x370;
	v8 =	vld [tilespmem:s9+$0xFFFFFFC0];
	[tilespmem:s15+$0x0] =	vst v5  }
0x4a4: {  	v2 =	vadd.f32 v2, v6;
	v6 =	vld [tilespmem:s15+$0xFFFFFFD0]  }
0x4a5: {  	v9 =	vld [tilespmem:s9+$0xFFFFFFD0]  }
.Ltmp29:
0x4a6: {  	[tilespmem:s15+$0xFFFFFFA0] =	vst v2;
	v2 =	vadd.f32 v1, v4;
	v1 =	vld [tilespmem:s15+$0xFFFFFFE0];
	(pc) =	sbr.rel @p0 .LBB2_61-.Ltmp29, $4  }
0x4a7: {  	v3 =	vld [tilespmem:s9+$0xFFFFFFE0]  }
0x4a8: {  	[tilespmem:s15+$0xFFFFFFB0] =	vst v2;
	v7 =	vadd.f32 v8, v7;
	v2 =	vld [tilespmem:s15+$0xFFFFFFF0]  }
0x4a9: {  	v4 =	vld [tilespmem:s9+$0xFFFFFFF0]  }
0x4aa: {  	s15 =	sadd.s32 $0x400, s15;
	v5 =	vld [tilespmem:s0+$0xFFFFFF90];
	[tilespmem:s0+$0xFFFFFFC0] =	vst v7;
	v6 =	vadd.f32 v9, v6  }
0x4ab: {  	_ =	sdelay $0x1  }
0x4ac: {  	v1 =	vadd.f32 v3, v1  }
0x4ad: {  	[tilespmem:s0+$0xFFFFFFD0] =	vst v6;
	v2 =	vadd.f32 v4, v2  }
0x4ae: {  	[tilespmem:s0+$0xFFFFFFE0] =	vst v1;
	v0 =	vadd.f32 v0, v5  }
0x4af: {  	[tilespmem:s0+$0xFFFFFFF0] =	vst v2  }
0x4b0: {  	[tilespmem:s0+$0xFFFFFF90] =	vst v0  }
0x4b1: {  	v1 =	vld [tilespmem:s8+$0x0]  }
0x4b2: {  	v2 =	vld [tilespmem:s11+$0x0]  }
0x4b3: {  	v0 =	vld [tilespmem:s11+$0xFFFFFF90]  }
0x4b4: {  	v3 =	vld [tilespmem:s8+$0xFFFFFFA0]  }
0x4b5: {  	v4 =	vld [tilespmem:s11+$0xFFFFFFA0]  }
0x4b6: {  	v5 =	vld [tilespmem:s8+$0xFFFFFFB0]  }
0x4b7: {  	v6 =	vld [tilespmem:s11+$0xFFFFFFB0]  }
0x4b8: {  	v7 =	vld [tilespmem:s8+$0xFFFFFFC0]  }
0x4b9: {  	v8 =	vld [tilespmem:s11+$0xFFFFFFC0]  }
0x4ba: {  	v9 =	vld [tilespmem:s8+$0xFFFFFFD0]  }
0x4bb: {  	v10 =	vld [tilespmem:s11+$0xFFFFFFD0];
	v2 =	vadd.f32 v2, v1  }
0x4bc: {  	v4 =	vadd.f32 v4, v3;
	v1 =	vld [tilespmem:s8+$0xFFFFFFE0]  }
0x4bd: {  	v5 =	vadd.f32 v6, v5;
	v3 =	vld [tilespmem:s11+$0xFFFFFFE0];
	[tilespmem:s8+$0x0] =	vst v2  }
0x4be: {  	v6 =	vadd.f32 v8, v7;
	[tilespmem:s8+$0xFFFFFFA0] =	vst v4;
	v2 =	vld [tilespmem:s8+$0xFFFFFFF0]  }
0x4bf: {  	[tilespmem:s8+$0xFFFFFFB0] =	vst v5;
	v4 =	vld [tilespmem:s11+$0xFFFFFFF0]  }
0x4c0: {  	s28 =	simm.s32 $0x0;
	s15 =	simm.s32 $0x14770;
	s0 =	simm.s32 $0x143F0;
	v5 =	vld [tilespmem:s8+$0xFFFFFF90];
	[tilespmem:s8+$0xFFFFFFC0] =	vst v6;
	v6 =	vadd.f32 v10, v9  }
.LBB2_63:
0x4c1: {  	v7 =	vld [tilespmem:s15+$0x0];
	s11 =	sadd.s32 $0x400, s11  }
0x4c2: {  	s28 =	sadd.s32 $0x80, s28;
	v8 =	vld [tilespmem:s11+$0x0];
	[tilespmem:s8+$0xFFFFFFD0] =	vst v6;
	v1 =	vadd.f32 v3, v1  }
0x4c3: {  	p0 =	slt.u32 s28, $0x780;
	v3 =	vld [tilespmem:s11+$0xFFFFFF90]  }
0x4c4: {  	v6 =	vld [tilespmem:s15+$0xFFFFFFA0];
	[tilespmem:s8+$0xFFFFFFE0] =	vst v1;
	v1 =	vadd.f32 v4, v2  }
0x4c5: {  	v2 =	vld [tilespmem:s11+$0xFFFFFFA0];
	v9 =	vadd.f32 v0, v5  }
0x4c6: {  	v4 =	vld [tilespmem:s15+$0xFFFFFFB0];
	[tilespmem:s8+$0xFFFFFFF0] =	vst v1  }
0x4c7: {  	v1 =	vld [tilespmem:s11+$0xFFFFFFB0];
	v5 =	vadd.f32 v8, v7;
	[tilespmem:s8+$0xFFFFFF90] =	vst v9;
	s8 =	smov.u32 s15  }
0x4c8: {  	v7 =	vld [tilespmem:s15+$0xFFFFFFC0];
	v0 =	vmov v3  }
0x4c9: {  	s9 =	simm.s32 $0x3F0;
	v8 =	vld [tilespmem:s11+$0xFFFFFFC0];
	[tilespmem:s15+$0x0] =	vst v5  }
0x4ca: {  	v2 =	vadd.f32 v2, v6;
	v6 =	vld [tilespmem:s15+$0xFFFFFFD0]  }
0x4cb: {  	v9 =	vld [tilespmem:s11+$0xFFFFFFD0]  }
.Ltmp30:
0x4cc: {  	[tilespmem:s15+$0xFFFFFFA0] =	vst v2;
	v2 =	vadd.f32 v1, v4;
	v1 =	vld [tilespmem:s15+$0xFFFFFFE0];
	(pc) =	sbr.rel @p0 .LBB2_63-.Ltmp30, $4  }
0x4cd: {  	v3 =	vld [tilespmem:s11+$0xFFFFFFE0]  }
0x4ce: {  	[tilespmem:s15+$0xFFFFFFB0] =	vst v2;
	v7 =	vadd.f32 v8, v7;
	v2 =	vld [tilespmem:s15+$0xFFFFFFF0]  }
0x4cf: {  	v4 =	vld [tilespmem:s11+$0xFFFFFFF0]  }
0x4d0: {  	s15 =	sadd.s32 $0x400, s15;
	v5 =	vld [tilespmem:s8+$0xFFFFFF90];
	[tilespmem:s8+$0xFFFFFFC0] =	vst v7;
	v6 =	vadd.f32 v9, v6  }
0x4d1: {  	_ =	sdelay $0x1  }
0x4d2: {  	v1 =	vadd.f32 v3, v1  }
0x4d3: {  	[tilespmem:s8+$0xFFFFFFD0] =	vst v6;
	v2 =	vadd.f32 v4, v2  }
0x4d4: {  	[tilespmem:s8+$0xFFFFFFE0] =	vst v1;
	v0 =	vadd.f32 v0, v5  }
0x4d5: {  	[tilespmem:s8+$0xFFFFFFF0] =	vst v2  }
0x4d6: {  	[tilespmem:s8+$0xFFFFFF90] =	vst v0  }
0x4d7: {  	v1 =	vld [tilespmem:s0+$0x0]  }
0x4d8: {  	v2 =	vld [tilespmem:s9+$0x0]  }
0x4d9: {  	v0 =	vld [tilespmem:s9+$0xFFFFFF90]  }
0x4da: {  	v3 =	vld [tilespmem:s0+$0xFFFFFFA0]  }
0x4db: {  	v4 =	vld [tilespmem:s9+$0xFFFFFFA0]  }
0x4dc: {  	v5 =	vld [tilespmem:s0+$0xFFFFFFB0]  }
0x4dd: {  	v6 =	vld [tilespmem:s9+$0xFFFFFFB0]  }
0x4de: {  	v7 =	vld [tilespmem:s0+$0xFFFFFFC0]  }
0x4df: {  	v8 =	vld [tilespmem:s9+$0xFFFFFFC0]  }
0x4e0: {  	v9 =	vld [tilespmem:s0+$0xFFFFFFD0]  }
0x4e1: {  	v10 =	vld [tilespmem:s9+$0xFFFFFFD0];
	v2 =	vadd.f32 v2, v1  }
0x4e2: {  	v4 =	vadd.f32 v4, v3;
	v1 =	vld [tilespmem:s0+$0xFFFFFFE0]  }
0x4e3: {  	v5 =	vadd.f32 v6, v5;
	v3 =	vld [tilespmem:s9+$0xFFFFFFE0];
	[tilespmem:s0+$0x0] =	vst v2  }
0x4e4: {  	v6 =	vadd.f32 v8, v7;
	[tilespmem:s0+$0xFFFFFFA0] =	vst v4;
	v2 =	vld [tilespmem:s0+$0xFFFFFFF0]  }
0x4e5: {  	[tilespmem:s0+$0xFFFFFFB0] =	vst v5;
	v5 =	vld [tilespmem:s9+$0xFFFFFFF0]  }
0x4e6: {  	s2 =	simm.s32 $0x147F0;
	s8 =	simm.s32 $0x0;
	v4 =	vld [tilespmem:s0+$0xFFFFFF90];
	[tilespmem:s0+$0xFFFFFFC0] =	vst v6;
	v6 =	vadd.f32 v10, v9  }
.LBB2_65:
0x4e7: {  	v7 =	vld [tilespmem:s2+$0x0];
	s9 =	sadd.s32 $0x400, s9  }
0x4e8: {  	s8 =	sadd.s32 $0x80, s8;
	v8 =	vld [tilespmem:s9+$0x0];
	[tilespmem:s0+$0xFFFFFFD0] =	vst v6;
	v1 =	vadd.f32 v3, v1  }
0x4e9: {  	p0 =	slt.u32 s8, $0x780;
	v3 =	vld [tilespmem:s9+$0xFFFFFF90]  }
0x4ea: {  	v6 =	vld [tilespmem:s2+$0xFFFFFFA0];
	[tilespmem:s0+$0xFFFFFFE0] =	vst v1;
	v1 =	vadd.f32 v5, v2  }
0x4eb: {  	v2 =	vld [tilespmem:s9+$0xFFFFFFA0];
	v9 =	vadd.f32 v0, v4  }
0x4ec: {  	v4 =	vld [tilespmem:s2+$0xFFFFFFB0];
	[tilespmem:s0+$0xFFFFFFF0] =	vst v1  }
0x4ed: {  	v1 =	vld [tilespmem:s9+$0xFFFFFFB0];
	v5 =	vadd.f32 v8, v7;
	[tilespmem:s0+$0xFFFFFF90] =	vst v9;
	s0 =	smov.u32 s2  }
0x4ee: {  	v7 =	vld [tilespmem:s2+$0xFFFFFFC0];
	v0 =	vmov v3  }
0x4ef: {  	v8 =	vld [tilespmem:s9+$0xFFFFFFC0];
	[tilespmem:s2+$0x0] =	vst v5  }
0x4f0: {  	v2 =	vadd.f32 v2, v6;
	v6 =	vld [tilespmem:s2+$0xFFFFFFD0]  }
0x4f1: {  	v9 =	vld [tilespmem:s9+$0xFFFFFFD0]  }
.Ltmp31:
0x4f2: {  	[tilespmem:s2+$0xFFFFFFA0] =	vst v2;
	v2 =	vadd.f32 v1, v4;
	v1 =	vld [tilespmem:s2+$0xFFFFFFE0];
	(pc) =	sbr.rel @p0 .LBB2_65-.Ltmp31, $4  }
0x4f3: {  	v3 =	vld [tilespmem:s9+$0xFFFFFFE0]  }
0x4f4: {  	[tilespmem:s2+$0xFFFFFFB0] =	vst v2;
	v7 =	vadd.f32 v8, v7;
	v2 =	vld [tilespmem:s2+$0xFFFFFFF0]  }
0x4f5: {  	v5 =	vld [tilespmem:s9+$0xFFFFFFF0]  }
0x4f6: {  	s2 =	sadd.s32 $0x400, s2;
	v4 =	vld [tilespmem:s0+$0xFFFFFF90];
	[tilespmem:s0+$0xFFFFFFC0] =	vst v7;
	v6 =	vadd.f32 v9, v6  }
0x4f7: {  	_ =	sdelay $0x1  }
0x4f8: {  	v1 =	vadd.f32 v3, v1  }
0x4f9: {  	[tilespmem:s0+$0xFFFFFFD0] =	vst v6;
	v2 =	vadd.f32 v5, v2  }
0x4fa: {  	[tilespmem:s0+$0xFFFFFFE0] =	vst v1;
	v0 =	vadd.f32 v0, v4  }
0x4fb: {  	[tilespmem:s0+$0xFFFFFFF0] =	vst v2  }
0x4fc: {  	s11 =	sadd.s32 s3, s7;
	[tilespmem:s0+$0xFFFFFF90] =	vst v0  }
0x4fd: {  	[hbm4b:s11+s5] =	stream.linear.scatter [tilespmem:s19], [sflag:$0xA], $0x4000, $0x38;
	[tilespmem:$0x18000] =	vst v63  }
0x4fe: {  	_ =	swait.ge [sflag:s24], $0x4000  }
0x4ff: {  	p0 =	seq.s32 s31, $0x7;
	s0 =	sadd.s32 $0x1, s31;
	[sflag:s24] =	ssyncset.done $0x0  }
0x500: {  	s2 =	sadd.s32 @!p0 s10, s0;
	[sflag:s24] =	ssyncadd.s32 $0xFFFFC000  }
0x501: {  	s31 =	sshll.u32 @!p0 s2, $0xC;
	s2 =	rddreg [dreg:$0x1]  }
0x502: {  	s7 =	simm.s32 @!p0 $0x0;
	s2 =	sadd.s32 @!p0 s2, s31  }
0x503: {  	[tilespmem:s7], [sflag:$0x1] =	stream.linear.gather @!p0 [hbm4b:s2+s7], $0x4000, $0x38;
	[tilespmem:$0x18000] =	vst v63  }
0x504: {  	_ =	swait.ge [sflag:s16], $0x4000  }
0x505: {  	[sflag:s16] =	ssyncset.done $0x0  }
0x506: {  	[sflag:s16] =	ssyncadd.s32 $0xFFFFC000  }
0x507: {  	_ =	swait.ge [sflag:s25], $0x4000  }
0x508: {  	s7 =	sor.u32 $0x200800, s29;
	[sflag:s25] =	ssyncset.done $0x0  }
0x509: {  	s9 =	simm.s32 $0x8040;
	s15 =	sadd.s32 s1, s7;
	[sflag:s25] =	ssyncadd.s32 $0xFFFFC000  }
0x50a: {  	[tilespmem:s17], [sflag:$0x5] =	stream.linear.gather [hbm4b:s15+s5], $0x4000, $0x38;
	[tilespmem:$0x18000] =	vst v63  }
0x50b: {  	s28 =	simm.s32 $0x4040;
	v1 =	vld [tilespmem:s9+$0x30]  }
0x50c: {  	v2 =	vld [tilespmem:s28+$0x30]  }
0x50d: {  	v0 =	vld [tilespmem:s28+$0xFFFFFFC0]  }
0x50e: {  	v3 =	vld [tilespmem:s9+$0xFFFFFFD0]  }
0x50f: {  	v4 =	vld [tilespmem:s28+$0xFFFFFFD0]  }
0x510: {  	v5 =	vld [tilespmem:s9+$0xFFFFFFE0]  }
0x511: {  	v6 =	vld [tilespmem:s28+$0xFFFFFFE0]  }
0x512: {  	v7 =	vld [tilespmem:s9+$0xFFFFFFF0]  }
0x513: {  	v8 =	vld [tilespmem:s28+$0xFFFFFFF0]  }
0x514: {  	v9 =	vld [tilespmem:s9+$0x0]  }
0x515: {  	v10 =	vld [tilespmem:s28+$0x0];
	v2 =	vadd.f32 v2, v1  }
0x516: {  	v4 =	vadd.f32 v4, v3;
	v1 =	vld [tilespmem:s9+$0x10]  }
0x517: {  	v5 =	vadd.f32 v6, v5;
	v3 =	vld [tilespmem:s28+$0x10];
	[tilespmem:s9+$0x30] =	vst v2  }
0x518: {  	v6 =	vadd.f32 v8, v7;
	[tilespmem:s9+$0xFFFFFFD0] =	vst v4;
	v2 =	vld [tilespmem:s9+$0x20]  }
0x519: {  	[tilespmem:s9+$0xFFFFFFE0] =	vst v5;
	v4 =	vld [tilespmem:s28+$0x20]  }
0x51a: {  	s8 =	simm.s32 $0x40F0;
	s2 =	simm.s32 $0x8440;
	s15 =	simm.s32 $0x0;
	v5 =	vld [tilespmem:s9+$0xFFFFFFC0];
	[tilespmem:s9+$0xFFFFFFF0] =	vst v6;
	v6 =	vadd.f32 v10, v9  }
.LBB2_67:
0x51b: {  	v7 =	vld [tilespmem:s2+$0x30];
	s28 =	sadd.s32 $0x400, s28  }
0x51c: {  	s15 =	sadd.s32 $0x80, s15;
	v8 =	vld [tilespmem:s28+$0x30];
	[tilespmem:s9+$0x0] =	vst v6;
	v1 =	vadd.f32 v3, v1  }
0x51d: {  	p1 =	slt.u32 s15, $0x780;
	v3 =	vld [tilespmem:s28+$0xFFFFFFC0]  }
0x51e: {  	v6 =	vld [tilespmem:s2+$0xFFFFFFD0];
	[tilespmem:s9+$0x10] =	vst v1;
	v1 =	vadd.f32 v4, v2  }
0x51f: {  	v2 =	vld [tilespmem:s28+$0xFFFFFFD0];
	v9 =	vadd.f32 v0, v5  }
0x520: {  	v4 =	vld [tilespmem:s2+$0xFFFFFFE0];
	[tilespmem:s9+$0x20] =	vst v1  }
0x521: {  	v1 =	vld [tilespmem:s28+$0xFFFFFFE0];
	v5 =	vadd.f32 v8, v7;
	[tilespmem:s9+$0xFFFFFFC0] =	vst v9;
	s9 =	smov.u32 s2  }
0x522: {  	v7 =	vld [tilespmem:s2+$0xFFFFFFF0];
	v0 =	vmov v3  }
0x523: {  	s11 =	simm.s32 $0x80F0;
	v8 =	vld [tilespmem:s28+$0xFFFFFFF0];
	[tilespmem:s2+$0x30] =	vst v5  }
0x524: {  	v2 =	vadd.f32 v2, v6;
	v6 =	vld [tilespmem:s2+$0x0]  }
0x525: {  	v9 =	vld [tilespmem:s28+$0x0]  }
.Ltmp32:
0x526: {  	[tilespmem:s2+$0xFFFFFFD0] =	vst v2;
	v2 =	vadd.f32 v1, v4;
	v1 =	vld [tilespmem:s2+$0x10];
	(pc) =	sbr.rel @p1 .LBB2_67-.Ltmp32, $4  }
0x527: {  	v3 =	vld [tilespmem:s28+$0x10]  }
0x528: {  	[tilespmem:s2+$0xFFFFFFE0] =	vst v2;
	v7 =	vadd.f32 v8, v7;
	v2 =	vld [tilespmem:s2+$0x20]  }
0x529: {  	v4 =	vld [tilespmem:s28+$0x20]  }
0x52a: {  	s2 =	sadd.s32 $0x400, s2;
	v5 =	vld [tilespmem:s9+$0xFFFFFFC0];
	[tilespmem:s9+$0xFFFFFFF0] =	vst v7;
	v6 =	vadd.f32 v9, v6  }
0x52b: {  	_ =	sdelay $0x1  }
0x52c: {  	v1 =	vadd.f32 v3, v1  }
0x52d: {  	[tilespmem:s9+$0x0] =	vst v6;
	v2 =	vadd.f32 v4, v2  }
0x52e: {  	[tilespmem:s9+$0x10] =	vst v1;
	v0 =	vadd.f32 v0, v5  }
0x52f: {  	[tilespmem:s9+$0x20] =	vst v2  }
0x530: {  	[tilespmem:s9+$0xFFFFFFC0] =	vst v0  }
0x531: {  	v1 =	vld [tilespmem:s11+$0x0]  }
0x532: {  	v2 =	vld [tilespmem:s8+$0x0]  }
0x533: {  	v0 =	vld [tilespmem:s8+$0xFFFFFF90]  }
0x534: {  	v3 =	vld [tilespmem:s11+$0xFFFFFFA0]  }
0x535: {  	v4 =	vld [tilespmem:s8+$0xFFFFFFA0]  }
0x536: {  	v5 =	vld [tilespmem:s11+$0xFFFFFFB0]  }
0x537: {  	v6 =	vld [tilespmem:s8+$0xFFFFFFB0]  }
0x538: {  	v7 =	vld [tilespmem:s11+$0xFFFFFFC0]  }
0x539: {  	v8 =	vld [tilespmem:s8+$0xFFFFFFC0]  }
0x53a: {  	v9 =	vld [tilespmem:s11+$0xFFFFFFD0]  }
0x53b: {  	v10 =	vld [tilespmem:s8+$0xFFFFFFD0];
	v2 =	vadd.f32 v2, v1  }
0x53c: {  	v4 =	vadd.f32 v4, v3;
	v1 =	vld [tilespmem:s11+$0xFFFFFFE0]  }
0x53d: {  	v5 =	vadd.f32 v6, v5;
	v3 =	vld [tilespmem:s8+$0xFFFFFFE0];
	[tilespmem:s11+$0x0] =	vst v2  }
0x53e: {  	v6 =	vadd.f32 v8, v7;
	[tilespmem:s11+$0xFFFFFFA0] =	vst v4;
	v2 =	vld [tilespmem:s11+$0xFFFFFFF0]  }
0x53f: {  	[tilespmem:s11+$0xFFFFFFB0] =	vst v5;
	v4 =	vld [tilespmem:s8+$0xFFFFFFF0]  }
0x540: {  	s15 =	simm.s32 $0x0;
	s2 =	simm.s32 $0x84F0;
	s9 =	simm.s32 $0x4170;
	v5 =	vld [tilespmem:s11+$0xFFFFFF90];
	[tilespmem:s11+$0xFFFFFFC0] =	vst v6;
	v6 =	vadd.f32 v10, v9  }
.LBB2_69:
0x541: {  	v7 =	vld [tilespmem:s2+$0x0];
	s8 =	sadd.s32 $0x400, s8  }
0x542: {  	s15 =	sadd.s32 $0x80, s15;
	v8 =	vld [tilespmem:s8+$0x0];
	[tilespmem:s11+$0xFFFFFFD0] =	vst v6;
	v1 =	vadd.f32 v3, v1  }
0x543: {  	p1 =	slt.u32 s15, $0x780;
	v3 =	vld [tilespmem:s8+$0xFFFFFF90]  }
0x544: {  	v6 =	vld [tilespmem:s2+$0xFFFFFFA0];
	[tilespmem:s11+$0xFFFFFFE0] =	vst v1;
	v1 =	vadd.f32 v4, v2  }
0x545: {  	v2 =	vld [tilespmem:s8+$0xFFFFFFA0];
	v9 =	vadd.f32 v0, v5  }
0x546: {  	v4 =	vld [tilespmem:s2+$0xFFFFFFB0];
	[tilespmem:s11+$0xFFFFFFF0] =	vst v1  }
0x547: {  	v1 =	vld [tilespmem:s8+$0xFFFFFFB0];
	v5 =	vadd.f32 v8, v7;
	[tilespmem:s11+$0xFFFFFF90] =	vst v9;
	s11 =	smov.u32 s2  }
0x548: {  	v7 =	vld [tilespmem:s2+$0xFFFFFFC0];
	v0 =	vmov v3  }
0x549: {  	s28 =	simm.s32 $0x8170;
	v8 =	vld [tilespmem:s8+$0xFFFFFFC0];
	[tilespmem:s2+$0x0] =	vst v5  }
0x54a: {  	v2 =	vadd.f32 v2, v6;
	v6 =	vld [tilespmem:s2+$0xFFFFFFD0]  }
0x54b: {  	v9 =	vld [tilespmem:s8+$0xFFFFFFD0]  }
.Ltmp33:
0x54c: {  	[tilespmem:s2+$0xFFFFFFA0] =	vst v2;
	v2 =	vadd.f32 v1, v4;
	v1 =	vld [tilespmem:s2+$0xFFFFFFE0];
	(pc) =	sbr.rel @p1 .LBB2_69-.Ltmp33, $4  }
0x54d: {  	v3 =	vld [tilespmem:s8+$0xFFFFFFE0]  }
0x54e: {  	[tilespmem:s2+$0xFFFFFFB0] =	vst v2;
	v7 =	vadd.f32 v8, v7;
	v2 =	vld [tilespmem:s2+$0xFFFFFFF0]  }
0x54f: {  	v4 =	vld [tilespmem:s8+$0xFFFFFFF0]  }
0x550: {  	s2 =	sadd.s32 $0x400, s2;
	v5 =	vld [tilespmem:s11+$0xFFFFFF90];
	[tilespmem:s11+$0xFFFFFFC0] =	vst v7;
	v6 =	vadd.f32 v9, v6  }
0x551: {  	_ =	sdelay $0x1  }
0x552: {  	v1 =	vadd.f32 v3, v1  }
0x553: {  	[tilespmem:s11+$0xFFFFFFD0] =	vst v6;
	v2 =	vadd.f32 v4, v2  }
0x554: {  	[tilespmem:s11+$0xFFFFFFE0] =	vst v1;
	v0 =	vadd.f32 v0, v5  }
0x555: {  	[tilespmem:s11+$0xFFFFFFF0] =	vst v2  }
0x556: {  	[tilespmem:s11+$0xFFFFFF90] =	vst v0  }
0x557: {  	v1 =	vld [tilespmem:s28+$0x0]  }
0x558: {  	v2 =	vld [tilespmem:s9+$0x0]  }
0x559: {  	v0 =	vld [tilespmem:s9+$0xFFFFFF90]  }
0x55a: {  	v3 =	vld [tilespmem:s28+$0xFFFFFFA0]  }
0x55b: {  	v4 =	vld [tilespmem:s9+$0xFFFFFFA0]  }
0x55c: {  	v5 =	vld [tilespmem:s28+$0xFFFFFFB0]  }
0x55d: {  	v6 =	vld [tilespmem:s9+$0xFFFFFFB0]  }
0x55e: {  	v7 =	vld [tilespmem:s28+$0xFFFFFFC0]  }
0x55f: {  	v8 =	vld [tilespmem:s9+$0xFFFFFFC0]  }
0x560: {  	v9 =	vld [tilespmem:s28+$0xFFFFFFD0]  }
0x561: {  	v10 =	vld [tilespmem:s9+$0xFFFFFFD0];
	v2 =	vadd.f32 v2, v1  }
0x562: {  	v4 =	vadd.f32 v4, v3;
	v1 =	vld [tilespmem:s28+$0xFFFFFFE0]  }
0x563: {  	v5 =	vadd.f32 v6, v5;
	v3 =	vld [tilespmem:s9+$0xFFFFFFE0];
	[tilespmem:s28+$0x0] =	vst v2  }
0x564: {  	v6 =	vadd.f32 v8, v7;
	[tilespmem:s28+$0xFFFFFFA0] =	vst v4;
	v2 =	vld [tilespmem:s28+$0xFFFFFFF0]  }
0x565: {  	[tilespmem:s28+$0xFFFFFFB0] =	vst v5;
	v4 =	vld [tilespmem:s9+$0xFFFFFFF0]  }
0x566: {  	s15 =	simm.s32 $0x0;
	s8 =	simm.s32 $0x41F0;
	s2 =	simm.s32 $0x8570;
	v5 =	vld [tilespmem:s28+$0xFFFFFF90];
	[tilespmem:s28+$0xFFFFFFC0] =	vst v6;
	v6 =	vadd.f32 v10, v9  }
.LBB2_71:
0x567: {  	v7 =	vld [tilespmem:s2+$0x0];
	s9 =	sadd.s32 $0x400, s9  }
0x568: {  	s15 =	sadd.s32 $0x80, s15;
	v8 =	vld [tilespmem:s9+$0x0];
	[tilespmem:s28+$0xFFFFFFD0] =	vst v6;
	v1 =	vadd.f32 v3, v1  }
0x569: {  	p1 =	slt.u32 s15, $0x780;
	v3 =	vld [tilespmem:s9+$0xFFFFFF90]  }
0x56a: {  	v6 =	vld [tilespmem:s2+$0xFFFFFFA0];
	[tilespmem:s28+$0xFFFFFFE0] =	vst v1;
	v1 =	vadd.f32 v4, v2  }
0x56b: {  	v2 =	vld [tilespmem:s9+$0xFFFFFFA0];
	v9 =	vadd.f32 v0, v5  }
0x56c: {  	v4 =	vld [tilespmem:s2+$0xFFFFFFB0];
	[tilespmem:s28+$0xFFFFFFF0] =	vst v1  }
0x56d: {  	v1 =	vld [tilespmem:s9+$0xFFFFFFB0];
	v5 =	vadd.f32 v8, v7;
	[tilespmem:s28+$0xFFFFFF90] =	vst v9;
	s28 =	smov.u32 s2  }
0x56e: {  	v7 =	vld [tilespmem:s2+$0xFFFFFFC0];
	v0 =	vmov v3  }
0x56f: {  	s11 =	simm.s32 $0x81F0;
	v8 =	vld [tilespmem:s9+$0xFFFFFFC0];
	[tilespmem:s2+$0x0] =	vst v5  }
0x570: {  	v2 =	vadd.f32 v2, v6;
	v6 =	vld [tilespmem:s2+$0xFFFFFFD0]  }
0x571: {  	v9 =	vld [tilespmem:s9+$0xFFFFFFD0]  }
.Ltmp34:
0x572: {  	[tilespmem:s2+$0xFFFFFFA0] =	vst v2;
	v2 =	vadd.f32 v1, v4;
	v1 =	vld [tilespmem:s2+$0xFFFFFFE0];
	(pc) =	sbr.rel @p1 .LBB2_71-.Ltmp34, $4  }
0x573: {  	v3 =	vld [tilespmem:s9+$0xFFFFFFE0]  }
0x574: {  	[tilespmem:s2+$0xFFFFFFB0] =	vst v2;
	v7 =	vadd.f32 v8, v7;
	v2 =	vld [tilespmem:s2+$0xFFFFFFF0]  }
0x575: {  	v4 =	vld [tilespmem:s9+$0xFFFFFFF0]  }
0x576: {  	s2 =	sadd.s32 $0x400, s2;
	v5 =	vld [tilespmem:s28+$0xFFFFFF90];
	[tilespmem:s28+$0xFFFFFFC0] =	vst v7;
	v6 =	vadd.f32 v9, v6  }
0x577: {  	_ =	sdelay $0x1  }
0x578: {  	v1 =	vadd.f32 v3, v1  }
0x579: {  	[tilespmem:s28+$0xFFFFFFD0] =	vst v6;
	v2 =	vadd.f32 v4, v2  }
0x57a: {  	[tilespmem:s28+$0xFFFFFFE0] =	vst v1;
	v0 =	vadd.f32 v0, v5  }
0x57b: {  	[tilespmem:s28+$0xFFFFFFF0] =	vst v2  }
0x57c: {  	[tilespmem:s28+$0xFFFFFF90] =	vst v0  }
0x57d: {  	v1 =	vld [tilespmem:s11+$0x0]  }
0x57e: {  	v2 =	vld [tilespmem:s8+$0x0]  }
0x57f: {  	v0 =	vld [tilespmem:s8+$0xFFFFFF90]  }
0x580: {  	v3 =	vld [tilespmem:s11+$0xFFFFFFA0]  }
0x581: {  	v4 =	vld [tilespmem:s8+$0xFFFFFFA0]  }
0x582: {  	v5 =	vld [tilespmem:s11+$0xFFFFFFB0]  }
0x583: {  	v6 =	vld [tilespmem:s8+$0xFFFFFFB0]  }
0x584: {  	v7 =	vld [tilespmem:s11+$0xFFFFFFC0]  }
0x585: {  	v8 =	vld [tilespmem:s8+$0xFFFFFFC0]  }
0x586: {  	v9 =	vld [tilespmem:s11+$0xFFFFFFD0]  }
0x587: {  	v10 =	vld [tilespmem:s8+$0xFFFFFFD0];
	v2 =	vadd.f32 v2, v1  }
0x588: {  	v4 =	vadd.f32 v4, v3;
	v1 =	vld [tilespmem:s11+$0xFFFFFFE0]  }
0x589: {  	v5 =	vadd.f32 v6, v5;
	v3 =	vld [tilespmem:s8+$0xFFFFFFE0];
	[tilespmem:s11+$0x0] =	vst v2  }
0x58a: {  	v6 =	vadd.f32 v8, v7;
	[tilespmem:s11+$0xFFFFFFA0] =	vst v4;
	v2 =	vld [tilespmem:s11+$0xFFFFFFF0]  }
0x58b: {  	[tilespmem:s11+$0xFFFFFFB0] =	vst v5;
	v4 =	vld [tilespmem:s8+$0xFFFFFFF0]  }
0x58c: {  	s15 =	simm.s32 $0x0;
	s9 =	simm.s32 $0x4270;
	s2 =	simm.s32 $0x85F0;
	v5 =	vld [tilespmem:s11+$0xFFFFFF90];
	[tilespmem:s11+$0xFFFFFFC0] =	vst v6;
	v6 =	vadd.f32 v10, v9  }
.LBB2_73:
0x58d: {  	v7 =	vld [tilespmem:s2+$0x0];
	s8 =	sadd.s32 $0x400, s8  }
0x58e: {  	s15 =	sadd.s32 $0x80, s15;
	v8 =	vld [tilespmem:s8+$0x0];
	[tilespmem:s11+$0xFFFFFFD0] =	vst v6;
	v1 =	vadd.f32 v3, v1  }
0x58f: {  	p1 =	slt.u32 s15, $0x780;
	v3 =	vld [tilespmem:s8+$0xFFFFFF90]  }
0x590: {  	v6 =	vld [tilespmem:s2+$0xFFFFFFA0];
	[tilespmem:s11+$0xFFFFFFE0] =	vst v1;
	v1 =	vadd.f32 v4, v2  }
0x591: {  	v2 =	vld [tilespmem:s8+$0xFFFFFFA0];
	v9 =	vadd.f32 v0, v5  }
0x592: {  	v4 =	vld [tilespmem:s2+$0xFFFFFFB0];
	[tilespmem:s11+$0xFFFFFFF0] =	vst v1  }
0x593: {  	v1 =	vld [tilespmem:s8+$0xFFFFFFB0];
	v5 =	vadd.f32 v8, v7;
	[tilespmem:s11+$0xFFFFFF90] =	vst v9;
	s11 =	smov.u32 s2  }
0x594: {  	v7 =	vld [tilespmem:s2+$0xFFFFFFC0];
	v0 =	vmov v3  }
0x595: {  	s28 =	simm.s32 $0x8270;
	v8 =	vld [tilespmem:s8+$0xFFFFFFC0];
	[tilespmem:s2+$0x0] =	vst v5  }
0x596: {  	v2 =	vadd.f32 v2, v6;
	v6 =	vld [tilespmem:s2+$0xFFFFFFD0]  }
0x597: {  	v9 =	vld [tilespmem:s8+$0xFFFFFFD0]  }
.Ltmp35:
0x598: {  	[tilespmem:s2+$0xFFFFFFA0] =	vst v2;
	v2 =	vadd.f32 v1, v4;
	v1 =	vld [tilespmem:s2+$0xFFFFFFE0];
	(pc) =	sbr.rel @p1 .LBB2_73-.Ltmp35, $4  }
0x599: {  	v3 =	vld [tilespmem:s8+$0xFFFFFFE0]  }
0x59a: {  	[tilespmem:s2+$0xFFFFFFB0] =	vst v2;
	v7 =	vadd.f32 v8, v7;
	v2 =	vld [tilespmem:s2+$0xFFFFFFF0]  }
0x59b: {  	v4 =	vld [tilespmem:s8+$0xFFFFFFF0]  }
0x59c: {  	s2 =	sadd.s32 $0x400, s2;
	v5 =	vld [tilespmem:s11+$0xFFFFFF90];
	[tilespmem:s11+$0xFFFFFFC0] =	vst v7;
	v6 =	vadd.f32 v9, v6  }
0x59d: {  	_ =	sdelay $0x1  }
0x59e: {  	v1 =	vadd.f32 v3, v1  }
0x59f: {  	[tilespmem:s11+$0xFFFFFFD0] =	vst v6;
	v2 =	vadd.f32 v4, v2  }
0x5a0: {  	[tilespmem:s11+$0xFFFFFFE0] =	vst v1;
	v0 =	vadd.f32 v0, v5  }
0x5a1: {  	[tilespmem:s11+$0xFFFFFFF0] =	vst v2  }
0x5a2: {  	[tilespmem:s11+$0xFFFFFF90] =	vst v0  }
0x5a3: {  	v1 =	vld [tilespmem:s28+$0x0]  }
0x5a4: {  	v2 =	vld [tilespmem:s9+$0x0]  }
0x5a5: {  	v0 =	vld [tilespmem:s9+$0xFFFFFF90]  }
0x5a6: {  	v3 =	vld [tilespmem:s28+$0xFFFFFFA0]  }
0x5a7: {  	v4 =	vld [tilespmem:s9+$0xFFFFFFA0]  }
0x5a8: {  	v5 =	vld [tilespmem:s28+$0xFFFFFFB0]  }
0x5a9: {  	v6 =	vld [tilespmem:s9+$0xFFFFFFB0]  }
0x5aa: {  	v7 =	vld [tilespmem:s28+$0xFFFFFFC0]  }
0x5ab: {  	v8 =	vld [tilespmem:s9+$0xFFFFFFC0]  }
0x5ac: {  	v9 =	vld [tilespmem:s28+$0xFFFFFFD0]  }
0x5ad: {  	v10 =	vld [tilespmem:s9+$0xFFFFFFD0];
	v2 =	vadd.f32 v2, v1  }
0x5ae: {  	v4 =	vadd.f32 v4, v3;
	v1 =	vld [tilespmem:s28+$0xFFFFFFE0]  }
0x5af: {  	v5 =	vadd.f32 v6, v5;
	v3 =	vld [tilespmem:s9+$0xFFFFFFE0];
	[tilespmem:s28+$0x0] =	vst v2  }
0x5b0: {  	v6 =	vadd.f32 v8, v7;
	[tilespmem:s28+$0xFFFFFFA0] =	vst v4;
	v2 =	vld [tilespmem:s28+$0xFFFFFFF0]  }
0x5b1: {  	[tilespmem:s28+$0xFFFFFFB0] =	vst v5;
	v4 =	vld [tilespmem:s9+$0xFFFFFFF0]  }
0x5b2: {  	s15 =	simm.s32 $0x0;
	s8 =	simm.s32 $0x42F0;
	s2 =	simm.s32 $0x8670;
	v5 =	vld [tilespmem:s28+$0xFFFFFF90];
	[tilespmem:s28+$0xFFFFFFC0] =	vst v6;
	v6 =	vadd.f32 v10, v9  }
.LBB2_75:
0x5b3: {  	v7 =	vld [tilespmem:s2+$0x0];
	s9 =	sadd.s32 $0x400, s9  }
0x5b4: {  	s15 =	sadd.s32 $0x80, s15;
	v8 =	vld [tilespmem:s9+$0x0];
	[tilespmem:s28+$0xFFFFFFD0] =	vst v6;
	v1 =	vadd.f32 v3, v1  }
0x5b5: {  	p1 =	slt.u32 s15, $0x780;
	v3 =	vld [tilespmem:s9+$0xFFFFFF90]  }
0x5b6: {  	v6 =	vld [tilespmem:s2+$0xFFFFFFA0];
	[tilespmem:s28+$0xFFFFFFE0] =	vst v1;
	v1 =	vadd.f32 v4, v2  }
0x5b7: {  	v2 =	vld [tilespmem:s9+$0xFFFFFFA0];
	v9 =	vadd.f32 v0, v5  }
0x5b8: {  	v4 =	vld [tilespmem:s2+$0xFFFFFFB0];
	[tilespmem:s28+$0xFFFFFFF0] =	vst v1  }
0x5b9: {  	v1 =	vld [tilespmem:s9+$0xFFFFFFB0];
	v5 =	vadd.f32 v8, v7;
	[tilespmem:s28+$0xFFFFFF90] =	vst v9;
	s28 =	smov.u32 s2  }
0x5ba: {  	v7 =	vld [tilespmem:s2+$0xFFFFFFC0];
	v0 =	vmov v3  }
0x5bb: {  	s11 =	simm.s32 $0x82F0;
	v8 =	vld [tilespmem:s9+$0xFFFFFFC0];
	[tilespmem:s2+$0x0] =	vst v5  }
0x5bc: {  	v2 =	vadd.f32 v2, v6;
	v6 =	vld [tilespmem:s2+$0xFFFFFFD0]  }
0x5bd: {  	v9 =	vld [tilespmem:s9+$0xFFFFFFD0]  }
.Ltmp36:
0x5be: {  	[tilespmem:s2+$0xFFFFFFA0] =	vst v2;
	v2 =	vadd.f32 v1, v4;
	v1 =	vld [tilespmem:s2+$0xFFFFFFE0];
	(pc) =	sbr.rel @p1 .LBB2_75-.Ltmp36, $4  }
0x5bf: {  	v3 =	vld [tilespmem:s9+$0xFFFFFFE0]  }
0x5c0: {  	[tilespmem:s2+$0xFFFFFFB0] =	vst v2;
	v7 =	vadd.f32 v8, v7;
	v2 =	vld [tilespmem:s2+$0xFFFFFFF0]  }
0x5c1: {  	v4 =	vld [tilespmem:s9+$0xFFFFFFF0]  }
0x5c2: {  	s2 =	sadd.s32 $0x400, s2;
	v5 =	vld [tilespmem:s28+$0xFFFFFF90];
	[tilespmem:s28+$0xFFFFFFC0] =	vst v7;
	v6 =	vadd.f32 v9, v6  }
0x5c3: {  	_ =	sdelay $0x1  }
0x5c4: {  	v1 =	vadd.f32 v3, v1  }
0x5c5: {  	[tilespmem:s28+$0xFFFFFFD0] =	vst v6;
	v2 =	vadd.f32 v4, v2  }
0x5c6: {  	[tilespmem:s28+$0xFFFFFFE0] =	vst v1;
	v0 =	vadd.f32 v0, v5  }
0x5c7: {  	[tilespmem:s28+$0xFFFFFFF0] =	vst v2  }
0x5c8: {  	[tilespmem:s28+$0xFFFFFF90] =	vst v0  }
0x5c9: {  	v1 =	vld [tilespmem:s11+$0x0]  }
0x5ca: {  	v2 =	vld [tilespmem:s8+$0x0]  }
0x5cb: {  	v0 =	vld [tilespmem:s8+$0xFFFFFF90]  }
0x5cc: {  	v3 =	vld [tilespmem:s11+$0xFFFFFFA0]  }
0x5cd: {  	v4 =	vld [tilespmem:s8+$0xFFFFFFA0]  }
0x5ce: {  	v5 =	vld [tilespmem:s11+$0xFFFFFFB0]  }
0x5cf: {  	v6 =	vld [tilespmem:s8+$0xFFFFFFB0]  }
0x5d0: {  	v7 =	vld [tilespmem:s11+$0xFFFFFFC0]  }
0x5d1: {  	v8 =	vld [tilespmem:s8+$0xFFFFFFC0]  }
0x5d2: {  	v9 =	vld [tilespmem:s11+$0xFFFFFFD0]  }
0x5d3: {  	v10 =	vld [tilespmem:s8+$0xFFFFFFD0];
	v2 =	vadd.f32 v2, v1  }
0x5d4: {  	v4 =	vadd.f32 v4, v3;
	v1 =	vld [tilespmem:s11+$0xFFFFFFE0]  }
0x5d5: {  	v5 =	vadd.f32 v6, v5;
	v3 =	vld [tilespmem:s8+$0xFFFFFFE0];
	[tilespmem:s11+$0x0] =	vst v2  }
0x5d6: {  	v6 =	vadd.f32 v8, v7;
	[tilespmem:s11+$0xFFFFFFA0] =	vst v4;
	v2 =	vld [tilespmem:s11+$0xFFFFFFF0]  }
0x5d7: {  	[tilespmem:s11+$0xFFFFFFB0] =	vst v5;
	v4 =	vld [tilespmem:s8+$0xFFFFFFF0]  }
0x5d8: {  	s15 =	simm.s32 $0x0;
	s9 =	simm.s32 $0x4370;
	s2 =	simm.s32 $0x86F0;
	v5 =	vld [tilespmem:s11+$0xFFFFFF90];
	[tilespmem:s11+$0xFFFFFFC0] =	vst v6;
	v6 =	vadd.f32 v10, v9  }
.LBB2_77:
0x5d9: {  	v7 =	vld [tilespmem:s2+$0x0];
	s8 =	sadd.s32 $0x400, s8  }
0x5da: {  	s15 =	sadd.s32 $0x80, s15;
	v8 =	vld [tilespmem:s8+$0x0];
	[tilespmem:s11+$0xFFFFFFD0] =	vst v6;
	v1 =	vadd.f32 v3, v1  }
0x5db: {  	p1 =	slt.u32 s15, $0x780;
	v3 =	vld [tilespmem:s8+$0xFFFFFF90]  }
0x5dc: {  	v6 =	vld [tilespmem:s2+$0xFFFFFFA0];
	[tilespmem:s11+$0xFFFFFFE0] =	vst v1;
	v1 =	vadd.f32 v4, v2  }
0x5dd: {  	v2 =	vld [tilespmem:s8+$0xFFFFFFA0];
	v9 =	vadd.f32 v0, v5  }
0x5de: {  	v4 =	vld [tilespmem:s2+$0xFFFFFFB0];
	[tilespmem:s11+$0xFFFFFFF0] =	vst v1  }
0x5df: {  	v1 =	vld [tilespmem:s8+$0xFFFFFFB0];
	v5 =	vadd.f32 v8, v7;
	[tilespmem:s11+$0xFFFFFF90] =	vst v9;
	s11 =	smov.u32 s2  }
0x5e0: {  	v7 =	vld [tilespmem:s2+$0xFFFFFFC0];
	v0 =	vmov v3  }
0x5e1: {  	s28 =	simm.s32 $0x8370;
	v8 =	vld [tilespmem:s8+$0xFFFFFFC0];
	[tilespmem:s2+$0x0] =	vst v5  }
0x5e2: {  	v2 =	vadd.f32 v2, v6;
	v6 =	vld [tilespmem:s2+$0xFFFFFFD0]  }
0x5e3: {  	v9 =	vld [tilespmem:s8+$0xFFFFFFD0]  }
.Ltmp37:
0x5e4: {  	[tilespmem:s2+$0xFFFFFFA0] =	vst v2;
	v2 =	vadd.f32 v1, v4;
	v1 =	vld [tilespmem:s2+$0xFFFFFFE0];
	(pc) =	sbr.rel @p1 .LBB2_77-.Ltmp37, $4  }
0x5e5: {  	v3 =	vld [tilespmem:s8+$0xFFFFFFE0]  }
0x5e6: {  	[tilespmem:s2+$0xFFFFFFB0] =	vst v2;
	v7 =	vadd.f32 v8, v7;
	v2 =	vld [tilespmem:s2+$0xFFFFFFF0]  }
0x5e7: {  	v4 =	vld [tilespmem:s8+$0xFFFFFFF0]  }
0x5e8: {  	s2 =	sadd.s32 $0x400, s2;
	v5 =	vld [tilespmem:s11+$0xFFFFFF90];
	[tilespmem:s11+$0xFFFFFFC0] =	vst v7;
	v6 =	vadd.f32 v9, v6  }
0x5e9: {  	_ =	sdelay $0x1  }
0x5ea: {  	v1 =	vadd.f32 v3, v1  }
0x5eb: {  	[tilespmem:s11+$0xFFFFFFD0] =	vst v6;
	v2 =	vadd.f32 v4, v2  }
0x5ec: {  	[tilespmem:s11+$0xFFFFFFE0] =	vst v1;
	v0 =	vadd.f32 v0, v5  }
0x5ed: {  	[tilespmem:s11+$0xFFFFFFF0] =	vst v2  }
0x5ee: {  	[tilespmem:s11+$0xFFFFFF90] =	vst v0  }
0x5ef: {  	v1 =	vld [tilespmem:s28+$0x0]  }
0x5f0: {  	v2 =	vld [tilespmem:s9+$0x0]  }
0x5f1: {  	v0 =	vld [tilespmem:s9+$0xFFFFFF90]  }
0x5f2: {  	v3 =	vld [tilespmem:s28+$0xFFFFFFA0]  }
0x5f3: {  	v4 =	vld [tilespmem:s9+$0xFFFFFFA0]  }
0x5f4: {  	v5 =	vld [tilespmem:s28+$0xFFFFFFB0]  }
0x5f5: {  	v6 =	vld [tilespmem:s9+$0xFFFFFFB0]  }
0x5f6: {  	v7 =	vld [tilespmem:s28+$0xFFFFFFC0]  }
0x5f7: {  	v8 =	vld [tilespmem:s9+$0xFFFFFFC0]  }
0x5f8: {  	v9 =	vld [tilespmem:s28+$0xFFFFFFD0]  }
0x5f9: {  	v10 =	vld [tilespmem:s9+$0xFFFFFFD0];
	v2 =	vadd.f32 v2, v1  }
0x5fa: {  	v4 =	vadd.f32 v4, v3;
	v1 =	vld [tilespmem:s28+$0xFFFFFFE0]  }
0x5fb: {  	v5 =	vadd.f32 v6, v5;
	v3 =	vld [tilespmem:s9+$0xFFFFFFE0];
	[tilespmem:s28+$0x0] =	vst v2  }
0x5fc: {  	v6 =	vadd.f32 v8, v7;
	[tilespmem:s28+$0xFFFFFFA0] =	vst v4;
	v2 =	vld [tilespmem:s28+$0xFFFFFFF0]  }
0x5fd: {  	[tilespmem:s28+$0xFFFFFFB0] =	vst v5;
	v4 =	vld [tilespmem:s9+$0xFFFFFFF0]  }
0x5fe: {  	s15 =	simm.s32 $0x0;
	s8 =	simm.s32 $0x43F0;
	s2 =	simm.s32 $0x8770;
	v5 =	vld [tilespmem:s28+$0xFFFFFF90];
	[tilespmem:s28+$0xFFFFFFC0] =	vst v6;
	v6 =	vadd.f32 v10, v9  }
.LBB2_79:
0x5ff: {  	v7 =	vld [tilespmem:s2+$0x0];
	s9 =	sadd.s32 $0x400, s9  }
0x600: {  	s15 =	sadd.s32 $0x80, s15;
	v8 =	vld [tilespmem:s9+$0x0];
	[tilespmem:s28+$0xFFFFFFD0] =	vst v6;
	v1 =	vadd.f32 v3, v1  }
0x601: {  	p1 =	slt.u32 s15, $0x780;
	v3 =	vld [tilespmem:s9+$0xFFFFFF90]  }
0x602: {  	v6 =	vld [tilespmem:s2+$0xFFFFFFA0];
	[tilespmem:s28+$0xFFFFFFE0] =	vst v1;
	v1 =	vadd.f32 v4, v2  }
0x603: {  	v2 =	vld [tilespmem:s9+$0xFFFFFFA0];
	v9 =	vadd.f32 v0, v5  }
0x604: {  	v4 =	vld [tilespmem:s2+$0xFFFFFFB0];
	[tilespmem:s28+$0xFFFFFFF0] =	vst v1  }
0x605: {  	v1 =	vld [tilespmem:s9+$0xFFFFFFB0];
	v5 =	vadd.f32 v8, v7;
	[tilespmem:s28+$0xFFFFFF90] =	vst v9;
	s28 =	smov.u32 s2  }
0x606: {  	v7 =	vld [tilespmem:s2+$0xFFFFFFC0];
	v0 =	vmov v3  }
0x607: {  	s11 =	simm.s32 $0x83F0;
	v8 =	vld [tilespmem:s9+$0xFFFFFFC0];
	[tilespmem:s2+$0x0] =	vst v5  }
0x608: {  	v2 =	vadd.f32 v2, v6;
	v6 =	vld [tilespmem:s2+$0xFFFFFFD0]  }
0x609: {  	v9 =	vld [tilespmem:s9+$0xFFFFFFD0]  }
.Ltmp38:
0x60a: {  	[tilespmem:s2+$0xFFFFFFA0] =	vst v2;
	v2 =	vadd.f32 v1, v4;
	v1 =	vld [tilespmem:s2+$0xFFFFFFE0];
	(pc) =	sbr.rel @p1 .LBB2_79-.Ltmp38, $4  }
0x60b: {  	v3 =	vld [tilespmem:s9+$0xFFFFFFE0]  }
0x60c: {  	[tilespmem:s2+$0xFFFFFFB0] =	vst v2;
	v7 =	vadd.f32 v8, v7;
	v2 =	vld [tilespmem:s2+$0xFFFFFFF0]  }
0x60d: {  	v4 =	vld [tilespmem:s9+$0xFFFFFFF0]  }
0x60e: {  	s2 =	sadd.s32 $0x400, s2;
	v5 =	vld [tilespmem:s28+$0xFFFFFF90];
	[tilespmem:s28+$0xFFFFFFC0] =	vst v7;
	v6 =	vadd.f32 v9, v6  }
0x60f: {  	_ =	sdelay $0x1  }
0x610: {  	v1 =	vadd.f32 v3, v1  }
0x611: {  	[tilespmem:s28+$0xFFFFFFD0] =	vst v6;
	v2 =	vadd.f32 v4, v2  }
0x612: {  	[tilespmem:s28+$0xFFFFFFE0] =	vst v1;
	v0 =	vadd.f32 v0, v5  }
0x613: {  	[tilespmem:s28+$0xFFFFFFF0] =	vst v2  }
0x614: {  	[tilespmem:s28+$0xFFFFFF90] =	vst v0  }
0x615: {  	v1 =	vld [tilespmem:s11+$0x0]  }
0x616: {  	v2 =	vld [tilespmem:s8+$0x0]  }
0x617: {  	v0 =	vld [tilespmem:s8+$0xFFFFFF90]  }
0x618: {  	v3 =	vld [tilespmem:s11+$0xFFFFFFA0]  }
0x619: {  	v4 =	vld [tilespmem:s8+$0xFFFFFFA0]  }
0x61a: {  	v5 =	vld [tilespmem:s11+$0xFFFFFFB0]  }
0x61b: {  	v6 =	vld [tilespmem:s8+$0xFFFFFFB0]  }
0x61c: {  	v7 =	vld [tilespmem:s11+$0xFFFFFFC0]  }
0x61d: {  	v8 =	vld [tilespmem:s8+$0xFFFFFFC0]  }
0x61e: {  	v9 =	vld [tilespmem:s11+$0xFFFFFFD0]  }
0x61f: {  	v10 =	vld [tilespmem:s8+$0xFFFFFFD0];
	v2 =	vadd.f32 v2, v1  }
0x620: {  	v4 =	vadd.f32 v4, v3;
	v1 =	vld [tilespmem:s11+$0xFFFFFFE0]  }
0x621: {  	v5 =	vadd.f32 v6, v5;
	v3 =	vld [tilespmem:s8+$0xFFFFFFE0];
	[tilespmem:s11+$0x0] =	vst v2  }
0x622: {  	v6 =	vadd.f32 v8, v7;
	[tilespmem:s11+$0xFFFFFFA0] =	vst v4;
	v2 =	vld [tilespmem:s11+$0xFFFFFFF0]  }
0x623: {  	[tilespmem:s11+$0xFFFFFFB0] =	vst v5;
	v5 =	vld [tilespmem:s8+$0xFFFFFFF0]  }
0x624: {  	s9 =	simm.s32 $0x0;
	s2 =	simm.s32 $0x87F0;
	v4 =	vld [tilespmem:s11+$0xFFFFFF90];
	[tilespmem:s11+$0xFFFFFFC0] =	vst v6;
	v6 =	vadd.f32 v10, v9  }
.LBB2_81:
0x625: {  	v7 =	vld [tilespmem:s2+$0x0];
	s8 =	sadd.s32 $0x400, s8  }
0x626: {  	s9 =	sadd.s32 $0x80, s9;
	v8 =	vld [tilespmem:s8+$0x0];
	[tilespmem:s11+$0xFFFFFFD0] =	vst v6;
	v1 =	vadd.f32 v3, v1  }
0x627: {  	p1 =	slt.u32 s9, $0x780;
	v3 =	vld [tilespmem:s8+$0xFFFFFF90]  }
0x628: {  	v6 =	vld [tilespmem:s2+$0xFFFFFFA0];
	[tilespmem:s11+$0xFFFFFFE0] =	vst v1;
	v1 =	vadd.f32 v5, v2  }
0x629: {  	v2 =	vld [tilespmem:s8+$0xFFFFFFA0];
	v9 =	vadd.f32 v0, v4  }
0x62a: {  	v4 =	vld [tilespmem:s2+$0xFFFFFFB0];
	[tilespmem:s11+$0xFFFFFFF0] =	vst v1  }
0x62b: {  	v1 =	vld [tilespmem:s8+$0xFFFFFFB0];
	v5 =	vadd.f32 v8, v7;
	[tilespmem:s11+$0xFFFFFF90] =	vst v9;
	s11 =	smov.u32 s2  }
0x62c: {  	v7 =	vld [tilespmem:s2+$0xFFFFFFC0];
	v0 =	vmov v3  }
0x62d: {  	v8 =	vld [tilespmem:s8+$0xFFFFFFC0];
	[tilespmem:s2+$0x0] =	vst v5  }
0x62e: {  	v2 =	vadd.f32 v2, v6;
	v6 =	vld [tilespmem:s2+$0xFFFFFFD0]  }
0x62f: {  	v9 =	vld [tilespmem:s8+$0xFFFFFFD0]  }
.Ltmp39:
0x630: {  	[tilespmem:s2+$0xFFFFFFA0] =	vst v2;
	v2 =	vadd.f32 v1, v4;
	v1 =	vld [tilespmem:s2+$0xFFFFFFE0];
	(pc) =	sbr.rel @p1 .LBB2_81-.Ltmp39, $4  }
0x631: {  	v3 =	vld [tilespmem:s8+$0xFFFFFFE0]  }
0x632: {  	[tilespmem:s2+$0xFFFFFFB0] =	vst v2;
	v7 =	vadd.f32 v8, v7;
	v2 =	vld [tilespmem:s2+$0xFFFFFFF0]  }
0x633: {  	v5 =	vld [tilespmem:s8+$0xFFFFFFF0]  }
0x634: {  	s2 =	sadd.s32 $0x400, s2;
	v4 =	vld [tilespmem:s11+$0xFFFFFF90];
	[tilespmem:s11+$0xFFFFFFC0] =	vst v7;
	v6 =	vadd.f32 v9, v6  }
0x635: {  	_ =	sdelay $0x1  }
0x636: {  	v1 =	vadd.f32 v3, v1  }
0x637: {  	[tilespmem:s11+$0xFFFFFFD0] =	vst v6;
	v2 =	vadd.f32 v5, v2  }
0x638: {  	[tilespmem:s11+$0xFFFFFFE0] =	vst v1;
	v0 =	vadd.f32 v0, v4  }
0x639: {  	[tilespmem:s11+$0xFFFFFFF0] =	vst v2  }
0x63a: {  	s2 =	sadd.s32 s3, s30;
	[tilespmem:s11+$0xFFFFFF90] =	vst v0  }
0x63b: {  	[hbm4b:s2+s5] =	stream.linear.scatter [tilespmem:s12], [sflag:$0x7], $0x4000, $0x38;
	[tilespmem:$0x18000] =	vst v63  }
0x63c: {  	_ =	swait.ge [sflag:s18], $0x4000  }
0x63d: {  	[sflag:s18] =	ssyncset.done $0x0  }
0x63e: {  	[sflag:s18] =	ssyncadd.s32 $0xFFFFC000  }
0x63f: {  	_ =	swait.ge [sflag:s26], $0x4000  }
0x640: {  	s29 =	sor.u32 $0x300800, s29;
	[sflag:s26] =	ssyncset.done $0x0  }
0x641: {  	s9 =	simm.s32 $0xC040;
	s15 =	sadd.s32 s1, s29;
	[sflag:s26] =	ssyncadd.s32 $0xFFFFC000  }
0x642: {  	[tilespmem:s19], [sflag:$0x6] =	stream.linear.gather [hbm4b:s15+s5], $0x4000, $0x38;
	[tilespmem:$0x18000] =	vst v63  }
0x643: {  	s28 =	simm.s32 $0x4040;
	v1 =	vld [tilespmem:s9+$0x30]  }
0x644: {  	v2 =	vld [tilespmem:s28+$0x30]  }
0x645: {  	v0 =	vld [tilespmem:s28+$0xFFFFFFC0]  }
0x646: {  	v3 =	vld [tilespmem:s9+$0xFFFFFFD0]  }
0x647: {  	v4 =	vld [tilespmem:s28+$0xFFFFFFD0]  }
0x648: {  	v5 =	vld [tilespmem:s9+$0xFFFFFFE0]  }
0x649: {  	v6 =	vld [tilespmem:s28+$0xFFFFFFE0]  }
0x64a: {  	v7 =	vld [tilespmem:s9+$0xFFFFFFF0]  }
0x64b: {  	v8 =	vld [tilespmem:s28+$0xFFFFFFF0]  }
0x64c: {  	v9 =	vld [tilespmem:s9+$0x0]  }
0x64d: {  	v10 =	vld [tilespmem:s28+$0x0];
	v2 =	vadd.f32 v2, v1  }
0x64e: {  	v4 =	vadd.f32 v4, v3;
	v1 =	vld [tilespmem:s9+$0x10]  }
0x64f: {  	v5 =	vadd.f32 v6, v5;
	v3 =	vld [tilespmem:s28+$0x10];
	[tilespmem:s9+$0x30] =	vst v2  }
0x650: {  	v6 =	vadd.f32 v8, v7;
	[tilespmem:s9+$0xFFFFFFD0] =	vst v4;
	v2 =	vld [tilespmem:s9+$0x20]  }
0x651: {  	[tilespmem:s9+$0xFFFFFFE0] =	vst v5;
	v5 =	vld [tilespmem:s28+$0x20]  }
0x652: {  	s30 =	simm.s32 $0xC440;
	s15 =	simm.s32 $0x0;
	v4 =	vld [tilespmem:s9+$0xFFFFFFC0];
	[tilespmem:s9+$0xFFFFFFF0] =	vst v6;
	v6 =	vadd.f32 v10, v9  }
.LBB2_83:
0x653: {  	v7 =	vld [tilespmem:s30+$0x30];
	s28 =	sadd.s32 $0x400, s28  }
0x654: {  	s15 =	sadd.s32 $0x80, s15;
	v8 =	vld [tilespmem:s28+$0x30];
	[tilespmem:s9+$0x0] =	vst v6;
	v1 =	vadd.f32 v3, v1  }
0x655: {  	p1 =	slt.u32 s15, $0x780;
	v3 =	vld [tilespmem:s28+$0xFFFFFFC0]  }
0x656: {  	v6 =	vld [tilespmem:s30+$0xFFFFFFD0];
	[tilespmem:s9+$0x10] =	vst v1;
	v1 =	vadd.f32 v5, v2  }
0x657: {  	v2 =	vld [tilespmem:s28+$0xFFFFFFD0];
	v9 =	vadd.f32 v0, v4  }
0x658: {  	v4 =	vld [tilespmem:s30+$0xFFFFFFE0];
	[tilespmem:s9+$0x20] =	vst v1  }
0x659: {  	v1 =	vld [tilespmem:s28+$0xFFFFFFE0];
	v5 =	vadd.f32 v8, v7;
	[tilespmem:s9+$0xFFFFFFC0] =	vst v9;
	s9 =	smov.u32 s30  }
0x65a: {  	v7 =	vld [tilespmem:s30+$0xFFFFFFF0];
	v0 =	vmov v3  }
0x65b: {  	s11 =	simm.s32 $0x40F0;
	s8 =	simm.s32 $0xC0F0;
	v8 =	vld [tilespmem:s28+$0xFFFFFFF0];
	[tilespmem:s30+$0x30] =	vst v5  }
0x65c: {  	v2 =	vadd.f32 v2, v6;
	v6 =	vld [tilespmem:s30+$0x0]  }
0x65d: {  	v9 =	vld [tilespmem:s28+$0x0]  }
.Ltmp40:
0x65e: {  	[tilespmem:s30+$0xFFFFFFD0] =	vst v2;
	v2 =	vadd.f32 v1, v4;
	v1 =	vld [tilespmem:s30+$0x10];
	(pc) =	sbr.rel @p1 .LBB2_83-.Ltmp40, $4  }
0x65f: {  	v3 =	vld [tilespmem:s28+$0x10]  }
0x660: {  	[tilespmem:s30+$0xFFFFFFE0] =	vst v2;
	v7 =	vadd.f32 v8, v7;
	v2 =	vld [tilespmem:s30+$0x20]  }
0x661: {  	v5 =	vld [tilespmem:s28+$0x20]  }
0x662: {  	s30 =	sadd.s32 $0x400, s30;
	v4 =	vld [tilespmem:s9+$0xFFFFFFC0];
	[tilespmem:s9+$0xFFFFFFF0] =	vst v7;
	v6 =	vadd.f32 v9, v6  }
0x663: {  	_ =	sdelay $0x1  }
0x664: {  	v1 =	vadd.f32 v3, v1  }
0x665: {  	[tilespmem:s9+$0x0] =	vst v6;
	v2 =	vadd.f32 v5, v2  }
0x666: {  	[tilespmem:s9+$0x10] =	vst v1;
	v0 =	vadd.f32 v0, v4  }
0x667: {  	[tilespmem:s9+$0x20] =	vst v2  }
0x668: {  	[tilespmem:s9+$0xFFFFFFC0] =	vst v0  }
0x669: {  	v1 =	vld [tilespmem:s8+$0x0]  }
0x66a: {  	v2 =	vld [tilespmem:s11+$0x0]  }
0x66b: {  	v0 =	vld [tilespmem:s11+$0xFFFFFF90]  }
0x66c: {  	v3 =	vld [tilespmem:s8+$0xFFFFFFA0]  }
0x66d: {  	v4 =	vld [tilespmem:s11+$0xFFFFFFA0]  }
0x66e: {  	v5 =	vld [tilespmem:s8+$0xFFFFFFB0]  }
0x66f: {  	v6 =	vld [tilespmem:s11+$0xFFFFFFB0]  }
0x670: {  	v7 =	vld [tilespmem:s8+$0xFFFFFFC0]  }
0x671: {  	v8 =	vld [tilespmem:s11+$0xFFFFFFC0]  }
0x672: {  	v9 =	vld [tilespmem:s8+$0xFFFFFFD0]  }
0x673: {  	v10 =	vld [tilespmem:s11+$0xFFFFFFD0];
	v2 =	vadd.f32 v2, v1  }
0x674: {  	v4 =	vadd.f32 v4, v3;
	v1 =	vld [tilespmem:s8+$0xFFFFFFE0]  }
0x675: {  	v5 =	vadd.f32 v6, v5;
	v3 =	vld [tilespmem:s11+$0xFFFFFFE0];
	[tilespmem:s8+$0x0] =	vst v2  }
0x676: {  	v6 =	vadd.f32 v8, v7;
	[tilespmem:s8+$0xFFFFFFA0] =	vst v4;
	v2 =	vld [tilespmem:s8+$0xFFFFFFF0]  }
0x677: {  	[tilespmem:s8+$0xFFFFFFB0] =	vst v5;
	v5 =	vld [tilespmem:s11+$0xFFFFFFF0]  }
0x678: {  	s15 =	simm.s32 $0x0;
	s30 =	simm.s32 $0xC4F0;
	v4 =	vld [tilespmem:s8+$0xFFFFFF90];
	[tilespmem:s8+$0xFFFFFFC0] =	vst v6;
	v6 =	vadd.f32 v10, v9  }
.LBB2_85:
0x679: {  	v7 =	vld [tilespmem:s30+$0x0];
	s11 =	sadd.s32 $0x400, s11  }
0x67a: {  	s15 =	sadd.s32 $0x80, s15;
	v8 =	vld [tilespmem:s11+$0x0];
	[tilespmem:s8+$0xFFFFFFD0] =	vst v6;
	v1 =	vadd.f32 v3, v1  }
0x67b: {  	p1 =	slt.u32 s15, $0x780;
	v3 =	vld [tilespmem:s11+$0xFFFFFF90]  }
0x67c: {  	v6 =	vld [tilespmem:s30+$0xFFFFFFA0];
	[tilespmem:s8+$0xFFFFFFE0] =	vst v1;
	v1 =	vadd.f32 v5, v2  }
0x67d: {  	v2 =	vld [tilespmem:s11+$0xFFFFFFA0];
	v9 =	vadd.f32 v0, v4  }
0x67e: {  	v4 =	vld [tilespmem:s30+$0xFFFFFFB0];
	[tilespmem:s8+$0xFFFFFFF0] =	vst v1  }
0x67f: {  	v1 =	vld [tilespmem:s11+$0xFFFFFFB0];
	v5 =	vadd.f32 v8, v7;
	[tilespmem:s8+$0xFFFFFF90] =	vst v9;
	s8 =	smov.u32 s30  }
0x680: {  	v7 =	vld [tilespmem:s30+$0xFFFFFFC0];
	v0 =	vmov v3  }
0x681: {  	s28 =	simm.s32 $0x4170;
	s9 =	simm.s32 $0xC170;
	v8 =	vld [tilespmem:s11+$0xFFFFFFC0];
	[tilespmem:s30+$0x0] =	vst v5  }
0x682: {  	v2 =	vadd.f32 v2, v6;
	v6 =	vld [tilespmem:s30+$0xFFFFFFD0]  }
0x683: {  	v9 =	vld [tilespmem:s11+$0xFFFFFFD0]  }
.Ltmp41:
0x684: {  	[tilespmem:s30+$0xFFFFFFA0] =	vst v2;
	v2 =	vadd.f32 v1, v4;
	v1 =	vld [tilespmem:s30+$0xFFFFFFE0];
	(pc) =	sbr.rel @p1 .LBB2_85-.Ltmp41, $4  }
0x685: {  	v3 =	vld [tilespmem:s11+$0xFFFFFFE0]  }
0x686: {  	[tilespmem:s30+$0xFFFFFFB0] =	vst v2;
	v7 =	vadd.f32 v8, v7;
	v2 =	vld [tilespmem:s30+$0xFFFFFFF0]  }
0x687: {  	v5 =	vld [tilespmem:s11+$0xFFFFFFF0]  }
0x688: {  	s30 =	sadd.s32 $0x400, s30;
	v4 =	vld [tilespmem:s8+$0xFFFFFF90];
	[tilespmem:s8+$0xFFFFFFC0] =	vst v7;
	v6 =	vadd.f32 v9, v6  }
0x689: {  	_ =	sdelay $0x1  }
0x68a: {  	v1 =	vadd.f32 v3, v1  }
0x68b: {  	[tilespmem:s8+$0xFFFFFFD0] =	vst v6;
	v2 =	vadd.f32 v5, v2  }
0x68c: {  	[tilespmem:s8+$0xFFFFFFE0] =	vst v1;
	v0 =	vadd.f32 v0, v4  }
0x68d: {  	[tilespmem:s8+$0xFFFFFFF0] =	vst v2  }
0x68e: {  	[tilespmem:s8+$0xFFFFFF90] =	vst v0  }
0x68f: {  	v1 =	vld [tilespmem:s9+$0x0]  }
0x690: {  	v2 =	vld [tilespmem:s28+$0x0]  }
0x691: {  	v0 =	vld [tilespmem:s28+$0xFFFFFF90]  }
0x692: {  	v3 =	vld [tilespmem:s9+$0xFFFFFFA0]  }
0x693: {  	v4 =	vld [tilespmem:s28+$0xFFFFFFA0]  }
0x694: {  	v5 =	vld [tilespmem:s9+$0xFFFFFFB0]  }
0x695: {  	v6 =	vld [tilespmem:s28+$0xFFFFFFB0]  }
0x696: {  	v7 =	vld [tilespmem:s9+$0xFFFFFFC0]  }
0x697: {  	v8 =	vld [tilespmem:s28+$0xFFFFFFC0]  }
0x698: {  	v9 =	vld [tilespmem:s9+$0xFFFFFFD0]  }
0x699: {  	v10 =	vld [tilespmem:s28+$0xFFFFFFD0];
	v2 =	vadd.f32 v2, v1  }
0x69a: {  	v4 =	vadd.f32 v4, v3;
	v1 =	vld [tilespmem:s9+$0xFFFFFFE0]  }
0x69b: {  	v5 =	vadd.f32 v6, v5;
	v3 =	vld [tilespmem:s28+$0xFFFFFFE0];
	[tilespmem:s9+$0x0] =	vst v2  }
0x69c: {  	v6 =	vadd.f32 v8, v7;
	[tilespmem:s9+$0xFFFFFFA0] =	vst v4;
	v2 =	vld [tilespmem:s9+$0xFFFFFFF0]  }
0x69d: {  	[tilespmem:s9+$0xFFFFFFB0] =	vst v5;
	v5 =	vld [tilespmem:s28+$0xFFFFFFF0]  }
0x69e: {  	s15 =	simm.s32 $0x0;
	s30 =	simm.s32 $0xC570;
	v4 =	vld [tilespmem:s9+$0xFFFFFF90];
	[tilespmem:s9+$0xFFFFFFC0] =	vst v6;
	v6 =	vadd.f32 v10, v9  }
.LBB2_87:
0x69f: {  	v7 =	vld [tilespmem:s30+$0x0];
	s28 =	sadd.s32 $0x400, s28  }
0x6a0: {  	s15 =	sadd.s32 $0x80, s15;
	v8 =	vld [tilespmem:s28+$0x0];
	[tilespmem:s9+$0xFFFFFFD0] =	vst v6;
	v1 =	vadd.f32 v3, v1  }
0x6a1: {  	p1 =	slt.u32 s15, $0x780;
	v3 =	vld [tilespmem:s28+$0xFFFFFF90]  }
0x6a2: {  	v6 =	vld [tilespmem:s30+$0xFFFFFFA0];
	[tilespmem:s9+$0xFFFFFFE0] =	vst v1;
	v1 =	vadd.f32 v5, v2  }
0x6a3: {  	v2 =	vld [tilespmem:s28+$0xFFFFFFA0];
	v9 =	vadd.f32 v0, v4  }
0x6a4: {  	v4 =	vld [tilespmem:s30+$0xFFFFFFB0];
	[tilespmem:s9+$0xFFFFFFF0] =	vst v1  }
0x6a5: {  	v1 =	vld [tilespmem:s28+$0xFFFFFFB0];
	v5 =	vadd.f32 v8, v7;
	[tilespmem:s9+$0xFFFFFF90] =	vst v9;
	s9 =	smov.u32 s30  }
0x6a6: {  	v7 =	vld [tilespmem:s30+$0xFFFFFFC0];
	v0 =	vmov v3  }
0x6a7: {  	s11 =	simm.s32 $0x41F0;
	s8 =	simm.s32 $0xC1F0;
	v8 =	vld [tilespmem:s28+$0xFFFFFFC0];
	[tilespmem:s30+$0x0] =	vst v5  }
0x6a8: {  	v2 =	vadd.f32 v2, v6;
	v6 =	vld [tilespmem:s30+$0xFFFFFFD0]  }
0x6a9: {  	v9 =	vld [tilespmem:s28+$0xFFFFFFD0]  }
.Ltmp42:
0x6aa: {  	[tilespmem:s30+$0xFFFFFFA0] =	vst v2;
	v2 =	vadd.f32 v1, v4;
	v1 =	vld [tilespmem:s30+$0xFFFFFFE0];
	(pc) =	sbr.rel @p1 .LBB2_87-.Ltmp42, $4  }
0x6ab: {  	v3 =	vld [tilespmem:s28+$0xFFFFFFE0]  }
0x6ac: {  	[tilespmem:s30+$0xFFFFFFB0] =	vst v2;
	v7 =	vadd.f32 v8, v7;
	v2 =	vld [tilespmem:s30+$0xFFFFFFF0]  }
0x6ad: {  	v5 =	vld [tilespmem:s28+$0xFFFFFFF0]  }
0x6ae: {  	s30 =	sadd.s32 $0x400, s30;
	v4 =	vld [tilespmem:s9+$0xFFFFFF90];
	[tilespmem:s9+$0xFFFFFFC0] =	vst v7;
	v6 =	vadd.f32 v9, v6  }
0x6af: {  	_ =	sdelay $0x1  }
0x6b0: {  	v1 =	vadd.f32 v3, v1  }
0x6b1: {  	[tilespmem:s9+$0xFFFFFFD0] =	vst v6;
	v2 =	vadd.f32 v5, v2  }
0x6b2: {  	[tilespmem:s9+$0xFFFFFFE0] =	vst v1;
	v0 =	vadd.f32 v0, v4  }
0x6b3: {  	[tilespmem:s9+$0xFFFFFFF0] =	vst v2  }
0x6b4: {  	[tilespmem:s9+$0xFFFFFF90] =	vst v0  }
0x6b5: {  	v1 =	vld [tilespmem:s8+$0x0]  }
0x6b6: {  	v2 =	vld [tilespmem:s11+$0x0]  }
0x6b7: {  	v0 =	vld [tilespmem:s11+$0xFFFFFF90]  }
0x6b8: {  	v3 =	vld [tilespmem:s8+$0xFFFFFFA0]  }
0x6b9: {  	v4 =	vld [tilespmem:s11+$0xFFFFFFA0]  }
0x6ba: {  	v5 =	vld [tilespmem:s8+$0xFFFFFFB0]  }
0x6bb: {  	v6 =	vld [tilespmem:s11+$0xFFFFFFB0]  }
0x6bc: {  	v7 =	vld [tilespmem:s8+$0xFFFFFFC0]  }
0x6bd: {  	v8 =	vld [tilespmem:s11+$0xFFFFFFC0]  }
0x6be: {  	v9 =	vld [tilespmem:s8+$0xFFFFFFD0]  }
0x6bf: {  	v10 =	vld [tilespmem:s11+$0xFFFFFFD0];
	v2 =	vadd.f32 v2, v1  }
0x6c0: {  	v4 =	vadd.f32 v4, v3;
	v1 =	vld [tilespmem:s8+$0xFFFFFFE0]  }
0x6c1: {  	v5 =	vadd.f32 v6, v5;
	v3 =	vld [tilespmem:s11+$0xFFFFFFE0];
	[tilespmem:s8+$0x0] =	vst v2  }
0x6c2: {  	v6 =	vadd.f32 v8, v7;
	[tilespmem:s8+$0xFFFFFFA0] =	vst v4;
	v2 =	vld [tilespmem:s8+$0xFFFFFFF0]  }
0x6c3: {  	[tilespmem:s8+$0xFFFFFFB0] =	vst v5;
	v5 =	vld [tilespmem:s11+$0xFFFFFFF0]  }
0x6c4: {  	s15 =	simm.s32 $0x0;
	s30 =	simm.s32 $0xC5F0;
	v4 =	vld [tilespmem:s8+$0xFFFFFF90];
	[tilespmem:s8+$0xFFFFFFC0] =	vst v6;
	v6 =	vadd.f32 v10, v9  }
.LBB2_89:
0x6c5: {  	v7 =	vld [tilespmem:s30+$0x0];
	s11 =	sadd.s32 $0x400, s11  }
0x6c6: {  	s15 =	sadd.s32 $0x80, s15;
	v8 =	vld [tilespmem:s11+$0x0];
	[tilespmem:s8+$0xFFFFFFD0] =	vst v6;
	v1 =	vadd.f32 v3, v1  }
0x6c7: {  	p1 =	slt.u32 s15, $0x780;
	v3 =	vld [tilespmem:s11+$0xFFFFFF90]  }
0x6c8: {  	v6 =	vld [tilespmem:s30+$0xFFFFFFA0];
	[tilespmem:s8+$0xFFFFFFE0] =	vst v1;
	v1 =	vadd.f32 v5, v2  }
0x6c9: {  	v2 =	vld [tilespmem:s11+$0xFFFFFFA0];
	v9 =	vadd.f32 v0, v4  }
0x6ca: {  	v4 =	vld [tilespmem:s30+$0xFFFFFFB0];
	[tilespmem:s8+$0xFFFFFFF0] =	vst v1  }
0x6cb: {  	v1 =	vld [tilespmem:s11+$0xFFFFFFB0];
	v5 =	vadd.f32 v8, v7;
	[tilespmem:s8+$0xFFFFFF90] =	vst v9;
	s8 =	smov.u32 s30  }
0x6cc: {  	v7 =	vld [tilespmem:s30+$0xFFFFFFC0];
	v0 =	vmov v3  }
0x6cd: {  	s28 =	simm.s32 $0x4270;
	s9 =	simm.s32 $0xC270;
	v8 =	vld [tilespmem:s11+$0xFFFFFFC0];
	[tilespmem:s30+$0x0] =	vst v5  }
0x6ce: {  	v2 =	vadd.f32 v2, v6;
	v6 =	vld [tilespmem:s30+$0xFFFFFFD0]  }
0x6cf: {  	v9 =	vld [tilespmem:s11+$0xFFFFFFD0]  }
.Ltmp43:
0x6d0: {  	[tilespmem:s30+$0xFFFFFFA0] =	vst v2;
	v2 =	vadd.f32 v1, v4;
	v1 =	vld [tilespmem:s30+$0xFFFFFFE0];
	(pc) =	sbr.rel @p1 .LBB2_89-.Ltmp43, $4  }
0x6d1: {  	v3 =	vld [tilespmem:s11+$0xFFFFFFE0]  }
0x6d2: {  	[tilespmem:s30+$0xFFFFFFB0] =	vst v2;
	v7 =	vadd.f32 v8, v7;
	v2 =	vld [tilespmem:s30+$0xFFFFFFF0]  }
0x6d3: {  	v5 =	vld [tilespmem:s11+$0xFFFFFFF0]  }
0x6d4: {  	s30 =	sadd.s32 $0x400, s30;
	v4 =	vld [tilespmem:s8+$0xFFFFFF90];
	[tilespmem:s8+$0xFFFFFFC0] =	vst v7;
	v6 =	vadd.f32 v9, v6  }
0x6d5: {  	_ =	sdelay $0x1  }
0x6d6: {  	v1 =	vadd.f32 v3, v1  }
0x6d7: {  	[tilespmem:s8+$0xFFFFFFD0] =	vst v6;
	v2 =	vadd.f32 v5, v2  }
0x6d8: {  	[tilespmem:s8+$0xFFFFFFE0] =	vst v1;
	v0 =	vadd.f32 v0, v4  }
0x6d9: {  	[tilespmem:s8+$0xFFFFFFF0] =	vst v2  }
0x6da: {  	[tilespmem:s8+$0xFFFFFF90] =	vst v0  }
0x6db: {  	v1 =	vld [tilespmem:s9+$0x0]  }
0x6dc: {  	v2 =	vld [tilespmem:s28+$0x0]  }
0x6dd: {  	v0 =	vld [tilespmem:s28+$0xFFFFFF90]  }
0x6de: {  	v3 =	vld [tilespmem:s9+$0xFFFFFFA0]  }
0x6df: {  	v4 =	vld [tilespmem:s28+$0xFFFFFFA0]  }
0x6e0: {  	v5 =	vld [tilespmem:s9+$0xFFFFFFB0]  }
0x6e1: {  	v6 =	vld [tilespmem:s28+$0xFFFFFFB0]  }
0x6e2: {  	v7 =	vld [tilespmem:s9+$0xFFFFFFC0]  }
0x6e3: {  	v8 =	vld [tilespmem:s28+$0xFFFFFFC0]  }
0x6e4: {  	v9 =	vld [tilespmem:s9+$0xFFFFFFD0]  }
0x6e5: {  	v10 =	vld [tilespmem:s28+$0xFFFFFFD0];
	v2 =	vadd.f32 v2, v1  }
0x6e6: {  	v4 =	vadd.f32 v4, v3;
	v1 =	vld [tilespmem:s9+$0xFFFFFFE0]  }
0x6e7: {  	v5 =	vadd.f32 v6, v5;
	v3 =	vld [tilespmem:s28+$0xFFFFFFE0];
	[tilespmem:s9+$0x0] =	vst v2  }
0x6e8: {  	v6 =	vadd.f32 v8, v7;
	[tilespmem:s9+$0xFFFFFFA0] =	vst v4;
	v2 =	vld [tilespmem:s9+$0xFFFFFFF0]  }
0x6e9: {  	[tilespmem:s9+$0xFFFFFFB0] =	vst v5;
	v5 =	vld [tilespmem:s28+$0xFFFFFFF0]  }
0x6ea: {  	s15 =	simm.s32 $0x0;
	s30 =	simm.s32 $0xC670;
	v4 =	vld [tilespmem:s9+$0xFFFFFF90];
	[tilespmem:s9+$0xFFFFFFC0] =	vst v6;
	v6 =	vadd.f32 v10, v9  }
.LBB2_91:
0x6eb: {  	v7 =	vld [tilespmem:s30+$0x0];
	s28 =	sadd.s32 $0x400, s28  }
0x6ec: {  	s15 =	sadd.s32 $0x80, s15;
	v8 =	vld [tilespmem:s28+$0x0];
	[tilespmem:s9+$0xFFFFFFD0] =	vst v6;
	v1 =	vadd.f32 v3, v1  }
0x6ed: {  	p1 =	slt.u32 s15, $0x780;
	v3 =	vld [tilespmem:s28+$0xFFFFFF90]  }
0x6ee: {  	v6 =	vld [tilespmem:s30+$0xFFFFFFA0];
	[tilespmem:s9+$0xFFFFFFE0] =	vst v1;
	v1 =	vadd.f32 v5, v2  }
0x6ef: {  	v2 =	vld [tilespmem:s28+$0xFFFFFFA0];
	v9 =	vadd.f32 v0, v4  }
0x6f0: {  	v4 =	vld [tilespmem:s30+$0xFFFFFFB0];
	[tilespmem:s9+$0xFFFFFFF0] =	vst v1  }
0x6f1: {  	v1 =	vld [tilespmem:s28+$0xFFFFFFB0];
	v5 =	vadd.f32 v8, v7;
	[tilespmem:s9+$0xFFFFFF90] =	vst v9;
	s9 =	smov.u32 s30  }
0x6f2: {  	v7 =	vld [tilespmem:s30+$0xFFFFFFC0];
	v0 =	vmov v3  }
0x6f3: {  	s11 =	simm.s32 $0x42F0;
	s8 =	simm.s32 $0xC2F0;
	v8 =	vld [tilespmem:s28+$0xFFFFFFC0];
	[tilespmem:s30+$0x0] =	vst v5  }
0x6f4: {  	v2 =	vadd.f32 v2, v6;
	v6 =	vld [tilespmem:s30+$0xFFFFFFD0]  }
0x6f5: {  	v9 =	vld [tilespmem:s28+$0xFFFFFFD0]  }
.Ltmp44:
0x6f6: {  	[tilespmem:s30+$0xFFFFFFA0] =	vst v2;
	v2 =	vadd.f32 v1, v4;
	v1 =	vld [tilespmem:s30+$0xFFFFFFE0];
	(pc) =	sbr.rel @p1 .LBB2_91-.Ltmp44, $4  }
0x6f7: {  	v3 =	vld [tilespmem:s28+$0xFFFFFFE0]  }
0x6f8: {  	[tilespmem:s30+$0xFFFFFFB0] =	vst v2;
	v7 =	vadd.f32 v8, v7;
	v2 =	vld [tilespmem:s30+$0xFFFFFFF0]  }
0x6f9: {  	v5 =	vld [tilespmem:s28+$0xFFFFFFF0]  }
0x6fa: {  	s30 =	sadd.s32 $0x400, s30;
	v4 =	vld [tilespmem:s9+$0xFFFFFF90];
	[tilespmem:s9+$0xFFFFFFC0] =	vst v7;
	v6 =	vadd.f32 v9, v6  }
0x6fb: {  	_ =	sdelay $0x1  }
0x6fc: {  	v1 =	vadd.f32 v3, v1  }
0x6fd: {  	[tilespmem:s9+$0xFFFFFFD0] =	vst v6;
	v2 =	vadd.f32 v5, v2  }
0x6fe: {  	[tilespmem:s9+$0xFFFFFFE0] =	vst v1;
	v0 =	vadd.f32 v0, v4  }
0x6ff: {  	[tilespmem:s9+$0xFFFFFFF0] =	vst v2  }
0x700: {  	[tilespmem:s9+$0xFFFFFF90] =	vst v0  }
0x701: {  	v1 =	vld [tilespmem:s8+$0x0]  }
0x702: {  	v2 =	vld [tilespmem:s11+$0x0]  }
0x703: {  	v0 =	vld [tilespmem:s11+$0xFFFFFF90]  }
0x704: {  	v3 =	vld [tilespmem:s8+$0xFFFFFFA0]  }
0x705: {  	v4 =	vld [tilespmem:s11+$0xFFFFFFA0]  }
0x706: {  	v5 =	vld [tilespmem:s8+$0xFFFFFFB0]  }
0x707: {  	v6 =	vld [tilespmem:s11+$0xFFFFFFB0]  }
0x708: {  	v7 =	vld [tilespmem:s8+$0xFFFFFFC0]  }
0x709: {  	v8 =	vld [tilespmem:s11+$0xFFFFFFC0]  }
0x70a: {  	v9 =	vld [tilespmem:s8+$0xFFFFFFD0]  }
0x70b: {  	v10 =	vld [tilespmem:s11+$0xFFFFFFD0];
	v2 =	vadd.f32 v2, v1  }
0x70c: {  	v4 =	vadd.f32 v4, v3;
	v1 =	vld [tilespmem:s8+$0xFFFFFFE0]  }
0x70d: {  	v5 =	vadd.f32 v6, v5;
	v3 =	vld [tilespmem:s11+$0xFFFFFFE0];
	[tilespmem:s8+$0x0] =	vst v2  }
0x70e: {  	v6 =	vadd.f32 v8, v7;
	[tilespmem:s8+$0xFFFFFFA0] =	vst v4;
	v2 =	vld [tilespmem:s8+$0xFFFFFFF0]  }
0x70f: {  	[tilespmem:s8+$0xFFFFFFB0] =	vst v5;
	v5 =	vld [tilespmem:s11+$0xFFFFFFF0]  }
0x710: {  	s15 =	simm.s32 $0x0;
	s30 =	simm.s32 $0xC6F0;
	v4 =	vld [tilespmem:s8+$0xFFFFFF90];
	[tilespmem:s8+$0xFFFFFFC0] =	vst v6;
	v6 =	vadd.f32 v10, v9  }
.LBB2_93:
0x711: {  	v7 =	vld [tilespmem:s30+$0x0];
	s11 =	sadd.s32 $0x400, s11  }
0x712: {  	s15 =	sadd.s32 $0x80, s15;
	v8 =	vld [tilespmem:s11+$0x0];
	[tilespmem:s8+$0xFFFFFFD0] =	vst v6;
	v1 =	vadd.f32 v3, v1  }
0x713: {  	p1 =	slt.u32 s15, $0x780;
	v3 =	vld [tilespmem:s11+$0xFFFFFF90]  }
0x714: {  	v6 =	vld [tilespmem:s30+$0xFFFFFFA0];
	[tilespmem:s8+$0xFFFFFFE0] =	vst v1;
	v1 =	vadd.f32 v5, v2  }
0x715: {  	v2 =	vld [tilespmem:s11+$0xFFFFFFA0];
	v9 =	vadd.f32 v0, v4  }
0x716: {  	v4 =	vld [tilespmem:s30+$0xFFFFFFB0];
	[tilespmem:s8+$0xFFFFFFF0] =	vst v1  }
0x717: {  	v1 =	vld [tilespmem:s11+$0xFFFFFFB0];
	v5 =	vadd.f32 v8, v7;
	[tilespmem:s8+$0xFFFFFF90] =	vst v9;
	s8 =	smov.u32 s30  }
0x718: {  	v7 =	vld [tilespmem:s30+$0xFFFFFFC0];
	v0 =	vmov v3  }
0x719: {  	s28 =	simm.s32 $0x4370;
	s9 =	simm.s32 $0xC370;
	v8 =	vld [tilespmem:s11+$0xFFFFFFC0];
	[tilespmem:s30+$0x0] =	vst v5  }
0x71a: {  	v2 =	vadd.f32 v2, v6;
	v6 =	vld [tilespmem:s30+$0xFFFFFFD0]  }
0x71b: {  	v9 =	vld [tilespmem:s11+$0xFFFFFFD0]  }
.Ltmp45:
0x71c: {  	[tilespmem:s30+$0xFFFFFFA0] =	vst v2;
	v2 =	vadd.f32 v1, v4;
	v1 =	vld [tilespmem:s30+$0xFFFFFFE0];
	(pc) =	sbr.rel @p1 .LBB2_93-.Ltmp45, $4  }
0x71d: {  	v3 =	vld [tilespmem:s11+$0xFFFFFFE0]  }
0x71e: {  	[tilespmem:s30+$0xFFFFFFB0] =	vst v2;
	v7 =	vadd.f32 v8, v7;
	v2 =	vld [tilespmem:s30+$0xFFFFFFF0]  }
0x71f: {  	v5 =	vld [tilespmem:s11+$0xFFFFFFF0]  }
0x720: {  	s30 =	sadd.s32 $0x400, s30;
	v4 =	vld [tilespmem:s8+$0xFFFFFF90];
	[tilespmem:s8+$0xFFFFFFC0] =	vst v7;
	v6 =	vadd.f32 v9, v6  }
0x721: {  	_ =	sdelay $0x1  }
0x722: {  	v1 =	vadd.f32 v3, v1  }
0x723: {  	[tilespmem:s8+$0xFFFFFFD0] =	vst v6;
	v2 =	vadd.f32 v5, v2  }
0x724: {  	[tilespmem:s8+$0xFFFFFFE0] =	vst v1;
	v0 =	vadd.f32 v0, v4  }
0x725: {  	[tilespmem:s8+$0xFFFFFFF0] =	vst v2  }
0x726: {  	[tilespmem:s8+$0xFFFFFF90] =	vst v0  }
0x727: {  	v1 =	vld [tilespmem:s9+$0x0]  }
0x728: {  	v2 =	vld [tilespmem:s28+$0x0]  }
0x729: {  	v0 =	vld [tilespmem:s28+$0xFFFFFF90]  }
0x72a: {  	v3 =	vld [tilespmem:s9+$0xFFFFFFA0]  }
0x72b: {  	v4 =	vld [tilespmem:s28+$0xFFFFFFA0]  }
0x72c: {  	v5 =	vld [tilespmem:s9+$0xFFFFFFB0]  }
0x72d: {  	v6 =	vld [tilespmem:s28+$0xFFFFFFB0]  }
0x72e: {  	v7 =	vld [tilespmem:s9+$0xFFFFFFC0]  }
0x72f: {  	v8 =	vld [tilespmem:s28+$0xFFFFFFC0]  }
0x730: {  	v9 =	vld [tilespmem:s9+$0xFFFFFFD0]  }
0x731: {  	v10 =	vld [tilespmem:s28+$0xFFFFFFD0];
	v2 =	vadd.f32 v2, v1  }
0x732: {  	v4 =	vadd.f32 v4, v3;
	v1 =	vld [tilespmem:s9+$0xFFFFFFE0]  }
0x733: {  	v5 =	vadd.f32 v6, v5;
	v3 =	vld [tilespmem:s28+$0xFFFFFFE0];
	[tilespmem:s9+$0x0] =	vst v2  }
0x734: {  	v6 =	vadd.f32 v8, v7;
	[tilespmem:s9+$0xFFFFFFA0] =	vst v4;
	v2 =	vld [tilespmem:s9+$0xFFFFFFF0]  }
0x735: {  	[tilespmem:s9+$0xFFFFFFB0] =	vst v5;
	v5 =	vld [tilespmem:s28+$0xFFFFFFF0]  }
0x736: {  	s15 =	simm.s32 $0x0;
	s30 =	simm.s32 $0xC770;
	v4 =	vld [tilespmem:s9+$0xFFFFFF90];
	[tilespmem:s9+$0xFFFFFFC0] =	vst v6;
	v6 =	vadd.f32 v10, v9  }
.LBB2_95:
0x737: {  	v7 =	vld [tilespmem:s30+$0x0];
	s28 =	sadd.s32 $0x400, s28  }
0x738: {  	s15 =	sadd.s32 $0x80, s15;
	v8 =	vld [tilespmem:s28+$0x0];
	[tilespmem:s9+$0xFFFFFFD0] =	vst v6;
	v1 =	vadd.f32 v3, v1  }
0x739: {  	p1 =	slt.u32 s15, $0x780;
	v3 =	vld [tilespmem:s28+$0xFFFFFF90]  }
0x73a: {  	v6 =	vld [tilespmem:s30+$0xFFFFFFA0];
	[tilespmem:s9+$0xFFFFFFE0] =	vst v1;
	v1 =	vadd.f32 v5, v2  }
0x73b: {  	v2 =	vld [tilespmem:s28+$0xFFFFFFA0];
	v9 =	vadd.f32 v0, v4  }
0x73c: {  	v4 =	vld [tilespmem:s30+$0xFFFFFFB0];
	[tilespmem:s9+$0xFFFFFFF0] =	vst v1  }
0x73d: {  	v1 =	vld [tilespmem:s28+$0xFFFFFFB0];
	v5 =	vadd.f32 v8, v7;
	[tilespmem:s9+$0xFFFFFF90] =	vst v9;
	s9 =	smov.u32 s30  }
0x73e: {  	v7 =	vld [tilespmem:s30+$0xFFFFFFC0];
	v0 =	vmov v3  }
0x73f: {  	s11 =	simm.s32 $0x43F0;
	s8 =	simm.s32 $0xC3F0;
	v8 =	vld [tilespmem:s28+$0xFFFFFFC0];
	[tilespmem:s30+$0x0] =	vst v5  }
0x740: {  	v2 =	vadd.f32 v2, v6;
	v6 =	vld [tilespmem:s30+$0xFFFFFFD0]  }
0x741: {  	v9 =	vld [tilespmem:s28+$0xFFFFFFD0]  }
.Ltmp46:
0x742: {  	[tilespmem:s30+$0xFFFFFFA0] =	vst v2;
	v2 =	vadd.f32 v1, v4;
	v1 =	vld [tilespmem:s30+$0xFFFFFFE0];
	(pc) =	sbr.rel @p1 .LBB2_95-.Ltmp46, $4  }
0x743: {  	v3 =	vld [tilespmem:s28+$0xFFFFFFE0]  }
0x744: {  	[tilespmem:s30+$0xFFFFFFB0] =	vst v2;
	v7 =	vadd.f32 v8, v7;
	v2 =	vld [tilespmem:s30+$0xFFFFFFF0]  }
0x745: {  	v5 =	vld [tilespmem:s28+$0xFFFFFFF0]  }
0x746: {  	s30 =	sadd.s32 $0x400, s30;
	v4 =	vld [tilespmem:s9+$0xFFFFFF90];
	[tilespmem:s9+$0xFFFFFFC0] =	vst v7;
	v6 =	vadd.f32 v9, v6  }
0x747: {  	_ =	sdelay $0x1  }
0x748: {  	v1 =	vadd.f32 v3, v1  }
0x749: {  	[tilespmem:s9+$0xFFFFFFD0] =	vst v6;
	v2 =	vadd.f32 v5, v2  }
0x74a: {  	[tilespmem:s9+$0xFFFFFFE0] =	vst v1;
	v0 =	vadd.f32 v0, v4  }
0x74b: {  	[tilespmem:s9+$0xFFFFFFF0] =	vst v2  }
0x74c: {  	[tilespmem:s9+$0xFFFFFF90] =	vst v0  }
0x74d: {  	v1 =	vld [tilespmem:s8+$0x0]  }
0x74e: {  	v2 =	vld [tilespmem:s11+$0x0]  }
0x74f: {  	v0 =	vld [tilespmem:s11+$0xFFFFFF90]  }
0x750: {  	v3 =	vld [tilespmem:s8+$0xFFFFFFA0]  }
0x751: {  	v4 =	vld [tilespmem:s11+$0xFFFFFFA0]  }
0x752: {  	v5 =	vld [tilespmem:s8+$0xFFFFFFB0]  }
0x753: {  	v6 =	vld [tilespmem:s11+$0xFFFFFFB0]  }
0x754: {  	v7 =	vld [tilespmem:s8+$0xFFFFFFC0]  }
0x755: {  	v8 =	vld [tilespmem:s11+$0xFFFFFFC0]  }
0x756: {  	v9 =	vld [tilespmem:s8+$0xFFFFFFD0]  }
0x757: {  	v10 =	vld [tilespmem:s11+$0xFFFFFFD0];
	v2 =	vadd.f32 v2, v1  }
0x758: {  	v4 =	vadd.f32 v4, v3;
	v1 =	vld [tilespmem:s8+$0xFFFFFFE0]  }
0x759: {  	v5 =	vadd.f32 v6, v5;
	v3 =	vld [tilespmem:s11+$0xFFFFFFE0];
	[tilespmem:s8+$0x0] =	vst v2  }
0x75a: {  	v6 =	vadd.f32 v8, v7;
	[tilespmem:s8+$0xFFFFFFA0] =	vst v4;
	v2 =	vld [tilespmem:s8+$0xFFFFFFF0]  }
0x75b: {  	[tilespmem:s8+$0xFFFFFFB0] =	vst v5;
	v5 =	vld [tilespmem:s11+$0xFFFFFFF0]  }
0x75c: {  	s2 =	simm.s32 $0xC7F0;
	s9 =	simm.s32 $0x0;
	v4 =	vld [tilespmem:s8+$0xFFFFFF90];
	[tilespmem:s8+$0xFFFFFFC0] =	vst v6;
	v6 =	vadd.f32 v10, v9  }
.LBB2_97:
0x75d: {  	v7 =	vld [tilespmem:s2+$0x0];
	s11 =	sadd.s32 $0x400, s11  }
0x75e: {  	s9 =	sadd.s32 $0x80, s9;
	v8 =	vld [tilespmem:s11+$0x0];
	[tilespmem:s8+$0xFFFFFFD0] =	vst v6;
	v1 =	vadd.f32 v3, v1  }
0x75f: {  	p1 =	slt.u32 s9, $0x780;
	v3 =	vld [tilespmem:s11+$0xFFFFFF90]  }
0x760: {  	v6 =	vld [tilespmem:s2+$0xFFFFFFA0];
	[tilespmem:s8+$0xFFFFFFE0] =	vst v1;
	v1 =	vadd.f32 v5, v2  }
0x761: {  	v2 =	vld [tilespmem:s11+$0xFFFFFFA0];
	v9 =	vadd.f32 v0, v4  }
0x762: {  	v4 =	vld [tilespmem:s2+$0xFFFFFFB0];
	[tilespmem:s8+$0xFFFFFFF0] =	vst v1  }
0x763: {  	v1 =	vld [tilespmem:s11+$0xFFFFFFB0];
	v5 =	vadd.f32 v8, v7;
	[tilespmem:s8+$0xFFFFFF90] =	vst v9;
	s8 =	smov.u32 s2  }
0x764: {  	v7 =	vld [tilespmem:s2+$0xFFFFFFC0];
	v0 =	vmov v3  }
0x765: {  	v8 =	vld [tilespmem:s11+$0xFFFFFFC0];
	[tilespmem:s2+$0x0] =	vst v5  }
0x766: {  	v2 =	vadd.f32 v2, v6;
	v6 =	vld [tilespmem:s2+$0xFFFFFFD0]  }
0x767: {  	v9 =	vld [tilespmem:s11+$0xFFFFFFD0]  }
.Ltmp47:
0x768: {  	[tilespmem:s2+$0xFFFFFFA0] =	vst v2;
	v2 =	vadd.f32 v1, v4;
	v1 =	vld [tilespmem:s2+$0xFFFFFFE0];
	(pc) =	sbr.rel @p1 .LBB2_97-.Ltmp47, $4  }
0x769: {  	v3 =	vld [tilespmem:s11+$0xFFFFFFE0]  }
0x76a: {  	[tilespmem:s2+$0xFFFFFFB0] =	vst v2;
	v7 =	vadd.f32 v8, v7;
	v2 =	vld [tilespmem:s2+$0xFFFFFFF0]  }
0x76b: {  	v5 =	vld [tilespmem:s11+$0xFFFFFFF0]  }
0x76c: {  	s2 =	sadd.s32 $0x400, s2;
	v4 =	vld [tilespmem:s8+$0xFFFFFF90];
	[tilespmem:s8+$0xFFFFFFC0] =	vst v7;
	v6 =	vadd.f32 v9, v6  }
0x76d: {  	_ =	sdelay $0x1  }
0x76e: {  	v1 =	vadd.f32 v3, v1  }
0x76f: {  	[tilespmem:s8+$0xFFFFFFD0] =	vst v6;
	v2 =	vadd.f32 v5, v2  }
0x770: {  	[tilespmem:s8+$0xFFFFFFE0] =	vst v1;
	v0 =	vadd.f32 v0, v4  }
0x771: {  	[tilespmem:s8+$0xFFFFFFF0] =	vst v2  }
0x772: {  	s2 =	sadd.s32 s3, s4;
	[tilespmem:s8+$0xFFFFFF90] =	vst v0  }
0x773: {  	[hbm4b:s2+s5] =	stream.linear.scatter [tilespmem:s13], [sflag:$0x8], $0x4000, $0x38;
	[tilespmem:$0x18000] =	vst v63  }
0x774: {  	_ =	swait.ge [sflag:s20], $0x4000  }
0x775: {  	[sflag:s20] =	ssyncset.done $0x0  }
0x776: {  	[sflag:s20] =	ssyncadd.s32 $0xFFFFC000  }
0x777: {  	_ =	swait.ge [sflag:s21], $0x4000  }
0x778: {  	s4 =	simm.s32 @!p0 $0x0;
	[sflag:s21] =	ssyncset.done $0x0  }
0x779: {  	s8 =	simm.s32 @!p0 $0x8000;
	s2 =	sadd.s32 @!p0 s1, s31;
	[sflag:s21] =	ssyncadd.s32 $0xFFFFC000  }
0x77a: {  	[tilespmem:s8], [sflag:$0x3] =	stream.linear.gather @!p0 [hbm4b:s2+s4], $0x4000, $0x38;
	[tilespmem:$0x18000] =	vst v63  }
0x77b: {  	s8 =	simm.s32 $0x10040  }
0x77c: {  	s11 =	simm.s32 $0x4040;
	v1 =	vld [tilespmem:s8+$0x30]  }
0x77d: {  	v2 =	vld [tilespmem:s11+$0x30]  }
0x77e: {  	v0 =	vld [tilespmem:s11+$0xFFFFFFC0]  }
0x77f: {  	v3 =	vld [tilespmem:s8+$0xFFFFFFD0]  }
0x780: {  	v4 =	vld [tilespmem:s11+$0xFFFFFFD0]  }
0x781: {  	v5 =	vld [tilespmem:s8+$0xFFFFFFE0]  }
0x782: {  	v6 =	vld [tilespmem:s11+$0xFFFFFFE0]  }
0x783: {  	v7 =	vld [tilespmem:s8+$0xFFFFFFF0]  }
0x784: {  	v8 =	vld [tilespmem:s11+$0xFFFFFFF0]  }
0x785: {  	v9 =	vld [tilespmem:s8+$0x0]  }
0x786: {  	v10 =	vld [tilespmem:s11+$0x0];
	v2 =	vadd.f32 v2, v1  }
0x787: {  	v4 =	vadd.f32 v4, v3;
	v1 =	vld [tilespmem:s8+$0x10]  }
0x788: {  	v5 =	vadd.f32 v6, v5;
	v3 =	vld [tilespmem:s11+$0x10];
	[tilespmem:s8+$0x30] =	vst v2  }
0x789: {  	v6 =	vadd.f32 v8, v7;
	[tilespmem:s8+$0xFFFFFFD0] =	vst v4;
	v2 =	vld [tilespmem:s8+$0x20]  }
0x78a: {  	[tilespmem:s8+$0xFFFFFFE0] =	vst v5;
	v5 =	vld [tilespmem:s11+$0x20]  }
0x78b: {  	s15 =	simm.s32 $0x0;
	s28 =	simm.s32 $0x10440;
	v4 =	vld [tilespmem:s8+$0xFFFFFFC0];
	[tilespmem:s8+$0xFFFFFFF0] =	vst v6;
	v6 =	vadd.f32 v10, v9  }
.LBB2_99:
0x78c: {  	v7 =	vld [tilespmem:s28+$0x30];
	s11 =	sadd.s32 $0x400, s11  }
0x78d: {  	s15 =	sadd.s32 $0x80, s15;
	v8 =	vld [tilespmem:s11+$0x30];
	[tilespmem:s8+$0x0] =	vst v6;
	v1 =	vadd.f32 v3, v1  }
0x78e: {  	p1 =	slt.u32 s15, $0x780;
	v3 =	vld [tilespmem:s11+$0xFFFFFFC0]  }
0x78f: {  	v6 =	vld [tilespmem:s28+$0xFFFFFFD0];
	[tilespmem:s8+$0x10] =	vst v1;
	v1 =	vadd.f32 v5, v2  }
0x790: {  	v2 =	vld [tilespmem:s11+$0xFFFFFFD0];
	v9 =	vadd.f32 v0, v4  }
0x791: {  	v4 =	vld [tilespmem:s28+$0xFFFFFFE0];
	[tilespmem:s8+$0x20] =	vst v1  }
0x792: {  	v1 =	vld [tilespmem:s11+$0xFFFFFFE0];
	v5 =	vadd.f32 v8, v7;
	[tilespmem:s8+$0xFFFFFFC0] =	vst v9;
	s8 =	smov.u32 s28  }
0x793: {  	v7 =	vld [tilespmem:s28+$0xFFFFFFF0];
	v0 =	vmov v3  }
0x794: {  	s9 =	simm.s32 $0x40F0;
	s4 =	simm.s32 $0x100F0;
	v8 =	vld [tilespmem:s11+$0xFFFFFFF0];
	[tilespmem:s28+$0x30] =	vst v5  }
0x795: {  	v2 =	vadd.f32 v2, v6;
	v6 =	vld [tilespmem:s28+$0x0]  }
0x796: {  	v9 =	vld [tilespmem:s11+$0x0]  }
.Ltmp48:
0x797: {  	[tilespmem:s28+$0xFFFFFFD0] =	vst v2;
	v2 =	vadd.f32 v1, v4;
	v1 =	vld [tilespmem:s28+$0x10];
	(pc) =	sbr.rel @p1 .LBB2_99-.Ltmp48, $4  }
0x798: {  	v3 =	vld [tilespmem:s11+$0x10]  }
0x799: {  	[tilespmem:s28+$0xFFFFFFE0] =	vst v2;
	v7 =	vadd.f32 v8, v7;
	v2 =	vld [tilespmem:s28+$0x20]  }
0x79a: {  	v5 =	vld [tilespmem:s11+$0x20]  }
0x79b: {  	s28 =	sadd.s32 $0x400, s28;
	v4 =	vld [tilespmem:s8+$0xFFFFFFC0];
	[tilespmem:s8+$0xFFFFFFF0] =	vst v7;
	v6 =	vadd.f32 v9, v6  }
0x79c: {  	_ =	sdelay $0x1  }
0x79d: {  	v1 =	vadd.f32 v3, v1  }
0x79e: {  	[tilespmem:s8+$0x0] =	vst v6;
	v2 =	vadd.f32 v5, v2  }
0x79f: {  	[tilespmem:s8+$0x10] =	vst v1;
	v0 =	vadd.f32 v0, v4  }
0x7a0: {  	[tilespmem:s8+$0x20] =	vst v2  }
0x7a1: {  	[tilespmem:s8+$0xFFFFFFC0] =	vst v0  }
0x7a2: {  	v1 =	vld [tilespmem:s4+$0x0]  }
0x7a3: {  	v2 =	vld [tilespmem:s9+$0x0]  }
0x7a4: {  	v0 =	vld [tilespmem:s9+$0xFFFFFF90]  }
0x7a5: {  	v3 =	vld [tilespmem:s4+$0xFFFFFFA0]  }
0x7a6: {  	v4 =	vld [tilespmem:s9+$0xFFFFFFA0]  }
0x7a7: {  	v5 =	vld [tilespmem:s4+$0xFFFFFFB0]  }
0x7a8: {  	v6 =	vld [tilespmem:s9+$0xFFFFFFB0]  }
0x7a9: {  	v7 =	vld [tilespmem:s4+$0xFFFFFFC0]  }
0x7aa: {  	v8 =	vld [tilespmem:s9+$0xFFFFFFC0]  }
0x7ab: {  	v9 =	vld [tilespmem:s4+$0xFFFFFFD0]  }
0x7ac: {  	v10 =	vld [tilespmem:s9+$0xFFFFFFD0];
	v2 =	vadd.f32 v2, v1  }
0x7ad: {  	v4 =	vadd.f32 v4, v3;
	v1 =	vld [tilespmem:s4+$0xFFFFFFE0]  }
0x7ae: {  	v5 =	vadd.f32 v6, v5;
	v3 =	vld [tilespmem:s9+$0xFFFFFFE0];
	[tilespmem:s4+$0x0] =	vst v2  }
0x7af: {  	v6 =	vadd.f32 v8, v7;
	[tilespmem:s4+$0xFFFFFFA0] =	vst v4;
	v2 =	vld [tilespmem:s4+$0xFFFFFFF0]  }
0x7b0: {  	[tilespmem:s4+$0xFFFFFFB0] =	vst v5;
	v5 =	vld [tilespmem:s9+$0xFFFFFFF0]  }
0x7b1: {  	s15 =	simm.s32 $0x0;
	s28 =	simm.s32 $0x104F0;
	v4 =	vld [tilespmem:s4+$0xFFFFFF90];
	[tilespmem:s4+$0xFFFFFFC0] =	vst v6;
	v6 =	vadd.f32 v10, v9  }
.LBB2_101:
0x7b2: {  	v7 =	vld [tilespmem:s28+$0x0];
	s9 =	sadd.s32 $0x400, s9  }
0x7b3: {  	s15 =	sadd.s32 $0x80, s15;
	v8 =	vld [tilespmem:s9+$0x0];
	[tilespmem:s4+$0xFFFFFFD0] =	vst v6;
	v1 =	vadd.f32 v3, v1  }
0x7b4: {  	p1 =	slt.u32 s15, $0x780;
	v3 =	vld [tilespmem:s9+$0xFFFFFF90]  }
0x7b5: {  	v6 =	vld [tilespmem:s28+$0xFFFFFFA0];
	[tilespmem:s4+$0xFFFFFFE0] =	vst v1;
	v1 =	vadd.f32 v5, v2  }
0x7b6: {  	v2 =	vld [tilespmem:s9+$0xFFFFFFA0];
	v9 =	vadd.f32 v0, v4  }
0x7b7: {  	v4 =	vld [tilespmem:s28+$0xFFFFFFB0];
	[tilespmem:s4+$0xFFFFFFF0] =	vst v1  }
0x7b8: {  	v1 =	vld [tilespmem:s9+$0xFFFFFFB0];
	v5 =	vadd.f32 v8, v7;
	[tilespmem:s4+$0xFFFFFF90] =	vst v9;
	s4 =	smov.u32 s28  }
0x7b9: {  	v7 =	vld [tilespmem:s28+$0xFFFFFFC0];
	v0 =	vmov v3  }
0x7ba: {  	s11 =	simm.s32 $0x4170;
	s8 =	simm.s32 $0x10170;
	v8 =	vld [tilespmem:s9+$0xFFFFFFC0];
	[tilespmem:s28+$0x0] =	vst v5  }
0x7bb: {  	v2 =	vadd.f32 v2, v6;
	v6 =	vld [tilespmem:s28+$0xFFFFFFD0]  }
0x7bc: {  	v9 =	vld [tilespmem:s9+$0xFFFFFFD0]  }
.Ltmp49:
0x7bd: {  	[tilespmem:s28+$0xFFFFFFA0] =	vst v2;
	v2 =	vadd.f32 v1, v4;
	v1 =	vld [tilespmem:s28+$0xFFFFFFE0];
	(pc) =	sbr.rel @p1 .LBB2_101-.Ltmp49, $4  }
0x7be: {  	v3 =	vld [tilespmem:s9+$0xFFFFFFE0]  }
0x7bf: {  	[tilespmem:s28+$0xFFFFFFB0] =	vst v2;
	v7 =	vadd.f32 v8, v7;
	v2 =	vld [tilespmem:s28+$0xFFFFFFF0]  }
0x7c0: {  	v5 =	vld [tilespmem:s9+$0xFFFFFFF0]  }
0x7c1: {  	s28 =	sadd.s32 $0x400, s28;
	v4 =	vld [tilespmem:s4+$0xFFFFFF90];
	[tilespmem:s4+$0xFFFFFFC0] =	vst v7;
	v6 =	vadd.f32 v9, v6  }
0x7c2: {  	_ =	sdelay $0x1  }
0x7c3: {  	v1 =	vadd.f32 v3, v1  }
0x7c4: {  	[tilespmem:s4+$0xFFFFFFD0] =	vst v6;
	v2 =	vadd.f32 v5, v2  }
0x7c5: {  	[tilespmem:s4+$0xFFFFFFE0] =	vst v1;
	v0 =	vadd.f32 v0, v4  }
0x7c6: {  	[tilespmem:s4+$0xFFFFFFF0] =	vst v2  }
0x7c7: {  	[tilespmem:s4+$0xFFFFFF90] =	vst v0  }
0x7c8: {  	v1 =	vld [tilespmem:s8+$0x0]  }
0x7c9: {  	v2 =	vld [tilespmem:s11+$0x0]  }
0x7ca: {  	v0 =	vld [tilespmem:s11+$0xFFFFFF90]  }
0x7cb: {  	v3 =	vld [tilespmem:s8+$0xFFFFFFA0]  }
0x7cc: {  	v4 =	vld [tilespmem:s11+$0xFFFFFFA0]  }
0x7cd: {  	v5 =	vld [tilespmem:s8+$0xFFFFFFB0]  }
0x7ce: {  	v6 =	vld [tilespmem:s11+$0xFFFFFFB0]  }
0x7cf: {  	v7 =	vld [tilespmem:s8+$0xFFFFFFC0]  }
0x7d0: {  	v8 =	vld [tilespmem:s11+$0xFFFFFFC0]  }
0x7d1: {  	v9 =	vld [tilespmem:s8+$0xFFFFFFD0]  }
0x7d2: {  	v10 =	vld [tilespmem:s11+$0xFFFFFFD0];
	v2 =	vadd.f32 v2, v1  }
0x7d3: {  	v4 =	vadd.f32 v4, v3;
	v1 =	vld [tilespmem:s8+$0xFFFFFFE0]  }
0x7d4: {  	v5 =	vadd.f32 v6, v5;
	v3 =	vld [tilespmem:s11+$0xFFFFFFE0];
	[tilespmem:s8+$0x0] =	vst v2  }
0x7d5: {  	v6 =	vadd.f32 v8, v7;
	[tilespmem:s8+$0xFFFFFFA0] =	vst v4;
	v2 =	vld [tilespmem:s8+$0xFFFFFFF0]  }
0x7d6: {  	[tilespmem:s8+$0xFFFFFFB0] =	vst v5;
	v5 =	vld [tilespmem:s11+$0xFFFFFFF0]  }
0x7d7: {  	s15 =	simm.s32 $0x0;
	s28 =	simm.s32 $0x10570;
	v4 =	vld [tilespmem:s8+$0xFFFFFF90];
	[tilespmem:s8+$0xFFFFFFC0] =	vst v6;
	v6 =	vadd.f32 v10, v9  }
.LBB2_103:
0x7d8: {  	v7 =	vld [tilespmem:s28+$0x0];
	s11 =	sadd.s32 $0x400, s11  }
0x7d9: {  	s15 =	sadd.s32 $0x80, s15;
	v8 =	vld [tilespmem:s11+$0x0];
	[tilespmem:s8+$0xFFFFFFD0] =	vst v6;
	v1 =	vadd.f32 v3, v1  }
0x7da: {  	p1 =	slt.u32 s15, $0x780;
	v3 =	vld [tilespmem:s11+$0xFFFFFF90]  }
0x7db: {  	v6 =	vld [tilespmem:s28+$0xFFFFFFA0];
	[tilespmem:s8+$0xFFFFFFE0] =	vst v1;
	v1 =	vadd.f32 v5, v2  }
0x7dc: {  	v2 =	vld [tilespmem:s11+$0xFFFFFFA0];
	v9 =	vadd.f32 v0, v4  }
0x7dd: {  	v4 =	vld [tilespmem:s28+$0xFFFFFFB0];
	[tilespmem:s8+$0xFFFFFFF0] =	vst v1  }
0x7de: {  	v1 =	vld [tilespmem:s11+$0xFFFFFFB0];
	v5 =	vadd.f32 v8, v7;
	[tilespmem:s8+$0xFFFFFF90] =	vst v9;
	s8 =	smov.u32 s28  }
0x7df: {  	v7 =	vld [tilespmem:s28+$0xFFFFFFC0];
	v0 =	vmov v3  }
0x7e0: {  	s9 =	simm.s32 $0x41F0;
	s4 =	simm.s32 $0x101F0;
	v8 =	vld [tilespmem:s11+$0xFFFFFFC0];
	[tilespmem:s28+$0x0] =	vst v5  }
0x7e1: {  	v2 =	vadd.f32 v2, v6;
	v6 =	vld [tilespmem:s28+$0xFFFFFFD0]  }
0x7e2: {  	v9 =	vld [tilespmem:s11+$0xFFFFFFD0]  }
.Ltmp50:
0x7e3: {  	[tilespmem:s28+$0xFFFFFFA0] =	vst v2;
	v2 =	vadd.f32 v1, v4;
	v1 =	vld [tilespmem:s28+$0xFFFFFFE0];
	(pc) =	sbr.rel @p1 .LBB2_103-.Ltmp50, $4  }
0x7e4: {  	v3 =	vld [tilespmem:s11+$0xFFFFFFE0]  }
0x7e5: {  	[tilespmem:s28+$0xFFFFFFB0] =	vst v2;
	v7 =	vadd.f32 v8, v7;
	v2 =	vld [tilespmem:s28+$0xFFFFFFF0]  }
0x7e6: {  	v5 =	vld [tilespmem:s11+$0xFFFFFFF0]  }
0x7e7: {  	s28 =	sadd.s32 $0x400, s28;
	v4 =	vld [tilespmem:s8+$0xFFFFFF90];
	[tilespmem:s8+$0xFFFFFFC0] =	vst v7;
	v6 =	vadd.f32 v9, v6  }
0x7e8: {  	_ =	sdelay $0x1  }
0x7e9: {  	v1 =	vadd.f32 v3, v1  }
0x7ea: {  	[tilespmem:s8+$0xFFFFFFD0] =	vst v6;
	v2 =	vadd.f32 v5, v2  }
0x7eb: {  	[tilespmem:s8+$0xFFFFFFE0] =	vst v1;
	v0 =	vadd.f32 v0, v4  }
0x7ec: {  	[tilespmem:s8+$0xFFFFFFF0] =	vst v2  }
0x7ed: {  	[tilespmem:s8+$0xFFFFFF90] =	vst v0  }
0x7ee: {  	v1 =	vld [tilespmem:s4+$0x0]  }
0x7ef: {  	v2 =	vld [tilespmem:s9+$0x0]  }
0x7f0: {  	v0 =	vld [tilespmem:s9+$0xFFFFFF90]  }
0x7f1: {  	v3 =	vld [tilespmem:s4+$0xFFFFFFA0]  }
0x7f2: {  	v4 =	vld [tilespmem:s9+$0xFFFFFFA0]  }
0x7f3: {  	v5 =	vld [tilespmem:s4+$0xFFFFFFB0]  }
0x7f4: {  	v6 =	vld [tilespmem:s9+$0xFFFFFFB0]  }
0x7f5: {  	v7 =	vld [tilespmem:s4+$0xFFFFFFC0]  }
0x7f6: {  	v8 =	vld [tilespmem:s9+$0xFFFFFFC0]  }
0x7f7: {  	v9 =	vld [tilespmem:s4+$0xFFFFFFD0]  }
0x7f8: {  	v10 =	vld [tilespmem:s9+$0xFFFFFFD0];
	v2 =	vadd.f32 v2, v1  }
0x7f9: {  	v4 =	vadd.f32 v4, v3;
	v1 =	vld [tilespmem:s4+$0xFFFFFFE0]  }
0x7fa: {  	v5 =	vadd.f32 v6, v5;
	v3 =	vld [tilespmem:s9+$0xFFFFFFE0];
	[tilespmem:s4+$0x0] =	vst v2  }
0x7fb: {  	v6 =	vadd.f32 v8, v7;
	[tilespmem:s4+$0xFFFFFFA0] =	vst v4;
	v2 =	vld [tilespmem:s4+$0xFFFFFFF0]  }
0x7fc: {  	[tilespmem:s4+$0xFFFFFFB0] =	vst v5;
	v5 =	vld [tilespmem:s9+$0xFFFFFFF0]  }
0x7fd: {  	s15 =	simm.s32 $0x0;
	s28 =	simm.s32 $0x105F0;
	v4 =	vld [tilespmem:s4+$0xFFFFFF90];
	[tilespmem:s4+$0xFFFFFFC0] =	vst v6;
	v6 =	vadd.f32 v10, v9  }
.LBB2_105:
0x7fe: {  	v7 =	vld [tilespmem:s28+$0x0];
	s9 =	sadd.s32 $0x400, s9  }
0x7ff: {  	s15 =	sadd.s32 $0x80, s15;
	v8 =	vld [tilespmem:s9+$0x0];
	[tilespmem:s4+$0xFFFFFFD0] =	vst v6;
	v1 =	vadd.f32 v3, v1  }
0x800: {  	p1 =	slt.u32 s15, $0x780;
	v3 =	vld [tilespmem:s9+$0xFFFFFF90]  }
0x801: {  	v6 =	vld [tilespmem:s28+$0xFFFFFFA0];
	[tilespmem:s4+$0xFFFFFFE0] =	vst v1;
	v1 =	vadd.f32 v5, v2  }
0x802: {  	v2 =	vld [tilespmem:s9+$0xFFFFFFA0];
	v9 =	vadd.f32 v0, v4  }
0x803: {  	v4 =	vld [tilespmem:s28+$0xFFFFFFB0];
	[tilespmem:s4+$0xFFFFFFF0] =	vst v1  }
0x804: {  	v1 =	vld [tilespmem:s9+$0xFFFFFFB0];
	v5 =	vadd.f32 v8, v7;
	[tilespmem:s4+$0xFFFFFF90] =	vst v9;
	s4 =	smov.u32 s28  }
0x805: {  	v7 =	vld [tilespmem:s28+$0xFFFFFFC0];
	v0 =	vmov v3  }
0x806: {  	s11 =	simm.s32 $0x4270;
	s8 =	simm.s32 $0x10270;
	v8 =	vld [tilespmem:s9+$0xFFFFFFC0];
	[tilespmem:s28+$0x0] =	vst v5  }
0x807: {  	v2 =	vadd.f32 v2, v6;
	v6 =	vld [tilespmem:s28+$0xFFFFFFD0]  }
0x808: {  	v9 =	vld [tilespmem:s9+$0xFFFFFFD0]  }
.Ltmp51:
0x809: {  	[tilespmem:s28+$0xFFFFFFA0] =	vst v2;
	v2 =	vadd.f32 v1, v4;
	v1 =	vld [tilespmem:s28+$0xFFFFFFE0];
	(pc) =	sbr.rel @p1 .LBB2_105-.Ltmp51, $4  }
0x80a: {  	v3 =	vld [tilespmem:s9+$0xFFFFFFE0]  }
0x80b: {  	[tilespmem:s28+$0xFFFFFFB0] =	vst v2;
	v7 =	vadd.f32 v8, v7;
	v2 =	vld [tilespmem:s28+$0xFFFFFFF0]  }
0x80c: {  	v5 =	vld [tilespmem:s9+$0xFFFFFFF0]  }
0x80d: {  	s28 =	sadd.s32 $0x400, s28;
	v4 =	vld [tilespmem:s4+$0xFFFFFF90];
	[tilespmem:s4+$0xFFFFFFC0] =	vst v7;
	v6 =	vadd.f32 v9, v6  }
0x80e: {  	_ =	sdelay $0x1  }
0x80f: {  	v1 =	vadd.f32 v3, v1  }
0x810: {  	[tilespmem:s4+$0xFFFFFFD0] =	vst v6;
	v2 =	vadd.f32 v5, v2  }
0x811: {  	[tilespmem:s4+$0xFFFFFFE0] =	vst v1;
	v0 =	vadd.f32 v0, v4  }
0x812: {  	[tilespmem:s4+$0xFFFFFFF0] =	vst v2  }
0x813: {  	[tilespmem:s4+$0xFFFFFF90] =	vst v0  }
0x814: {  	v1 =	vld [tilespmem:s8+$0x0]  }
0x815: {  	v2 =	vld [tilespmem:s11+$0x0]  }
0x816: {  	v0 =	vld [tilespmem:s11+$0xFFFFFF90]  }
0x817: {  	v3 =	vld [tilespmem:s8+$0xFFFFFFA0]  }
0x818: {  	v4 =	vld [tilespmem:s11+$0xFFFFFFA0]  }
0x819: {  	v5 =	vld [tilespmem:s8+$0xFFFFFFB0]  }
0x81a: {  	v6 =	vld [tilespmem:s11+$0xFFFFFFB0]  }
0x81b: {  	v7 =	vld [tilespmem:s8+$0xFFFFFFC0]  }
0x81c: {  	v8 =	vld [tilespmem:s11+$0xFFFFFFC0]  }
0x81d: {  	v9 =	vld [tilespmem:s8+$0xFFFFFFD0]  }
0x81e: {  	v10 =	vld [tilespmem:s11+$0xFFFFFFD0];
	v2 =	vadd.f32 v2, v1  }
0x81f: {  	v4 =	vadd.f32 v4, v3;
	v1 =	vld [tilespmem:s8+$0xFFFFFFE0]  }
0x820: {  	v5 =	vadd.f32 v6, v5;
	v3 =	vld [tilespmem:s11+$0xFFFFFFE0];
	[tilespmem:s8+$0x0] =	vst v2  }
0x821: {  	v6 =	vadd.f32 v8, v7;
	[tilespmem:s8+$0xFFFFFFA0] =	vst v4;
	v2 =	vld [tilespmem:s8+$0xFFFFFFF0]  }
0x822: {  	[tilespmem:s8+$0xFFFFFFB0] =	vst v5;
	v5 =	vld [tilespmem:s11+$0xFFFFFFF0]  }
0x823: {  	s15 =	simm.s32 $0x0;
	s28 =	simm.s32 $0x10670;
	v4 =	vld [tilespmem:s8+$0xFFFFFF90];
	[tilespmem:s8+$0xFFFFFFC0] =	vst v6;
	v6 =	vadd.f32 v10, v9  }
.LBB2_107:
0x824: {  	v7 =	vld [tilespmem:s28+$0x0];
	s11 =	sadd.s32 $0x400, s11  }
0x825: {  	s15 =	sadd.s32 $0x80, s15;
	v8 =	vld [tilespmem:s11+$0x0];
	[tilespmem:s8+$0xFFFFFFD0] =	vst v6;
	v1 =	vadd.f32 v3, v1  }
0x826: {  	p1 =	slt.u32 s15, $0x780;
	v3 =	vld [tilespmem:s11+$0xFFFFFF90]  }
0x827: {  	v6 =	vld [tilespmem:s28+$0xFFFFFFA0];
	[tilespmem:s8+$0xFFFFFFE0] =	vst v1;
	v1 =	vadd.f32 v5, v2  }
0x828: {  	v2 =	vld [tilespmem:s11+$0xFFFFFFA0];
	v9 =	vadd.f32 v0, v4  }
0x829: {  	v4 =	vld [tilespmem:s28+$0xFFFFFFB0];
	[tilespmem:s8+$0xFFFFFFF0] =	vst v1  }
0x82a: {  	v1 =	vld [tilespmem:s11+$0xFFFFFFB0];
	v5 =	vadd.f32 v8, v7;
	[tilespmem:s8+$0xFFFFFF90] =	vst v9;
	s8 =	smov.u32 s28  }
0x82b: {  	v7 =	vld [tilespmem:s28+$0xFFFFFFC0];
	v0 =	vmov v3  }
0x82c: {  	s9 =	simm.s32 $0x42F0;
	s4 =	simm.s32 $0x102F0;
	v8 =	vld [tilespmem:s11+$0xFFFFFFC0];
	[tilespmem:s28+$0x0] =	vst v5  }
0x82d: {  	v2 =	vadd.f32 v2, v6;
	v6 =	vld [tilespmem:s28+$0xFFFFFFD0]  }
0x82e: {  	v9 =	vld [tilespmem:s11+$0xFFFFFFD0]  }
.Ltmp52:
0x82f: {  	[tilespmem:s28+$0xFFFFFFA0] =	vst v2;
	v2 =	vadd.f32 v1, v4;
	v1 =	vld [tilespmem:s28+$0xFFFFFFE0];
	(pc) =	sbr.rel @p1 .LBB2_107-.Ltmp52, $4  }
0x830: {  	v3 =	vld [tilespmem:s11+$0xFFFFFFE0]  }
0x831: {  	[tilespmem:s28+$0xFFFFFFB0] =	vst v2;
	v7 =	vadd.f32 v8, v7;
	v2 =	vld [tilespmem:s28+$0xFFFFFFF0]  }
0x832: {  	v5 =	vld [tilespmem:s11+$0xFFFFFFF0]  }
0x833: {  	s28 =	sadd.s32 $0x400, s28;
	v4 =	vld [tilespmem:s8+$0xFFFFFF90];
	[tilespmem:s8+$0xFFFFFFC0] =	vst v7;
	v6 =	vadd.f32 v9, v6  }
0x834: {  	_ =	sdelay $0x1  }
0x835: {  	v1 =	vadd.f32 v3, v1  }
0x836: {  	[tilespmem:s8+$0xFFFFFFD0] =	vst v6;
	v2 =	vadd.f32 v5, v2  }
0x837: {  	[tilespmem:s8+$0xFFFFFFE0] =	vst v1;
	v0 =	vadd.f32 v0, v4  }
0x838: {  	[tilespmem:s8+$0xFFFFFFF0] =	vst v2  }
0x839: {  	[tilespmem:s8+$0xFFFFFF90] =	vst v0  }
0x83a: {  	v1 =	vld [tilespmem:s4+$0x0]  }
0x83b: {  	v2 =	vld [tilespmem:s9+$0x0]  }
0x83c: {  	v0 =	vld [tilespmem:s9+$0xFFFFFF90]  }
0x83d: {  	v3 =	vld [tilespmem:s4+$0xFFFFFFA0]  }
0x83e: {  	v4 =	vld [tilespmem:s9+$0xFFFFFFA0]  }
0x83f: {  	v5 =	vld [tilespmem:s4+$0xFFFFFFB0]  }
0x840: {  	v6 =	vld [tilespmem:s9+$0xFFFFFFB0]  }
0x841: {  	v7 =	vld [tilespmem:s4+$0xFFFFFFC0]  }
0x842: {  	v8 =	vld [tilespmem:s9+$0xFFFFFFC0]  }
0x843: {  	v9 =	vld [tilespmem:s4+$0xFFFFFFD0]  }
0x844: {  	v10 =	vld [tilespmem:s9+$0xFFFFFFD0];
	v2 =	vadd.f32 v2, v1  }
0x845: {  	v4 =	vadd.f32 v4, v3;
	v1 =	vld [tilespmem:s4+$0xFFFFFFE0]  }
0x846: {  	v5 =	vadd.f32 v6, v5;
	v3 =	vld [tilespmem:s9+$0xFFFFFFE0];
	[tilespmem:s4+$0x0] =	vst v2  }
0x847: {  	v6 =	vadd.f32 v8, v7;
	[tilespmem:s4+$0xFFFFFFA0] =	vst v4;
	v2 =	vld [tilespmem:s4+$0xFFFFFFF0]  }
0x848: {  	[tilespmem:s4+$0xFFFFFFB0] =	vst v5;
	v5 =	vld [tilespmem:s9+$0xFFFFFFF0]  }
0x849: {  	s15 =	simm.s32 $0x0;
	s28 =	simm.s32 $0x106F0;
	v4 =	vld [tilespmem:s4+$0xFFFFFF90];
	[tilespmem:s4+$0xFFFFFFC0] =	vst v6;
	v6 =	vadd.f32 v10, v9  }
.LBB2_109:
0x84a: {  	v7 =	vld [tilespmem:s28+$0x0];
	s9 =	sadd.s32 $0x400, s9  }
0x84b: {  	s15 =	sadd.s32 $0x80, s15;
	v8 =	vld [tilespmem:s9+$0x0];
	[tilespmem:s4+$0xFFFFFFD0] =	vst v6;
	v1 =	vadd.f32 v3, v1  }
0x84c: {  	p1 =	slt.u32 s15, $0x780;
	v3 =	vld [tilespmem:s9+$0xFFFFFF90]  }
0x84d: {  	v6 =	vld [tilespmem:s28+$0xFFFFFFA0];
	[tilespmem:s4+$0xFFFFFFE0] =	vst v1;
	v1 =	vadd.f32 v5, v2  }
0x84e: {  	v2 =	vld [tilespmem:s9+$0xFFFFFFA0];
	v9 =	vadd.f32 v0, v4  }
0x84f: {  	v4 =	vld [tilespmem:s28+$0xFFFFFFB0];
	[tilespmem:s4+$0xFFFFFFF0] =	vst v1  }
0x850: {  	v1 =	vld [tilespmem:s9+$0xFFFFFFB0];
	v5 =	vadd.f32 v8, v7;
	[tilespmem:s4+$0xFFFFFF90] =	vst v9;
	s4 =	smov.u32 s28  }
0x851: {  	v7 =	vld [tilespmem:s28+$0xFFFFFFC0];
	v0 =	vmov v3  }
0x852: {  	s11 =	simm.s32 $0x4370;
	s8 =	simm.s32 $0x10370;
	v8 =	vld [tilespmem:s9+$0xFFFFFFC0];
	[tilespmem:s28+$0x0] =	vst v5  }
0x853: {  	v2 =	vadd.f32 v2, v6;
	v6 =	vld [tilespmem:s28+$0xFFFFFFD0]  }
0x854: {  	v9 =	vld [tilespmem:s9+$0xFFFFFFD0]  }
.Ltmp53:
0x855: {  	[tilespmem:s28+$0xFFFFFFA0] =	vst v2;
	v2 =	vadd.f32 v1, v4;
	v1 =	vld [tilespmem:s28+$0xFFFFFFE0];
	(pc) =	sbr.rel @p1 .LBB2_109-.Ltmp53, $4  }
0x856: {  	v3 =	vld [tilespmem:s9+$0xFFFFFFE0]  }
0x857: {  	[tilespmem:s28+$0xFFFFFFB0] =	vst v2;
	v7 =	vadd.f32 v8, v7;
	v2 =	vld [tilespmem:s28+$0xFFFFFFF0]  }
0x858: {  	v5 =	vld [tilespmem:s9+$0xFFFFFFF0]  }
0x859: {  	s28 =	sadd.s32 $0x400, s28;
	v4 =	vld [tilespmem:s4+$0xFFFFFF90];
	[tilespmem:s4+$0xFFFFFFC0] =	vst v7;
	v6 =	vadd.f32 v9, v6  }
0x85a: {  	_ =	sdelay $0x1  }
0x85b: {  	v1 =	vadd.f32 v3, v1  }
0x85c: {  	[tilespmem:s4+$0xFFFFFFD0] =	vst v6;
	v2 =	vadd.f32 v5, v2  }
0x85d: {  	[tilespmem:s4+$0xFFFFFFE0] =	vst v1;
	v0 =	vadd.f32 v0, v4  }
0x85e: {  	[tilespmem:s4+$0xFFFFFFF0] =	vst v2  }
0x85f: {  	[tilespmem:s4+$0xFFFFFF90] =	vst v0  }
0x860: {  	v1 =	vld [tilespmem:s8+$0x0]  }
0x861: {  	v2 =	vld [tilespmem:s11+$0x0]  }
0x862: {  	v0 =	vld [tilespmem:s11+$0xFFFFFF90]  }
0x863: {  	v3 =	vld [tilespmem:s8+$0xFFFFFFA0]  }
0x864: {  	v4 =	vld [tilespmem:s11+$0xFFFFFFA0]  }
0x865: {  	v5 =	vld [tilespmem:s8+$0xFFFFFFB0]  }
0x866: {  	v6 =	vld [tilespmem:s11+$0xFFFFFFB0]  }
0x867: {  	v7 =	vld [tilespmem:s8+$0xFFFFFFC0]  }
0x868: {  	v8 =	vld [tilespmem:s11+$0xFFFFFFC0]  }
0x869: {  	v9 =	vld [tilespmem:s8+$0xFFFFFFD0]  }
0x86a: {  	v10 =	vld [tilespmem:s11+$0xFFFFFFD0];
	v2 =	vadd.f32 v2, v1  }
0x86b: {  	v4 =	vadd.f32 v4, v3;
	v1 =	vld [tilespmem:s8+$0xFFFFFFE0]  }
0x86c: {  	v5 =	vadd.f32 v6, v5;
	v3 =	vld [tilespmem:s11+$0xFFFFFFE0];
	[tilespmem:s8+$0x0] =	vst v2  }
0x86d: {  	v6 =	vadd.f32 v8, v7;
	[tilespmem:s8+$0xFFFFFFA0] =	vst v4;
	v2 =	vld [tilespmem:s8+$0xFFFFFFF0]  }
0x86e: {  	[tilespmem:s8+$0xFFFFFFB0] =	vst v5;
	v5 =	vld [tilespmem:s11+$0xFFFFFFF0]  }
0x86f: {  	s15 =	simm.s32 $0x0;
	s28 =	simm.s32 $0x10770;
	v4 =	vld [tilespmem:s8+$0xFFFFFF90];
	[tilespmem:s8+$0xFFFFFFC0] =	vst v6;
	v6 =	vadd.f32 v10, v9  }
.LBB2_111:
0x870: {  	v7 =	vld [tilespmem:s28+$0x0];
	s11 =	sadd.s32 $0x400, s11  }
0x871: {  	s15 =	sadd.s32 $0x80, s15;
	v8 =	vld [tilespmem:s11+$0x0];
	[tilespmem:s8+$0xFFFFFFD0] =	vst v6;
	v1 =	vadd.f32 v3, v1  }
0x872: {  	p1 =	slt.u32 s15, $0x780;
	v3 =	vld [tilespmem:s11+$0xFFFFFF90]  }
0x873: {  	v6 =	vld [tilespmem:s28+$0xFFFFFFA0];
	[tilespmem:s8+$0xFFFFFFE0] =	vst v1;
	v1 =	vadd.f32 v5, v2  }
0x874: {  	v2 =	vld [tilespmem:s11+$0xFFFFFFA0];
	v9 =	vadd.f32 v0, v4  }
0x875: {  	v4 =	vld [tilespmem:s28+$0xFFFFFFB0];
	[tilespmem:s8+$0xFFFFFFF0] =	vst v1  }
0x876: {  	v1 =	vld [tilespmem:s11+$0xFFFFFFB0];
	v5 =	vadd.f32 v8, v7;
	[tilespmem:s8+$0xFFFFFF90] =	vst v9;
	s8 =	smov.u32 s28  }
0x877: {  	v7 =	vld [tilespmem:s28+$0xFFFFFFC0];
	v0 =	vmov v3  }
0x878: {  	s9 =	simm.s32 $0x43F0;
	s4 =	simm.s32 $0x103F0;
	v8 =	vld [tilespmem:s11+$0xFFFFFFC0];
	[tilespmem:s28+$0x0] =	vst v5  }
0x879: {  	v2 =	vadd.f32 v2, v6;
	v6 =	vld [tilespmem:s28+$0xFFFFFFD0]  }
0x87a: {  	v9 =	vld [tilespmem:s11+$0xFFFFFFD0]  }
.Ltmp54:
0x87b: {  	[tilespmem:s28+$0xFFFFFFA0] =	vst v2;
	v2 =	vadd.f32 v1, v4;
	v1 =	vld [tilespmem:s28+$0xFFFFFFE0];
	(pc) =	sbr.rel @p1 .LBB2_111-.Ltmp54, $4  }
0x87c: {  	v3 =	vld [tilespmem:s11+$0xFFFFFFE0]  }
0x87d: {  	[tilespmem:s28+$0xFFFFFFB0] =	vst v2;
	v7 =	vadd.f32 v8, v7;
	v2 =	vld [tilespmem:s28+$0xFFFFFFF0]  }
0x87e: {  	v5 =	vld [tilespmem:s11+$0xFFFFFFF0]  }
0x87f: {  	s28 =	sadd.s32 $0x400, s28;
	v4 =	vld [tilespmem:s8+$0xFFFFFF90];
	[tilespmem:s8+$0xFFFFFFC0] =	vst v7;
	v6 =	vadd.f32 v9, v6  }
0x880: {  	_ =	sdelay $0x1  }
0x881: {  	v1 =	vadd.f32 v3, v1  }
0x882: {  	[tilespmem:s8+$0xFFFFFFD0] =	vst v6;
	v2 =	vadd.f32 v5, v2  }
0x883: {  	[tilespmem:s8+$0xFFFFFFE0] =	vst v1;
	v0 =	vadd.f32 v0, v4  }
0x884: {  	[tilespmem:s8+$0xFFFFFFF0] =	vst v2  }
0x885: {  	[tilespmem:s8+$0xFFFFFF90] =	vst v0  }
0x886: {  	v1 =	vld [tilespmem:s4+$0x0]  }
0x887: {  	v2 =	vld [tilespmem:s9+$0x0]  }
0x888: {  	v0 =	vld [tilespmem:s9+$0xFFFFFF90]  }
0x889: {  	v3 =	vld [tilespmem:s4+$0xFFFFFFA0]  }
0x88a: {  	v4 =	vld [tilespmem:s9+$0xFFFFFFA0]  }
0x88b: {  	v5 =	vld [tilespmem:s4+$0xFFFFFFB0]  }
0x88c: {  	v6 =	vld [tilespmem:s9+$0xFFFFFFB0]  }
0x88d: {  	v7 =	vld [tilespmem:s4+$0xFFFFFFC0]  }
0x88e: {  	v8 =	vld [tilespmem:s9+$0xFFFFFFC0]  }
0x88f: {  	v9 =	vld [tilespmem:s4+$0xFFFFFFD0]  }
0x890: {  	v10 =	vld [tilespmem:s9+$0xFFFFFFD0];
	v2 =	vadd.f32 v2, v1  }
0x891: {  	v4 =	vadd.f32 v4, v3;
	v1 =	vld [tilespmem:s4+$0xFFFFFFE0]  }
0x892: {  	v5 =	vadd.f32 v6, v5;
	v3 =	vld [tilespmem:s9+$0xFFFFFFE0];
	[tilespmem:s4+$0x0] =	vst v2  }
0x893: {  	v6 =	vadd.f32 v8, v7;
	[tilespmem:s4+$0xFFFFFFA0] =	vst v4;
	v2 =	vld [tilespmem:s4+$0xFFFFFFF0]  }
0x894: {  	[tilespmem:s4+$0xFFFFFFB0] =	vst v5;
	v5 =	vld [tilespmem:s9+$0xFFFFFFF0]  }
0x895: {  	s2 =	simm.s32 $0x107F0;
	s8 =	simm.s32 $0x0;
	v4 =	vld [tilespmem:s4+$0xFFFFFF90];
	[tilespmem:s4+$0xFFFFFFC0] =	vst v6;
	v6 =	vadd.f32 v10, v9  }
.LBB2_113:
0x896: {  	v7 =	vld [tilespmem:s2+$0x0];
	s9 =	sadd.s32 $0x400, s9  }
0x897: {  	s8 =	sadd.s32 $0x80, s8;
	v8 =	vld [tilespmem:s9+$0x0];
	[tilespmem:s4+$0xFFFFFFD0] =	vst v6;
	v1 =	vadd.f32 v3, v1  }
0x898: {  	p1 =	slt.u32 s8, $0x780;
	v3 =	vld [tilespmem:s9+$0xFFFFFF90]  }
0x899: {  	v6 =	vld [tilespmem:s2+$0xFFFFFFA0];
	[tilespmem:s4+$0xFFFFFFE0] =	vst v1;
	v1 =	vadd.f32 v5, v2  }
0x89a: {  	v2 =	vld [tilespmem:s9+$0xFFFFFFA0];
	v9 =	vadd.f32 v0, v4  }
0x89b: {  	v4 =	vld [tilespmem:s2+$0xFFFFFFB0];
	[tilespmem:s4+$0xFFFFFFF0] =	vst v1  }
0x89c: {  	v1 =	vld [tilespmem:s9+$0xFFFFFFB0];
	v5 =	vadd.f32 v8, v7;
	[tilespmem:s4+$0xFFFFFF90] =	vst v9;
	s4 =	smov.u32 s2  }
0x89d: {  	v7 =	vld [tilespmem:s2+$0xFFFFFFC0];
	v0 =	vmov v3  }
0x89e: {  	v8 =	vld [tilespmem:s9+$0xFFFFFFC0];
	[tilespmem:s2+$0x0] =	vst v5  }
0x89f: {  	v2 =	vadd.f32 v2, v6;
	v6 =	vld [tilespmem:s2+$0xFFFFFFD0]  }
0x8a0: {  	v9 =	vld [tilespmem:s9+$0xFFFFFFD0]  }
.Ltmp55:
0x8a1: {  	[tilespmem:s2+$0xFFFFFFA0] =	vst v2;
	v2 =	vadd.f32 v1, v4;
	v1 =	vld [tilespmem:s2+$0xFFFFFFE0];
	(pc) =	sbr.rel @p1 .LBB2_113-.Ltmp55, $4  }
0x8a2: {  	v3 =	vld [tilespmem:s9+$0xFFFFFFE0]  }
0x8a3: {  	[tilespmem:s2+$0xFFFFFFB0] =	vst v2;
	v7 =	vadd.f32 v8, v7;
	v2 =	vld [tilespmem:s2+$0xFFFFFFF0]  }
0x8a4: {  	v5 =	vld [tilespmem:s9+$0xFFFFFFF0]  }
0x8a5: {  	s2 =	sadd.s32 $0x400, s2;
	v4 =	vld [tilespmem:s4+$0xFFFFFF90];
	[tilespmem:s4+$0xFFFFFFC0] =	vst v7;
	v6 =	vadd.f32 v9, v6  }
0x8a6: {  	_ =	sdelay $0x1  }
0x8a7: {  	v1 =	vadd.f32 v3, v1  }
0x8a8: {  	[tilespmem:s4+$0xFFFFFFD0] =	vst v6;
	v2 =	vadd.f32 v5, v2  }
0x8a9: {  	[tilespmem:s4+$0xFFFFFFE0] =	vst v1;
	v0 =	vadd.f32 v0, v4  }
0x8aa: {  	[tilespmem:s4+$0xFFFFFFF0] =	vst v2  }
0x8ab: {  	s2 =	sadd.s32 s3, s7;
	[tilespmem:s4+$0xFFFFFF90] =	vst v0  }
0x8ac: {  	[hbm4b:s2+s5] =	stream.linear.scatter [tilespmem:s17], [sflag:$0x9], $0x4000, $0x38;
	[tilespmem:$0x18000] =	vst v63  }
0x8ad: {  	_ =	swait.ge [sflag:s22], $0x4000  }
0x8ae: {  	[sflag:s22] =	ssyncset.done $0x0  }
0x8af: {  	[sflag:s22] =	ssyncadd.s32 $0xFFFFC000  }
0x8b0: {  	_ =	swait.ge [sflag:s23], $0x4000  }
0x8b1: {  	s7 =	simm.s32 @!p0 $0xC000;
	[sflag:s23] =	ssyncset.done $0x0  }
0x8b2: {  	s4 =	simm.s32 @!p0 $0x0;
	s2 =	sadd.s32 @!p0 s31, s6;
	[sflag:s23] =	ssyncadd.s32 $0xFFFFC000  }
0x8b3: {  	[tilespmem:s7], [sflag:$0x4] =	stream.linear.gather @!p0 [hbm4b:s2+s4], $0x4000, $0x38;
	[tilespmem:$0x18000] =	vst v63  }
0x8b4: {  	s7 =	simm.s32 $0x14040  }
0x8b5: {  	s9 =	simm.s32 $0x4040;
	v1 =	vld [tilespmem:s7+$0x30]  }
0x8b6: {  	v2 =	vld [tilespmem:s9+$0x30]  }
0x8b7: {  	v0 =	vld [tilespmem:s9+$0xFFFFFFC0]  }
0x8b8: {  	v3 =	vld [tilespmem:s7+$0xFFFFFFD0]  }
0x8b9: {  	v4 =	vld [tilespmem:s9+$0xFFFFFFD0]  }
0x8ba: {  	v5 =	vld [tilespmem:s7+$0xFFFFFFE0]  }
0x8bb: {  	v6 =	vld [tilespmem:s9+$0xFFFFFFE0]  }
0x8bc: {  	v7 =	vld [tilespmem:s7+$0xFFFFFFF0]  }
0x8bd: {  	v8 =	vld [tilespmem:s9+$0xFFFFFFF0]  }
0x8be: {  	v9 =	vld [tilespmem:s7+$0x0]  }
0x8bf: {  	v10 =	vld [tilespmem:s9+$0x0];
	v2 =	vadd.f32 v2, v1  }
0x8c0: {  	v4 =	vadd.f32 v4, v3;
	v1 =	vld [tilespmem:s7+$0x10]  }
0x8c1: {  	v5 =	vadd.f32 v6, v5;
	v3 =	vld [tilespmem:s9+$0x10];
	[tilespmem:s7+$0x30] =	vst v2  }
0x8c2: {  	v6 =	vadd.f32 v8, v7;
	[tilespmem:s7+$0xFFFFFFD0] =	vst v4;
	v2 =	vld [tilespmem:s7+$0x20]  }
0x8c3: {  	[tilespmem:s7+$0xFFFFFFE0] =	vst v5;
	v5 =	vld [tilespmem:s9+$0x20]  }
0x8c4: {  	s11 =	simm.s32 $0x0;
	s15 =	simm.s32 $0x14440;
	v4 =	vld [tilespmem:s7+$0xFFFFFFC0];
	[tilespmem:s7+$0xFFFFFFF0] =	vst v6;
	v6 =	vadd.f32 v10, v9  }
.LBB2_115:
0x8c5: {  	v7 =	vld [tilespmem:s15+$0x30];
	s9 =	sadd.s32 $0x400, s9  }
0x8c6: {  	s11 =	sadd.s32 $0x80, s11;
	v8 =	vld [tilespmem:s9+$0x30];
	[tilespmem:s7+$0x0] =	vst v6;
	v1 =	vadd.f32 v3, v1  }
0x8c7: {  	p0 =	slt.u32 s11, $0x780;
	v3 =	vld [tilespmem:s9+$0xFFFFFFC0]  }
0x8c8: {  	v6 =	vld [tilespmem:s15+$0xFFFFFFD0];
	[tilespmem:s7+$0x10] =	vst v1;
	v1 =	vadd.f32 v5, v2  }
0x8c9: {  	v2 =	vld [tilespmem:s9+$0xFFFFFFD0];
	v9 =	vadd.f32 v0, v4  }
0x8ca: {  	v4 =	vld [tilespmem:s15+$0xFFFFFFE0];
	[tilespmem:s7+$0x20] =	vst v1  }
0x8cb: {  	v1 =	vld [tilespmem:s9+$0xFFFFFFE0];
	v5 =	vadd.f32 v8, v7;
	[tilespmem:s7+$0xFFFFFFC0] =	vst v9;
	s7 =	smov.u32 s15  }
0x8cc: {  	v7 =	vld [tilespmem:s15+$0xFFFFFFF0];
	v0 =	vmov v3  }
0x8cd: {  	s8 =	simm.s32 $0x40F0;
	s4 =	simm.s32 $0x140F0;
	v8 =	vld [tilespmem:s9+$0xFFFFFFF0];
	[tilespmem:s15+$0x30] =	vst v5  }
0x8ce: {  	v2 =	vadd.f32 v2, v6;
	v6 =	vld [tilespmem:s15+$0x0]  }
0x8cf: {  	v9 =	vld [tilespmem:s9+$0x0]  }
.Ltmp56:
0x8d0: {  	[tilespmem:s15+$0xFFFFFFD0] =	vst v2;
	v2 =	vadd.f32 v1, v4;
	v1 =	vld [tilespmem:s15+$0x10];
	(pc) =	sbr.rel @p0 .LBB2_115-.Ltmp56, $4  }
0x8d1: {  	v3 =	vld [tilespmem:s9+$0x10]  }
0x8d2: {  	[tilespmem:s15+$0xFFFFFFE0] =	vst v2;
	v7 =	vadd.f32 v8, v7;
	v2 =	vld [tilespmem:s15+$0x20]  }
0x8d3: {  	v5 =	vld [tilespmem:s9+$0x20]  }
0x8d4: {  	s15 =	sadd.s32 $0x400, s15;
	v4 =	vld [tilespmem:s7+$0xFFFFFFC0];
	[tilespmem:s7+$0xFFFFFFF0] =	vst v7;
	v6 =	vadd.f32 v9, v6  }
0x8d5: {  	_ =	sdelay $0x1  }
0x8d6: {  	v1 =	vadd.f32 v3, v1  }
0x8d7: {  	[tilespmem:s7+$0x0] =	vst v6;
	v2 =	vadd.f32 v5, v2  }
0x8d8: {  	[tilespmem:s7+$0x10] =	vst v1;
	v0 =	vadd.f32 v0, v4  }
0x8d9: {  	[tilespmem:s7+$0x20] =	vst v2  }
0x8da: {  	[tilespmem:s7+$0xFFFFFFC0] =	vst v0  }
0x8db: {  	v1 =	vld [tilespmem:s4+$0x0]  }
0x8dc: {  	v2 =	vld [tilespmem:s8+$0x0]  }
0x8dd: {  	v0 =	vld [tilespmem:s8+$0xFFFFFF90]  }
0x8de: {  	v3 =	vld [tilespmem:s4+$0xFFFFFFA0]  }
0x8df: {  	v4 =	vld [tilespmem:s8+$0xFFFFFFA0]  }
0x8e0: {  	v5 =	vld [tilespmem:s4+$0xFFFFFFB0]  }
0x8e1: {  	v6 =	vld [tilespmem:s8+$0xFFFFFFB0]  }
0x8e2: {  	v7 =	vld [tilespmem:s4+$0xFFFFFFC0]  }
0x8e3: {  	v8 =	vld [tilespmem:s8+$0xFFFFFFC0]  }
0x8e4: {  	v9 =	vld [tilespmem:s4+$0xFFFFFFD0]  }
0x8e5: {  	v10 =	vld [tilespmem:s8+$0xFFFFFFD0];
	v2 =	vadd.f32 v2, v1  }
0x8e6: {  	v4 =	vadd.f32 v4, v3;
	v1 =	vld [tilespmem:s4+$0xFFFFFFE0]  }
0x8e7: {  	v5 =	vadd.f32 v6, v5;
	v3 =	vld [tilespmem:s8+$0xFFFFFFE0];
	[tilespmem:s4+$0x0] =	vst v2  }
0x8e8: {  	v6 =	vadd.f32 v8, v7;
	[tilespmem:s4+$0xFFFFFFA0] =	vst v4;
	v2 =	vld [tilespmem:s4+$0xFFFFFFF0]  }
0x8e9: {  	[tilespmem:s4+$0xFFFFFFB0] =	vst v5;
	v5 =	vld [tilespmem:s8+$0xFFFFFFF0]  }
0x8ea: {  	s11 =	simm.s32 $0x0;
	s15 =	simm.s32 $0x144F0;
	v4 =	vld [tilespmem:s4+$0xFFFFFF90];
	[tilespmem:s4+$0xFFFFFFC0] =	vst v6;
	v6 =	vadd.f32 v10, v9  }
.LBB2_117:
0x8eb: {  	v7 =	vld [tilespmem:s15+$0x0];
	s8 =	sadd.s32 $0x400, s8  }
0x8ec: {  	s11 =	sadd.s32 $0x80, s11;
	v8 =	vld [tilespmem:s8+$0x0];
	[tilespmem:s4+$0xFFFFFFD0] =	vst v6;
	v1 =	vadd.f32 v3, v1  }
0x8ed: {  	p0 =	slt.u32 s11, $0x780;
	v3 =	vld [tilespmem:s8+$0xFFFFFF90]  }
0x8ee: {  	v6 =	vld [tilespmem:s15+$0xFFFFFFA0];
	[tilespmem:s4+$0xFFFFFFE0] =	vst v1;
	v1 =	vadd.f32 v5, v2  }
0x8ef: {  	v2 =	vld [tilespmem:s8+$0xFFFFFFA0];
	v9 =	vadd.f32 v0, v4  }
0x8f0: {  	v4 =	vld [tilespmem:s15+$0xFFFFFFB0];
	[tilespmem:s4+$0xFFFFFFF0] =	vst v1  }
0x8f1: {  	v1 =	vld [tilespmem:s8+$0xFFFFFFB0];
	v5 =	vadd.f32 v8, v7;
	[tilespmem:s4+$0xFFFFFF90] =	vst v9;
	s4 =	smov.u32 s15  }
0x8f2: {  	v7 =	vld [tilespmem:s15+$0xFFFFFFC0];
	v0 =	vmov v3  }
0x8f3: {  	s9 =	simm.s32 $0x4170;
	s7 =	simm.s32 $0x14170;
	v8 =	vld [tilespmem:s8+$0xFFFFFFC0];
	[tilespmem:s15+$0x0] =	vst v5  }
0x8f4: {  	v2 =	vadd.f32 v2, v6;
	v6 =	vld [tilespmem:s15+$0xFFFFFFD0]  }
0x8f5: {  	v9 =	vld [tilespmem:s8+$0xFFFFFFD0]  }
.Ltmp57:
0x8f6: {  	[tilespmem:s15+$0xFFFFFFA0] =	vst v2;
	v2 =	vadd.f32 v1, v4;
	v1 =	vld [tilespmem:s15+$0xFFFFFFE0];
	(pc) =	sbr.rel @p0 .LBB2_117-.Ltmp57, $4  }
0x8f7: {  	v3 =	vld [tilespmem:s8+$0xFFFFFFE0]  }
0x8f8: {  	[tilespmem:s15+$0xFFFFFFB0] =	vst v2;
	v7 =	vadd.f32 v8, v7;
	v2 =	vld [tilespmem:s15+$0xFFFFFFF0]  }
0x8f9: {  	v5 =	vld [tilespmem:s8+$0xFFFFFFF0]  }
0x8fa: {  	s15 =	sadd.s32 $0x400, s15;
	v4 =	vld [tilespmem:s4+$0xFFFFFF90];
	[tilespmem:s4+$0xFFFFFFC0] =	vst v7;
	v6 =	vadd.f32 v9, v6  }
0x8fb: {  	_ =	sdelay $0x1  }
0x8fc: {  	v1 =	vadd.f32 v3, v1  }
0x8fd: {  	[tilespmem:s4+$0xFFFFFFD0] =	vst v6;
	v2 =	vadd.f32 v5, v2  }
0x8fe: {  	[tilespmem:s4+$0xFFFFFFE0] =	vst v1;
	v0 =	vadd.f32 v0, v4  }
0x8ff: {  	[tilespmem:s4+$0xFFFFFFF0] =	vst v2  }
0x900: {  	[tilespmem:s4+$0xFFFFFF90] =	vst v0  }
0x901: {  	v1 =	vld [tilespmem:s7+$0x0]  }
0x902: {  	v2 =	vld [tilespmem:s9+$0x0]  }
0x903: {  	v0 =	vld [tilespmem:s9+$0xFFFFFF90]  }
0x904: {  	v3 =	vld [tilespmem:s7+$0xFFFFFFA0]  }
0x905: {  	v4 =	vld [tilespmem:s9+$0xFFFFFFA0]  }
0x906: {  	v5 =	vld [tilespmem:s7+$0xFFFFFFB0]  }
0x907: {  	v6 =	vld [tilespmem:s9+$0xFFFFFFB0]  }
0x908: {  	v7 =	vld [tilespmem:s7+$0xFFFFFFC0]  }
0x909: {  	v8 =	vld [tilespmem:s9+$0xFFFFFFC0]  }
0x90a: {  	v9 =	vld [tilespmem:s7+$0xFFFFFFD0]  }
0x90b: {  	v10 =	vld [tilespmem:s9+$0xFFFFFFD0];
	v2 =	vadd.f32 v2, v1  }
0x90c: {  	v4 =	vadd.f32 v4, v3;
	v1 =	vld [tilespmem:s7+$0xFFFFFFE0]  }
0x90d: {  	v5 =	vadd.f32 v6, v5;
	v3 =	vld [tilespmem:s9+$0xFFFFFFE0];
	[tilespmem:s7+$0x0] =	vst v2  }
0x90e: {  	v6 =	vadd.f32 v8, v7;
	[tilespmem:s7+$0xFFFFFFA0] =	vst v4;
	v2 =	vld [tilespmem:s7+$0xFFFFFFF0]  }
0x90f: {  	[tilespmem:s7+$0xFFFFFFB0] =	vst v5;
	v5 =	vld [tilespmem:s9+$0xFFFFFFF0]  }
0x910: {  	s11 =	simm.s32 $0x0;
	s15 =	simm.s32 $0x14570;
	v4 =	vld [tilespmem:s7+$0xFFFFFF90];
	[tilespmem:s7+$0xFFFFFFC0] =	vst v6;
	v6 =	vadd.f32 v10, v9  }
.LBB2_119:
0x911: {  	v7 =	vld [tilespmem:s15+$0x0];
	s9 =	sadd.s32 $0x400, s9  }
0x912: {  	s11 =	sadd.s32 $0x80, s11;
	v8 =	vld [tilespmem:s9+$0x0];
	[tilespmem:s7+$0xFFFFFFD0] =	vst v6;
	v1 =	vadd.f32 v3, v1  }
0x913: {  	p0 =	slt.u32 s11, $0x780;
	v3 =	vld [tilespmem:s9+$0xFFFFFF90]  }
0x914: {  	v6 =	vld [tilespmem:s15+$0xFFFFFFA0];
	[tilespmem:s7+$0xFFFFFFE0] =	vst v1;
	v1 =	vadd.f32 v5, v2  }
0x915: {  	v2 =	vld [tilespmem:s9+$0xFFFFFFA0];
	v9 =	vadd.f32 v0, v4  }
0x916: {  	v4 =	vld [tilespmem:s15+$0xFFFFFFB0];
	[tilespmem:s7+$0xFFFFFFF0] =	vst v1  }
0x917: {  	v1 =	vld [tilespmem:s9+$0xFFFFFFB0];
	v5 =	vadd.f32 v8, v7;
	[tilespmem:s7+$0xFFFFFF90] =	vst v9;
	s7 =	smov.u32 s15  }
0x918: {  	v7 =	vld [tilespmem:s15+$0xFFFFFFC0];
	v0 =	vmov v3  }
0x919: {  	s8 =	simm.s32 $0x41F0;
	s4 =	simm.s32 $0x141F0;
	v8 =	vld [tilespmem:s9+$0xFFFFFFC0];
	[tilespmem:s15+$0x0] =	vst v5  }
0x91a: {  	v2 =	vadd.f32 v2, v6;
	v6 =	vld [tilespmem:s15+$0xFFFFFFD0]  }
0x91b: {  	v9 =	vld [tilespmem:s9+$0xFFFFFFD0]  }
.Ltmp58:
0x91c: {  	[tilespmem:s15+$0xFFFFFFA0] =	vst v2;
	v2 =	vadd.f32 v1, v4;
	v1 =	vld [tilespmem:s15+$0xFFFFFFE0];
	(pc) =	sbr.rel @p0 .LBB2_119-.Ltmp58, $4  }
0x91d: {  	v3 =	vld [tilespmem:s9+$0xFFFFFFE0]  }
0x91e: {  	[tilespmem:s15+$0xFFFFFFB0] =	vst v2;
	v7 =	vadd.f32 v8, v7;
	v2 =	vld [tilespmem:s15+$0xFFFFFFF0]  }
0x91f: {  	v5 =	vld [tilespmem:s9+$0xFFFFFFF0]  }
0x920: {  	s15 =	sadd.s32 $0x400, s15;
	v4 =	vld [tilespmem:s7+$0xFFFFFF90];
	[tilespmem:s7+$0xFFFFFFC0] =	vst v7;
	v6 =	vadd.f32 v9, v6  }
0x921: {  	_ =	sdelay $0x1  }
0x922: {  	v1 =	vadd.f32 v3, v1  }
0x923: {  	[tilespmem:s7+$0xFFFFFFD0] =	vst v6;
	v2 =	vadd.f32 v5, v2  }
0x924: {  	[tilespmem:s7+$0xFFFFFFE0] =	vst v1;
	v0 =	vadd.f32 v0, v4  }
0x925: {  	[tilespmem:s7+$0xFFFFFFF0] =	vst v2  }
0x926: {  	[tilespmem:s7+$0xFFFFFF90] =	vst v0  }
0x927: {  	v1 =	vld [tilespmem:s4+$0x0]  }
0x928: {  	v2 =	vld [tilespmem:s8+$0x0]  }
0x929: {  	v0 =	vld [tilespmem:s8+$0xFFFFFF90]  }
0x92a: {  	v3 =	vld [tilespmem:s4+$0xFFFFFFA0]  }
0x92b: {  	v4 =	vld [tilespmem:s8+$0xFFFFFFA0]  }
0x92c: {  	v5 =	vld [tilespmem:s4+$0xFFFFFFB0]  }
0x92d: {  	v6 =	vld [tilespmem:s8+$0xFFFFFFB0]  }
0x92e: {  	v7 =	vld [tilespmem:s4+$0xFFFFFFC0]  }
0x92f: {  	v8 =	vld [tilespmem:s8+$0xFFFFFFC0]  }
0x930: {  	v9 =	vld [tilespmem:s4+$0xFFFFFFD0]  }
0x931: {  	v10 =	vld [tilespmem:s8+$0xFFFFFFD0];
	v2 =	vadd.f32 v2, v1  }
0x932: {  	v4 =	vadd.f32 v4, v3;
	v1 =	vld [tilespmem:s4+$0xFFFFFFE0]  }
0x933: {  	v5 =	vadd.f32 v6, v5;
	v3 =	vld [tilespmem:s8+$0xFFFFFFE0];
	[tilespmem:s4+$0x0] =	vst v2  }
0x934: {  	v6 =	vadd.f32 v8, v7;
	[tilespmem:s4+$0xFFFFFFA0] =	vst v4;
	v2 =	vld [tilespmem:s4+$0xFFFFFFF0]  }
0x935: {  	[tilespmem:s4+$0xFFFFFFB0] =	vst v5;
	v5 =	vld [tilespmem:s8+$0xFFFFFFF0]  }
0x936: {  	s11 =	simm.s32 $0x0;
	s15 =	simm.s32 $0x145F0;
	v4 =	vld [tilespmem:s4+$0xFFFFFF90];
	[tilespmem:s4+$0xFFFFFFC0] =	vst v6;
	v6 =	vadd.f32 v10, v9  }
.LBB2_121:
0x937: {  	v7 =	vld [tilespmem:s15+$0x0];
	s8 =	sadd.s32 $0x400, s8  }
0x938: {  	s11 =	sadd.s32 $0x80, s11;
	v8 =	vld [tilespmem:s8+$0x0];
	[tilespmem:s4+$0xFFFFFFD0] =	vst v6;
	v1 =	vadd.f32 v3, v1  }
0x939: {  	p0 =	slt.u32 s11, $0x780;
	v3 =	vld [tilespmem:s8+$0xFFFFFF90]  }
0x93a: {  	v6 =	vld [tilespmem:s15+$0xFFFFFFA0];
	[tilespmem:s4+$0xFFFFFFE0] =	vst v1;
	v1 =	vadd.f32 v5, v2  }
0x93b: {  	v2 =	vld [tilespmem:s8+$0xFFFFFFA0];
	v9 =	vadd.f32 v0, v4  }
0x93c: {  	v4 =	vld [tilespmem:s15+$0xFFFFFFB0];
	[tilespmem:s4+$0xFFFFFFF0] =	vst v1  }
0x93d: {  	v1 =	vld [tilespmem:s8+$0xFFFFFFB0];
	v5 =	vadd.f32 v8, v7;
	[tilespmem:s4+$0xFFFFFF90] =	vst v9;
	s4 =	smov.u32 s15  }
0x93e: {  	v7 =	vld [tilespmem:s15+$0xFFFFFFC0];
	v0 =	vmov v3  }
0x93f: {  	s9 =	simm.s32 $0x4270;
	s7 =	simm.s32 $0x14270;
	v8 =	vld [tilespmem:s8+$0xFFFFFFC0];
	[tilespmem:s15+$0x0] =	vst v5  }
0x940: {  	v2 =	vadd.f32 v2, v6;
	v6 =	vld [tilespmem:s15+$0xFFFFFFD0]  }
0x941: {  	v9 =	vld [tilespmem:s8+$0xFFFFFFD0]  }
.Ltmp59:
0x942: {  	[tilespmem:s15+$0xFFFFFFA0] =	vst v2;
	v2 =	vadd.f32 v1, v4;
	v1 =	vld [tilespmem:s15+$0xFFFFFFE0];
	(pc) =	sbr.rel @p0 .LBB2_121-.Ltmp59, $4  }
0x943: {  	v3 =	vld [tilespmem:s8+$0xFFFFFFE0]  }
0x944: {  	[tilespmem:s15+$0xFFFFFFB0] =	vst v2;
	v7 =	vadd.f32 v8, v7;
	v2 =	vld [tilespmem:s15+$0xFFFFFFF0]  }
0x945: {  	v5 =	vld [tilespmem:s8+$0xFFFFFFF0]  }
0x946: {  	s15 =	sadd.s32 $0x400, s15;
	v4 =	vld [tilespmem:s4+$0xFFFFFF90];
	[tilespmem:s4+$0xFFFFFFC0] =	vst v7;
	v6 =	vadd.f32 v9, v6  }
0x947: {  	_ =	sdelay $0x1  }
0x948: {  	v1 =	vadd.f32 v3, v1  }
0x949: {  	[tilespmem:s4+$0xFFFFFFD0] =	vst v6;
	v2 =	vadd.f32 v5, v2  }
0x94a: {  	[tilespmem:s4+$0xFFFFFFE0] =	vst v1;
	v0 =	vadd.f32 v0, v4  }
0x94b: {  	[tilespmem:s4+$0xFFFFFFF0] =	vst v2  }
0x94c: {  	[tilespmem:s4+$0xFFFFFF90] =	vst v0  }
0x94d: {  	v1 =	vld [tilespmem:s7+$0x0]  }
0x94e: {  	v2 =	vld [tilespmem:s9+$0x0]  }
0x94f: {  	v0 =	vld [tilespmem:s9+$0xFFFFFF90]  }
0x950: {  	v3 =	vld [tilespmem:s7+$0xFFFFFFA0]  }
0x951: {  	v4 =	vld [tilespmem:s9+$0xFFFFFFA0]  }
0x952: {  	v5 =	vld [tilespmem:s7+$0xFFFFFFB0]  }
0x953: {  	v6 =	vld [tilespmem:s9+$0xFFFFFFB0]  }
0x954: {  	v7 =	vld [tilespmem:s7+$0xFFFFFFC0]  }
0x955: {  	v8 =	vld [tilespmem:s9+$0xFFFFFFC0]  }
0x956: {  	v9 =	vld [tilespmem:s7+$0xFFFFFFD0]  }
0x957: {  	v10 =	vld [tilespmem:s9+$0xFFFFFFD0];
	v2 =	vadd.f32 v2, v1  }
0x958: {  	v4 =	vadd.f32 v4, v3;
	v1 =	vld [tilespmem:s7+$0xFFFFFFE0]  }
0x959: {  	v5 =	vadd.f32 v6, v5;
	v3 =	vld [tilespmem:s9+$0xFFFFFFE0];
	[tilespmem:s7+$0x0] =	vst v2  }
0x95a: {  	v6 =	vadd.f32 v8, v7;
	[tilespmem:s7+$0xFFFFFFA0] =	vst v4;
	v2 =	vld [tilespmem:s7+$0xFFFFFFF0]  }
0x95b: {  	[tilespmem:s7+$0xFFFFFFB0] =	vst v5;
	v5 =	vld [tilespmem:s9+$0xFFFFFFF0]  }
0x95c: {  	s11 =	simm.s32 $0x0;
	s15 =	simm.s32 $0x14670;
	v4 =	vld [tilespmem:s7+$0xFFFFFF90];
	[tilespmem:s7+$0xFFFFFFC0] =	vst v6;
	v6 =	vadd.f32 v10, v9  }
.LBB2_123:
0x95d: {  	v7 =	vld [tilespmem:s15+$0x0];
	s9 =	sadd.s32 $0x400, s9  }
0x95e: {  	s11 =	sadd.s32 $0x80, s11;
	v8 =	vld [tilespmem:s9+$0x0];
	[tilespmem:s7+$0xFFFFFFD0] =	vst v6;
	v1 =	vadd.f32 v3, v1  }
0x95f: {  	p0 =	slt.u32 s11, $0x780;
	v3 =	vld [tilespmem:s9+$0xFFFFFF90]  }
0x960: {  	v6 =	vld [tilespmem:s15+$0xFFFFFFA0];
	[tilespmem:s7+$0xFFFFFFE0] =	vst v1;
	v1 =	vadd.f32 v5, v2  }
0x961: {  	v2 =	vld [tilespmem:s9+$0xFFFFFFA0];
	v9 =	vadd.f32 v0, v4  }
0x962: {  	v4 =	vld [tilespmem:s15+$0xFFFFFFB0];
	[tilespmem:s7+$0xFFFFFFF0] =	vst v1  }
0x963: {  	v1 =	vld [tilespmem:s9+$0xFFFFFFB0];
	v5 =	vadd.f32 v8, v7;
	[tilespmem:s7+$0xFFFFFF90] =	vst v9;
	s7 =	smov.u32 s15  }
0x964: {  	v7 =	vld [tilespmem:s15+$0xFFFFFFC0];
	v0 =	vmov v3  }
0x965: {  	s8 =	simm.s32 $0x42F0;
	s4 =	simm.s32 $0x142F0;
	v8 =	vld [tilespmem:s9+$0xFFFFFFC0];
	[tilespmem:s15+$0x0] =	vst v5  }
0x966: {  	v2 =	vadd.f32 v2, v6;
	v6 =	vld [tilespmem:s15+$0xFFFFFFD0]  }
0x967: {  	v9 =	vld [tilespmem:s9+$0xFFFFFFD0]  }
.Ltmp60:
0x968: {  	[tilespmem:s15+$0xFFFFFFA0] =	vst v2;
	v2 =	vadd.f32 v1, v4;
	v1 =	vld [tilespmem:s15+$0xFFFFFFE0];
	(pc) =	sbr.rel @p0 .LBB2_123-.Ltmp60, $4  }
0x969: {  	v3 =	vld [tilespmem:s9+$0xFFFFFFE0]  }
0x96a: {  	[tilespmem:s15+$0xFFFFFFB0] =	vst v2;
	v7 =	vadd.f32 v8, v7;
	v2 =	vld [tilespmem:s15+$0xFFFFFFF0]  }
0x96b: {  	v5 =	vld [tilespmem:s9+$0xFFFFFFF0]  }
0x96c: {  	s15 =	sadd.s32 $0x400, s15;
	v4 =	vld [tilespmem:s7+$0xFFFFFF90];
	[tilespmem:s7+$0xFFFFFFC0] =	vst v7;
	v6 =	vadd.f32 v9, v6  }
0x96d: {  	_ =	sdelay $0x1  }
0x96e: {  	v1 =	vadd.f32 v3, v1  }
0x96f: {  	[tilespmem:s7+$0xFFFFFFD0] =	vst v6;
	v2 =	vadd.f32 v5, v2  }
0x970: {  	[tilespmem:s7+$0xFFFFFFE0] =	vst v1;
	v0 =	vadd.f32 v0, v4  }
0x971: {  	[tilespmem:s7+$0xFFFFFFF0] =	vst v2  }
0x972: {  	[tilespmem:s7+$0xFFFFFF90] =	vst v0  }
0x973: {  	v1 =	vld [tilespmem:s4+$0x0]  }
0x974: {  	v2 =	vld [tilespmem:s8+$0x0]  }
0x975: {  	v0 =	vld [tilespmem:s8+$0xFFFFFF90]  }
0x976: {  	v3 =	vld [tilespmem:s4+$0xFFFFFFA0]  }
0x977: {  	v4 =	vld [tilespmem:s8+$0xFFFFFFA0]  }
0x978: {  	v5 =	vld [tilespmem:s4+$0xFFFFFFB0]  }
0x979: {  	v6 =	vld [tilespmem:s8+$0xFFFFFFB0]  }
0x97a: {  	v7 =	vld [tilespmem:s4+$0xFFFFFFC0]  }
0x97b: {  	v8 =	vld [tilespmem:s8+$0xFFFFFFC0]  }
0x97c: {  	v9 =	vld [tilespmem:s4+$0xFFFFFFD0]  }
0x97d: {  	v10 =	vld [tilespmem:s8+$0xFFFFFFD0];
	v2 =	vadd.f32 v2, v1  }
0x97e: {  	v4 =	vadd.f32 v4, v3;
	v1 =	vld [tilespmem:s4+$0xFFFFFFE0]  }
0x97f: {  	v5 =	vadd.f32 v6, v5;
	v3 =	vld [tilespmem:s8+$0xFFFFFFE0];
	[tilespmem:s4+$0x0] =	vst v2  }
0x980: {  	v6 =	vadd.f32 v8, v7;
	[tilespmem:s4+$0xFFFFFFA0] =	vst v4;
	v2 =	vld [tilespmem:s4+$0xFFFFFFF0]  }
0x981: {  	[tilespmem:s4+$0xFFFFFFB0] =	vst v5;
	v5 =	vld [tilespmem:s8+$0xFFFFFFF0]  }
0x982: {  	s11 =	simm.s32 $0x0;
	s15 =	simm.s32 $0x146F0;
	v4 =	vld [tilespmem:s4+$0xFFFFFF90];
	[tilespmem:s4+$0xFFFFFFC0] =	vst v6;
	v6 =	vadd.f32 v10, v9  }
.LBB2_125:
0x983: {  	v7 =	vld [tilespmem:s15+$0x0];
	s8 =	sadd.s32 $0x400, s8  }
0x984: {  	s11 =	sadd.s32 $0x80, s11;
	v8 =	vld [tilespmem:s8+$0x0];
	[tilespmem:s4+$0xFFFFFFD0] =	vst v6;
	v1 =	vadd.f32 v3, v1  }
0x985: {  	p0 =	slt.u32 s11, $0x780;
	v3 =	vld [tilespmem:s8+$0xFFFFFF90]  }
0x986: {  	v6 =	vld [tilespmem:s15+$0xFFFFFFA0];
	[tilespmem:s4+$0xFFFFFFE0] =	vst v1;
	v1 =	vadd.f32 v5, v2  }
0x987: {  	v2 =	vld [tilespmem:s8+$0xFFFFFFA0];
	v9 =	vadd.f32 v0, v4  }
0x988: {  	v4 =	vld [tilespmem:s15+$0xFFFFFFB0];
	[tilespmem:s4+$0xFFFFFFF0] =	vst v1  }
0x989: {  	v1 =	vld [tilespmem:s8+$0xFFFFFFB0];
	v5 =	vadd.f32 v8, v7;
	[tilespmem:s4+$0xFFFFFF90] =	vst v9;
	s4 =	smov.u32 s15  }
0x98a: {  	v7 =	vld [tilespmem:s15+$0xFFFFFFC0];
	v0 =	vmov v3  }
0x98b: {  	s9 =	simm.s32 $0x4370;
	s7 =	simm.s32 $0x14370;
	v8 =	vld [tilespmem:s8+$0xFFFFFFC0];
	[tilespmem:s15+$0x0] =	vst v5  }
0x98c: {  	v2 =	vadd.f32 v2, v6;
	v6 =	vld [tilespmem:s15+$0xFFFFFFD0]  }
0x98d: {  	v9 =	vld [tilespmem:s8+$0xFFFFFFD0]  }
.Ltmp61:
0x98e: {  	[tilespmem:s15+$0xFFFFFFA0] =	vst v2;
	v2 =	vadd.f32 v1, v4;
	v1 =	vld [tilespmem:s15+$0xFFFFFFE0];
	(pc) =	sbr.rel @p0 .LBB2_125-.Ltmp61, $4  }
0x98f: {  	v3 =	vld [tilespmem:s8+$0xFFFFFFE0]  }
0x990: {  	[tilespmem:s15+$0xFFFFFFB0] =	vst v2;
	v7 =	vadd.f32 v8, v7;
	v2 =	vld [tilespmem:s15+$0xFFFFFFF0]  }
0x991: {  	v5 =	vld [tilespmem:s8+$0xFFFFFFF0]  }
0x992: {  	s15 =	sadd.s32 $0x400, s15;
	v4 =	vld [tilespmem:s4+$0xFFFFFF90];
	[tilespmem:s4+$0xFFFFFFC0] =	vst v7;
	v6 =	vadd.f32 v9, v6  }
0x993: {  	_ =	sdelay $0x1  }
0x994: {  	v1 =	vadd.f32 v3, v1  }
0x995: {  	[tilespmem:s4+$0xFFFFFFD0] =	vst v6;
	v2 =	vadd.f32 v5, v2  }
0x996: {  	[tilespmem:s4+$0xFFFFFFE0] =	vst v1;
	v0 =	vadd.f32 v0, v4  }
0x997: {  	[tilespmem:s4+$0xFFFFFFF0] =	vst v2  }
0x998: {  	[tilespmem:s4+$0xFFFFFF90] =	vst v0  }
0x999: {  	v1 =	vld [tilespmem:s7+$0x0]  }
0x99a: {  	v2 =	vld [tilespmem:s9+$0x0]  }
0x99b: {  	v0 =	vld [tilespmem:s9+$0xFFFFFF90]  }
0x99c: {  	v3 =	vld [tilespmem:s7+$0xFFFFFFA0]  }
0x99d: {  	v4 =	vld [tilespmem:s9+$0xFFFFFFA0]  }
0x99e: {  	v5 =	vld [tilespmem:s7+$0xFFFFFFB0]  }
0x99f: {  	v6 =	vld [tilespmem:s9+$0xFFFFFFB0]  }
0x9a0: {  	v7 =	vld [tilespmem:s7+$0xFFFFFFC0]  }
0x9a1: {  	v8 =	vld [tilespmem:s9+$0xFFFFFFC0]  }
0x9a2: {  	v9 =	vld [tilespmem:s7+$0xFFFFFFD0]  }
0x9a3: {  	v10 =	vld [tilespmem:s9+$0xFFFFFFD0];
	v2 =	vadd.f32 v2, v1  }
0x9a4: {  	v4 =	vadd.f32 v4, v3;
	v1 =	vld [tilespmem:s7+$0xFFFFFFE0]  }
0x9a5: {  	v5 =	vadd.f32 v6, v5;
	v3 =	vld [tilespmem:s9+$0xFFFFFFE0];
	[tilespmem:s7+$0x0] =	vst v2  }
0x9a6: {  	v6 =	vadd.f32 v8, v7;
	[tilespmem:s7+$0xFFFFFFA0] =	vst v4;
	v2 =	vld [tilespmem:s7+$0xFFFFFFF0]  }
0x9a7: {  	[tilespmem:s7+$0xFFFFFFB0] =	vst v5;
	v5 =	vld [tilespmem:s9+$0xFFFFFFF0]  }
0x9a8: {  	s11 =	simm.s32 $0x0;
	s15 =	simm.s32 $0x14770;
	v4 =	vld [tilespmem:s7+$0xFFFFFF90];
	[tilespmem:s7+$0xFFFFFFC0] =	vst v6;
	v6 =	vadd.f32 v10, v9  }
.LBB2_127:
0x9a9: {  	v7 =	vld [tilespmem:s15+$0x0];
	s9 =	sadd.s32 $0x400, s9  }
0x9aa: {  	s11 =	sadd.s32 $0x80, s11;
	v8 =	vld [tilespmem:s9+$0x0];
	[tilespmem:s7+$0xFFFFFFD0] =	vst v6;
	v1 =	vadd.f32 v3, v1  }
0x9ab: {  	p0 =	slt.u32 s11, $0x780;
	v3 =	vld [tilespmem:s9+$0xFFFFFF90]  }
0x9ac: {  	v6 =	vld [tilespmem:s15+$0xFFFFFFA0];
	[tilespmem:s7+$0xFFFFFFE0] =	vst v1;
	v1 =	vadd.f32 v5, v2  }
0x9ad: {  	v2 =	vld [tilespmem:s9+$0xFFFFFFA0];
	v9 =	vadd.f32 v0, v4  }
0x9ae: {  	v4 =	vld [tilespmem:s15+$0xFFFFFFB0];
	[tilespmem:s7+$0xFFFFFFF0] =	vst v1  }
0x9af: {  	v1 =	vld [tilespmem:s9+$0xFFFFFFB0];
	v5 =	vadd.f32 v8, v7;
	[tilespmem:s7+$0xFFFFFF90] =	vst v9;
	s7 =	smov.u32 s15  }
0x9b0: {  	v7 =	vld [tilespmem:s15+$0xFFFFFFC0];
	v0 =	vmov v3  }
0x9b1: {  	s8 =	simm.s32 $0x43F0;
	s4 =	simm.s32 $0x143F0;
	v8 =	vld [tilespmem:s9+$0xFFFFFFC0];
	[tilespmem:s15+$0x0] =	vst v5  }
0x9b2: {  	v2 =	vadd.f32 v2, v6;
	v6 =	vld [tilespmem:s15+$0xFFFFFFD0]  }
0x9b3: {  	v9 =	vld [tilespmem:s9+$0xFFFFFFD0]  }
.Ltmp62:
0x9b4: {  	[tilespmem:s15+$0xFFFFFFA0] =	vst v2;
	v2 =	vadd.f32 v1, v4;
	v1 =	vld [tilespmem:s15+$0xFFFFFFE0];
	(pc) =	sbr.rel @p0 .LBB2_127-.Ltmp62, $4  }
0x9b5: {  	v3 =	vld [tilespmem:s9+$0xFFFFFFE0]  }
0x9b6: {  	[tilespmem:s15+$0xFFFFFFB0] =	vst v2;
	v7 =	vadd.f32 v8, v7;
	v2 =	vld [tilespmem:s15+$0xFFFFFFF0]  }
0x9b7: {  	v5 =	vld [tilespmem:s9+$0xFFFFFFF0]  }
0x9b8: {  	s15 =	sadd.s32 $0x400, s15;
	v4 =	vld [tilespmem:s7+$0xFFFFFF90];
	[tilespmem:s7+$0xFFFFFFC0] =	vst v7;
	v6 =	vadd.f32 v9, v6  }
0x9b9: {  	_ =	sdelay $0x1  }
0x9ba: {  	v1 =	vadd.f32 v3, v1  }
0x9bb: {  	[tilespmem:s7+$0xFFFFFFD0] =	vst v6;
	v2 =	vadd.f32 v5, v2  }
0x9bc: {  	[tilespmem:s7+$0xFFFFFFE0] =	vst v1;
	v0 =	vadd.f32 v0, v4  }
0x9bd: {  	[tilespmem:s7+$0xFFFFFFF0] =	vst v2  }
0x9be: {  	[tilespmem:s7+$0xFFFFFF90] =	vst v0  }
0x9bf: {  	v1 =	vld [tilespmem:s4+$0x0]  }
0x9c0: {  	v2 =	vld [tilespmem:s8+$0x0]  }
0x9c1: {  	v0 =	vld [tilespmem:s8+$0xFFFFFF90]  }
0x9c2: {  	v3 =	vld [tilespmem:s4+$0xFFFFFFA0]  }
0x9c3: {  	v4 =	vld [tilespmem:s8+$0xFFFFFFA0]  }
0x9c4: {  	v5 =	vld [tilespmem:s4+$0xFFFFFFB0]  }
0x9c5: {  	v6 =	vld [tilespmem:s8+$0xFFFFFFB0]  }
0x9c6: {  	v7 =	vld [tilespmem:s4+$0xFFFFFFC0]  }
0x9c7: {  	v8 =	vld [tilespmem:s8+$0xFFFFFFC0]  }
0x9c8: {  	v9 =	vld [tilespmem:s4+$0xFFFFFFD0]  }
0x9c9: {  	v10 =	vld [tilespmem:s8+$0xFFFFFFD0];
	v2 =	vadd.f32 v2, v1  }
0x9ca: {  	v4 =	vadd.f32 v4, v3;
	v1 =	vld [tilespmem:s4+$0xFFFFFFE0]  }
0x9cb: {  	v5 =	vadd.f32 v6, v5;
	v3 =	vld [tilespmem:s8+$0xFFFFFFE0];
	[tilespmem:s4+$0x0] =	vst v2  }
0x9cc: {  	v6 =	vadd.f32 v8, v7;
	[tilespmem:s4+$0xFFFFFFA0] =	vst v4;
	v2 =	vld [tilespmem:s4+$0xFFFFFFF0]  }
0x9cd: {  	[tilespmem:s4+$0xFFFFFFB0] =	vst v5;
	v5 =	vld [tilespmem:s8+$0xFFFFFFF0]  }
0x9ce: {  	s2 =	simm.s32 $0x147F0;
	s7 =	simm.s32 $0x0;
	v4 =	vld [tilespmem:s4+$0xFFFFFF90];
	[tilespmem:s4+$0xFFFFFFC0] =	vst v6;
	v6 =	vadd.f32 v10, v9  }
.LBB2_129:
0x9cf: {  	v7 =	vld [tilespmem:s2+$0x0];
	s8 =	sadd.s32 $0x400, s8  }
0x9d0: {  	s7 =	sadd.s32 $0x80, s7;
	v8 =	vld [tilespmem:s8+$0x0];
	[tilespmem:s4+$0xFFFFFFD0] =	vst v6;
	v1 =	vadd.f32 v3, v1  }
0x9d1: {  	p0 =	slt.u32 s7, $0x780;
	v3 =	vld [tilespmem:s8+$0xFFFFFF90]  }
0x9d2: {  	v6 =	vld [tilespmem:s2+$0xFFFFFFA0];
	[tilespmem:s4+$0xFFFFFFE0] =	vst v1;
	v1 =	vadd.f32 v5, v2  }
0x9d3: {  	v2 =	vld [tilespmem:s8+$0xFFFFFFA0];
	v9 =	vadd.f32 v0, v4  }
0x9d4: {  	v4 =	vld [tilespmem:s2+$0xFFFFFFB0];
	[tilespmem:s4+$0xFFFFFFF0] =	vst v1  }
0x9d5: {  	v1 =	vld [tilespmem:s8+$0xFFFFFFB0];
	v5 =	vadd.f32 v8, v7;
	[tilespmem:s4+$0xFFFFFF90] =	vst v9;
	s4 =	smov.u32 s2  }
0x9d6: {  	v7 =	vld [tilespmem:s2+$0xFFFFFFC0];
	v0 =	vmov v3  }
0x9d7: {  	v8 =	vld [tilespmem:s8+$0xFFFFFFC0];
	[tilespmem:s2+$0x0] =	vst v5  }
0x9d8: {  	v2 =	vadd.f32 v2, v6;
	v6 =	vld [tilespmem:s2+$0xFFFFFFD0]  }
0x9d9: {  	v9 =	vld [tilespmem:s8+$0xFFFFFFD0]  }
.Ltmp63:
0x9da: {  	[tilespmem:s2+$0xFFFFFFA0] =	vst v2;
	v2 =	vadd.f32 v1, v4;
	v1 =	vld [tilespmem:s2+$0xFFFFFFE0];
	(pc) =	sbr.rel @p0 .LBB2_129-.Ltmp63, $4  }
0x9db: {  	v3 =	vld [tilespmem:s8+$0xFFFFFFE0]  }
0x9dc: {  	[tilespmem:s2+$0xFFFFFFB0] =	vst v2;
	v7 =	vadd.f32 v8, v7;
	v2 =	vld [tilespmem:s2+$0xFFFFFFF0]  }
0x9dd: {  	v5 =	vld [tilespmem:s8+$0xFFFFFFF0]  }
0x9de: {  	s2 =	sadd.s32 $0x400, s2;
	v4 =	vld [tilespmem:s4+$0xFFFFFF90];
	[tilespmem:s4+$0xFFFFFFC0] =	vst v7;
	v6 =	vadd.f32 v9, v6  }
0x9df: {  	_ =	sdelay $0x1  }
0x9e0: {  	p0 =	sne.s32 s0, $0x8;
	v1 =	vadd.f32 v3, v1  }
.Ltmp64:
0x9e1: {  	[tilespmem:s4+$0xFFFFFFD0] =	vst v6;
	v2 =	vadd.f32 v5, v2;
	(pc) =	sbr.rel @p0 .LBB2_2-.Ltmp64, $4  }
0x9e2: {  	[tilespmem:s4+$0xFFFFFFE0] =	vst v1;
	v0 =	vadd.f32 v0, v4  }
0x9e3: {  	[tilespmem:s4+$0xFFFFFFF0] =	vst v2  }
0x9e4: {  	s2 =	sadd.s32 s3, s29;
	s31 =	smov.u32 s0;
	[tilespmem:s4+$0xFFFFFF90] =	vst v0  }
0x9e5: {  	[hbm4b:s2+s5] =	stream.linear.scatter [tilespmem:s19], [sflag:$0xA], $0x4000, $0x38;
	[tilespmem:$0x18000] =	vst v63  }
0x9e6: {  	_ =	swait.ge [sflag:s25], $0x4000  }
0x9e7: {  	[sflag:s25] =	ssyncset.done $0x0  }
0x9e8: {  	[sflag:s25] =	ssyncadd.s32 $0xFFFFC000  }
0x9e9: {  	_ =	swait.ge [sflag:s26], $0x4000  }
0x9ea: {  	s2 =	rddreg [dreg:$0x8]  }
0x9eb: {  	s0 =	rddreg [dreg:$0x7];
	s2 =	sadd.s32 $0x1, s2  }
0x9ec: {  	p0 =	sne.s32 s2, s0  }
.Ltmp65:
0x9ed: {  	_ = 	snop;
	(pc) =	sbr.rel @p0 .LBB2_1-.Ltmp65, $3  }
0x9ee: {  	_ =	sdelay $0x1  }
0x9ef: {  	[sflag:s26] =	ssyncset.done $0x0  }
0x9f0: {  	[sflag:s26] =	ssyncadd.s32 $0xFFFFC000  }
0x9f1: {  	_ =	sfence.sel $0x180000  }
0x9f2: {  	[bflag:$0x0] =	sbarrier.arrive $0xFFFF  }
0x9f3: {  	_ =	strace $0x90000047  }
0x9f4: {  	s0 =	stileid.u32;
	[bflag:$0x2] =	sbarrier.arrive $0xFFFF  }
0x9f5: {  	p0 =	sne.s32 s0, $0x0;
	s0 =	rddreg [dreg:$0x3]  }
0x9f6: {  	s0 =	sadd.s32 @!p0 $0x100000, s0  }
0x9f7: {  	[sflag:s0] =	ssyncadd.tile.s32 @!p0 $0x1;
	_ =	shalt  }
.Lfunc_end2:
_tile_overlayer_lowered:
.L_overlay_start_2:
0x9f8: {  	(tag) =	ssettag $0x2  }
0x9f9: {  	s0 =	rddreg [dreg:$0x0];
	s2 =	stileid.u32  }
0x9fa: {  	s1 =	rddreg [dreg:$0x1];
	p0 =	sne.s32 s2, $0x0  }
0x9fb: {  	s3 =	rddreg [dreg:$0x2];
	[bflag:$0x3] =	sbarrier.arrive $0xFFFF;
	s2 =	simm.s32 @!p0 $0x1C0B  }
0x9fc: {  	[timem:s3], [sflag:s2] =	dma.local @!p0 [hbm:s0], s1  }
0x9fd: {  	s0 =	simm.s32 @!p0 $0xB  }
0x9fe: {  	_ =	swait.ge @!p0 [sflag:s0], s1  }
0x9ff: {  	s1 =	ssub.s32 @!p0 $0x0, s1;
	[sflag:s0] =	ssyncset.done @!p0 $0x0  }
0xa00: {  	[sflag:s0] =	ssyncadd.s32 @!p0 s1  }
0xa01: {  	[bflag:$0x3] =	sbarrier.arrive $0xFFFF  }
0xa02: {  	_ =	shalt  }

</sc_bundles>
